<compile_context>
chip_gen: v7x
topology: tpu7x:2x2x1
jax: 0.10.2.dev20260603
libtpu: 0.0.44.dev20260713+nightly
codegen_flags: <defaults>
</compile_context>

<pallas_src>
import functools

import jax
import jax.numpy as jnp
from jax import lax
from jax.experimental import pallas as pl
from jax.experimental.pallas import tpu as pltpu
from jax.experimental.pallas import tpu_sc as plsc

SEQ_LEN = 4096
BATCH = 2
D_MODEL = 1024
R = 8
NW = 32
ROWS_PER_W = SEQ_LEN // NW
N_CHUNKS = ROWS_PER_W // R
LANES = 16
KVECS = D_MODEL // LANES

_mesh = plsc.VectorSubcoreMesh(core_axis_name="c", subcore_axis_name="s")


@functools.partial(
    pl.kernel,
    mesh=_mesh,
    out_type=jax.ShapeDtypeStruct((SEQ_LEN, BATCH, D_MODEL), jnp.float32),
    scratch_types=[
        pltpu.VMEM((R, BATCH, D_MODEL), jnp.float32),
        pltpu.VMEM((R, D_MODEL), jnp.float32),
    ],
)
def _sc_add(x_hbm, pos_hbm, out_hbm, xbuf, posbuf):
    wid = lax.axis_index("c") * 16 + lax.axis_index("s")
    base = wid * ROWS_PER_W

    def chunk_body(c, carry):
        s0 = base + c * R
        pltpu.sync_copy(x_hbm.at[pl.ds(s0, R)], xbuf)
        pltpu.sync_copy(pos_hbm.at[pl.ds(s0, R)], posbuf)
        for r in range(R):
            for b in range(BATCH):
                def k_body(k, inner):
                    off = k * LANES
                    xbuf[r, b, pl.ds(off, LANES)] = (
                        xbuf[r, b, pl.ds(off, LANES)]
                        + posbuf[r, pl.ds(off, LANES)]
                    )
                    return inner

                lax.fori_loop(0, KVECS, k_body, 0, unroll=8)
        pltpu.sync_copy(xbuf, out_hbm.at[pl.ds(s0, R)])
        return carry

    lax.fori_loop(0, N_CHUNKS, chunk_body, 0)


def kernel(x, pos_embedding):
    return _sc_add(x, pos_embedding)

# --- scband reference (transcript-rebuilt; emitter-appended) ---
"""Pipeline reference for scband-learnable-positional-encoding-26688926777809 (READ-ONLY COPY).

The authoritative reference and input builder live on the scoring server;
editing this copy changes nothing except your own understanding.
"""

import jax, jax.numpy as jnp
import numpy as np

D_MODEL = 1024
MAX_LEN = 8192
SEQ_LEN = 4096
BATCH = 2

def setup_inputs(seed: int = 0) -> dict:
    key = jax.random.key(seed)
    k1, k2 = jax.random.split(key)
    x = jax.random.normal(k1, (SEQ_LEN, BATCH, D_MODEL), dtype=jnp.float32)
    pos_embedding = jax.random.normal(k2, (MAX_LEN, D_MODEL), dtype=jnp.float32) * 0.02
    return {"x": x, "pos_embedding": pos_embedding}

def reference(x, pos_embedding):
    seq_len = x.shape[0]
    positions = jnp.arange(seq_len)
    pos_encodings = jnp.take(pos_embedding, positions, axis=0)[:, None, :]
    out = x + pos_encodings
    # dropout p=0.0 -> identity
    return out

if __name__ == "__main__":
    import jax
    _d = setup_inputs()
    print(jax.jit(kernel)(*tuple(_d.values())))

</pallas_src>

<mosaic_0001>
#map = affine_map<(d0, d1) -> (0, 0, 0)>
#map1 = affine_map<(d0, d1) -> (0, 0)>
module attributes {stable_mosaic.version = 14 : i64} {
  func.func @_sc_add(%arg0: i32, %arg1: i32, %arg2: memref<4096x2x1024xf32, #tpu.memory_space<hbm>>, %arg3: memref<8192x1024xf32, #tpu.memory_space<hbm>>, %arg4: memref<4096x2x1024xf32, #tpu.memory_space<hbm>>, %arg5: memref<8x2x1024xf32, #tpu.memory_space<vmem>>, %arg6: memref<8x1024xf32, #tpu.memory_space<vmem>>) attributes {dimension_semantics = [#tpu.dimension_semantics<core_parallel>, #tpu.dimension_semantics<subcore_parallel>], iteration_bounds = array<i64: 2, 16>, scalar_prefetch = 0 : i64, scratch_operands = 2 : i64, tpu.core_type = #tpu.core_type<sc_vector_subcore>, window_params = [{transform_indices = #map}, {transform_indices = #map1}, {transform_indices = #map}]} {
    %mul3A = arith.constant 16 : i32
    %mul3A_0 = arith.muli %arg0, %mul3A : i32
    %add3A = arith.addi %mul3A_0, %arg1 : i32
    %mul3A_1 = arith.constant 128 : i32
    %mul3A_2 = arith.muli %add3A, %mul3A_1 : i32
    %scan3A = arith.constant 0 : i32
    %scan3A_3 = arith.constant 0 : i32
    %scan3A_4 = arith.constant 16 : i32
    %scan3A_5 = arith.addi %scan3A_3, %scan3A_4 : i32
    %scan3A_6 = arith.constant 1 : i32
    scf.for %scan3A_8 = %scan3A_3 to %scan3A_5 step %scan3A_6  : i32 {
      %mul3A_9 = arith.constant 8 : i32
      %mul3A_10 = arith.muli %scan3A_8, %mul3A_9 : i32
      %add3A_11 = arith.addi %mul3A_2, %mul3A_10 : i32
      "tpu.region"() ({
        %run_scoped3A = tpu.sem_alloc : memref<!tpu.dma_semaphore, #tpu.memory_space<semaphore_mem>>
        %dma_start3A = arith.constant 0 : i32
        %dma_start3A_108 = arith.constant 0 : i32
        %dma_start3A_109 = tpu.memref_slice %arg2[%add3A_11, %dma_start3A, %dma_start3A_108] : memref<4096x2x1024xf32, #tpu.memory_space<hbm>> -> memref<8x2x1024xf32, #tpu.memory_space<hbm>>
        %dma_start3A_110 = arith.constant 0 : i32
        %dma_start3A_111 = arith.constant 0 : i32
        %dma_start3A_112 = tpu.memref_slice %arg2[%add3A_11, %dma_start3A_110, %dma_start3A_111] : memref<4096x2x1024xf32, #tpu.memory_space<hbm>> -> memref<8x2x1024xf32, #tpu.memory_space<hbm>>
        tpu.enqueue_dma source(%dma_start3A_112 : memref<8x2x1024xf32, #tpu.memory_space<hbm>>) target(%arg5 : memref<8x2x1024xf32, #tpu.memory_space<vmem>>) target_semaphore(%run_scoped3A : memref<!tpu.dma_semaphore, #tpu.memory_space<semaphore_mem>>)
        %dma_wait3A = arith.constant 0 : i32
        %dma_wait3A_113 = arith.constant 0 : i32
        %dma_wait3A_114 = tpu.memref_slice %arg2[%add3A_11, %dma_wait3A, %dma_wait3A_113] : memref<4096x2x1024xf32, #tpu.memory_space<hbm>> -> memref<8x2x1024xf32, #tpu.memory_space<hbm>>
        %dma_wait3A_115 = arith.constant 0 : i32
        %dma_wait3A_116 = arith.constant 0 : i32
        %dma_wait3A_117 = tpu.memref_slice %arg2[%add3A_11, %dma_wait3A_115, %dma_wait3A_116] : memref<4096x2x1024xf32, #tpu.memory_space<hbm>> -> memref<8x2x1024xf32, #tpu.memory_space<hbm>>
        tpu.wait_dma2 semaphore(%run_scoped3A : memref<!tpu.dma_semaphore, #tpu.memory_space<semaphore_mem>>) src(%dma_wait3A_117 : memref<8x2x1024xf32, #tpu.memory_space<hbm>>) dst(%arg5 : memref<8x2x1024xf32, #tpu.memory_space<vmem>>)
        tpu.yield
      }) : () -> ()
      "tpu.region"() ({
        %run_scoped3A = tpu.sem_alloc : memref<!tpu.dma_semaphore, #tpu.memory_space<semaphore_mem>>
        %dma_start3A = arith.constant 0 : i32
        %dma_start3A_108 = tpu.memref_slice %arg3[%add3A_11, %dma_start3A] : memref<8192x1024xf32, #tpu.memory_space<hbm>> -> memref<8x1024xf32, #tpu.memory_space<hbm>>
        %dma_start3A_109 = arith.constant 0 : i32
        %dma_start3A_110 = tpu.memref_slice %arg3[%add3A_11, %dma_start3A_109] : memref<8192x1024xf32, #tpu.memory_space<hbm>> -> memref<8x1024xf32, #tpu.memory_space<hbm>>
        tpu.enqueue_dma source(%dma_start3A_110 : memref<8x1024xf32, #tpu.memory_space<hbm>>) target(%arg6 : memref<8x1024xf32, #tpu.memory_space<vmem>>) target_semaphore(%run_scoped3A : memref<!tpu.dma_semaphore, #tpu.memory_space<semaphore_mem>>)
        %dma_wait3A = arith.constant 0 : i32
        %dma_wait3A_111 = tpu.memref_slice %arg3[%add3A_11, %dma_wait3A] : memref<8192x1024xf32, #tpu.memory_space<hbm>> -> memref<8x1024xf32, #tpu.memory_space<hbm>>
        %dma_wait3A_112 = arith.constant 0 : i32
        %dma_wait3A_113 = tpu.memref_slice %arg3[%add3A_11, %dma_wait3A_112] : memref<8192x1024xf32, #tpu.memory_space<hbm>> -> memref<8x1024xf32, #tpu.memory_space<hbm>>
        tpu.wait_dma2 semaphore(%run_scoped3A : memref<!tpu.dma_semaphore, #tpu.memory_space<semaphore_mem>>) src(%dma_wait3A_113 : memref<8x1024xf32, #tpu.memory_space<hbm>>) dst(%arg6 : memref<8x1024xf32, #tpu.memory_space<vmem>>)
        tpu.yield
      }) : () -> ()
      %scan3A_12 = arith.constant 0 : i32
      %scan3A_13 = arith.constant 0 : i32
      %scan3A_14 = arith.constant 64 : i32
      %scan3A_15 = arith.addi %scan3A_13, %scan3A_14 : i32
      %scan3A_16 = arith.constant 8 : i32
      scf.for %scan3A_108 = %scan3A_13 to %scan3A_15 step %scan3A_16  : i32 {
        %mul3A_109 = arith.constant 16 : i32
        %mul3A_110 = arith.muli %scan3A_108, %mul3A_109 : i32
        %get3A = arith.constant 0 : i32
        %get3A_111 = arith.constant 0 : i32
        %get3A_112 = arith.index_cast %get3A : i32 to index
        %get3A_113 = arith.index_cast %get3A_111 : i32 to index
        %get3A_114 = arith.index_cast %mul3A_110 : i32 to index
        %get3A_115 = tpu.vector_load %arg5[%get3A_112, %get3A_113, %get3A_114] {strides = array<i32>} : memref<8x2x1024xf32, #tpu.memory_space<vmem>>, vector<1x1x16xf32>,
        %get3A_116 = vector.shape_cast %get3A_115 : vector<1x1x16xf32> to vector<16xf32>
        %get3A_117 = arith.constant 0 : i32
        %get3A_118 = arith.index_cast %get3A_117 : i32 to index
        %get3A_119 = arith.index_cast %mul3A_110 : i32 to index
        %get3A_120 = tpu.vector_load %arg6[%get3A_118, %get3A_119] {strides = array<i32>} : memref<8x1024xf32, #tpu.memory_space<vmem>>, vector<1x16xf32>,
        %get3A_121 = vector.shape_cast %get3A_120 : vector<1x16xf32> to vector<16xf32>
        %add3A_122 = arith.addf %get3A_116, %get3A_121 : vector<16xf32>
        %swap3A = arith.constant 0 : i32
        %swap3A_123 = arith.constant 0 : i32
        %swap3A_124 = arith.index_cast %swap3A : i32 to index
        %swap3A_125 = arith.index_cast %swap3A_123 : i32 to index
        %swap3A_126 = arith.index_cast %mul3A_110 : i32 to index
        %swap3A_127 = tpu.vector_load %arg5[%swap3A_124, %swap3A_125, %swap3A_126] {strides = array<i32>} : memref<8x2x1024xf32, #tpu.memory_space<vmem>>, vector<1x1x16xf32>,
        %swap3A_128 = vector.shape_cast %swap3A_127 : vector<1x1x16xf32> to vector<16xf32>
        %swap3A_129 = vector.shape_cast %add3A_122 : vector<16xf32> to vector<1x1x16xf32>
        tpu.vector_store %arg5[%swap3A_124, %swap3A_125, %swap3A_126], %swap3A_129 {strides = array<i32>} : memref<8x2x1024xf32, #tpu.memory_space<vmem>>, vector<1x1x16xf32>,
        %scan3A_130 = arith.constant 1 : i32
        %scan3A_131 = arith.addi %scan3A_108, %scan3A_130 : i32
        %mul3A_132 = arith.constant 16 : i32
        %mul3A_133 = arith.muli %scan3A_131, %mul3A_132 : i32
        %get3A_134 = arith.constant 0 : i32
        %get3A_135 = arith.constant 0 : i32
        %get3A_136 = arith.index_cast %get3A_134 : i32 to index
        %get3A_137 = arith.index_cast %get3A_135 : i32 to index
        %get3A_138 = arith.index_cast %mul3A_133 : i32 to index
        %get3A_139 = tpu.vector_load %arg5[%get3A_136, %get3A_137, %get3A_138] {strides = array<i32>} : memref<8x2x1024xf32, #tpu.memory_space<vmem>>, vector<1x1x16xf32>,
        %get3A_140 = vector.shape_cast %get3A_139 : vector<1x1x16xf32> to vector<16xf32>
        %get3A_141 = arith.constant 0 : i32
        %get3A_142 = arith.index_cast %get3A_141 : i32 to index
        %get3A_143 = arith.index_cast %mul3A_133 : i32 to index
        %get3A_144 = tpu.vector_load %arg6[%get3A_142, %get3A_143] {strides = array<i32>} : memref<8x1024xf32, #tpu.memory_space<vmem>>, vector<1x16xf32>,
        %get3A_145 = vector.shape_cast %get3A_144 : vector<1x16xf32> to vector<16xf32>
        %add3A_146 = arith.addf %get3A_140, %get3A_145 : vector<16xf32>
        %swap3A_147 = arith.constant 0 : i32
        %swap3A_148 = arith.constant 0 : i32
        %swap3A_149 = arith.index_cast %swap3A_147 : i32 to index
        %swap3A_150 = arith.index_cast %swap3A_148 : i32 to index
        %swap3A_151 = arith.index_cast %mul3A_133 : i32 to index
        %swap3A_152 = tpu.vector_load %arg5[%swap3A_149, %swap3A_150, %swap3A_151] {strides = array<i32>} : memref<8x2x1024xf32, #tpu.memory_space<vmem>>, vector<1x1x16xf32>,
        %swap3A_153 = vector.shape_cast %swap3A_152 : vector<1x1x16xf32> to vector<16xf32>
        %swap3A_154 = vector.shape_cast %add3A_146 : vector<16xf32> to vector<1x1x16xf32>
        tpu.vector_store %arg5[%swap3A_149, %swap3A_150, %swap3A_151], %swap3A_154 {strides = array<i32>} : memref<8x2x1024xf32, #tpu.memory_space<vmem>>, vector<1x1x16xf32>,
        %scan3A_155 = arith.constant 2 : i32
        %scan3A_156 = arith.addi %scan3A_108, %scan3A_155 : i32
        %mul3A_157 = arith.constant 16 : i32
        %mul3A_158 = arith.muli %scan3A_156, %mul3A_157 : i32
        %get3A_159 = arith.constant 0 : i32
        %get3A_160 = arith.constant 0 : i32
        %get3A_161 = arith.index_cast %get3A_159 : i32 to index
        %get3A_162 = arith.index_cast %get3A_160 : i32 to index
        %get3A_163 = arith.index_cast %mul3A_158 : i32 to index
        %get3A_164 = tpu.vector_load %arg5[%get3A_161, %get3A_162, %get3A_163] {strides = array<i32>} : memref<8x2x1024xf32, #tpu.memory_space<vmem>>, vector<1x1x16xf32>,
        %get3A_165 = vector.shape_cast %get3A_164 : vector<1x1x16xf32> to vector<16xf32>
        %get3A_166 = arith.constant 0 : i32
        %get3A_167 = arith.index_cast %get3A_166 : i32 to index
        %get3A_168 = arith.index_cast %mul3A_158 : i32 to index
        %get3A_169 = tpu.vector_load %arg6[%get3A_167, %get3A_168] {strides = array<i32>} : memref<8x1024xf32, #tpu.memory_space<vmem>>, vector<1x16xf32>,
        %get3A_170 = vector.shape_cast %get3A_169 : vector<1x16xf32> to vector<16xf32>
        %add3A_171 = arith.addf %get3A_165, %get3A_170 : vector<16xf32>
        %swap3A_172 = arith.constant 0 : i32
        %swap3A_173 = arith.constant 0 : i32
        %swap3A_174 = arith.index_cast %swap3A_172 : i32 to index
        %swap3A_175 = arith.index_cast %swap3A_173 : i32 to index
        %swap3A_176 = arith.index_cast %mul3A_158 : i32 to index
        %swap3A_177 = tpu.vector_load %arg5[%swap3A_174, %swap3A_175, %swap3A_176] {strides = array<i32>} : memref<8x2x1024xf32, #tpu.memory_space<vmem>>, vector<1x1x16xf32>,
        %swap3A_178 = vector.shape_cast %swap3A_177 : vector<1x1x16xf32> to vector<16xf32>
        %swap3A_179 = vector.shape_cast %add3A_171 : vector<16xf32> to vector<1x1x16xf32>
        tpu.vector_store %arg5[%swap3A_174, %swap3A_175, %swap3A_176], %swap3A_179 {strides = array<i32>} : memref<8x2x1024xf32, #tpu.memory_space<vmem>>, vector<1x1x16xf32>,
        %scan3A_180 = arith.constant 3 : i32
        %scan3A_181 = arith.addi %scan3A_108, %scan3A_180 : i32
        %mul3A_182 = arith.constant 16 : i32
        %mul3A_183 = arith.muli %scan3A_181, %mul3A_182 : i32
        %get3A_184 = arith.constant 0 : i32
        %get3A_185 = arith.constant 0 : i32
        %get3A_186 = arith.index_cast %get3A_184 : i32 to index
        %get3A_187 = arith.index_cast %get3A_185 : i32 to index
        %get3A_188 = arith.index_cast %mul3A_183 : i32 to index
        %get3A_189 = tpu.vector_load %arg5[%get3A_186, %get3A_187, %get3A_188] {strides = array<i32>} : memref<8x2x1024xf32, #tpu.memory_space<vmem>>, vector<1x1x16xf32>,
        %get3A_190 = vector.shape_cast %get3A_189 : vector<1x1x16xf32> to vector<16xf32>
        %get3A_191 = arith.constant 0 : i32
        %get3A_192 = arith.index_cast %get3A_191 : i32 to index
        %get3A_193 = arith.index_cast %mul3A_183 : i32 to index
        %get3A_194 = tpu.vector_load %arg6[%get3A_192, %get3A_193] {strides = array<i32>} : memref<8x1024xf32, #tpu.memory_space<vmem>>, vector<1x16xf32>,
        %get3A_195 = vector.shape_cast %get3A_194 : vector<1x16xf32> to vector<16xf32>
        %add3A_196 = arith.addf %get3A_190, %get3A_195 : vector<16xf32>
        %swap3A_197 = arith.constant 0 : i32
        %swap3A_198 = arith.constant 0 : i32
        %swap3A_199 = arith.index_cast %swap3A_197 : i32 to index
        %swap3A_200 = arith.index_cast %swap3A_198 : i32 to index
        %swap3A_201 = arith.index_cast %mul3A_183 : i32 to index
        %swap3A_202 = tpu.vector_load %arg5[%swap3A_199, %swap3A_200, %swap3A_201] {strides = array<i32>} : memref<8x2x1024xf32, #tpu.memory_space<vmem>>, vector<1x1x16xf32>,
        %swap3A_203 = vector.shape_cast %swap3A_202 : vector<1x1x16xf32> to vector<16xf32>
        %swap3A_204 = vector.shape_cast %add3A_196 : vector<16xf32> to vector<1x1x16xf32>
        tpu.vector_store %arg5[%swap3A_199, %swap3A_200, %swap3A_201], %swap3A_204 {strides = array<i32>} : memref<8x2x1024xf32, #tpu.memory_space<vmem>>, vector<1x1x16xf32>,
        %scan3A_205 = arith.constant 4 : i32
        %scan3A_206 = arith.addi %scan3A_108, %scan3A_205 : i32
        %mul3A_207 = arith.constant 16 : i32
        %mul3A_208 = arith.muli %scan3A_206, %mul3A_207 : i32
        %get3A_209 = arith.constant 0 : i32
        %get3A_210 = arith.constant 0 : i32
        %get3A_211 = arith.index_cast %get3A_209 : i32 to index
        %get3A_212 = arith.index_cast %get3A_210 : i32 to index
        %get3A_213 = arith.index_cast %mul3A_208 : i32 to index
        %get3A_214 = tpu.vector_load %arg5[%get3A_211, %get3A_212, %get3A_213] {strides = array<i32>} : memref<8x2x1024xf32, #tpu.memory_space<vmem>>, vector<1x1x16xf32>,
        %get3A_215 = vector.shape_cast %get3A_214 : vector<1x1x16xf32> to vector<16xf32>
        %get3A_216 = arith.constant 0 : i32
        %get3A_217 = arith.index_cast %get3A_216 : i32 to index
        %get3A_218 = arith.index_cast %mul3A_208 : i32 to index
        %get3A_219 = tpu.vector_load %arg6[%get3A_217, %get3A_218] {strides = array<i32>} : memref<8x1024xf32, #tpu.memory_space<vmem>>, vector<1x16xf32>,
        %get3A_220 = vector.shape_cast %get3A_219 : vector<1x16xf32> to vector<16xf32>
        %add3A_221 = arith.addf %get3A_215, %get3A_220 : vector<16xf32>
        %swap3A_222 = arith.constant 0 : i32
        %swap3A_223 = arith.constant 0 : i32
        %swap3A_224 = arith.index_cast %swap3A_222 : i32 to index
        %swap3A_225 = arith.index_cast %swap3A_223 : i32 to index
        %swap3A_226 = arith.index_cast %mul3A_208 : i32 to index
        %swap3A_227 = tpu.vector_load %arg5[%swap3A_224, %swap3A_225, %swap3A_226] {strides = array<i32>} : memref<8x2x1024xf32, #tpu.memory_space<vmem>>, vector<1x1x16xf32>,
        %swap3A_228 = vector.shape_cast %swap3A_227 : vector<1x1x16xf32> to vector<16xf32>
        %swap3A_229 = vector.shape_cast %add3A_221 : vector<16xf32> to vector<1x1x16xf32>
        tpu.vector_store %arg5[%swap3A_224, %swap3A_225, %swap3A_226], %swap3A_229 {strides = array<i32>} : memref<8x2x1024xf32, #tpu.memory_space<vmem>>, vector<1x1x16xf32>,
        %scan3A_230 = arith.constant 5 : i32
        %scan3A_231 = arith.addi %scan3A_108, %scan3A_230 : i32
        %mul3A_232 = arith.constant 16 : i32
        %mul3A_233 = arith.muli %scan3A_231, %mul3A_232 : i32
        %get3A_234 = arith.constant 0 : i32
        %get3A_235 = arith.constant 0 : i32
        %get3A_236 = arith.index_cast %get3A_234 : i32 to index
        %get3A_237 = arith.index_cast %get3A_235 : i32 to index
        %get3A_238 = arith.index_cast %mul3A_233 : i32 to index
        %get3A_239 = tpu.vector_load %arg5[%get3A_236, %get3A_237, %get3A_238] {strides = array<i32>} : memref<8x2x1024xf32, #tpu.memory_space<vmem>>, vector<1x1x16xf32>,
        %get3A_240 = vector.shape_cast %get3A_239 : vector<1x1x16xf32> to vector<16xf32>
        %get3A_241 = arith.constant 0 : i32
        %get3A_242 = arith.index_cast %get3A_241 : i32 to index
        %get3A_243 = arith.index_cast %mul3A_233 : i32 to index
        %get3A_244 = tpu.vector_load %arg6[%get3A_242, %get3A_243] {strides = array<i32>} : memref<8x1024xf32, #tpu.memory_space<vmem>>, vector<1x16xf32>,
        %get3A_245 = vector.shape_cast %get3A_244 : vector<1x16xf32> to vector<16xf32>
        %add3A_246 = arith.addf %get3A_240, %get3A_245 : vector<16xf32>
        %swap3A_247 = arith.constant 0 : i32
        %swap3A_248 = arith.constant 0 : i32
        %swap3A_249 = arith.index_cast %swap3A_247 : i32 to index
        %swap3A_250 = arith.index_cast %swap3A_248 : i32 to index
        %swap3A_251 = arith.index_cast %mul3A_233 : i32 to index
        %swap3A_252 = tpu.vector_load %arg5[%swap3A_249, %swap3A_250, %swap3A_251] {strides = array<i32>} : memref<8x2x1024xf32, #tpu.memory_space<vmem>>, vector<1x1x16xf32>,
        %swap3A_253 = vector.shape_cast %swap3A_252 : vector<1x1x16xf32> to vector<16xf32>
        %swap3A_254 = vector.shape_cast %add3A_246 : vector<16xf32> to vector<1x1x16xf32>
        tpu.vector_store %arg5[%swap3A_249, %swap3A_250, %swap3A_251], %swap3A_254 {strides = array<i32>} : memref<8x2x1024xf32, #tpu.memory_space<vmem>>, vector<1x1x16xf32>,
        %scan3A_255 = arith.constant 6 : i32
        %scan3A_256 = arith.addi %scan3A_108, %scan3A_255 : i32
        %mul3A_257 = arith.constant 16 : i32
        %mul3A_258 = arith.muli %scan3A_256, %mul3A_257 : i32
        %get3A_259 = arith.constant 0 : i32
        %get3A_260 = arith.constant 0 : i32
        %get3A_261 = arith.index_cast %get3A_259 : i32 to index
        %get3A_262 = arith.index_cast %get3A_260 : i32 to index
        %get3A_263 = arith.index_cast %mul3A_258 : i32 to index
        %get3A_264 = tpu.vector_load %arg5[%get3A_261, %get3A_262, %get3A_263] {strides = array<i32>} : memref<8x2x1024xf32, #tpu.memory_space<vmem>>, vector<1x1x16xf32>,
        %get3A_265 = vector.shape_cast %get3A_264 : vector<1x1x16xf32> to vector<16xf32>
        %get3A_266 = arith.constant 0 : i32
        %get3A_267 = arith.index_cast %get3A_266 : i32 to index
        %get3A_268 = arith.index_cast %mul3A_258 : i32 to index
        %get3A_269 = tpu.vector_load %arg6[%get3A_267, %get3A_268] {strides = array<i32>} : memref<8x1024xf32, #tpu.memory_space<vmem>>, vector<1x16xf32>,
        %get3A_270 = vector.shape_cast %get3A_269 : vector<1x16xf32> to vector<16xf32>
        %add3A_271 = arith.addf %get3A_265, %get3A_270 : vector<16xf32>
        %swap3A_272 = arith.constant 0 : i32
        %swap3A_273 = arith.constant 0 : i32
        %swap3A_274 = arith.index_cast %swap3A_272 : i32 to index
        %swap3A_275 = arith.index_cast %swap3A_273 : i32 to index
        %swap3A_276 = arith.index_cast %mul3A_258 : i32 to index
        %swap3A_277 = tpu.vector_load %arg5[%swap3A_274, %swap3A_275, %swap3A_276] {strides = array<i32>} : memref<8x2x1024xf32, #tpu.memory_space<vmem>>, vector<1x1x16xf32>,
        %swap3A_278 = vector.shape_cast %swap3A_277 : vector<1x1x16xf32> to vector<16xf32>
        %swap3A_279 = vector.shape_cast %add3A_271 : vector<16xf32> to vector<1x1x16xf32>
        tpu.vector_store %arg5[%swap3A_274, %swap3A_275, %swap3A_276], %swap3A_279 {strides = array<i32>} : memref<8x2x1024xf32, #tpu.memory_space<vmem>>, vector<1x1x16xf32>,
        %scan3A_280 = arith.constant 7 : i32
        %scan3A_281 = arith.addi %scan3A_108, %scan3A_280 : i32
        %mul3A_282 = arith.constant 16 : i32
        %mul3A_283 = arith.muli %scan3A_281, %mul3A_282 : i32
        %get3A_284 = arith.constant 0 : i32
        %get3A_285 = arith.constant 0 : i32
        %get3A_286 = arith.index_cast %get3A_284 : i32 to index
        %get3A_287 = arith.index_cast %get3A_285 : i32 to index
        %get3A_288 = arith.index_cast %mul3A_283 : i32 to index
        %get3A_289 = tpu.vector_load %arg5[%get3A_286, %get3A_287, %get3A_288] {strides = array<i32>} : memref<8x2x1024xf32, #tpu.memory_space<vmem>>, vector<1x1x16xf32>,
        %get3A_290 = vector.shape_cast %get3A_289 : vector<1x1x16xf32> to vector<16xf32>
        %get3A_291 = arith.constant 0 : i32
        %get3A_292 = arith.index_cast %get3A_291 : i32 to index
        %get3A_293 = arith.index_cast %mul3A_283 : i32 to index
        %get3A_294 = tpu.vector_load %arg6[%get3A_292, %get3A_293] {strides = array<i32>} : memref<8x1024xf32, #tpu.memory_space<vmem>>, vector<1x16xf32>,
        %get3A_295 = vector.shape_cast %get3A_294 : vector<1x16xf32> to vector<16xf32>
        %add3A_296 = arith.addf %get3A_290, %get3A_295 : vector<16xf32>
        %swap3A_297 = arith.constant 0 : i32
        %swap3A_298 = arith.constant 0 : i32
        %swap3A_299 = arith.index_cast %swap3A_297 : i32 to index
        %swap3A_300 = arith.index_cast %swap3A_298 : i32 to index
        %swap3A_301 = arith.index_cast %mul3A_283 : i32 to index
        %swap3A_302 = tpu.vector_load %arg5[%swap3A_299, %swap3A_300, %swap3A_301] {strides = array<i32>} : memref<8x2x1024xf32, #tpu.memory_space<vmem>>, vector<1x1x16xf32>,
        %swap3A_303 = vector.shape_cast %swap3A_302 : vector<1x1x16xf32> to vector<16xf32>
        %swap3A_304 = vector.shape_cast %add3A_296 : vector<16xf32> to vector<1x1x16xf32>
        tpu.vector_store %arg5[%swap3A_299, %swap3A_300, %swap3A_301], %swap3A_304 {strides = array<i32>} : memref<8x2x1024xf32, #tpu.memory_space<vmem>>, vector<1x1x16xf32>,
      }
      %scan3A_17 = arith.constant 64 : i32
      %scan3A_18 = arith.constant 0 : i32
      %scan3A_19 = arith.constant 0 : i32
      %scan3A_20 = arith.constant 64 : i32
      %scan3A_21 = arith.addi %scan3A_19, %scan3A_20 : i32
      %scan3A_22 = arith.constant 8 : i32
      scf.for %scan3A_108 = %scan3A_19 to %scan3A_21 step %scan3A_22  : i32 {
        %mul3A_109 = arith.constant 16 : i32
        %mul3A_110 = arith.muli %scan3A_108, %mul3A_109 : i32
        %get3A = arith.constant 0 : i32
        %get3A_111 = arith.constant 1 : i32
        %get3A_112 = arith.index_cast %get3A : i32 to index
        %get3A_113 = arith.index_cast %get3A_111 : i32 to index
        %get3A_114 = arith.index_cast %mul3A_110 : i32 to index
        %get3A_115 = tpu.vector_load %arg5[%get3A_112, %get3A_113, %get3A_114] {strides = array<i32>} : memref<8x2x1024xf32, #tpu.memory_space<vmem>>, vector<1x1x16xf32>,
        %get3A_116 = vector.shape_cast %get3A_115 : vector<1x1x16xf32> to vector<16xf32>
        %get3A_117 = arith.constant 0 : i32
        %get3A_118 = arith.index_cast %get3A_117 : i32 to index
        %get3A_119 = arith.index_cast %mul3A_110 : i32 to index
        %get3A_120 = tpu.vector_load %arg6[%get3A_118, %get3A_119] {strides = array<i32>} : memref<8x1024xf32, #tpu.memory_space<vmem>>, vector<1x16xf32>,
        %get3A_121 = vector.shape_cast %get3A_120 : vector<1x16xf32> to vector<16xf32>
        %add3A_122 = arith.addf %get3A_116, %get3A_121 : vector<16xf32>
        %swap3A = arith.constant 0 : i32
        %swap3A_123 = arith.constant 1 : i32
        %swap3A_124 = arith.index_cast %swap3A : i32 to index
        %swap3A_125 = arith.index_cast %swap3A_123 : i32 to index
        %swap3A_126 = arith.index_cast %mul3A_110 : i32 to index
        %swap3A_127 = tpu.vector_load %arg5[%swap3A_124, %swap3A_125, %swap3A_126] {strides = array<i32>} : memref<8x2x1024xf32, #tpu.memory_space<vmem>>, vector<1x1x16xf32>,
        %swap3A_128 = vector.shape_cast %swap3A_127 : vector<1x1x16xf32> to vector<16xf32>
        %swap3A_129 = vector.shape_cast %add3A_122 : vector<16xf32> to vector<1x1x16xf32>
        tpu.vector_store %arg5[%swap3A_124, %swap3A_125, %swap3A_126], %swap3A_129 {strides = array<i32>} : memref<8x2x1024xf32, #tpu.memory_space<vmem>>, vector<1x1x16xf32>,
        %scan3A_130 = arith.constant 1 : i32
        %scan3A_131 = arith.addi %scan3A_108, %scan3A_130 : i32
        %mul3A_132 = arith.constant 16 : i32
        %mul3A_133 = arith.muli %scan3A_131, %mul3A_132 : i32
        %get3A_134 = arith.constant 0 : i32
        %get3A_135 = arith.constant 1 : i32
        %get3A_136 = arith.index_cast %get3A_134 : i32 to index
        %get3A_137 = arith.index_cast %get3A_135 : i32 to index
        %get3A_138 = arith.index_cast %mul3A_133 : i32 to index
        %get3A_139 = tpu.vector_load %arg5[%get3A_136, %get3A_137, %get3A_138] {strides = array<i32>} : memref<8x2x1024xf32, #tpu.memory_space<vmem>>, vector<1x1x16xf32>,
        %get3A_140 = vector.shape_cast %get3A_139 : vector<1x1x16xf32> to vector<16xf32>
        %get3A_141 = arith.constant 0 : i32
        %get3A_142 = arith.index_cast %get3A_141 : i32 to index
        %get3A_143 = arith.index_cast %mul3A_133 : i32 to index
        %get3A_144 = tpu.vector_load %arg6[%get3A_142, %get3A_143] {strides = array<i32>} : memref<8x1024xf32, #tpu.memory_space<vmem>>, vector<1x16xf32>,
        %get3A_145 = vector.shape_cast %get3A_144 : vector<1x16xf32> to vector<16xf32>
        %add3A_146 = arith.addf %get3A_140, %get3A_145 : vector<16xf32>
        %swap3A_147 = arith.constant 0 : i32
        %swap3A_148 = arith.constant 1 : i32
        %swap3A_149 = arith.index_cast %swap3A_147 : i32 to index
        %swap3A_150 = arith.index_cast %swap3A_148 : i32 to index
        %swap3A_151 = arith.index_cast %mul3A_133 : i32 to index
        %swap3A_152 = tpu.vector_load %arg5[%swap3A_149, %swap3A_150, %swap3A_151] {strides = array<i32>} : memref<8x2x1024xf32, #tpu.memory_space<vmem>>, vector<1x1x16xf32>,
        %swap3A_153 = vector.shape_cast %swap3A_152 : vector<1x1x16xf32> to vector<16xf32>
        %swap3A_154 = vector.shape_cast %add3A_146 : vector<16xf32> to vector<1x1x16xf32>
        tpu.vector_store %arg5[%swap3A_149, %swap3A_150, %swap3A_151], %swap3A_154 {strides = array<i32>} : memref<8x2x1024xf32, #tpu.memory_space<vmem>>, vector<1x1x16xf32>,
        %scan3A_155 = arith.constant 2 : i32
        %scan3A_156 = arith.addi %scan3A_108, %scan3A_155 : i32
        %mul3A_157 = arith.constant 16 : i32
        %mul3A_158 = arith.muli %scan3A_156, %mul3A_157 : i32
        %get3A_159 = arith.constant 0 : i32
        %get3A_160 = arith.constant 1 : i32
        %get3A_161 = arith.index_cast %get3A_159 : i32 to index
        %get3A_162 = arith.index_cast %get3A_160 : i32 to index
        %get3A_163 = arith.index_cast %mul3A_158 : i32 to index
        %get3A_164 = tpu.vector_load %arg5[%get3A_161, %get3A_162, %get3A_163] {strides = array<i32>} : memref<8x2x1024xf32, #tpu.memory_space<vmem>>, vector<1x1x16xf32>,
        %get3A_165 = vector.shape_cast %get3A_164 : vector<1x1x16xf32> to vector<16xf32>
        %get3A_166 = arith.constant 0 : i32
        %get3A_167 = arith.index_cast %get3A_166 : i32 to index
        %get3A_168 = arith.index_cast %mul3A_158 : i32 to index
        %get3A_169 = tpu.vector_load %arg6[%get3A_167, %get3A_168] {strides = array<i32>} : memref<8x1024xf32, #tpu.memory_space<vmem>>, vector<1x16xf32>,
        %get3A_170 = vector.shape_cast %get3A_169 : vector<1x16xf32> to vector<16xf32>
        %add3A_171 = arith.addf %get3A_165, %get3A_170 : vector<16xf32>
        %swap3A_172 = arith.constant 0 : i32
        %swap3A_173 = arith.constant 1 : i32
        %swap3A_174 = arith.index_cast %swap3A_172 : i32 to index
        %swap3A_175 = arith.index_cast %swap3A_173 : i32 to index
        %swap3A_176 = arith.index_cast %mul3A_158 : i32 to index
        %swap3A_177 = tpu.vector_load %arg5[%swap3A_174, %swap3A_175, %swap3A_176] {strides = array<i32>} : memref<8x2x1024xf32, #tpu.memory_space<vmem>>, vector<1x1x16xf32>,
        %swap3A_178 = vector.shape_cast %swap3A_177 : vector<1x1x16xf32> to vector<16xf32>
        %swap3A_179 = vector.shape_cast %add3A_171 : vector<16xf32> to vector<1x1x16xf32>
        tpu.vector_store %arg5[%swap3A_174, %swap3A_175, %swap3A_176], %swap3A_179 {strides = array<i32>} : memref<8x2x1024xf32, #tpu.memory_space<vmem>>, vector<1x1x16xf32>,
        %scan3A_180 = arith.constant 3 : i32
        %scan3A_181 = arith.addi %scan3A_108, %scan3A_180 : i32
        %mul3A_182 = arith.constant 16 : i32
        %mul3A_183 = arith.muli %scan3A_181, %mul3A_182 : i32
        %get3A_184 = arith.constant 0 : i32
        %get3A_185 = arith.constant 1 : i32
        %get3A_186 = arith.index_cast %get3A_184 : i32 to index
        %get3A_187 = arith.index_cast %get3A_185 : i32 to index
        %get3A_188 = arith.index_cast %mul3A_183 : i32 to index
        %get3A_189 = tpu.vector_load %arg5[%get3A_186, %get3A_187, %get3A_188] {strides = array<i32>} : memref<8x2x1024xf32, #tpu.memory_space<vmem>>, vector<1x1x16xf32>,
        %get3A_190 = vector.shape_cast %get3A_189 : vector<1x1x16xf32> to vector<16xf32>
        %get3A_191 = arith.constant 0 : i32
        %get3A_192 = arith.index_cast %get3A_191 : i32 to index
        %get3A_193 = arith.index_cast %mul3A_183 : i32 to index
        %get3A_194 = tpu.vector_load %arg6[%get3A_192, %get3A_193] {strides = array<i32>} : memref<8x1024xf32, #tpu.memory_space<vmem>>, vector<1x16xf32>,
        %get3A_195 = vector.shape_cast %get3A_194 : vector<1x16xf32> to vector<16xf32>
        %add3A_196 = arith.addf %get3A_190, %get3A_195 : vector<16xf32>
        %swap3A_197 = arith.constant 0 : i32
        %swap3A_198 = arith.constant 1 : i32
        %swap3A_199 = arith.index_cast %swap3A_197 : i32 to index
        %swap3A_200 = arith.index_cast %swap3A_198 : i32 to index
        %swap3A_201 = arith.index_cast %mul3A_183 : i32 to index
        %swap3A_202 = tpu.vector_load %arg5[%swap3A_199, %swap3A_200, %swap3A_201] {strides = array<i32>} : memref<8x2x1024xf32, #tpu.memory_space<vmem>>, vector<1x1x16xf32>,
        %swap3A_203 = vector.shape_cast %swap3A_202 : vector<1x1x16xf32> to vector<16xf32>
        %swap3A_204 = vector.shape_cast %add3A_196 : vector<16xf32> to vector<1x1x16xf32>
        tpu.vector_store %arg5[%swap3A_199, %swap3A_200, %swap3A_201], %swap3A_204 {strides = array<i32>} : memref<8x2x1024xf32, #tpu.memory_space<vmem>>, vector<1x1x16xf32>,
        %scan3A_205 = arith.constant 4 : i32
        %scan3A_206 = arith.addi %scan3A_108, %scan3A_205 : i32
        %mul3A_207 = arith.constant 16 : i32
        %mul3A_208 = arith.muli %scan3A_206, %mul3A_207 : i32
        %get3A_209 = arith.constant 0 : i32
        %get3A_210 = arith.constant 1 : i32
        %get3A_211 = arith.index_cast %get3A_209 : i32 to index
        %get3A_212 = arith.index_cast %get3A_210 : i32 to index
        %get3A_213 = arith.index_cast %mul3A_208 : i32 to index
        %get3A_214 = tpu.vector_load %arg5[%get3A_211, %get3A_212, %get3A_213] {strides = array<i32>} : memref<8x2x1024xf32, #tpu.memory_space<vmem>>, vector<1x1x16xf32>,
        %get3A_215 = vector.shape_cast %get3A_214 : vector<1x1x16xf32> to vector<16xf32>
        %get3A_216 = arith.constant 0 : i32
        %get3A_217 = arith.index_cast %get3A_216 : i32 to index
        %get3A_218 = arith.index_cast %mul3A_208 : i32 to index
        %get3A_219 = tpu.vector_load %arg6[%get3A_217, %get3A_218] {strides = array<i32>} : memref<8x1024xf32, #tpu.memory_space<vmem>>, vector<1x16xf32>,
        %get3A_220 = vector.shape_cast %get3A_219 : vector<1x16xf32> to vector<16xf32>
        %add3A_221 = arith.addf %get3A_215, %get3A_220 : vector<16xf32>
        %swap3A_222 = arith.constant 0 : i32
        %swap3A_223 = arith.constant 1 : i32
        %swap3A_224 = arith.index_cast %swap3A_222 : i32 to index
        %swap3A_225 = arith.index_cast %swap3A_223 : i32 to index
        %swap3A_226 = arith.index_cast %mul3A_208 : i32 to index
        %swap3A_227 = tpu.vector_load %arg5[%swap3A_224, %swap3A_225, %swap3A_226] {strides = array<i32>} : memref<8x2x1024xf32, #tpu.memory_space<vmem>>, vector<1x1x16xf32>,
        %swap3A_228 = vector.shape_cast %swap3A_227 : vector<1x1x16xf32> to vector<16xf32>
        %swap3A_229 = vector.shape_cast %add3A_221 : vector<16xf32> to vector<1x1x16xf32>
        tpu.vector_store %arg5[%swap3A_224, %swap3A_225, %swap3A_226], %swap3A_229 {strides = array<i32>} : memref<8x2x1024xf32, #tpu.memory_space<vmem>>, vector<1x1x16xf32>,
        %scan3A_230 = arith.constant 5 : i32
        %scan3A_231 = arith.addi %scan3A_108, %scan3A_230 : i32
        %mul3A_232 = arith.constant 16 : i32
        %mul3A_233 = arith.muli %scan3A_231, %mul3A_232 : i32
        %get3A_234 = arith.constant 0 : i32
        %get3A_235 = arith.constant 1 : i32
        %get3A_236 = arith.index_cast %get3A_234 : i32 to index
        %get3A_237 = arith.index_cast %get3A_235 : i32 to index
        %get3A_238 = arith.index_cast %mul3A_233 : i32 to index
        %get3A_239 = tpu.vector_load %arg5[%get3A_236, %get3A_237, %get3A_238] {strides = array<i32>} : memref<8x2x1024xf32, #tpu.memory_space<vmem>>, vector<1x1x16xf32>,
        %get3A_240 = vector.shape_cast %get3A_239 : vector<1x1x16xf32> to vector<16xf32>
        %get3A_241 = arith.constant 0 : i32
        %get3A_242 = arith.index_cast %get3A_241 : i32 to index
        %get3A_243 = arith.index_cast %mul3A_233 : i32 to index
        %get3A_244 = tpu.vector_load %arg6[%get3A_242, %get3A_243] {strides = array<i32>} : memref<8x1024xf32, #tpu.memory_space<vmem>>, vector<1x16xf32>,
        %get3A_245 = vector.shape_cast %get3A_244 : vector<1x16xf32> to vector<16xf32>
        %add3A_246 = arith.addf %get3A_240, %get3A_245 : vector<16xf32>
        %swap3A_247 = arith.constant 0 : i32
        %swap3A_248 = arith.constant 1 : i32
        %swap3A_249 = arith.index_cast %swap3A_247 : i32 to index
        %swap3A_250 = arith.index_cast %swap3A_248 : i32 to index
        %swap3A_251 = arith.index_cast %mul3A_233 : i32 to index
        %swap3A_252 = tpu.vector_load %arg5[%swap3A_249, %swap3A_250, %swap3A_251] {strides = array<i32>} : memref<8x2x1024xf32, #tpu.memory_space<vmem>>, vector<1x1x16xf32>,
        %swap3A_253 = vector.shape_cast %swap3A_252 : vector<1x1x16xf32> to vector<16xf32>
        %swap3A_254 = vector.shape_cast %add3A_246 : vector<16xf32> to vector<1x1x16xf32>
        tpu.vector_store %arg5[%swap3A_249, %swap3A_250, %swap3A_251], %swap3A_254 {strides = array<i32>} : memref<8x2x1024xf32, #tpu.memory_space<vmem>>, vector<1x1x16xf32>,
        %scan3A_255 = arith.constant 6 : i32
        %scan3A_256 = arith.addi %scan3A_108, %scan3A_255 : i32
        %mul3A_257 = arith.constant 16 : i32
        %mul3A_258 = arith.muli %scan3A_256, %mul3A_257 : i32
        %get3A_259 = arith.constant 0 : i32
        %get3A_260 = arith.constant 1 : i32
        %get3A_261 = arith.index_cast %get3A_259 : i32 to index
        %get3A_262 = arith.index_cast %get3A_260 : i32 to index
        %get3A_263 = arith.index_cast %mul3A_258 : i32 to index
        %get3A_264 = tpu.vector_load %arg5[%get3A_261, %get3A_262, %get3A_263] {strides = array<i32>} : memref<8x2x1024xf32, #tpu.memory_space<vmem>>, vector<1x1x16xf32>,
        %get3A_265 = vector.shape_cast %get3A_264 : vector<1x1x16xf32> to vector<16xf32>
        %get3A_266 = arith.constant 0 : i32
        %get3A_267 = arith.index_cast %get3A_266 : i32 to index
        %get3A_268 = arith.index_cast %mul3A_258 : i32 to index
        %get3A_269 = tpu.vector_load %arg6[%get3A_267, %get3A_268] {strides = array<i32>} : memref<8x1024xf32, #tpu.memory_space<vmem>>, vector<1x16xf32>,
        %get3A_270 = vector.shape_cast %get3A_269 : vector<1x16xf32> to vector<16xf32>
        %add3A_271 = arith.addf %get3A_265, %get3A_270 : vector<16xf32>
        %swap3A_272 = arith.constant 0 : i32
        %swap3A_273 = arith.constant 1 : i32
        %swap3A_274 = arith.index_cast %swap3A_272 : i32 to index
        %swap3A_275 = arith.index_cast %swap3A_273 : i32 to index
        %swap3A_276 = arith.index_cast %mul3A_258 : i32 to index
        %swap3A_277 = tpu.vector_load %arg5[%swap3A_274, %swap3A_275, %swap3A_276] {strides = array<i32>} : memref<8x2x1024xf32, #tpu.memory_space<vmem>>, vector<1x1x16xf32>,
        %swap3A_278 = vector.shape_cast %swap3A_277 : vector<1x1x16xf32> to vector<16xf32>
        %swap3A_279 = vector.shape_cast %add3A_271 : vector<16xf32> to vector<1x1x16xf32>
        tpu.vector_store %arg5[%swap3A_274, %swap3A_275, %swap3A_276], %swap3A_279 {strides = array<i32>} : memref<8x2x1024xf32, #tpu.memory_space<vmem>>, vector<1x1x16xf32>,
        %scan3A_280 = arith.constant 7 : i32
        %scan3A_281 = arith.addi %scan3A_108, %scan3A_280 : i32
        %mul3A_282 = arith.constant 16 : i32
        %mul3A_283 = arith.muli %scan3A_281, %mul3A_282 : i32
        %get3A_284 = arith.constant 0 : i32
        %get3A_285 = arith.constant 1 : i32
        %get3A_286 = arith.index_cast %get3A_284 : i32 to index
        %get3A_287 = arith.index_cast %get3A_285 : i32 to index
        %get3A_288 = arith.index_cast %mul3A_283 : i32 to index
        %get3A_289 = tpu.vector_load %arg5[%get3A_286, %get3A_287, %get3A_288] {strides = array<i32>} : memref<8x2x1024xf32, #tpu.memory_space<vmem>>, vector<1x1x16xf32>,
        %get3A_290 = vector.shape_cast %get3A_289 : vector<1x1x16xf32> to vector<16xf32>
        %get3A_291 = arith.constant 0 : i32
        %get3A_292 = arith.index_cast %get3A_291 : i32 to index
        %get3A_293 = arith.index_cast %mul3A_283 : i32 to index
        %get3A_294 = tpu.vector_load %arg6[%get3A_292, %get3A_293] {strides = array<i32>} : memref<8x1024xf32, #tpu.memory_space<vmem>>, vector<1x16xf32>,
        %get3A_295 = vector.shape_cast %get3A_294 : vector<1x16xf32> to vector<16xf32>
        %add3A_296 = arith.addf %get3A_290, %get3A_295 : vector<16xf32>
        %swap3A_297 = arith.constant 0 : i32
        %swap3A_298 = arith.constant 1 : i32
        %swap3A_299 = arith.index_cast %swap3A_297 : i32 to index
        %swap3A_300 = arith.index_cast %swap3A_298 : i32 to index
        %swap3A_301 = arith.index_cast %mul3A_283 : i32 to index
        %swap3A_302 = tpu.vector_load %arg5[%swap3A_299, %swap3A_300, %swap3A_301] {strides = array<i32>} : memref<8x2x1024xf32, #tpu.memory_space<vmem>>, vector<1x1x16xf32>,
        %swap3A_303 = vector.shape_cast %swap3A_302 : vector<1x1x16xf32> to vector<16xf32>
        %swap3A_304 = vector.shape_cast %add3A_296 : vector<16xf32> to vector<1x1x16xf32>
        tpu.vector_store %arg5[%swap3A_299, %swap3A_300, %swap3A_301], %swap3A_304 {strides = array<i32>} : memref<8x2x1024xf32, #tpu.memory_space<vmem>>, vector<1x1x16xf32>,
      }
      %scan3A_23 = arith.constant 64 : i32
      %scan3A_24 = arith.constant 0 : i32
      %scan3A_25 = arith.constant 0 : i32
      %scan3A_26 = arith.constant 64 : i32
      %scan3A_27 = arith.addi %scan3A_25, %scan3A_26 : i32
      %scan3A_28 = arith.constant 8 : i32
      scf.for %scan3A_108 = %scan3A_25 to %scan3A_27 step %scan3A_28  : i32 {
        %mul3A_109 = arith.constant 16 : i32
        %mul3A_110 = arith.muli %scan3A_108, %mul3A_109 : i32
        %get3A = arith.constant 1 : i32
        %get3A_111 = arith.constant 0 : i32
        %get3A_112 = arith.index_cast %get3A : i32 to index
        %get3A_113 = arith.index_cast %get3A_111 : i32 to index
        %get3A_114 = arith.index_cast %mul3A_110 : i32 to index
        %get3A_115 = tpu.vector_load %arg5[%get3A_112, %get3A_113, %get3A_114] {strides = array<i32>} : memref<8x2x1024xf32, #tpu.memory_space<vmem>>, vector<1x1x16xf32>,
        %get3A_116 = vector.shape_cast %get3A_115 : vector<1x1x16xf32> to vector<16xf32>
        %get3A_117 = arith.constant 1 : i32
        %get3A_118 = arith.index_cast %get3A_117 : i32 to index
        %get3A_119 = arith.index_cast %mul3A_110 : i32 to index
        %get3A_120 = tpu.vector_load %arg6[%get3A_118, %get3A_119] {strides = array<i32>} : memref<8x1024xf32, #tpu.memory_space<vmem>>, vector<1x16xf32>,
        %get3A_121 = vector.shape_cast %get3A_120 : vector<1x16xf32> to vector<16xf32>
        %add3A_122 = arith.addf %get3A_116, %get3A_121 : vector<16xf32>
        %swap3A = arith.constant 1 : i32
        %swap3A_123 = arith.constant 0 : i32
        %swap3A_124 = arith.index_cast %swap3A : i32 to index
        %swap3A_125 = arith.index_cast %swap3A_123 : i32 to index
        %swap3A_126 = arith.index_cast %mul3A_110 : i32 to index
        %swap3A_127 = tpu.vector_load %arg5[%swap3A_124, %swap3A_125, %swap3A_126] {strides = array<i32>} : memref<8x2x1024xf32, #tpu.memory_space<vmem>>, vector<1x1x16xf32>,
        %swap3A_128 = vector.shape_cast %swap3A_127 : vector<1x1x16xf32> to vector<16xf32>
        %swap3A_129 = vector.shape_cast %add3A_122 : vector<16xf32> to vector<1x1x16xf32>
        tpu.vector_store %arg5[%swap3A_124, %swap3A_125, %swap3A_126], %swap3A_129 {strides = array<i32>} : memref<8x2x1024xf32, #tpu.memory_space<vmem>>, vector<1x1x16xf32>,
        %scan3A_130 = arith.constant 1 : i32
        %scan3A_131 = arith.addi %scan3A_108, %scan3A_130 : i32
        %mul3A_132 = arith.constant 16 : i32
        %mul3A_133 = arith.muli %scan3A_131, %mul3A_132 : i32
        %get3A_134 = arith.constant 1 : i32
        %get3A_135 = arith.constant 0 : i32
        %get3A_136 = arith.index_cast %get3A_134 : i32 to index
        %get3A_137 = arith.index_cast %get3A_135 : i32 to index
        %get3A_138 = arith.index_cast %mul3A_133 : i32 to index
        %get3A_139 = tpu.vector_load %arg5[%get3A_136, %get3A_137, %get3A_138] {strides = array<i32>} : memref<8x2x1024xf32, #tpu.memory_space<vmem>>, vector<1x1x16xf32>,
        %get3A_140 = vector.shape_cast %get3A_139 : vector<1x1x16xf32> to vector<16xf32>
        %get3A_141 = arith.constant 1 : i32
        %get3A_142 = arith.index_cast %get3A_141 : i32 to index
        %get3A_143 = arith.index_cast %mul3A_133 : i32 to index
        %get3A_144 = tpu.vector_load %arg6[%get3A_142, %get3A_143] {strides = array<i32>} : memref<8x1024xf32, #tpu.memory_space<vmem>>, vector<1x16xf32>,
        %get3A_145 = vector.shape_cast %get3A_144 : vector<1x16xf32> to vector<16xf32>
        %add3A_146 = arith.addf %get3A_140, %get3A_145 : vector<16xf32>
        %swap3A_147 = arith.constant 1 : i32
        %swap3A_148 = arith.constant 0 : i32
        %swap3A_149 = arith.index_cast %swap3A_147 : i32 to index
        %swap3A_150 = arith.index_cast %swap3A_148 : i32 to index
        %swap3A_151 = arith.index_cast %mul3A_133 : i32 to index
        %swap3A_152 = tpu.vector_load %arg5[%swap3A_149, %swap3A_150, %swap3A_151] {strides = array<i32>} : memref<8x2x1024xf32, #tpu.memory_space<vmem>>, vector<1x1x16xf32>,
        %swap3A_153 = vector.shape_cast %swap3A_152 : vector<1x1x16xf32> to vector<16xf32>
        %swap3A_154 = vector.shape_cast %add3A_146 : vector<16xf32> to vector<1x1x16xf32>
        tpu.vector_store %arg5[%swap3A_149, %swap3A_150, %swap3A_151], %swap3A_154 {strides = array<i32>} : memref<8x2x1024xf32, #tpu.memory_space<vmem>>, vector<1x1x16xf32>,
        %scan3A_155 = arith.constant 2 : i32
        %scan3A_156 = arith.addi %scan3A_108, %scan3A_155 : i32
        %mul3A_157 = arith.constant 16 : i32
        %mul3A_158 = arith.muli %scan3A_156, %mul3A_157 : i32
        %get3A_159 = arith.constant 1 : i32
        %get3A_160 = arith.constant 0 : i32
        %get3A_161 = arith.index_cast %get3A_159 : i32 to index
        %get3A_162 = arith.index_cast %get3A_160 : i32 to index
        %get3A_163 = arith.index_cast %mul3A_158 : i32 to index
        %get3A_164 = tpu.vector_load %arg5[%get3A_161, %get3A_162, %get3A_163] {strides = array<i32>} : memref<8x2x1024xf32, #tpu.memory_space<vmem>>, vector<1x1x16xf32>,
        %get3A_165 = vector.shape_cast %get3A_164 : vector<1x1x16xf32> to vector<16xf32>
        %get3A_166 = arith.constant 1 : i32
        %get3A_167 = arith.index_cast %get3A_166 : i32 to index
        %get3A_168 = arith.index_cast %mul3A_158 : i32 to index
        %get3A_169 = tpu.vector_load %arg6[%get3A_167, %get3A_168] {strides = array<i32>} : memref<8x1024xf32, #tpu.memory_space<vmem>>, vector<1x16xf32>,
        %get3A_170 = vector.shape_cast %get3A_169 : vector<1x16xf32> to vector<16xf32>
        %add3A_171 = arith.addf %get3A_165, %get3A_170 : vector<16xf32>
        %swap3A_172 = arith.constant 1 : i32
        %swap3A_173 = arith.constant 0 : i32
        %swap3A_174 = arith.index_cast %swap3A_172 : i32 to index
        %swap3A_175 = arith.index_cast %swap3A_173 : i32 to index
        %swap3A_176 = arith.index_cast %mul3A_158 : i32 to index
        %swap3A_177 = tpu.vector_load %arg5[%swap3A_174, %swap3A_175, %swap3A_176] {strides = array<i32>} : memref<8x2x1024xf32, #tpu.memory_space<vmem>>, vector<1x1x16xf32>,
        %swap3A_178 = vector.shape_cast %swap3A_177 : vector<1x1x16xf32> to vector<16xf32>
        %swap3A_179 = vector.shape_cast %add3A_171 : vector<16xf32> to vector<1x1x16xf32>
        tpu.vector_store %arg5[%swap3A_174, %swap3A_175, %swap3A_176], %swap3A_179 {strides = array<i32>} : memref<8x2x1024xf32, #tpu.memory_space<vmem>>, vector<1x1x16xf32>,
        %scan3A_180 = arith.constant 3 : i32
        %scan3A_181 = arith.addi %scan3A_108, %scan3A_180 : i32
        %mul3A_182 = arith.constant 16 : i32
        %mul3A_183 = arith.muli %scan3A_181, %mul3A_182 : i32
        %get3A_184 = arith.constant 1 : i32
        %get3A_185 = arith.constant 0 : i32
        %get3A_186 = arith.index_cast %get3A_184 : i32 to index
        %get3A_187 = arith.index_cast %get3A_185 : i32 to index
        %get3A_188 = arith.index_cast %mul3A_183 : i32 to index
        %get3A_189 = tpu.vector_load %arg5[%get3A_186, %get3A_187, %get3A_188] {strides = array<i32>} : memref<8x2x1024xf32, #tpu.memory_space<vmem>>, vector<1x1x16xf32>,
        %get3A_190 = vector.shape_cast %get3A_189 : vector<1x1x16xf32> to vector<16xf32>
        %get3A_191 = arith.constant 1 : i32
        %get3A_192 = arith.index_cast %get3A_191 : i32 to index
        %get3A_193 = arith.index_cast %mul3A_183 : i32 to index
        %get3A_194 = tpu.vector_load %arg6[%get3A_192, %get3A_193] {strides = array<i32>} : memref<8x1024xf32, #tpu.memory_space<vmem>>, vector<1x16xf32>,
        %get3A_195 = vector.shape_cast %get3A_194 : vector<1x16xf32> to vector<16xf32>
        %add3A_196 = arith.addf %get3A_190, %get3A_195 : vector<16xf32>
        %swap3A_197 = arith.constant 1 : i32
        %swap3A_198 = arith.constant 0 : i32
        %swap3A_199 = arith.index_cast %swap3A_197 : i32 to index
        %swap3A_200 = arith.index_cast %swap3A_198 : i32 to index
        %swap3A_201 = arith.index_cast %mul3A_183 : i32 to index
        %swap3A_202 = tpu.vector_load %arg5[%swap3A_199, %swap3A_200, %swap3A_201] {strides = array<i32>} : memref<8x2x1024xf32, #tpu.memory_space<vmem>>, vector<1x1x16xf32>,
        %swap3A_203 = vector.shape_cast %swap3A_202 : vector<1x1x16xf32> to vector<16xf32>
        %swap3A_204 = vector.shape_cast %add3A_196 : vector<16xf32> to vector<1x1x16xf32>
        tpu.vector_store %arg5[%swap3A_199, %swap3A_200, %swap3A_201], %swap3A_204 {strides = array<i32>} : memref<8x2x1024xf32, #tpu.memory_space<vmem>>, vector<1x1x16xf32>,
        %scan3A_205 = arith.constant 4 : i32
        %scan3A_206 = arith.addi %scan3A_108, %scan3A_205 : i32
        %mul3A_207 = arith.constant 16 : i32
        %mul3A_208 = arith.muli %scan3A_206, %mul3A_207 : i32
        %get3A_209 = arith.constant 1 : i32
        %get3A_210 = arith.constant 0 : i32
        %get3A_211 = arith.index_cast %get3A_209 : i32 to index
        %get3A_212 = arith.index_cast %get3A_210 : i32 to index
        %get3A_213 = arith.index_cast %mul3A_208 : i32 to index
        %get3A_214 = tpu.vector_load %arg5[%get3A_211, %get3A_212, %get3A_213] {strides = array<i32>} : memref<8x2x1024xf32, #tpu.memory_space<vmem>>, vector<1x1x16xf32>,
        %get3A_215 = vector.shape_cast %get3A_214 : vector<1x1x16xf32> to vector<16xf32>
        %get3A_216 = arith.constant 1 : i32
        %get3A_217 = arith.index_cast %get3A_216 : i32 to index
        %get3A_218 = arith.index_cast %mul3A_208 : i32 to index
        %get3A_219 = tpu.vector_load %arg6[%get3A_217, %get3A_218] {strides = array<i32>} : memref<8x1024xf32, #tpu.memory_space<vmem>>, vector<1x16xf32>,
        %get3A_220 = vector.shape_cast %get3A_219 : vector<1x16xf32> to vector<16xf32>
        %add3A_221 = arith.addf %get3A_215, %get3A_220 : vector<16xf32>
        %swap3A_222 = arith.constant 1 : i32
        %swap3A_223 = arith.constant 0 : i32
        %swap3A_224 = arith.index_cast %swap3A_222 : i32 to index
        %swap3A_225 = arith.index_cast %swap3A_223 : i32 to index
        %swap3A_226 = arith.index_cast %mul3A_208 : i32 to index
        %swap3A_227 = tpu.vector_load %arg5[%swap3A_224, %swap3A_225, %swap3A_226] {strides = array<i32>} : memref<8x2x1024xf32, #tpu.memory_space<vmem>>, vector<1x1x16xf32>,
        %swap3A_228 = vector.shape_cast %swap3A_227 : vector<1x1x16xf32> to vector<16xf32>
        %swap3A_229 = vector.shape_cast %add3A_221 : vector<16xf32> to vector<1x1x16xf32>
        tpu.vector_store %arg5[%swap3A_224, %swap3A_225, %swap3A_226], %swap3A_229 {strides = array<i32>} : memref<8x2x1024xf32, #tpu.memory_space<vmem>>, vector<1x1x16xf32>,
        %scan3A_230 = arith.constant 5 : i32
        %scan3A_231 = arith.addi %scan3A_108, %scan3A_230 : i32
        %mul3A_232 = arith.constant 16 : i32
        %mul3A_233 = arith.muli %scan3A_231, %mul3A_232 : i32
        %get3A_234 = arith.constant 1 : i32
        %get3A_235 = arith.constant 0 : i32
        %get3A_236 = arith.index_cast %get3A_234 : i32 to index
        %get3A_237 = arith.index_cast %get3A_235 : i32 to index
        %get3A_238 = arith.index_cast %mul3A_233 : i32 to index
        %get3A_239 = tpu.vector_load %arg5[%get3A_236, %get3A_237, %get3A_238] {strides = array<i32>} : memref<8x2x1024xf32, #tpu.memory_space<vmem>>, vector<1x1x16xf32>,
        %get3A_240 = vector.shape_cast %get3A_239 : vector<1x1x16xf32> to vector<16xf32>
        %get3A_241 = arith.constant 1 : i32
        %get3A_242 = arith.index_cast %get3A_241 : i32 to index
        %get3A_243 = arith.index_cast %mul3A_233 : i32 to index
        %get3A_244 = tpu.vector_load %arg6[%get3A_242, %get3A_243] {strides = array<i32>} : memref<8x1024xf32, #tpu.memory_space<vmem>>, vector<1x16xf32>,
        %get3A_245 = vector.shape_cast %get3A_244 : vector<1x16xf32> to vector<16xf32>
        %add3A_246 = arith.addf %get3A_240, %get3A_245 : vector<16xf32>
        %swap3A_247 = arith.constant 1 : i32
        %swap3A_248 = arith.constant 0 : i32
        %swap3A_249 = arith.index_cast %swap3A_247 : i32 to index
        %swap3A_250 = arith.index_cast %swap3A_248 : i32 to index
        %swap3A_251 = arith.index_cast %mul3A_233 : i32 to index
        %swap3A_252 = tpu.vector_load %arg5[%swap3A_249, %swap3A_250, %swap3A_251] {strides = array<i32>} : memref<8x2x1024xf32, #tpu.memory_space<vmem>>, vector<1x1x16xf32>,
        %swap3A_253 = vector.shape_cast %swap3A_252 : vector<1x1x16xf32> to vector<16xf32>
        %swap3A_254 = vector.shape_cast %add3A_246 : vector<16xf32> to vector<1x1x16xf32>
        tpu.vector_store %arg5[%swap3A_249, %swap3A_250, %swap3A_251], %swap3A_254 {strides = array<i32>} : memref<8x2x1024xf32, #tpu.memory_space<vmem>>, vector<1x1x16xf32>,
        %scan3A_255 = arith.constant 6 : i32
        %scan3A_256 = arith.addi %scan3A_108, %scan3A_255 : i32
        %mul3A_257 = arith.constant 16 : i32
        %mul3A_258 = arith.muli %scan3A_256, %mul3A_257 : i32
        %get3A_259 = arith.constant 1 : i32
        %get3A_260 = arith.constant 0 : i32
        %get3A_261 = arith.index_cast %get3A_259 : i32 to index
        %get3A_262 = arith.index_cast %get3A_260 : i32 to index
        %get3A_263 = arith.index_cast %mul3A_258 : i32 to index
        %get3A_264 = tpu.vector_load %arg5[%get3A_261, %get3A_262, %get3A_263] {strides = array<i32>} : memref<8x2x1024xf32, #tpu.memory_space<vmem>>, vector<1x1x16xf32>,
        %get3A_265 = vector.shape_cast %get3A_264 : vector<1x1x16xf32> to vector<16xf32>
        %get3A_266 = arith.constant 1 : i32
        %get3A_267 = arith.index_cast %get3A_266 : i32 to index
        %get3A_268 = arith.index_cast %mul3A_258 : i32 to index
        %get3A_269 = tpu.vector_load %arg6[%get3A_267, %get3A_268] {strides = array<i32>} : memref<8x1024xf32, #tpu.memory_space<vmem>>, vector<1x16xf32>,
        %get3A_270 = vector.shape_cast %get3A_269 : vector<1x16xf32> to vector<16xf32>
        %add3A_271 = arith.addf %get3A_265, %get3A_270 : vector<16xf32>
        %swap3A_272 = arith.constant 1 : i32
        %swap3A_273 = arith.constant 0 : i32
        %swap3A_274 = arith.index_cast %swap3A_272 : i32 to index
        %swap3A_275 = arith.index_cast %swap3A_273 : i32 to index
        %swap3A_276 = arith.index_cast %mul3A_258 : i32 to index
        %swap3A_277 = tpu.vector_load %arg5[%swap3A_274, %swap3A_275, %swap3A_276] {strides = array<i32>} : memref<8x2x1024xf32, #tpu.memory_space<vmem>>, vector<1x1x16xf32>,
        %swap3A_278 = vector.shape_cast %swap3A_277 : vector<1x1x16xf32> to vector<16xf32>
        %swap3A_279 = vector.shape_cast %add3A_271 : vector<16xf32> to vector<1x1x16xf32>
        tpu.vector_store %arg5[%swap3A_274, %swap3A_275, %swap3A_276], %swap3A_279 {strides = array<i32>} : memref<8x2x1024xf32, #tpu.memory_space<vmem>>, vector<1x1x16xf32>,
        %scan3A_280 = arith.constant 7 : i32
        %scan3A_281 = arith.addi %scan3A_108, %scan3A_280 : i32
        %mul3A_282 = arith.constant 16 : i32
        %mul3A_283 = arith.muli %scan3A_281, %mul3A_282 : i32
        %get3A_284 = arith.constant 1 : i32
        %get3A_285 = arith.constant 0 : i32
        %get3A_286 = arith.index_cast %get3A_284 : i32 to index
        %get3A_287 = arith.index_cast %get3A_285 : i32 to index
        %get3A_288 = arith.index_cast %mul3A_283 : i32 to index
        %get3A_289 = tpu.vector_load %arg5[%get3A_286, %get3A_287, %get3A_288] {strides = array<i32>} : memref<8x2x1024xf32, #tpu.memory_space<vmem>>, vector<1x1x16xf32>,
        %get3A_290 = vector.shape_cast %get3A_289 : vector<1x1x16xf32> to vector<16xf32>
        %get3A_291 = arith.constant 1 : i32
        %get3A_292 = arith.index_cast %get3A_291 : i32 to index
        %get3A_293 = arith.index_cast %mul3A_283 : i32 to index
        %get3A_294 = tpu.vector_load %arg6[%get3A_292, %get3A_293] {strides = array<i32>} : memref<8x1024xf32, #tpu.memory_space<vmem>>, vector<1x16xf32>,
        %get3A_295 = vector.shape_cast %get3A_294 : vector<1x16xf32> to vector<16xf32>
        %add3A_296 = arith.addf %get3A_290, %get3A_295 : vector<16xf32>
        %swap3A_297 = arith.constant 1 : i32
        %swap3A_298 = arith.constant 0 : i32
        %swap3A_299 = arith.index_cast %swap3A_297 : i32 to index
        %swap3A_300 = arith.index_cast %swap3A_298 : i32 to index
        %swap3A_301 = arith.index_cast %mul3A_283 : i32 to index
        %swap3A_302 = tpu.vector_load %arg5[%swap3A_299, %swap3A_300, %swap3A_301] {strides = array<i32>} : memref<8x2x1024xf32, #tpu.memory_space<vmem>>, vector<1x1x16xf32>,
        %swap3A_303 = vector.shape_cast %swap3A_302 : vector<1x1x16xf32> to vector<16xf32>
        %swap3A_304 = vector.shape_cast %add3A_296 : vector<16xf32> to vector<1x1x16xf32>
        tpu.vector_store %arg5[%swap3A_299, %swap3A_300, %swap3A_301], %swap3A_304 {strides = array<i32>} : memref<8x2x1024xf32, #tpu.memory_space<vmem>>, vector<1x1x16xf32>,
      }
      %scan3A_29 = arith.constant 64 : i32
      %scan3A_30 = arith.constant 0 : i32
      %scan3A_31 = arith.constant 0 : i32
      %scan3A_32 = arith.constant 64 : i32
      %scan3A_33 = arith.addi %scan3A_31, %scan3A_32 : i32
      %scan3A_34 = arith.constant 8 : i32
      scf.for %scan3A_108 = %scan3A_31 to %scan3A_33 step %scan3A_34  : i32 {
        %mul3A_109 = arith.constant 16 : i32
        %mul3A_110 = arith.muli %scan3A_108, %mul3A_109 : i32
        %get3A = arith.constant 1 : i32
        %get3A_111 = arith.constant 1 : i32
        %get3A_112 = arith.index_cast %get3A : i32 to index
        %get3A_113 = arith.index_cast %get3A_111 : i32 to index
        %get3A_114 = arith.index_cast %mul3A_110 : i32 to index
        %get3A_115 = tpu.vector_load %arg5[%get3A_112, %get3A_113, %get3A_114] {strides = array<i32>} : memref<8x2x1024xf32, #tpu.memory_space<vmem>>, vector<1x1x16xf32>,
        %get3A_116 = vector.shape_cast %get3A_115 : vector<1x1x16xf32> to vector<16xf32>
        %get3A_117 = arith.constant 1 : i32
        %get3A_118 = arith.index_cast %get3A_117 : i32 to index
        %get3A_119 = arith.index_cast %mul3A_110 : i32 to index
        %get3A_120 = tpu.vector_load %arg6[%get3A_118, %get3A_119] {strides = array<i32>} : memref<8x1024xf32, #tpu.memory_space<vmem>>, vector<1x16xf32>,
        %get3A_121 = vector.shape_cast %get3A_120 : vector<1x16xf32> to vector<16xf32>
        %add3A_122 = arith.addf %get3A_116, %get3A_121 : vector<16xf32>
        %swap3A = arith.constant 1 : i32
        %swap3A_123 = arith.constant 1 : i32
        %swap3A_124 = arith.index_cast %swap3A : i32 to index
        %swap3A_125 = arith.index_cast %swap3A_123 : i32 to index
        %swap3A_126 = arith.index_cast %mul3A_110 : i32 to index
        %swap3A_127 = tpu.vector_load %arg5[%swap3A_124, %swap3A_125, %swap3A_126] {strides = array<i32>} : memref<8x2x1024xf32, #tpu.memory_space<vmem>>, vector<1x1x16xf32>,
        %swap3A_128 = vector.shape_cast %swap3A_127 : vector<1x1x16xf32> to vector<16xf32>
        %swap3A_129 = vector.shape_cast %add3A_122 : vector<16xf32> to vector<1x1x16xf32>
        tpu.vector_store %arg5[%swap3A_124, %swap3A_125, %swap3A_126], %swap3A_129 {strides = array<i32>} : memref<8x2x1024xf32, #tpu.memory_space<vmem>>, vector<1x1x16xf32>,
        %scan3A_130 = arith.constant 1 : i32
        %scan3A_131 = arith.addi %scan3A_108, %scan3A_130 : i32
        %mul3A_132 = arith.constant 16 : i32
        %mul3A_133 = arith.muli %scan3A_131, %mul3A_132 : i32
        %get3A_134 = arith.constant 1 : i32
        %get3A_135 = arith.constant 1 : i32
        %get3A_136 = arith.index_cast %get3A_134 : i32 to index
        %get3A_137 = arith.index_cast %get3A_135 : i32 to index
        %get3A_138 = arith.index_cast %mul3A_133 : i32 to index
        %get3A_139 = tpu.vector_load %arg5[%get3A_136, %get3A_137, %get3A_138] {strides = array<i32>} : memref<8x2x1024xf32, #tpu.memory_space<vmem>>, vector<1x1x16xf32>,
        %get3A_140 = vector.shape_cast %get3A_139 : vector<1x1x16xf32> to vector<16xf32>
        %get3A_141 = arith.constant 1 : i32
        %get3A_142 = arith.index_cast %get3A_141 : i32 to index
        %get3A_143 = arith.index_cast %mul3A_133 : i32 to index
        %get3A_144 = tpu.vector_load %arg6[%get3A_142, %get3A_143] {strides = array<i32>} : memref<8x1024xf32, #tpu.memory_space<vmem>>, vector<1x16xf32>,
        %get3A_145 = vector.shape_cast %get3A_144 : vector<1x16xf32> to vector<16xf32>
        %add3A_146 = arith.addf %get3A_140, %get3A_145 : vector<16xf32>
        %swap3A_147 = arith.constant 1 : i32
        %swap3A_148 = arith.constant 1 : i32
        %swap3A_149 = arith.index_cast %swap3A_147 : i32 to index
        %swap3A_150 = arith.index_cast %swap3A_148 : i32 to index
        %swap3A_151 = arith.index_cast %mul3A_133 : i32 to index
        %swap3A_152 = tpu.vector_load %arg5[%swap3A_149, %swap3A_150, %swap3A_151] {strides = array<i32>} : memref<8x2x1024xf32, #tpu.memory_space<vmem>>, vector<1x1x16xf32>,
        %swap3A_153 = vector.shape_cast %swap3A_152 : vector<1x1x16xf32> to vector<16xf32>
        %swap3A_154 = vector.shape_cast %add3A_146 : vector<16xf32> to vector<1x1x16xf32>
        tpu.vector_store %arg5[%swap3A_149, %swap3A_150, %swap3A_151], %swap3A_154 {strides = array<i32>} : memref<8x2x1024xf32, #tpu.memory_space<vmem>>, vector<1x1x16xf32>,
        %scan3A_155 = arith.constant 2 : i32
        %scan3A_156 = arith.addi %scan3A_108, %scan3A_155 : i32
        %mul3A_157 = arith.constant 16 : i32
        %mul3A_158 = arith.muli %scan3A_156, %mul3A_157 : i32
        %get3A_159 = arith.constant 1 : i32
        %get3A_160 = arith.constant 1 : i32
        %get3A_161 = arith.index_cast %get3A_159 : i32 to index
        %get3A_162 = arith.index_cast %get3A_160 : i32 to index
        %get3A_163 = arith.index_cast %mul3A_158 : i32 to index
        %get3A_164 = tpu.vector_load %arg5[%get3A_161, %get3A_162, %get3A_163] {strides = array<i32>} : memref<8x2x1024xf32, #tpu.memory_space<vmem>>, vector<1x1x16xf32>,
        %get3A_165 = vector.shape_cast %get3A_164 : vector<1x1x16xf32> to vector<16xf32>
        %get3A_166 = arith.constant 1 : i32
        %get3A_167 = arith.index_cast %get3A_166 : i32 to index
        %get3A_168 = arith.index_cast %mul3A_158 : i32 to index
        %get3A_169 = tpu.vector_load %arg6[%get3A_167, %get3A_168] {strides = array<i32>} : memref<8x1024xf32, #tpu.memory_space<vmem>>, vector<1x16xf32>,
        %get3A_170 = vector.shape_cast %get3A_169 : vector<1x16xf32> to vector<16xf32>
        %add3A_171 = arith.addf %get3A_165, %get3A_170 : vector<16xf32>
        %swap3A_172 = arith.constant 1 : i32
        %swap3A_173 = arith.constant 1 : i32
        %swap3A_174 = arith.index_cast %swap3A_172 : i32 to index
        %swap3A_175 = arith.index_cast %swap3A_173 : i32 to index
        %swap3A_176 = arith.index_cast %mul3A_158 : i32 to index
        %swap3A_177 = tpu.vector_load %arg5[%swap3A_174, %swap3A_175, %swap3A_176] {strides = array<i32>} : memref<8x2x1024xf32, #tpu.memory_space<vmem>>, vector<1x1x16xf32>,
        %swap3A_178 = vector.shape_cast %swap3A_177 : vector<1x1x16xf32> to vector<16xf32>
        %swap3A_179 = vector.shape_cast %add3A_171 : vector<16xf32> to vector<1x1x16xf32>
        tpu.vector_store %arg5[%swap3A_174, %swap3A_175, %swap3A_176], %swap3A_179 {strides = array<i32>} : memref<8x2x1024xf32, #tpu.memory_space<vmem>>, vector<1x1x16xf32>,
        %scan3A_180 = arith.constant 3 : i32
        %scan3A_181 = arith.addi %scan3A_108, %scan3A_180 : i32
        %mul3A_182 = arith.constant 16 : i32
        %mul3A_183 = arith.muli %scan3A_181, %mul3A_182 : i32
        %get3A_184 = arith.constant 1 : i32
        %get3A_185 = arith.constant 1 : i32
        %get3A_186 = arith.index_cast %get3A_184 : i32 to index
        %get3A_187 = arith.index_cast %get3A_185 : i32 to index
        %get3A_188 = arith.index_cast %mul3A_183 : i32 to index
        %get3A_189 = tpu.vector_load %arg5[%get3A_186, %get3A_187, %get3A_188] {strides = array<i32>} : memref<8x2x1024xf32, #tpu.memory_space<vmem>>, vector<1x1x16xf32>,
        %get3A_190 = vector.shape_cast %get3A_189 : vector<1x1x16xf32> to vector<16xf32>
        %get3A_191 = arith.constant 1 : i32
        %get3A_192 = arith.index_cast %get3A_191 : i32 to index
        %get3A_193 = arith.index_cast %mul3A_183 : i32 to index
        %get3A_194 = tpu.vector_load %arg6[%get3A_192, %get3A_193] {strides = array<i32>} : memref<8x1024xf32, #tpu.memory_space<vmem>>, vector<1x16xf32>,
        %get3A_195 = vector.shape_cast %get3A_194 : vector<1x16xf32> to vector<16xf32>
        %add3A_196 = arith.addf %get3A_190, %get3A_195 : vector<16xf32>
        %swap3A_197 = arith.constant 1 : i32
        %swap3A_198 = arith.constant 1 : i32
        %swap3A_199 = arith.index_cast %swap3A_197 : i32 to index
        %swap3A_200 = arith.index_cast %swap3A_198 : i32 to index
        %swap3A_201 = arith.index_cast %mul3A_183 : i32 to index
        %swap3A_202 = tpu.vector_load %arg5[%swap3A_199, %swap3A_200, %swap3A_201] {strides = array<i32>} : memref<8x2x1024xf32, #tpu.memory_space<vmem>>, vector<1x1x16xf32>,
        %swap3A_203 = vector.shape_cast %swap3A_202 : vector<1x1x16xf32> to vector<16xf32>
        %swap3A_204 = vector.shape_cast %add3A_196 : vector<16xf32> to vector<1x1x16xf32>
        tpu.vector_store %arg5[%swap3A_199, %swap3A_200, %swap3A_201], %swap3A_204 {strides = array<i32>} : memref<8x2x1024xf32, #tpu.memory_space<vmem>>, vector<1x1x16xf32>,
        %scan3A_205 = arith.constant 4 : i32
        %scan3A_206 = arith.addi %scan3A_108, %scan3A_205 : i32
        %mul3A_207 = arith.constant 16 : i32
        %mul3A_208 = arith.muli %scan3A_206, %mul3A_207 : i32
        %get3A_209 = arith.constant 1 : i32
        %get3A_210 = arith.constant 1 : i32
        %get3A_211 = arith.index_cast %get3A_209 : i32 to index
        %get3A_212 = arith.index_cast %get3A_210 : i32 to index
        %get3A_213 = arith.index_cast %mul3A_208 : i32 to index
        %get3A_214 = tpu.vector_load %arg5[%get3A_211, %get3A_212, %get3A_213] {strides = array<i32>} : memref<8x2x1024xf32, #tpu.memory_space<vmem>>, vector<1x1x16xf32>,
        %get3A_215 = vector.shape_cast %get3A_214 : vector<1x1x16xf32> to vector<16xf32>
        %get3A_216 = arith.constant 1 : i32
        %get3A_217 = arith.index_cast %get3A_216 : i32 to index
        %get3A_218 = arith.index_cast %mul3A_208 : i32 to index
        %get3A_219 = tpu.vector_load %arg6[%get3A_217, %get3A_218] {strides = array<i32>} : memref<8x1024xf32, #tpu.memory_space<vmem>>, vector<1x16xf32>,
        %get3A_220 = vector.shape_cast %get3A_219 : vector<1x16xf32> to vector<16xf32>
        %add3A_221 = arith.addf %get3A_215, %get3A_220 : vector<16xf32>
        %swap3A_222 = arith.constant 1 : i32
        %swap3A_223 = arith.constant 1 : i32
        %swap3A_224 = arith.index_cast %swap3A_222 : i32 to index
        %swap3A_225 = arith.index_cast %swap3A_223 : i32 to index
        %swap3A_226 = arith.index_cast %mul3A_208 : i32 to index
        %swap3A_227 = tpu.vector_load %arg5[%swap3A_224, %swap3A_225, %swap3A_226] {strides = array<i32>} : memref<8x2x1024xf32, #tpu.memory_space<vmem>>, vector<1x1x16xf32>,
        %swap3A_228 = vector.shape_cast %swap3A_227 : vector<1x1x16xf32> to vector<16xf32>
        %swap3A_229 = vector.shape_cast %add3A_221 : vector<16xf32> to vector<1x1x16xf32>
        tpu.vector_store %arg5[%swap3A_224, %swap3A_225, %swap3A_226], %swap3A_229 {strides = array<i32>} : memref<8x2x1024xf32, #tpu.memory_space<vmem>>, vector<1x1x16xf32>,
        %scan3A_230 = arith.constant 5 : i32
        %scan3A_231 = arith.addi %scan3A_108, %scan3A_230 : i32
        %mul3A_232 = arith.constant 16 : i32
        %mul3A_233 = arith.muli %scan3A_231, %mul3A_232 : i32
        %get3A_234 = arith.constant 1 : i32
        %get3A_235 = arith.constant 1 : i32
        %get3A_236 = arith.index_cast %get3A_234 : i32 to index
        %get3A_237 = arith.index_cast %get3A_235 : i32 to index
        %get3A_238 = arith.index_cast %mul3A_233 : i32 to index
        %get3A_239 = tpu.vector_load %arg5[%get3A_236, %get3A_237, %get3A_238] {strides = array<i32>} : memref<8x2x1024xf32, #tpu.memory_space<vmem>>, vector<1x1x16xf32>,
        %get3A_240 = vector.shape_cast %get3A_239 : vector<1x1x16xf32> to vector<16xf32>
        %get3A_241 = arith.constant 1 : i32
        %get3A_242 = arith.index_cast %get3A_241 : i32 to index
        %get3A_243 = arith.index_cast %mul3A_233 : i32 to index
        %get3A_244 = tpu.vector_load %arg6[%get3A_242, %get3A_243] {strides = array<i32>} : memref<8x1024xf32, #tpu.memory_space<vmem>>, vector<1x16xf32>,
        %get3A_245 = vector.shape_cast %get3A_244 : vector<1x16xf32> to vector<16xf32>
        %add3A_246 = arith.addf %get3A_240, %get3A_245 : vector<16xf32>
        %swap3A_247 = arith.constant 1 : i32
        %swap3A_248 = arith.constant 1 : i32
        %swap3A_249 = arith.index_cast %swap3A_247 : i32 to index
        %swap3A_250 = arith.index_cast %swap3A_248 : i32 to index
        %swap3A_251 = arith.index_cast %mul3A_233 : i32 to index
        %swap3A_252 = tpu.vector_load %arg5[%swap3A_249, %swap3A_250, %swap3A_251] {strides = array<i32>} : memref<8x2x1024xf32, #tpu.memory_space<vmem>>, vector<1x1x16xf32>,
        %swap3A_253 = vector.shape_cast %swap3A_252 : vector<1x1x16xf32> to vector<16xf32>
        %swap3A_254 = vector.shape_cast %add3A_246 : vector<16xf32> to vector<1x1x16xf32>
        tpu.vector_store %arg5[%swap3A_249, %swap3A_250, %swap3A_251], %swap3A_254 {strides = array<i32>} : memref<8x2x1024xf32, #tpu.memory_space<vmem>>, vector<1x1x16xf32>,
        %scan3A_255 = arith.constant 6 : i32
        %scan3A_256 = arith.addi %scan3A_108, %scan3A_255 : i32
        %mul3A_257 = arith.constant 16 : i32
        %mul3A_258 = arith.muli %scan3A_256, %mul3A_257 : i32
        %get3A_259 = arith.constant 1 : i32
        %get3A_260 = arith.constant 1 : i32
        %get3A_261 = arith.index_cast %get3A_259 : i32 to index
        %get3A_262 = arith.index_cast %get3A_260 : i32 to index
        %get3A_263 = arith.index_cast %mul3A_258 : i32 to index
        %get3A_264 = tpu.vector_load %arg5[%get3A_261, %get3A_262, %get3A_263] {strides = array<i32>} : memref<8x2x1024xf32, #tpu.memory_space<vmem>>, vector<1x1x16xf32>,
        %get3A_265 = vector.shape_cast %get3A_264 : vector<1x1x16xf32> to vector<16xf32>
        %get3A_266 = arith.constant 1 : i32
        %get3A_267 = arith.index_cast %get3A_266 : i32 to index
        %get3A_268 = arith.index_cast %mul3A_258 : i32 to index
        %get3A_269 = tpu.vector_load %arg6[%get3A_267, %get3A_268] {strides = array<i32>} : memref<8x1024xf32, #tpu.memory_space<vmem>>, vector<1x16xf32>,
        %get3A_270 = vector.shape_cast %get3A_269 : vector<1x16xf32> to vector<16xf32>
        %add3A_271 = arith.addf %get3A_265, %get3A_270 : vector<16xf32>
        %swap3A_272 = arith.constant 1 : i32
        %swap3A_273 = arith.constant 1 : i32
        %swap3A_274 = arith.index_cast %swap3A_272 : i32 to index
        %swap3A_275 = arith.index_cast %swap3A_273 : i32 to index
        %swap3A_276 = arith.index_cast %mul3A_258 : i32 to index
        %swap3A_277 = tpu.vector_load %arg5[%swap3A_274, %swap3A_275, %swap3A_276] {strides = array<i32>} : memref<8x2x1024xf32, #tpu.memory_space<vmem>>, vector<1x1x16xf32>,
        %swap3A_278 = vector.shape_cast %swap3A_277 : vector<1x1x16xf32> to vector<16xf32>
        %swap3A_279 = vector.shape_cast %add3A_271 : vector<16xf32> to vector<1x1x16xf32>
        tpu.vector_store %arg5[%swap3A_274, %swap3A_275, %swap3A_276], %swap3A_279 {strides = array<i32>} : memref<8x2x1024xf32, #tpu.memory_space<vmem>>, vector<1x1x16xf32>,
        %scan3A_280 = arith.constant 7 : i32
        %scan3A_281 = arith.addi %scan3A_108, %scan3A_280 : i32
        %mul3A_282 = arith.constant 16 : i32
        %mul3A_283 = arith.muli %scan3A_281, %mul3A_282 : i32
        %get3A_284 = arith.constant 1 : i32
        %get3A_285 = arith.constant 1 : i32
        %get3A_286 = arith.index_cast %get3A_284 : i32 to index
        %get3A_287 = arith.index_cast %get3A_285 : i32 to index
        %get3A_288 = arith.index_cast %mul3A_283 : i32 to index
        %get3A_289 = tpu.vector_load %arg5[%get3A_286, %get3A_287, %get3A_288] {strides = array<i32>} : memref<8x2x1024xf32, #tpu.memory_space<vmem>>, vector<1x1x16xf32>,
        %get3A_290 = vector.shape_cast %get3A_289 : vector<1x1x16xf32> to vector<16xf32>
        %get3A_291 = arith.constant 1 : i32
        %get3A_292 = arith.index_cast %get3A_291 : i32 to index
        %get3A_293 = arith.index_cast %mul3A_283 : i32 to index
        %get3A_294 = tpu.vector_load %arg6[%get3A_292, %get3A_293] {strides = array<i32>} : memref<8x1024xf32, #tpu.memory_space<vmem>>, vector<1x16xf32>,
        %get3A_295 = vector.shape_cast %get3A_294 : vector<1x16xf32> to vector<16xf32>
        %add3A_296 = arith.addf %get3A_290, %get3A_295 : vector<16xf32>
        %swap3A_297 = arith.constant 1 : i32
        %swap3A_298 = arith.constant 1 : i32
        %swap3A_299 = arith.index_cast %swap3A_297 : i32 to index
        %swap3A_300 = arith.index_cast %swap3A_298 : i32 to index
        %swap3A_301 = arith.index_cast %mul3A_283 : i32 to index
        %swap3A_302 = tpu.vector_load %arg5[%swap3A_299, %swap3A_300, %swap3A_301] {strides = array<i32>} : memref<8x2x1024xf32, #tpu.memory_space<vmem>>, vector<1x1x16xf32>,
        %swap3A_303 = vector.shape_cast %swap3A_302 : vector<1x1x16xf32> to vector<16xf32>
        %swap3A_304 = vector.shape_cast %add3A_296 : vector<16xf32> to vector<1x1x16xf32>
        tpu.vector_store %arg5[%swap3A_299, %swap3A_300, %swap3A_301], %swap3A_304 {strides = array<i32>} : memref<8x2x1024xf32, #tpu.memory_space<vmem>>, vector<1x1x16xf32>,
      }
      %scan3A_35 = arith.constant 64 : i32
      %scan3A_36 = arith.constant 0 : i32
      %scan3A_37 = arith.constant 0 : i32
      %scan3A_38 = arith.constant 64 : i32
      %scan3A_39 = arith.addi %scan3A_37, %scan3A_38 : i32
      %scan3A_40 = arith.constant 8 : i32
      scf.for %scan3A_108 = %scan3A_37 to %scan3A_39 step %scan3A_40  : i32 {
        %mul3A_109 = arith.constant 16 : i32
        %mul3A_110 = arith.muli %scan3A_108, %mul3A_109 : i32
        %get3A = arith.constant 2 : i32
        %get3A_111 = arith.constant 0 : i32
        %get3A_112 = arith.index_cast %get3A : i32 to index
        %get3A_113 = arith.index_cast %get3A_111 : i32 to index
        %get3A_114 = arith.index_cast %mul3A_110 : i32 to index
        %get3A_115 = tpu.vector_load %arg5[%get3A_112, %get3A_113, %get3A_114] {strides = array<i32>} : memref<8x2x1024xf32, #tpu.memory_space<vmem>>, vector<1x1x16xf32>,
        %get3A_116 = vector.shape_cast %get3A_115 : vector<1x1x16xf32> to vector<16xf32>
        %get3A_117 = arith.constant 2 : i32
        %get3A_118 = arith.index_cast %get3A_117 : i32 to index
        %get3A_119 = arith.index_cast %mul3A_110 : i32 to index
        %get3A_120 = tpu.vector_load %arg6[%get3A_118, %get3A_119] {strides = array<i32>} : memref<8x1024xf32, #tpu.memory_space<vmem>>, vector<1x16xf32>,
        %get3A_121 = vector.shape_cast %get3A_120 : vector<1x16xf32> to vector<16xf32>
        %add3A_122 = arith.addf %get3A_116, %get3A_121 : vector<16xf32>
        %swap3A = arith.constant 2 : i32
        %swap3A_123 = arith.constant 0 : i32
        %swap3A_124 = arith.index_cast %swap3A : i32 to index
        %swap3A_125 = arith.index_cast %swap3A_123 : i32 to index
        %swap3A_126 = arith.index_cast %mul3A_110 : i32 to index
        %swap3A_127 = tpu.vector_load %arg5[%swap3A_124, %swap3A_125, %swap3A_126] {strides = array<i32>} : memref<8x2x1024xf32, #tpu.memory_space<vmem>>, vector<1x1x16xf32>,
        %swap3A_128 = vector.shape_cast %swap3A_127 : vector<1x1x16xf32> to vector<16xf32>
        %swap3A_129 = vector.shape_cast %add3A_122 : vector<16xf32> to vector<1x1x16xf32>
        tpu.vector_store %arg5[%swap3A_124, %swap3A_125, %swap3A_126], %swap3A_129 {strides = array<i32>} : memref<8x2x1024xf32, #tpu.memory_space<vmem>>, vector<1x1x16xf32>,
        %scan3A_130 = arith.constant 1 : i32
        %scan3A_131 = arith.addi %scan3A_108, %scan3A_130 : i32
        %mul3A_132 = arith.constant 16 : i32
        %mul3A_133 = arith.muli %scan3A_131, %mul3A_132 : i32
        %get3A_134 = arith.constant 2 : i32
        %get3A_135 = arith.constant 0 : i32
        %get3A_136 = arith.index_cast %get3A_134 : i32 to index
        %get3A_137 = arith.index_cast %get3A_135 : i32 to index
        %get3A_138 = arith.index_cast %mul3A_133 : i32 to index
        %get3A_139 = tpu.vector_load %arg5[%get3A_136, %get3A_137, %get3A_138] {strides = array<i32>} : memref<8x2x1024xf32, #tpu.memory_space<vmem>>, vector<1x1x16xf32>,
        %get3A_140 = vector.shape_cast %get3A_139 : vector<1x1x16xf32> to vector<16xf32>
        %get3A_141 = arith.constant 2 : i32
        %get3A_142 = arith.index_cast %get3A_141 : i32 to index
        %get3A_143 = arith.index_cast %mul3A_133 : i32 to index
        %get3A_144 = tpu.vector_load %arg6[%get3A_142, %get3A_143] {strides = array<i32>} : memref<8x1024xf32, #tpu.memory_space<vmem>>, vector<1x16xf32>,
        %get3A_145 = vector.shape_cast %get3A_144 : vector<1x16xf32> to vector<16xf32>
        %add3A_146 = arith.addf %get3A_140, %get3A_145 : vector<16xf32>
        %swap3A_147 = arith.constant 2 : i32
        %swap3A_148 = arith.constant 0 : i32
        %swap3A_149 = arith.index_cast %swap3A_147 : i32 to index
        %swap3A_150 = arith.index_cast %swap3A_148 : i32 to index
        %swap3A_151 = arith.index_cast %mul3A_133 : i32 to index
        %swap3A_152 = tpu.vector_load %arg5[%swap3A_149, %swap3A_150, %swap3A_151] {strides = array<i32>} : memref<8x2x1024xf32, #tpu.memory_space<vmem>>, vector<1x1x16xf32>,
        %swap3A_153 = vector.shape_cast %swap3A_152 : vector<1x1x16xf32> to vector<16xf32>
        %swap3A_154 = vector.shape_cast %add3A_146 : vector<16xf32> to vector<1x1x16xf32>
        tpu.vector_store %arg5[%swap3A_149, %swap3A_150, %swap3A_151], %swap3A_154 {strides = array<i32>} : memref<8x2x1024xf32, #tpu.memory_space<vmem>>, vector<1x1x16xf32>,
        %scan3A_155 = arith.constant 2 : i32
        %scan3A_156 = arith.addi %scan3A_108, %scan3A_155 : i32
        %mul3A_157 = arith.constant 16 : i32
        %mul3A_158 = arith.muli %scan3A_156, %mul3A_157 : i32
        %get3A_159 = arith.constant 2 : i32
        %get3A_160 = arith.constant 0 : i32
        %get3A_161 = arith.index_cast %get3A_159 : i32 to index
        %get3A_162 = arith.index_cast %get3A_160 : i32 to index
        %get3A_163 = arith.index_cast %mul3A_158 : i32 to index
        %get3A_164 = tpu.vector_load %arg5[%get3A_161, %get3A_162, %get3A_163] {strides = array<i32>} : memref<8x2x1024xf32, #tpu.memory_space<vmem>>, vector<1x1x16xf32>,
        %get3A_165 = vector.shape_cast %get3A_164 : vector<1x1x16xf32> to vector<16xf32>
        %get3A_166 = arith.constant 2 : i32
        %get3A_167 = arith.index_cast %get3A_166 : i32 to index
        %get3A_168 = arith.index_cast %mul3A_158 : i32 to index
        %get3A_169 = tpu.vector_load %arg6[%get3A_167, %get3A_168] {strides = array<i32>} : memref<8x1024xf32, #tpu.memory_space<vmem>>, vector<1x16xf32>,
        %get3A_170 = vector.shape_cast %get3A_169 : vector<1x16xf32> to vector<16xf32>
        %add3A_171 = arith.addf %get3A_165, %get3A_170 : vector<16xf32>
        %swap3A_172 = arith.constant 2 : i32
        %swap3A_173 = arith.constant 0 : i32
        %swap3A_174 = arith.index_cast %swap3A_172 : i32 to index
        %swap3A_175 = arith.index_cast %swap3A_173 : i32 to index
        %swap3A_176 = arith.index_cast %mul3A_158 : i32 to index
        %swap3A_177 = tpu.vector_load %arg5[%swap3A_174, %swap3A_175, %swap3A_176] {strides = array<i32>} : memref<8x2x1024xf32, #tpu.memory_space<vmem>>, vector<1x1x16xf32>,
        %swap3A_178 = vector.shape_cast %swap3A_177 : vector<1x1x16xf32> to vector<16xf32>
        %swap3A_179 = vector.shape_cast %add3A_171 : vector<16xf32> to vector<1x1x16xf32>
        tpu.vector_store %arg5[%swap3A_174, %swap3A_175, %swap3A_176], %swap3A_179 {strides = array<i32>} : memref<8x2x1024xf32, #tpu.memory_space<vmem>>, vector<1x1x16xf32>,
        %scan3A_180 = arith.constant 3 : i32
        %scan3A_181 = arith.addi %scan3A_108, %scan3A_180 : i32
        %mul3A_182 = arith.constant 16 : i32
        %mul3A_183 = arith.muli %scan3A_181, %mul3A_182 : i32
        %get3A_184 = arith.constant 2 : i32
        %get3A_185 = arith.constant 0 : i32
        %get3A_186 = arith.index_cast %get3A_184 : i32 to index
        %get3A_187 = arith.index_cast %get3A_185 : i32 to index
        %get3A_188 = arith.index_cast %mul3A_183 : i32 to index
        %get3A_189 = tpu.vector_load %arg5[%get3A_186, %get3A_187, %get3A_188] {strides = array<i32>} : memref<8x2x1024xf32, #tpu.memory_space<vmem>>, vector<1x1x16xf32>,
        %get3A_190 = vector.shape_cast %get3A_189 : vector<1x1x16xf32> to vector<16xf32>
        %get3A_191 = arith.constant 2 : i32
        %get3A_192 = arith.index_cast %get3A_191 : i32 to index
        %get3A_193 = arith.index_cast %mul3A_183 : i32 to index
        %get3A_194 = tpu.vector_load %arg6[%get3A_192, %get3A_193] {strides = array<i32>} : memref<8x1024xf32, #tpu.memory_space<vmem>>, vector<1x16xf32>,
        %get3A_195 = vector.shape_cast %get3A_194 : vector<1x16xf32> to vector<16xf32>
        %add3A_196 = arith.addf %get3A_190, %get3A_195 : vector<16xf32>
        %swap3A_197 = arith.constant 2 : i32
        %swap3A_198 = arith.constant 0 : i32
        %swap3A_199 = arith.index_cast %swap3A_197 : i32 to index
        %swap3A_200 = arith.index_cast %swap3A_198 : i32 to index
        %swap3A_201 = arith.index_cast %mul3A_183 : i32 to index
        %swap3A_202 = tpu.vector_load %arg5[%swap3A_199, %swap3A_200, %swap3A_201] {strides = array<i32>} : memref<8x2x1024xf32, #tpu.memory_space<vmem>>, vector<1x1x16xf32>,
        %swap3A_203 = vector.shape_cast %swap3A_202 : vector<1x1x16xf32> to vector<16xf32>
        %swap3A_204 = vector.shape_cast %add3A_196 : vector<16xf32> to vector<1x1x16xf32>
        tpu.vector_store %arg5[%swap3A_199, %swap3A_200, %swap3A_201], %swap3A_204 {strides = array<i32>} : memref<8x2x1024xf32, #tpu.memory_space<vmem>>, vector<1x1x16xf32>,
        %scan3A_205 = arith.constant 4 : i32
        %scan3A_206 = arith.addi %scan3A_108, %scan3A_205 : i32
        %mul3A_207 = arith.constant 16 : i32
        %mul3A_208 = arith.muli %scan3A_206, %mul3A_207 : i32
        %get3A_209 = arith.constant 2 : i32
        %get3A_210 = arith.constant 0 : i32
        %get3A_211 = arith.index_cast %get3A_209 : i32 to index
        %get3A_212 = arith.index_cast %get3A_210 : i32 to index
        %get3A_213 = arith.index_cast %mul3A_208 : i32 to index
        %get3A_214 = tpu.vector_load %arg5[%get3A_211, %get3A_212, %get3A_213] {strides = array<i32>} : memref<8x2x1024xf32, #tpu.memory_space<vmem>>, vector<1x1x16xf32>,
        %get3A_215 = vector.shape_cast %get3A_214 : vector<1x1x16xf32> to vector<16xf32>
        %get3A_216 = arith.constant 2 : i32
        %get3A_217 = arith.index_cast %get3A_216 : i32 to index
        %get3A_218 = arith.index_cast %mul3A_208 : i32 to index
        %get3A_219 = tpu.vector_load %arg6[%get3A_217, %get3A_218] {strides = array<i32>} : memref<8x1024xf32, #tpu.memory_space<vmem>>, vector<1x16xf32>,
        %get3A_220 = vector.shape_cast %get3A_219 : vector<1x16xf32> to vector<16xf32>
        %add3A_221 = arith.addf %get3A_215, %get3A_220 : vector<16xf32>
        %swap3A_222 = arith.constant 2 : i32
        %swap3A_223 = arith.constant 0 : i32
        %swap3A_224 = arith.index_cast %swap3A_222 : i32 to index
        %swap3A_225 = arith.index_cast %swap3A_223 : i32 to index
        %swap3A_226 = arith.index_cast %mul3A_208 : i32 to index
        %swap3A_227 = tpu.vector_load %arg5[%swap3A_224, %swap3A_225, %swap3A_226] {strides = array<i32>} : memref<8x2x1024xf32, #tpu.memory_space<vmem>>, vector<1x1x16xf32>,
        %swap3A_228 = vector.shape_cast %swap3A_227 : vector<1x1x16xf32> to vector<16xf32>
        %swap3A_229 = vector.shape_cast %add3A_221 : vector<16xf32> to vector<1x1x16xf32>
        tpu.vector_store %arg5[%swap3A_224, %swap3A_225, %swap3A_226], %swap3A_229 {strides = array<i32>} : memref<8x2x1024xf32, #tpu.memory_space<vmem>>, vector<1x1x16xf32>,
        %scan3A_230 = arith.constant 5 : i32
        %scan3A_231 = arith.addi %scan3A_108, %scan3A_230 : i32
        %mul3A_232 = arith.constant 16 : i32
        %mul3A_233 = arith.muli %scan3A_231, %mul3A_232 : i32
        %get3A_234 = arith.constant 2 : i32
        %get3A_235 = arith.constant 0 : i32
        %get3A_236 = arith.index_cast %get3A_234 : i32 to index
        %get3A_237 = arith.index_cast %get3A_235 : i32 to index
        %get3A_238 = arith.index_cast %mul3A_233 : i32 to index
        %get3A_239 = tpu.vector_load %arg5[%get3A_236, %get3A_237, %get3A_238] {strides = array<i32>} : memref<8x2x1024xf32, #tpu.memory_space<vmem>>, vector<1x1x16xf32>,
        %get3A_240 = vector.shape_cast %get3A_239 : vector<1x1x16xf32> to vector<16xf32>
        %get3A_241 = arith.constant 2 : i32
        %get3A_242 = arith.index_cast %get3A_241 : i32 to index
        %get3A_243 = arith.index_cast %mul3A_233 : i32 to index
        %get3A_244 = tpu.vector_load %arg6[%get3A_242, %get3A_243] {strides = array<i32>} : memref<8x1024xf32, #tpu.memory_space<vmem>>, vector<1x16xf32>,
        %get3A_245 = vector.shape_cast %get3A_244 : vector<1x16xf32> to vector<16xf32>
        %add3A_246 = arith.addf %get3A_240, %get3A_245 : vector<16xf32>
        %swap3A_247 = arith.constant 2 : i32
        %swap3A_248 = arith.constant 0 : i32
        %swap3A_249 = arith.index_cast %swap3A_247 : i32 to index
        %swap3A_250 = arith.index_cast %swap3A_248 : i32 to index
        %swap3A_251 = arith.index_cast %mul3A_233 : i32 to index
        %swap3A_252 = tpu.vector_load %arg5[%swap3A_249, %swap3A_250, %swap3A_251] {strides = array<i32>} : memref<8x2x1024xf32, #tpu.memory_space<vmem>>, vector<1x1x16xf32>,
        %swap3A_253 = vector.shape_cast %swap3A_252 : vector<1x1x16xf32> to vector<16xf32>
        %swap3A_254 = vector.shape_cast %add3A_246 : vector<16xf32> to vector<1x1x16xf32>
        tpu.vector_store %arg5[%swap3A_249, %swap3A_250, %swap3A_251], %swap3A_254 {strides = array<i32>} : memref<8x2x1024xf32, #tpu.memory_space<vmem>>, vector<1x1x16xf32>,
        %scan3A_255 = arith.constant 6 : i32
        %scan3A_256 = arith.addi %scan3A_108, %scan3A_255 : i32
        %mul3A_257 = arith.constant 16 : i32
        %mul3A_258 = arith.muli %scan3A_256, %mul3A_257 : i32
        %get3A_259 = arith.constant 2 : i32
        %get3A_260 = arith.constant 0 : i32
        %get3A_261 = arith.index_cast %get3A_259 : i32 to index
        %get3A_262 = arith.index_cast %get3A_260 : i32 to index
        %get3A_263 = arith.index_cast %mul3A_258 : i32 to index
        %get3A_264 = tpu.vector_load %arg5[%get3A_261, %get3A_262, %get3A_263] {strides = array<i32>} : memref<8x2x1024xf32, #tpu.memory_space<vmem>>, vector<1x1x16xf32>,
        %get3A_265 = vector.shape_cast %get3A_264 : vector<1x1x16xf32> to vector<16xf32>
        %get3A_266 = arith.constant 2 : i32
        %get3A_267 = arith.index_cast %get3A_266 : i32 to index
        %get3A_268 = arith.index_cast %mul3A_258 : i32 to index
        %get3A_269 = tpu.vector_load %arg6[%get3A_267, %get3A_268] {strides = array<i32>} : memref<8x1024xf32, #tpu.memory_space<vmem>>, vector<1x16xf32>,
        %get3A_270 = vector.shape_cast %get3A_269 : vector<1x16xf32> to vector<16xf32>
        %add3A_271 = arith.addf %get3A_265, %get3A_270 : vector<16xf32>
        %swap3A_272 = arith.constant 2 : i32
        %swap3A_273 = arith.constant 0 : i32
        %swap3A_274 = arith.index_cast %swap3A_272 : i32 to index
        %swap3A_275 = arith.index_cast %swap3A_273 : i32 to index
        %swap3A_276 = arith.index_cast %mul3A_258 : i32 to index
        %swap3A_277 = tpu.vector_load %arg5[%swap3A_274, %swap3A_275, %swap3A_276] {strides = array<i32>} : memref<8x2x1024xf32, #tpu.memory_space<vmem>>, vector<1x1x16xf32>,
        %swap3A_278 = vector.shape_cast %swap3A_277 : vector<1x1x16xf32> to vector<16xf32>
        %swap3A_279 = vector.shape_cast %add3A_271 : vector<16xf32> to vector<1x1x16xf32>
        tpu.vector_store %arg5[%swap3A_274, %swap3A_275, %swap3A_276], %swap3A_279 {strides = array<i32>} : memref<8x2x1024xf32, #tpu.memory_space<vmem>>, vector<1x1x16xf32>,
        %scan3A_280 = arith.constant 7 : i32
        %scan3A_281 = arith.addi %scan3A_108, %scan3A_280 : i32
        %mul3A_282 = arith.constant 16 : i32
        %mul3A_283 = arith.muli %scan3A_281, %mul3A_282 : i32
        %get3A_284 = arith.constant 2 : i32
        %get3A_285 = arith.constant 0 : i32
        %get3A_286 = arith.index_cast %get3A_284 : i32 to index
        %get3A_287 = arith.index_cast %get3A_285 : i32 to index
        %get3A_288 = arith.index_cast %mul3A_283 : i32 to index
        %get3A_289 = tpu.vector_load %arg5[%get3A_286, %get3A_287, %get3A_288] {strides = array<i32>} : memref<8x2x1024xf32, #tpu.memory_space<vmem>>, vector<1x1x16xf32>,
        %get3A_290 = vector.shape_cast %get3A_289 : vector<1x1x16xf32> to vector<16xf32>
        %get3A_291 = arith.constant 2 : i32
        %get3A_292 = arith.index_cast %get3A_291 : i32 to index
        %get3A_293 = arith.index_cast %mul3A_283 : i32 to index
        %get3A_294 = tpu.vector_load %arg6[%get3A_292, %get3A_293] {strides = array<i32>} : memref<8x1024xf32, #tpu.memory_space<vmem>>, vector<1x16xf32>,
        %get3A_295 = vector.shape_cast %get3A_294 : vector<1x16xf32> to vector<16xf32>
        %add3A_296 = arith.addf %get3A_290, %get3A_295 : vector<16xf32>
        %swap3A_297 = arith.constant 2 : i32
        %swap3A_298 = arith.constant 0 : i32
        %swap3A_299 = arith.index_cast %swap3A_297 : i32 to index
        %swap3A_300 = arith.index_cast %swap3A_298 : i32 to index
        %swap3A_301 = arith.index_cast %mul3A_283 : i32 to index
        %swap3A_302 = tpu.vector_load %arg5[%swap3A_299, %swap3A_300, %swap3A_301] {strides = array<i32>} : memref<8x2x1024xf32, #tpu.memory_space<vmem>>, vector<1x1x16xf32>,
        %swap3A_303 = vector.shape_cast %swap3A_302 : vector<1x1x16xf32> to vector<16xf32>
        %swap3A_304 = vector.shape_cast %add3A_296 : vector<16xf32> to vector<1x1x16xf32>
        tpu.vector_store %arg5[%swap3A_299, %swap3A_300, %swap3A_301], %swap3A_304 {strides = array<i32>} : memref<8x2x1024xf32, #tpu.memory_space<vmem>>, vector<1x1x16xf32>,
      }
      %scan3A_41 = arith.constant 64 : i32
      %scan3A_42 = arith.constant 0 : i32
      %scan3A_43 = arith.constant 0 : i32
      %scan3A_44 = arith.constant 64 : i32
      %scan3A_45 = arith.addi %scan3A_43, %scan3A_44 : i32
      %scan3A_46 = arith.constant 8 : i32
      scf.for %scan3A_108 = %scan3A_43 to %scan3A_45 step %scan3A_46  : i32 {
        %mul3A_109 = arith.constant 16 : i32
        %mul3A_110 = arith.muli %scan3A_108, %mul3A_109 : i32
        %get3A = arith.constant 2 : i32
        %get3A_111 = arith.constant 1 : i32
        %get3A_112 = arith.index_cast %get3A : i32 to index
        %get3A_113 = arith.index_cast %get3A_111 : i32 to index
        %get3A_114 = arith.index_cast %mul3A_110 : i32 to index
        %get3A_115 = tpu.vector_load %arg5[%get3A_112, %get3A_113, %get3A_114] {strides = array<i32>} : memref<8x2x1024xf32, #tpu.memory_space<vmem>>, vector<1x1x16xf32>,
        %get3A_116 = vector.shape_cast %get3A_115 : vector<1x1x16xf32> to vector<16xf32>
        %get3A_117 = arith.constant 2 : i32
        %get3A_118 = arith.index_cast %get3A_117 : i32 to index
        %get3A_119 = arith.index_cast %mul3A_110 : i32 to index
        %get3A_120 = tpu.vector_load %arg6[%get3A_118, %get3A_119] {strides = array<i32>} : memref<8x1024xf32, #tpu.memory_space<vmem>>, vector<1x16xf32>,
        %get3A_121 = vector.shape_cast %get3A_120 : vector<1x16xf32> to vector<16xf32>
        %add3A_122 = arith.addf %get3A_116, %get3A_121 : vector<16xf32>
        %swap3A = arith.constant 2 : i32
        %swap3A_123 = arith.constant 1 : i32
        %swap3A_124 = arith.index_cast %swap3A : i32 to index
        %swap3A_125 = arith.index_cast %swap3A_123 : i32 to index
        %swap3A_126 = arith.index_cast %mul3A_110 : i32 to index
        %swap3A_127 = tpu.vector_load %arg5[%swap3A_124, %swap3A_125, %swap3A_126] {strides = array<i32>} : memref<8x2x1024xf32, #tpu.memory_space<vmem>>, vector<1x1x16xf32>,
        %swap3A_128 = vector.shape_cast %swap3A_127 : vector<1x1x16xf32> to vector<16xf32>
        %swap3A_129 = vector.shape_cast %add3A_122 : vector<16xf32> to vector<1x1x16xf32>
        tpu.vector_store %arg5[%swap3A_124, %swap3A_125, %swap3A_126], %swap3A_129 {strides = array<i32>} : memref<8x2x1024xf32, #tpu.memory_space<vmem>>, vector<1x1x16xf32>,
        %scan3A_130 = arith.constant 1 : i32
        %scan3A_131 = arith.addi %scan3A_108, %scan3A_130 : i32
        %mul3A_132 = arith.constant 16 : i32
        %mul3A_133 = arith.muli %scan3A_131, %mul3A_132 : i32
        %get3A_134 = arith.constant 2 : i32
        %get3A_135 = arith.constant 1 : i32
        %get3A_136 = arith.index_cast %get3A_134 : i32 to index
        %get3A_137 = arith.index_cast %get3A_135 : i32 to index
        %get3A_138 = arith.index_cast %mul3A_133 : i32 to index
        %get3A_139 = tpu.vector_load %arg5[%get3A_136, %get3A_137, %get3A_138] {strides = array<i32>} : memref<8x2x1024xf32, #tpu.memory_space<vmem>>, vector<1x1x16xf32>,
        %get3A_140 = vector.shape_cast %get3A_139 : vector<1x1x16xf32> to vector<16xf32>
        %get3A_141 = arith.constant 2 : i32
        %get3A_142 = arith.index_cast %get3A_141 : i32 to index
        %get3A_143 = arith.index_cast %mul3A_133 : i32 to index
        %get3A_144 = tpu.vector_load %arg6[%get3A_142, %get3A_143] {strides = array<i32>} : memref<8x1024xf32, #tpu.memory_space<vmem>>, vector<1x16xf32>,
        %get3A_145 = vector.shape_cast %get3A_144 : vector<1x16xf32> to vector<16xf32>
        %add3A_146 = arith.addf %get3A_140, %get3A_145 : vector<16xf32>
        %swap3A_147 = arith.constant 2 : i32
        %swap3A_148 = arith.constant 1 : i32
        %swap3A_149 = arith.index_cast %swap3A_147 : i32 to index
        %swap3A_150 = arith.index_cast %swap3A_148 : i32 to index
        %swap3A_151 = arith.index_cast %mul3A_133 : i32 to index
        %swap3A_152 = tpu.vector_load %arg5[%swap3A_149, %swap3A_150, %swap3A_151] {strides = array<i32>} : memref<8x2x1024xf32, #tpu.memory_space<vmem>>, vector<1x1x16xf32>,
        %swap3A_153 = vector.shape_cast %swap3A_152 : vector<1x1x16xf32> to vector<16xf32>
        %swap3A_154 = vector.shape_cast %add3A_146 : vector<16xf32> to vector<1x1x16xf32>
        tpu.vector_store %arg5[%swap3A_149, %swap3A_150, %swap3A_151], %swap3A_154 {strides = array<i32>} : memref<8x2x1024xf32, #tpu.memory_space<vmem>>, vector<1x1x16xf32>,
        %scan3A_155 = arith.constant 2 : i32
        %scan3A_156 = arith.addi %scan3A_108, %scan3A_155 : i32
        %mul3A_157 = arith.constant 16 : i32
        %mul3A_158 = arith.muli %scan3A_156, %mul3A_157 : i32
        %get3A_159 = arith.constant 2 : i32
        %get3A_160 = arith.constant 1 : i32
        %get3A_161 = arith.index_cast %get3A_159 : i32 to index
        %get3A_162 = arith.index_cast %get3A_160 : i32 to index
        %get3A_163 = arith.index_cast %mul3A_158 : i32 to index
        %get3A_164 = tpu.vector_load %arg5[%get3A_161, %get3A_162, %get3A_163] {strides = array<i32>} : memref<8x2x1024xf32, #tpu.memory_space<vmem>>, vector<1x1x16xf32>,
        %get3A_165 = vector.shape_cast %get3A_164 : vector<1x1x16xf32> to vector<16xf32>
        %get3A_166 = arith.constant 2 : i32
        %get3A_167 = arith.index_cast %get3A_166 : i32 to index
        %get3A_168 = arith.index_cast %mul3A_158 : i32 to index
        %get3A_169 = tpu.vector_load %arg6[%get3A_167, %get3A_168] {strides = array<i32>} : memref<8x1024xf32, #tpu.memory_space<vmem>>, vector<1x16xf32>,
        %get3A_170 = vector.shape_cast %get3A_169 : vector<1x16xf32> to vector<16xf32>
        %add3A_171 = arith.addf %get3A_165, %get3A_170 : vector<16xf32>
        %swap3A_172 = arith.constant 2 : i32
        %swap3A_173 = arith.constant 1 : i32
        %swap3A_174 = arith.index_cast %swap3A_172 : i32 to index
        %swap3A_175 = arith.index_cast %swap3A_173 : i32 to index
        %swap3A_176 = arith.index_cast %mul3A_158 : i32 to index
        %swap3A_177 = tpu.vector_load %arg5[%swap3A_174, %swap3A_175, %swap3A_176] {strides = array<i32>} : memref<8x2x1024xf32, #tpu.memory_space<vmem>>, vector<1x1x16xf32>,
        %swap3A_178 = vector.shape_cast %swap3A_177 : vector<1x1x16xf32> to vector<16xf32>
        %swap3A_179 = vector.shape_cast %add3A_171 : vector<16xf32> to vector<1x1x16xf32>
        tpu.vector_store %arg5[%swap3A_174, %swap3A_175, %swap3A_176], %swap3A_179 {strides = array<i32>} : memref<8x2x1024xf32, #tpu.memory_space<vmem>>, vector<1x1x16xf32>,
        %scan3A_180 = arith.constant 3 : i32
        %scan3A_181 = arith.addi %scan3A_108, %scan3A_180 : i32
        %mul3A_182 = arith.constant 16 : i32
        %mul3A_183 = arith.muli %scan3A_181, %mul3A_182 : i32
        %get3A_184 = arith.constant 2 : i32
        %get3A_185 = arith.constant 1 : i32
        %get3A_186 = arith.index_cast %get3A_184 : i32 to index
        %get3A_187 = arith.index_cast %get3A_185 : i32 to index
        %get3A_188 = arith.index_cast %mul3A_183 : i32 to index
        %get3A_189 = tpu.vector_load %arg5[%get3A_186, %get3A_187, %get3A_188] {strides = array<i32>} : memref<8x2x1024xf32, #tpu.memory_space<vmem>>, vector<1x1x16xf32>,
        %get3A_190 = vector.shape_cast %get3A_189 : vector<1x1x16xf32> to vector<16xf32>
        %get3A_191 = arith.constant 2 : i32
        %get3A_192 = arith.index_cast %get3A_191 : i32 to index
        %get3A_193 = arith.index_cast %mul3A_183 : i32 to index
        %get3A_194 = tpu.vector_load %arg6[%get3A_192, %get3A_193] {strides = array<i32>} : memref<8x1024xf32, #tpu.memory_space<vmem>>, vector<1x16xf32>,
        %get3A_195 = vector.shape_cast %get3A_194 : vector<1x16xf32> to vector<16xf32>
        %add3A_196 = arith.addf %get3A_190, %get3A_195 : vector<16xf32>
        %swap3A_197 = arith.constant 2 : i32
        %swap3A_198 = arith.constant 1 : i32
        %swap3A_199 = arith.index_cast %swap3A_197 : i32 to index
        %swap3A_200 = arith.index_cast %swap3A_198 : i32 to index
        %swap3A_201 = arith.index_cast %mul3A_183 : i32 to index
        %swap3A_202 = tpu.vector_load %arg5[%swap3A_199, %swap3A_200, %swap3A_201] {strides = array<i32>} : memref<8x2x1024xf32, #tpu.memory_space<vmem>>, vector<1x1x16xf32>,
        %swap3A_203 = vector.shape_cast %swap3A_202 : vector<1x1x16xf32> to vector<16xf32>
        %swap3A_204 = vector.shape_cast %add3A_196 : vector<16xf32> to vector<1x1x16xf32>
        tpu.vector_store %arg5[%swap3A_199, %swap3A_200, %swap3A_201], %swap3A_204 {strides = array<i32>} : memref<8x2x1024xf32, #tpu.memory_space<vmem>>, vector<1x1x16xf32>,
        %scan3A_205 = arith.constant 4 : i32
        %scan3A_206 = arith.addi %scan3A_108, %scan3A_205 : i32
        %mul3A_207 = arith.constant 16 : i32
        %mul3A_208 = arith.muli %scan3A_206, %mul3A_207 : i32
        %get3A_209 = arith.constant 2 : i32
        %get3A_210 = arith.constant 1 : i32
        %get3A_211 = arith.index_cast %get3A_209 : i32 to index
        %get3A_212 = arith.index_cast %get3A_210 : i32 to index
        %get3A_213 = arith.index_cast %mul3A_208 : i32 to index
        %get3A_214 = tpu.vector_load %arg5[%get3A_211, %get3A_212, %get3A_213] {strides = array<i32>} : memref<8x2x1024xf32, #tpu.memory_space<vmem>>, vector<1x1x16xf32>,
        %get3A_215 = vector.shape_cast %get3A_214 : vector<1x1x16xf32> to vector<16xf32>
        %get3A_216 = arith.constant 2 : i32
        %get3A_217 = arith.index_cast %get3A_216 : i32 to index
        %get3A_218 = arith.index_cast %mul3A_208 : i32 to index
        %get3A_219 = tpu.vector_load %arg6[%get3A_217, %get3A_218] {strides = array<i32>} : memref<8x1024xf32, #tpu.memory_space<vmem>>, vector<1x16xf32>,
        %get3A_220 = vector.shape_cast %get3A_219 : vector<1x16xf32> to vector<16xf32>
        %add3A_221 = arith.addf %get3A_215, %get3A_220 : vector<16xf32>
        %swap3A_222 = arith.constant 2 : i32
        %swap3A_223 = arith.constant 1 : i32
        %swap3A_224 = arith.index_cast %swap3A_222 : i32 to index
        %swap3A_225 = arith.index_cast %swap3A_223 : i32 to index
        %swap3A_226 = arith.index_cast %mul3A_208 : i32 to index
        %swap3A_227 = tpu.vector_load %arg5[%swap3A_224, %swap3A_225, %swap3A_226] {strides = array<i32>} : memref<8x2x1024xf32, #tpu.memory_space<vmem>>, vector<1x1x16xf32>,
        %swap3A_228 = vector.shape_cast %swap3A_227 : vector<1x1x16xf32> to vector<16xf32>
        %swap3A_229 = vector.shape_cast %add3A_221 : vector<16xf32> to vector<1x1x16xf32>
        tpu.vector_store %arg5[%swap3A_224, %swap3A_225, %swap3A_226], %swap3A_229 {strides = array<i32>} : memref<8x2x1024xf32, #tpu.memory_space<vmem>>, vector<1x1x16xf32>,
        %scan3A_230 = arith.constant 5 : i32
        %scan3A_231 = arith.addi %scan3A_108, %scan3A_230 : i32
        %mul3A_232 = arith.constant 16 : i32
        %mul3A_233 = arith.muli %scan3A_231, %mul3A_232 : i32
        %get3A_234 = arith.constant 2 : i32
        %get3A_235 = arith.constant 1 : i32
        %get3A_236 = arith.index_cast %get3A_234 : i32 to index
        %get3A_237 = arith.index_cast %get3A_235 : i32 to index
        %get3A_238 = arith.index_cast %mul3A_233 : i32 to index
        %get3A_239 = tpu.vector_load %arg5[%get3A_236, %get3A_237, %get3A_238] {strides = array<i32>} : memref<8x2x1024xf32, #tpu.memory_space<vmem>>, vector<1x1x16xf32>,
        %get3A_240 = vector.shape_cast %get3A_239 : vector<1x1x16xf32> to vector<16xf32>
        %get3A_241 = arith.constant 2 : i32
        %get3A_242 = arith.index_cast %get3A_241 : i32 to index
        %get3A_243 = arith.index_cast %mul3A_233 : i32 to index
        %get3A_244 = tpu.vector_load %arg6[%get3A_242, %get3A_243] {strides = array<i32>} : memref<8x1024xf32, #tpu.memory_space<vmem>>, vector<1x16xf32>,
        %get3A_245 = vector.shape_cast %get3A_244 : vector<1x16xf32> to vector<16xf32>
        %add3A_246 = arith.addf %get3A_240, %get3A_245 : vector<16xf32>
        %swap3A_247 = arith.constant 2 : i32
        %swap3A_248 = arith.constant 1 : i32
        %swap3A_249 = arith.index_cast %swap3A_247 : i32 to index
        %swap3A_250 = arith.index_cast %swap3A_248 : i32 to index
        %swap3A_251 = arith.index_cast %mul3A_233 : i32 to index
        %swap3A_252 = tpu.vector_load %arg5[%swap3A_249, %swap3A_250, %swap3A_251] {strides = array<i32>} : memref<8x2x1024xf32, #tpu.memory_space<vmem>>, vector<1x1x16xf32>,
        %swap3A_253 = vector.shape_cast %swap3A_252 : vector<1x1x16xf32> to vector<16xf32>
        %swap3A_254 = vector.shape_cast %add3A_246 : vector<16xf32> to vector<1x1x16xf32>
        tpu.vector_store %arg5[%swap3A_249, %swap3A_250, %swap3A_251], %swap3A_254 {strides = array<i32>} : memref<8x2x1024xf32, #tpu.memory_space<vmem>>, vector<1x1x16xf32>,
        %scan3A_255 = arith.constant 6 : i32
        %scan3A_256 = arith.addi %scan3A_108, %scan3A_255 : i32
        %mul3A_257 = arith.constant 16 : i32
        %mul3A_258 = arith.muli %scan3A_256, %mul3A_257 : i32
        %get3A_259 = arith.constant 2 : i32
        %get3A_260 = arith.constant 1 : i32
        %get3A_261 = arith.index_cast %get3A_259 : i32 to index
        %get3A_262 = arith.index_cast %get3A_260 : i32 to index
        %get3A_263 = arith.index_cast %mul3A_258 : i32 to index
        %get3A_264 = tpu.vector_load %arg5[%get3A_261, %get3A_262, %get3A_263] {strides = array<i32>} : memref<8x2x1024xf32, #tpu.memory_space<vmem>>, vector<1x1x16xf32>,
        %get3A_265 = vector.shape_cast %get3A_264 : vector<1x1x16xf32> to vector<16xf32>
        %get3A_266 = arith.constant 2 : i32
        %get3A_267 = arith.index_cast %get3A_266 : i32 to index
        %get3A_268 = arith.index_cast %mul3A_258 : i32 to index
        %get3A_269 = tpu.vector_load %arg6[%get3A_267, %get3A_268] {strides = array<i32>} : memref<8x1024xf32, #tpu.memory_space<vmem>>, vector<1x16xf32>,
        %get3A_270 = vector.shape_cast %get3A_269 : vector<1x16xf32> to vector<16xf32>
        %add3A_271 = arith.addf %get3A_265, %get3A_270 : vector<16xf32>
        %swap3A_272 = arith.constant 2 : i32
        %swap3A_273 = arith.constant 1 : i32
        %swap3A_274 = arith.index_cast %swap3A_272 : i32 to index
        %swap3A_275 = arith.index_cast %swap3A_273 : i32 to index
        %swap3A_276 = arith.index_cast %mul3A_258 : i32 to index
        %swap3A_277 = tpu.vector_load %arg5[%swap3A_274, %swap3A_275, %swap3A_276] {strides = array<i32>} : memref<8x2x1024xf32, #tpu.memory_space<vmem>>, vector<1x1x16xf32>,
        %swap3A_278 = vector.shape_cast %swap3A_277 : vector<1x1x16xf32> to vector<16xf32>
        %swap3A_279 = vector.shape_cast %add3A_271 : vector<16xf32> to vector<1x1x16xf32>
        tpu.vector_store %arg5[%swap3A_274, %swap3A_275, %swap3A_276], %swap3A_279 {strides = array<i32>} : memref<8x2x1024xf32, #tpu.memory_space<vmem>>, vector<1x1x16xf32>,
        %scan3A_280 = arith.constant 7 : i32
        %scan3A_281 = arith.addi %scan3A_108, %scan3A_280 : i32
        %mul3A_282 = arith.constant 16 : i32
        %mul3A_283 = arith.muli %scan3A_281, %mul3A_282 : i32
        %get3A_284 = arith.constant 2 : i32
        %get3A_285 = arith.constant 1 : i32
        %get3A_286 = arith.index_cast %get3A_284 : i32 to index
        %get3A_287 = arith.index_cast %get3A_285 : i32 to index
        %get3A_288 = arith.index_cast %mul3A_283 : i32 to index
        %get3A_289 = tpu.vector_load %arg5[%get3A_286, %get3A_287, %get3A_288] {strides = array<i32>} : memref<8x2x1024xf32, #tpu.memory_space<vmem>>, vector<1x1x16xf32>,
        %get3A_290 = vector.shape_cast %get3A_289 : vector<1x1x16xf32> to vector<16xf32>
        %get3A_291 = arith.constant 2 : i32
        %get3A_292 = arith.index_cast %get3A_291 : i32 to index
        %get3A_293 = arith.index_cast %mul3A_283 : i32 to index
        %get3A_294 = tpu.vector_load %arg6[%get3A_292, %get3A_293] {strides = array<i32>} : memref<8x1024xf32, #tpu.memory_space<vmem>>, vector<1x16xf32>,
        %get3A_295 = vector.shape_cast %get3A_294 : vector<1x16xf32> to vector<16xf32>
        %add3A_296 = arith.addf %get3A_290, %get3A_295 : vector<16xf32>
        %swap3A_297 = arith.constant 2 : i32
        %swap3A_298 = arith.constant 1 : i32
        %swap3A_299 = arith.index_cast %swap3A_297 : i32 to index
        %swap3A_300 = arith.index_cast %swap3A_298 : i32 to index
        %swap3A_301 = arith.index_cast %mul3A_283 : i32 to index
        %swap3A_302 = tpu.vector_load %arg5[%swap3A_299, %swap3A_300, %swap3A_301] {strides = array<i32>} : memref<8x2x1024xf32, #tpu.memory_space<vmem>>, vector<1x1x16xf32>,
        %swap3A_303 = vector.shape_cast %swap3A_302 : vector<1x1x16xf32> to vector<16xf32>
        %swap3A_304 = vector.shape_cast %add3A_296 : vector<16xf32> to vector<1x1x16xf32>
        tpu.vector_store %arg5[%swap3A_299, %swap3A_300, %swap3A_301], %swap3A_304 {strides = array<i32>} : memref<8x2x1024xf32, #tpu.memory_space<vmem>>, vector<1x1x16xf32>,
      }
      %scan3A_47 = arith.constant 64 : i32
      %scan3A_48 = arith.constant 0 : i32
      %scan3A_49 = arith.constant 0 : i32
      %scan3A_50 = arith.constant 64 : i32
      %scan3A_51 = arith.addi %scan3A_49, %scan3A_50 : i32
      %scan3A_52 = arith.constant 8 : i32
      scf.for %scan3A_108 = %scan3A_49 to %scan3A_51 step %scan3A_52  : i32 {
        %mul3A_109 = arith.constant 16 : i32
        %mul3A_110 = arith.muli %scan3A_108, %mul3A_109 : i32
        %get3A = arith.constant 3 : i32
        %get3A_111 = arith.constant 0 : i32
        %get3A_112 = arith.index_cast %get3A : i32 to index
        %get3A_113 = arith.index_cast %get3A_111 : i32 to index
        %get3A_114 = arith.index_cast %mul3A_110 : i32 to index
        %get3A_115 = tpu.vector_load %arg5[%get3A_112, %get3A_113, %get3A_114] {strides = array<i32>} : memref<8x2x1024xf32, #tpu.memory_space<vmem>>, vector<1x1x16xf32>,
        %get3A_116 = vector.shape_cast %get3A_115 : vector<1x1x16xf32> to vector<16xf32>
        %get3A_117 = arith.constant 3 : i32
        %get3A_118 = arith.index_cast %get3A_117 : i32 to index
        %get3A_119 = arith.index_cast %mul3A_110 : i32 to index
        %get3A_120 = tpu.vector_load %arg6[%get3A_118, %get3A_119] {strides = array<i32>} : memref<8x1024xf32, #tpu.memory_space<vmem>>, vector<1x16xf32>,
        %get3A_121 = vector.shape_cast %get3A_120 : vector<1x16xf32> to vector<16xf32>
        %add3A_122 = arith.addf %get3A_116, %get3A_121 : vector<16xf32>
        %swap3A = arith.constant 3 : i32
        %swap3A_123 = arith.constant 0 : i32
        %swap3A_124 = arith.index_cast %swap3A : i32 to index
        %swap3A_125 = arith.index_cast %swap3A_123 : i32 to index
        %swap3A_126 = arith.index_cast %mul3A_110 : i32 to index
        %swap3A_127 = tpu.vector_load %arg5[%swap3A_124, %swap3A_125, %swap3A_126] {strides = array<i32>} : memref<8x2x1024xf32, #tpu.memory_space<vmem>>, vector<1x1x16xf32>,
        %swap3A_128 = vector.shape_cast %swap3A_127 : vector<1x1x16xf32> to vector<16xf32>
        %swap3A_129 = vector.shape_cast %add3A_122 : vector<16xf32> to vector<1x1x16xf32>
        tpu.vector_store %arg5[%swap3A_124, %swap3A_125, %swap3A_126], %swap3A_129 {strides = array<i32>} : memref<8x2x1024xf32, #tpu.memory_space<vmem>>, vector<1x1x16xf32>,
        %scan3A_130 = arith.constant 1 : i32
        %scan3A_131 = arith.addi %scan3A_108, %scan3A_130 : i32
        %mul3A_132 = arith.constant 16 : i32
        %mul3A_133 = arith.muli %scan3A_131, %mul3A_132 : i32
        %get3A_134 = arith.constant 3 : i32
        %get3A_135 = arith.constant 0 : i32
        %get3A_136 = arith.index_cast %get3A_134 : i32 to index
        %get3A_137 = arith.index_cast %get3A_135 : i32 to index
        %get3A_138 = arith.index_cast %mul3A_133 : i32 to index
        %get3A_139 = tpu.vector_load %arg5[%get3A_136, %get3A_137, %get3A_138] {strides = array<i32>} : memref<8x2x1024xf32, #tpu.memory_space<vmem>>, vector<1x1x16xf32>,
        %get3A_140 = vector.shape_cast %get3A_139 : vector<1x1x16xf32> to vector<16xf32>
        %get3A_141 = arith.constant 3 : i32
        %get3A_142 = arith.index_cast %get3A_141 : i32 to index
        %get3A_143 = arith.index_cast %mul3A_133 : i32 to index
        %get3A_144 = tpu.vector_load %arg6[%get3A_142, %get3A_143] {strides = array<i32>} : memref<8x1024xf32, #tpu.memory_space<vmem>>, vector<1x16xf32>,
        %get3A_145 = vector.shape_cast %get3A_144 : vector<1x16xf32> to vector<16xf32>
        %add3A_146 = arith.addf %get3A_140, %get3A_145 : vector<16xf32>
        %swap3A_147 = arith.constant 3 : i32
        %swap3A_148 = arith.constant 0 : i32
        %swap3A_149 = arith.index_cast %swap3A_147 : i32 to index
        %swap3A_150 = arith.index_cast %swap3A_148 : i32 to index
        %swap3A_151 = arith.index_cast %mul3A_133 : i32 to index
        %swap3A_152 = tpu.vector_load %arg5[%swap3A_149, %swap3A_150, %swap3A_151] {strides = array<i32>} : memref<8x2x1024xf32, #tpu.memory_space<vmem>>, vector<1x1x16xf32>,
        %swap3A_153 = vector.shape_cast %swap3A_152 : vector<1x1x16xf32> to vector<16xf32>
        %swap3A_154 = vector.shape_cast %add3A_146 : vector<16xf32> to vector<1x1x16xf32>
        tpu.vector_store %arg5[%swap3A_149, %swap3A_150, %swap3A_151], %swap3A_154 {strides = array<i32>} : memref<8x2x1024xf32, #tpu.memory_space<vmem>>, vector<1x1x16xf32>,
        %scan3A_155 = arith.constant 2 : i32
        %scan3A_156 = arith.addi %scan3A_108, %scan3A_155 : i32
        %mul3A_157 = arith.constant 16 : i32
        %mul3A_158 = arith.muli %scan3A_156, %mul3A_157 : i32
        %get3A_159 = arith.constant 3 : i32
        %get3A_160 = arith.constant 0 : i32
        %get3A_161 = arith.index_cast %get3A_159 : i32 to index
        %get3A_162 = arith.index_cast %get3A_160 : i32 to index
        %get3A_163 = arith.index_cast %mul3A_158 : i32 to index
        %get3A_164 = tpu.vector_load %arg5[%get3A_161, %get3A_162, %get3A_163] {strides = array<i32>} : memref<8x2x1024xf32, #tpu.memory_space<vmem>>, vector<1x1x16xf32>,
        %get3A_165 = vector.shape_cast %get3A_164 : vector<1x1x16xf32> to vector<16xf32>
        %get3A_166 = arith.constant 3 : i32
        %get3A_167 = arith.index_cast %get3A_166 : i32 to index
        %get3A_168 = arith.index_cast %mul3A_158 : i32 to index
        %get3A_169 = tpu.vector_load %arg6[%get3A_167, %get3A_168] {strides = array<i32>} : memref<8x1024xf32, #tpu.memory_space<vmem>>, vector<1x16xf32>,
        %get3A_170 = vector.shape_cast %get3A_169 : vector<1x16xf32> to vector<16xf32>
        %add3A_171 = arith.addf %get3A_165, %get3A_170 : vector<16xf32>
        %swap3A_172 = arith.constant 3 : i32
        %swap3A_173 = arith.constant 0 : i32
        %swap3A_174 = arith.index_cast %swap3A_172 : i32 to index
        %swap3A_175 = arith.index_cast %swap3A_173 : i32 to index
        %swap3A_176 = arith.index_cast %mul3A_158 : i32 to index
        %swap3A_177 = tpu.vector_load %arg5[%swap3A_174, %swap3A_175, %swap3A_176] {strides = array<i32>} : memref<8x2x1024xf32, #tpu.memory_space<vmem>>, vector<1x1x16xf32>,
        %swap3A_178 = vector.shape_cast %swap3A_177 : vector<1x1x16xf32> to vector<16xf32>
        %swap3A_179 = vector.shape_cast %add3A_171 : vector<16xf32> to vector<1x1x16xf32>
        tpu.vector_store %arg5[%swap3A_174, %swap3A_175, %swap3A_176], %swap3A_179 {strides = array<i32>} : memref<8x2x1024xf32, #tpu.memory_space<vmem>>, vector<1x1x16xf32>,
        %scan3A_180 = arith.constant 3 : i32
        %scan3A_181 = arith.addi %scan3A_108, %scan3A_180 : i32
        %mul3A_182 = arith.constant 16 : i32
        %mul3A_183 = arith.muli %scan3A_181, %mul3A_182 : i32
        %get3A_184 = arith.constant 3 : i32
        %get3A_185 = arith.constant 0 : i32
        %get3A_186 = arith.index_cast %get3A_184 : i32 to index
        %get3A_187 = arith.index_cast %get3A_185 : i32 to index
        %get3A_188 = arith.index_cast %mul3A_183 : i32 to index
        %get3A_189 = tpu.vector_load %arg5[%get3A_186, %get3A_187, %get3A_188] {strides = array<i32>} : memref<8x2x1024xf32, #tpu.memory_space<vmem>>, vector<1x1x16xf32>,
        %get3A_190 = vector.shape_cast %get3A_189 : vector<1x1x16xf32> to vector<16xf32>
        %get3A_191 = arith.constant 3 : i32
        %get3A_192 = arith.index_cast %get3A_191 : i32 to index
        %get3A_193 = arith.index_cast %mul3A_183 : i32 to index
        %get3A_194 = tpu.vector_load %arg6[%get3A_192, %get3A_193] {strides = array<i32>} : memref<8x1024xf32, #tpu.memory_space<vmem>>, vector<1x16xf32>,
        %get3A_195 = vector.shape_cast %get3A_194 : vector<1x16xf32> to vector<16xf32>
        %add3A_196 = arith.addf %get3A_190, %get3A_195 : vector<16xf32>
        %swap3A_197 = arith.constant 3 : i32
        %swap3A_198 = arith.constant 0 : i32
        %swap3A_199 = arith.index_cast %swap3A_197 : i32 to index
        %swap3A_200 = arith.index_cast %swap3A_198 : i32 to index
        %swap3A_201 = arith.index_cast %mul3A_183 : i32 to index
        %swap3A_202 = tpu.vector_load %arg5[%swap3A_199, %swap3A_200, %swap3A_201] {strides = array<i32>} : memref<8x2x1024xf32, #tpu.memory_space<vmem>>, vector<1x1x16xf32>,
        %swap3A_203 = vector.shape_cast %swap3A_202 : vector<1x1x16xf32> to vector<16xf32>
        %swap3A_204 = vector.shape_cast %add3A_196 : vector<16xf32> to vector<1x1x16xf32>
        tpu.vector_store %arg5[%swap3A_199, %swap3A_200, %swap3A_201], %swap3A_204 {strides = array<i32>} : memref<8x2x1024xf32, #tpu.memory_space<vmem>>, vector<1x1x16xf32>,
        %scan3A_205 = arith.constant 4 : i32
        %scan3A_206 = arith.addi %scan3A_108, %scan3A_205 : i32
        %mul3A_207 = arith.constant 16 : i32
        %mul3A_208 = arith.muli %scan3A_206, %mul3A_207 : i32
        %get3A_209 = arith.constant 3 : i32
        %get3A_210 = arith.constant 0 : i32
        %get3A_211 = arith.index_cast %get3A_209 : i32 to index
        %get3A_212 = arith.index_cast %get3A_210 : i32 to index
        %get3A_213 = arith.index_cast %mul3A_208 : i32 to index
        %get3A_214 = tpu.vector_load %arg5[%get3A_211, %get3A_212, %get3A_213] {strides = array<i32>} : memref<8x2x1024xf32, #tpu.memory_space<vmem>>, vector<1x1x16xf32>,
        %get3A_215 = vector.shape_cast %get3A_214 : vector<1x1x16xf32> to vector<16xf32>
        %get3A_216 = arith.constant 3 : i32
        %get3A_217 = arith.index_cast %get3A_216 : i32 to index
        %get3A_218 = arith.index_cast %mul3A_208 : i32 to index
        %get3A_219 = tpu.vector_load %arg6[%get3A_217, %get3A_218] {strides = array<i32>} : memref<8x1024xf32, #tpu.memory_space<vmem>>, vector<1x16xf32>,
        %get3A_220 = vector.shape_cast %get3A_219 : vector<1x16xf32> to vector<16xf32>
        %add3A_221 = arith.addf %get3A_215, %get3A_220 : vector<16xf32>
        %swap3A_222 = arith.constant 3 : i32
        %swap3A_223 = arith.constant 0 : i32
        %swap3A_224 = arith.index_cast %swap3A_222 : i32 to index
        %swap3A_225 = arith.index_cast %swap3A_223 : i32 to index
        %swap3A_226 = arith.index_cast %mul3A_208 : i32 to index
        %swap3A_227 = tpu.vector_load %arg5[%swap3A_224, %swap3A_225, %swap3A_226] {strides = array<i32>} : memref<8x2x1024xf32, #tpu.memory_space<vmem>>, vector<1x1x16xf32>,
        %swap3A_228 = vector.shape_cast %swap3A_227 : vector<1x1x16xf32> to vector<16xf32>
        %swap3A_229 = vector.shape_cast %add3A_221 : vector<16xf32> to vector<1x1x16xf32>
        tpu.vector_store %arg5[%swap3A_224, %swap3A_225, %swap3A_226], %swap3A_229 {strides = array<i32>} : memref<8x2x1024xf32, #tpu.memory_space<vmem>>, vector<1x1x16xf32>,
        %scan3A_230 = arith.constant 5 : i32
        %scan3A_231 = arith.addi %scan3A_108, %scan3A_230 : i32
        %mul3A_232 = arith.constant 16 : i32
        %mul3A_233 = arith.muli %scan3A_231, %mul3A_232 : i32
        %get3A_234 = arith.constant 3 : i32
        %get3A_235 = arith.constant 0 : i32
        %get3A_236 = arith.index_cast %get3A_234 : i32 to index
        %get3A_237 = arith.index_cast %get3A_235 : i32 to index
        %get3A_238 = arith.index_cast %mul3A_233 : i32 to index
        %get3A_239 = tpu.vector_load %arg5[%get3A_236, %get3A_237, %get3A_238] {strides = array<i32>} : memref<8x2x1024xf32, #tpu.memory_space<vmem>>, vector<1x1x16xf32>,
        %get3A_240 = vector.shape_cast %get3A_239 : vector<1x1x16xf32> to vector<16xf32>
        %get3A_241 = arith.constant 3 : i32
        %get3A_242 = arith.index_cast %get3A_241 : i32 to index
        %get3A_243 = arith.index_cast %mul3A_233 : i32 to index
        %get3A_244 = tpu.vector_load %arg6[%get3A_242, %get3A_243] {strides = array<i32>} : memref<8x1024xf32, #tpu.memory_space<vmem>>, vector<1x16xf32>,
        %get3A_245 = vector.shape_cast %get3A_244 : vector<1x16xf32> to vector<16xf32>
        %add3A_246 = arith.addf %get3A_240, %get3A_245 : vector<16xf32>
        %swap3A_247 = arith.constant 3 : i32
        %swap3A_248 = arith.constant 0 : i32
        %swap3A_249 = arith.index_cast %swap3A_247 : i32 to index
        %swap3A_250 = arith.index_cast %swap3A_248 : i32 to index
        %swap3A_251 = arith.index_cast %mul3A_233 : i32 to index
        %swap3A_252 = tpu.vector_load %arg5[%swap3A_249, %swap3A_250, %swap3A_251] {strides = array<i32>} : memref<8x2x1024xf32, #tpu.memory_space<vmem>>, vector<1x1x16xf32>,
        %swap3A_253 = vector.shape_cast %swap3A_252 : vector<1x1x16xf32> to vector<16xf32>
        %swap3A_254 = vector.shape_cast %add3A_246 : vector<16xf32> to vector<1x1x16xf32>
        tpu.vector_store %arg5[%swap3A_249, %swap3A_250, %swap3A_251], %swap3A_254 {strides = array<i32>} : memref<8x2x1024xf32, #tpu.memory_space<vmem>>, vector<1x1x16xf32>,
        %scan3A_255 = arith.constant 6 : i32
        %scan3A_256 = arith.addi %scan3A_108, %scan3A_255 : i32
        %mul3A_257 = arith.constant 16 : i32
        %mul3A_258 = arith.muli %scan3A_256, %mul3A_257 : i32
        %get3A_259 = arith.constant 3 : i32
        %get3A_260 = arith.constant 0 : i32
        %get3A_261 = arith.index_cast %get3A_259 : i32 to index
        %get3A_262 = arith.index_cast %get3A_260 : i32 to index
        %get3A_263 = arith.index_cast %mul3A_258 : i32 to index
        %get3A_264 = tpu.vector_load %arg5[%get3A_261, %get3A_262, %get3A_263] {strides = array<i32>} : memref<8x2x1024xf32, #tpu.memory_space<vmem>>, vector<1x1x16xf32>,
        %get3A_265 = vector.shape_cast %get3A_264 : vector<1x1x16xf32> to vector<16xf32>
        %get3A_266 = arith.constant 3 : i32
        %get3A_267 = arith.index_cast %get3A_266 : i32 to index
        %get3A_268 = arith.index_cast %mul3A_258 : i32 to index
        %get3A_269 = tpu.vector_load %arg6[%get3A_267, %get3A_268] {strides = array<i32>} : memref<8x1024xf32, #tpu.memory_space<vmem>>, vector<1x16xf32>,
        %get3A_270 = vector.shape_cast %get3A_269 : vector<1x16xf32> to vector<16xf32>
        %add3A_271 = arith.addf %get3A_265, %get3A_270 : vector<16xf32>
        %swap3A_272 = arith.constant 3 : i32
        %swap3A_273 = arith.constant 0 : i32
        %swap3A_274 = arith.index_cast %swap3A_272 : i32 to index
        %swap3A_275 = arith.index_cast %swap3A_273 : i32 to index
        %swap3A_276 = arith.index_cast %mul3A_258 : i32 to index
        %swap3A_277 = tpu.vector_load %arg5[%swap3A_274, %swap3A_275, %swap3A_276] {strides = array<i32>} : memref<8x2x1024xf32, #tpu.memory_space<vmem>>, vector<1x1x16xf32>,
        %swap3A_278 = vector.shape_cast %swap3A_277 : vector<1x1x16xf32> to vector<16xf32>
        %swap3A_279 = vector.shape_cast %add3A_271 : vector<16xf32> to vector<1x1x16xf32>
        tpu.vector_store %arg5[%swap3A_274, %swap3A_275, %swap3A_276], %swap3A_279 {strides = array<i32>} : memref<8x2x1024xf32, #tpu.memory_space<vmem>>, vector<1x1x16xf32>,
        %scan3A_280 = arith.constant 7 : i32
        %scan3A_281 = arith.addi %scan3A_108, %scan3A_280 : i32
        %mul3A_282 = arith.constant 16 : i32
        %mul3A_283 = arith.muli %scan3A_281, %mul3A_282 : i32
        %get3A_284 = arith.constant 3 : i32
        %get3A_285 = arith.constant 0 : i32
        %get3A_286 = arith.index_cast %get3A_284 : i32 to index
        %get3A_287 = arith.index_cast %get3A_285 : i32 to index
        %get3A_288 = arith.index_cast %mul3A_283 : i32 to index
        %get3A_289 = tpu.vector_load %arg5[%get3A_286, %get3A_287, %get3A_288] {strides = array<i32>} : memref<8x2x1024xf32, #tpu.memory_space<vmem>>, vector<1x1x16xf32>,
        %get3A_290 = vector.shape_cast %get3A_289 : vector<1x1x16xf32> to vector<16xf32>
        %get3A_291 = arith.constant 3 : i32
        %get3A_292 = arith.index_cast %get3A_291 : i32 to index
        %get3A_293 = arith.index_cast %mul3A_283 : i32 to index
        %get3A_294 = tpu.vector_load %arg6[%get3A_292, %get3A_293] {strides = array<i32>} : memref<8x1024xf32, #tpu.memory_space<vmem>>, vector<1x16xf32>,
        %get3A_295 = vector.shape_cast %get3A_294 : vector<1x16xf32> to vector<16xf32>
        %add3A_296 = arith.addf %get3A_290, %get3A_295 : vector<16xf32>
        %swap3A_297 = arith.constant 3 : i32
        %swap3A_298 = arith.constant 0 : i32
        %swap3A_299 = arith.index_cast %swap3A_297 : i32 to index
        %swap3A_300 = arith.index_cast %swap3A_298 : i32 to index
        %swap3A_301 = arith.index_cast %mul3A_283 : i32 to index
        %swap3A_302 = tpu.vector_load %arg5[%swap3A_299, %swap3A_300, %swap3A_301] {strides = array<i32>} : memref<8x2x1024xf32, #tpu.memory_space<vmem>>, vector<1x1x16xf32>,
        %swap3A_303 = vector.shape_cast %swap3A_302 : vector<1x1x16xf32> to vector<16xf32>
        %swap3A_304 = vector.shape_cast %add3A_296 : vector<16xf32> to vector<1x1x16xf32>
        tpu.vector_store %arg5[%swap3A_299, %swap3A_300, %swap3A_301], %swap3A_304 {strides = array<i32>} : memref<8x2x1024xf32, #tpu.memory_space<vmem>>, vector<1x1x16xf32>,
      }
      %scan3A_53 = arith.constant 64 : i32
      %scan3A_54 = arith.constant 0 : i32
      %scan3A_55 = arith.constant 0 : i32
      %scan3A_56 = arith.constant 64 : i32
      %scan3A_57 = arith.addi %scan3A_55, %scan3A_56 : i32
      %scan3A_58 = arith.constant 8 : i32
      scf.for %scan3A_108 = %scan3A_55 to %scan3A_57 step %scan3A_58  : i32 {
        %mul3A_109 = arith.constant 16 : i32
        %mul3A_110 = arith.muli %scan3A_108, %mul3A_109 : i32
        %get3A = arith.constant 3 : i32
        %get3A_111 = arith.constant 1 : i32
        %get3A_112 = arith.index_cast %get3A : i32 to index
        %get3A_113 = arith.index_cast %get3A_111 : i32 to index
        %get3A_114 = arith.index_cast %mul3A_110 : i32 to index
        %get3A_115 = tpu.vector_load %arg5[%get3A_112, %get3A_113, %get3A_114] {strides = array<i32>} : memref<8x2x1024xf32, #tpu.memory_space<vmem>>, vector<1x1x16xf32>,
        %get3A_116 = vector.shape_cast %get3A_115 : vector<1x1x16xf32> to vector<16xf32>
        %get3A_117 = arith.constant 3 : i32
        %get3A_118 = arith.index_cast %get3A_117 : i32 to index
        %get3A_119 = arith.index_cast %mul3A_110 : i32 to index
        %get3A_120 = tpu.vector_load %arg6[%get3A_118, %get3A_119] {strides = array<i32>} : memref<8x1024xf32, #tpu.memory_space<vmem>>, vector<1x16xf32>,
        %get3A_121 = vector.shape_cast %get3A_120 : vector<1x16xf32> to vector<16xf32>
        %add3A_122 = arith.addf %get3A_116, %get3A_121 : vector<16xf32>
        %swap3A = arith.constant 3 : i32
        %swap3A_123 = arith.constant 1 : i32
        %swap3A_124 = arith.index_cast %swap3A : i32 to index
        %swap3A_125 = arith.index_cast %swap3A_123 : i32 to index
        %swap3A_126 = arith.index_cast %mul3A_110 : i32 to index
        %swap3A_127 = tpu.vector_load %arg5[%swap3A_124, %swap3A_125, %swap3A_126] {strides = array<i32>} : memref<8x2x1024xf32, #tpu.memory_space<vmem>>, vector<1x1x16xf32>,
        %swap3A_128 = vector.shape_cast %swap3A_127 : vector<1x1x16xf32> to vector<16xf32>
        %swap3A_129 = vector.shape_cast %add3A_122 : vector<16xf32> to vector<1x1x16xf32>
        tpu.vector_store %arg5[%swap3A_124, %swap3A_125, %swap3A_126], %swap3A_129 {strides = array<i32>} : memref<8x2x1024xf32, #tpu.memory_space<vmem>>, vector<1x1x16xf32>,
        %scan3A_130 = arith.constant 1 : i32
        %scan3A_131 = arith.addi %scan3A_108, %scan3A_130 : i32
        %mul3A_132 = arith.constant 16 : i32
        %mul3A_133 = arith.muli %scan3A_131, %mul3A_132 : i32
        %get3A_134 = arith.constant 3 : i32
        %get3A_135 = arith.constant 1 : i32
        %get3A_136 = arith.index_cast %get3A_134 : i32 to index
        %get3A_137 = arith.index_cast %get3A_135 : i32 to index
        %get3A_138 = arith.index_cast %mul3A_133 : i32 to index
        %get3A_139 = tpu.vector_load %arg5[%get3A_136, %get3A_137, %get3A_138] {strides = array<i32>} : memref<8x2x1024xf32, #tpu.memory_space<vmem>>, vector<1x1x16xf32>,
        %get3A_140 = vector.shape_cast %get3A_139 : vector<1x1x16xf32> to vector<16xf32>
        %get3A_141 = arith.constant 3 : i32
        %get3A_142 = arith.index_cast %get3A_141 : i32 to index
        %get3A_143 = arith.index_cast %mul3A_133 : i32 to index
        %get3A_144 = tpu.vector_load %arg6[%get3A_142, %get3A_143] {strides = array<i32>} : memref<8x1024xf32, #tpu.memory_space<vmem>>, vector<1x16xf32>,
        %get3A_145 = vector.shape_cast %get3A_144 : vector<1x16xf32> to vector<16xf32>
        %add3A_146 = arith.addf %get3A_140, %get3A_145 : vector<16xf32>
        %swap3A_147 = arith.constant 3 : i32
        %swap3A_148 = arith.constant 1 : i32
        %swap3A_149 = arith.index_cast %swap3A_147 : i32 to index
        %swap3A_150 = arith.index_cast %swap3A_148 : i32 to index
        %swap3A_151 = arith.index_cast %mul3A_133 : i32 to index
        %swap3A_152 = tpu.vector_load %arg5[%swap3A_149, %swap3A_150, %swap3A_151] {strides = array<i32>} : memref<8x2x1024xf32, #tpu.memory_space<vmem>>, vector<1x1x16xf32>,
        %swap3A_153 = vector.shape_cast %swap3A_152 : vector<1x1x16xf32> to vector<16xf32>
        %swap3A_154 = vector.shape_cast %add3A_146 : vector<16xf32> to vector<1x1x16xf32>
        tpu.vector_store %arg5[%swap3A_149, %swap3A_150, %swap3A_151], %swap3A_154 {strides = array<i32>} : memref<8x2x1024xf32, #tpu.memory_space<vmem>>, vector<1x1x16xf32>,
        %scan3A_155 = arith.constant 2 : i32
        %scan3A_156 = arith.addi %scan3A_108, %scan3A_155 : i32
        %mul3A_157 = arith.constant 16 : i32
        %mul3A_158 = arith.muli %scan3A_156, %mul3A_157 : i32
        %get3A_159 = arith.constant 3 : i32
        %get3A_160 = arith.constant 1 : i32
        %get3A_161 = arith.index_cast %get3A_159 : i32 to index
        %get3A_162 = arith.index_cast %get3A_160 : i32 to index
        %get3A_163 = arith.index_cast %mul3A_158 : i32 to index
        %get3A_164 = tpu.vector_load %arg5[%get3A_161, %get3A_162, %get3A_163] {strides = array<i32>} : memref<8x2x1024xf32, #tpu.memory_space<vmem>>, vector<1x1x16xf32>,
        %get3A_165 = vector.shape_cast %get3A_164 : vector<1x1x16xf32> to vector<16xf32>
        %get3A_166 = arith.constant 3 : i32
        %get3A_167 = arith.index_cast %get3A_166 : i32 to index
        %get3A_168 = arith.index_cast %mul3A_158 : i32 to index
        %get3A_169 = tpu.vector_load %arg6[%get3A_167, %get3A_168] {strides = array<i32>} : memref<8x1024xf32, #tpu.memory_space<vmem>>, vector<1x16xf32>,
        %get3A_170 = vector.shape_cast %get3A_169 : vector<1x16xf32> to vector<16xf32>
        %add3A_171 = arith.addf %get3A_165, %get3A_170 : vector<16xf32>
        %swap3A_172 = arith.constant 3 : i32
        %swap3A_173 = arith.constant 1 : i32
        %swap3A_174 = arith.index_cast %swap3A_172 : i32 to index
        %swap3A_175 = arith.index_cast %swap3A_173 : i32 to index
        %swap3A_176 = arith.index_cast %mul3A_158 : i32 to index
        %swap3A_177 = tpu.vector_load %arg5[%swap3A_174, %swap3A_175, %swap3A_176] {strides = array<i32>} : memref<8x2x1024xf32, #tpu.memory_space<vmem>>, vector<1x1x16xf32>,
        %swap3A_178 = vector.shape_cast %swap3A_177 : vector<1x1x16xf32> to vector<16xf32>
        %swap3A_179 = vector.shape_cast %add3A_171 : vector<16xf32> to vector<1x1x16xf32>
        tpu.vector_store %arg5[%swap3A_174, %swap3A_175, %swap3A_176], %swap3A_179 {strides = array<i32>} : memref<8x2x1024xf32, #tpu.memory_space<vmem>>, vector<1x1x16xf32>,
        %scan3A_180 = arith.constant 3 : i32
        %scan3A_181 = arith.addi %scan3A_108, %scan3A_180 : i32
        %mul3A_182 = arith.constant 16 : i32
        %mul3A_183 = arith.muli %scan3A_181, %mul3A_182 : i32
        %get3A_184 = arith.constant 3 : i32
        %get3A_185 = arith.constant 1 : i32
        %get3A_186 = arith.index_cast %get3A_184 : i32 to index
        %get3A_187 = arith.index_cast %get3A_185 : i32 to index
        %get3A_188 = arith.index_cast %mul3A_183 : i32 to index
        %get3A_189 = tpu.vector_load %arg5[%get3A_186, %get3A_187, %get3A_188] {strides = array<i32>} : memref<8x2x1024xf32, #tpu.memory_space<vmem>>, vector<1x1x16xf32>,
        %get3A_190 = vector.shape_cast %get3A_189 : vector<1x1x16xf32> to vector<16xf32>
        %get3A_191 = arith.constant 3 : i32
        %get3A_192 = arith.index_cast %get3A_191 : i32 to index
        %get3A_193 = arith.index_cast %mul3A_183 : i32 to index
        %get3A_194 = tpu.vector_load %arg6[%get3A_192, %get3A_193] {strides = array<i32>} : memref<8x1024xf32, #tpu.memory_space<vmem>>, vector<1x16xf32>,
        %get3A_195 = vector.shape_cast %get3A_194 : vector<1x16xf32> to vector<16xf32>
        %add3A_196 = arith.addf %get3A_190, %get3A_195 : vector<16xf32>
        %swap3A_197 = arith.constant 3 : i32
        %swap3A_198 = arith.constant 1 : i32
        %swap3A_199 = arith.index_cast %swap3A_197 : i32 to index
        %swap3A_200 = arith.index_cast %swap3A_198 : i32 to index
        %swap3A_201 = arith.index_cast %mul3A_183 : i32 to index
        %swap3A_202 = tpu.vector_load %arg5[%swap3A_199, %swap3A_200, %swap3A_201] {strides = array<i32>} : memref<8x2x1024xf32, #tpu.memory_space<vmem>>, vector<1x1x16xf32>,
        %swap3A_203 = vector.shape_cast %swap3A_202 : vector<1x1x16xf32> to vector<16xf32>
        %swap3A_204 = vector.shape_cast %add3A_196 : vector<16xf32> to vector<1x1x16xf32>
        tpu.vector_store %arg5[%swap3A_199, %swap3A_200, %swap3A_201], %swap3A_204 {strides = array<i32>} : memref<8x2x1024xf32, #tpu.memory_space<vmem>>, vector<1x1x16xf32>,
        %scan3A_205 = arith.constant 4 : i32
        %scan3A_206 = arith.addi %scan3A_108, %scan3A_205 : i32
        %mul3A_207 = arith.constant 16 : i32
        %mul3A_208 = arith.muli %scan3A_206, %mul3A_207 : i32
        %get3A_209 = arith.constant 3 : i32
        %get3A_210 = arith.constant 1 : i32
        %get3A_211 = arith.index_cast %get3A_209 : i32 to index
        %get3A_212 = arith.index_cast %get3A_210 : i32 to index
        %get3A_213 = arith.index_cast %mul3A_208 : i32 to index
        %get3A_214 = tpu.vector_load %arg5[%get3A_211, %get3A_212, %get3A_213] {strides = array<i32>} : memref<8x2x1024xf32, #tpu.memory_space<vmem>>, vector<1x1x16xf32>,
        %get3A_215 = vector.shape_cast %get3A_214 : vector<1x1x16xf32> to vector<16xf32>
        %get3A_216 = arith.constant 3 : i32
        %get3A_217 = arith.index_cast %get3A_216 : i32 to index
        %get3A_218 = arith.index_cast %mul3A_208 : i32 to index
        %get3A_219 = tpu.vector_load %arg6[%get3A_217, %get3A_218] {strides = array<i32>} : memref<8x1024xf32, #tpu.memory_space<vmem>>, vector<1x16xf32>,
        %get3A_220 = vector.shape_cast %get3A_219 : vector<1x16xf32> to vector<16xf32>
        %add3A_221 = arith.addf %get3A_215, %get3A_220 : vector<16xf32>
        %swap3A_222 = arith.constant 3 : i32
        %swap3A_223 = arith.constant 1 : i32
        %swap3A_224 = arith.index_cast %swap3A_222 : i32 to index
        %swap3A_225 = arith.index_cast %swap3A_223 : i32 to index
        %swap3A_226 = arith.index_cast %mul3A_208 : i32 to index
        %swap3A_227 = tpu.vector_load %arg5[%swap3A_224, %swap3A_225, %swap3A_226] {strides = array<i32>} : memref<8x2x1024xf32, #tpu.memory_space<vmem>>, vector<1x1x16xf32>,
        %swap3A_228 = vector.shape_cast %swap3A_227 : vector<1x1x16xf32> to vector<16xf32>
        %swap3A_229 = vector.shape_cast %add3A_221 : vector<16xf32> to vector<1x1x16xf32>
        tpu.vector_store %arg5[%swap3A_224, %swap3A_225, %swap3A_226], %swap3A_229 {strides = array<i32>} : memref<8x2x1024xf32, #tpu.memory_space<vmem>>, vector<1x1x16xf32>,
        %scan3A_230 = arith.constant 5 : i32
        %scan3A_231 = arith.addi %scan3A_108, %scan3A_230 : i32
        %mul3A_232 = arith.constant 16 : i32
        %mul3A_233 = arith.muli %scan3A_231, %mul3A_232 : i32
        %get3A_234 = arith.constant 3 : i32
        %get3A_235 = arith.constant 1 : i32
        %get3A_236 = arith.index_cast %get3A_234 : i32 to index
        %get3A_237 = arith.index_cast %get3A_235 : i32 to index
        %get3A_238 = arith.index_cast %mul3A_233 : i32 to index
        %get3A_239 = tpu.vector_load %arg5[%get3A_236, %get3A_237, %get3A_238] {strides = array<i32>} : memref<8x2x1024xf32, #tpu.memory_space<vmem>>, vector<1x1x16xf32>,
        %get3A_240 = vector.shape_cast %get3A_239 : vector<1x1x16xf32> to vector<16xf32>
        %get3A_241 = arith.constant 3 : i32
        %get3A_242 = arith.index_cast %get3A_241 : i32 to index
        %get3A_243 = arith.index_cast %mul3A_233 : i32 to index
        %get3A_244 = tpu.vector_load %arg6[%get3A_242, %get3A_243] {strides = array<i32>} : memref<8x1024xf32, #tpu.memory_space<vmem>>, vector<1x16xf32>,
        %get3A_245 = vector.shape_cast %get3A_244 : vector<1x16xf32> to vector<16xf32>
        %add3A_246 = arith.addf %get3A_240, %get3A_245 : vector<16xf32>
        %swap3A_247 = arith.constant 3 : i32
        %swap3A_248 = arith.constant 1 : i32
        %swap3A_249 = arith.index_cast %swap3A_247 : i32 to index
        %swap3A_250 = arith.index_cast %swap3A_248 : i32 to index
        %swap3A_251 = arith.index_cast %mul3A_233 : i32 to index
        %swap3A_252 = tpu.vector_load %arg5[%swap3A_249, %swap3A_250, %swap3A_251] {strides = array<i32>} : memref<8x2x1024xf32, #tpu.memory_space<vmem>>, vector<1x1x16xf32>,
        %swap3A_253 = vector.shape_cast %swap3A_252 : vector<1x1x16xf32> to vector<16xf32>
        %swap3A_254 = vector.shape_cast %add3A_246 : vector<16xf32> to vector<1x1x16xf32>
        tpu.vector_store %arg5[%swap3A_249, %swap3A_250, %swap3A_251], %swap3A_254 {strides = array<i32>} : memref<8x2x1024xf32, #tpu.memory_space<vmem>>, vector<1x1x16xf32>,
        %scan3A_255 = arith.constant 6 : i32
        %scan3A_256 = arith.addi %scan3A_108, %scan3A_255 : i32
        %mul3A_257 = arith.constant 16 : i32
        %mul3A_258 = arith.muli %scan3A_256, %mul3A_257 : i32
        %get3A_259 = arith.constant 3 : i32
        %get3A_260 = arith.constant 1 : i32
        %get3A_261 = arith.index_cast %get3A_259 : i32 to index
        %get3A_262 = arith.index_cast %get3A_260 : i32 to index
        %get3A_263 = arith.index_cast %mul3A_258 : i32 to index
        %get3A_264 = tpu.vector_load %arg5[%get3A_261, %get3A_262, %get3A_263] {strides = array<i32>} : memref<8x2x1024xf32, #tpu.memory_space<vmem>>, vector<1x1x16xf32>,
        %get3A_265 = vector.shape_cast %get3A_264 : vector<1x1x16xf32> to vector<16xf32>
        %get3A_266 = arith.constant 3 : i32
        %get3A_267 = arith.index_cast %get3A_266 : i32 to index
        %get3A_268 = arith.index_cast %mul3A_258 : i32 to index
        %get3A_269 = tpu.vector_load %arg6[%get3A_267, %get3A_268] {strides = array<i32>} : memref<8x1024xf32, #tpu.memory_space<vmem>>, vector<1x16xf32>,
        %get3A_270 = vector.shape_cast %get3A_269 : vector<1x16xf32> to vector<16xf32>
        %add3A_271 = arith.addf %get3A_265, %get3A_270 : vector<16xf32>
        %swap3A_272 = arith.constant 3 : i32
        %swap3A_273 = arith.constant 1 : i32
        %swap3A_274 = arith.index_cast %swap3A_272 : i32 to index
        %swap3A_275 = arith.index_cast %swap3A_273 : i32 to index
        %swap3A_276 = arith.index_cast %mul3A_258 : i32 to index
        %swap3A_277 = tpu.vector_load %arg5[%swap3A_274, %swap3A_275, %swap3A_276] {strides = array<i32>} : memref<8x2x1024xf32, #tpu.memory_space<vmem>>, vector<1x1x16xf32>,
        %swap3A_278 = vector.shape_cast %swap3A_277 : vector<1x1x16xf32> to vector<16xf32>
        %swap3A_279 = vector.shape_cast %add3A_271 : vector<16xf32> to vector<1x1x16xf32>
        tpu.vector_store %arg5[%swap3A_274, %swap3A_275, %swap3A_276], %swap3A_279 {strides = array<i32>} : memref<8x2x1024xf32, #tpu.memory_space<vmem>>, vector<1x1x16xf32>,
        %scan3A_280 = arith.constant 7 : i32
        %scan3A_281 = arith.addi %scan3A_108, %scan3A_280 : i32
        %mul3A_282 = arith.constant 16 : i32
        %mul3A_283 = arith.muli %scan3A_281, %mul3A_282 : i32
        %get3A_284 = arith.constant 3 : i32
        %get3A_285 = arith.constant 1 : i32
        %get3A_286 = arith.index_cast %get3A_284 : i32 to index
        %get3A_287 = arith.index_cast %get3A_285 : i32 to index
        %get3A_288 = arith.index_cast %mul3A_283 : i32 to index
        %get3A_289 = tpu.vector_load %arg5[%get3A_286, %get3A_287, %get3A_288] {strides = array<i32>} : memref<8x2x1024xf32, #tpu.memory_space<vmem>>, vector<1x1x16xf32>,
        %get3A_290 = vector.shape_cast %get3A_289 : vector<1x1x16xf32> to vector<16xf32>
        %get3A_291 = arith.constant 3 : i32
        %get3A_292 = arith.index_cast %get3A_291 : i32 to index
        %get3A_293 = arith.index_cast %mul3A_283 : i32 to index
        %get3A_294 = tpu.vector_load %arg6[%get3A_292, %get3A_293] {strides = array<i32>} : memref<8x1024xf32, #tpu.memory_space<vmem>>, vector<1x16xf32>,
        %get3A_295 = vector.shape_cast %get3A_294 : vector<1x16xf32> to vector<16xf32>
        %add3A_296 = arith.addf %get3A_290, %get3A_295 : vector<16xf32>
        %swap3A_297 = arith.constant 3 : i32
        %swap3A_298 = arith.constant 1 : i32
        %swap3A_299 = arith.index_cast %swap3A_297 : i32 to index
        %swap3A_300 = arith.index_cast %swap3A_298 : i32 to index
        %swap3A_301 = arith.index_cast %mul3A_283 : i32 to index
        %swap3A_302 = tpu.vector_load %arg5[%swap3A_299, %swap3A_300, %swap3A_301] {strides = array<i32>} : memref<8x2x1024xf32, #tpu.memory_space<vmem>>, vector<1x1x16xf32>,
        %swap3A_303 = vector.shape_cast %swap3A_302 : vector<1x1x16xf32> to vector<16xf32>
        %swap3A_304 = vector.shape_cast %add3A_296 : vector<16xf32> to vector<1x1x16xf32>
        tpu.vector_store %arg5[%swap3A_299, %swap3A_300, %swap3A_301], %swap3A_304 {strides = array<i32>} : memref<8x2x1024xf32, #tpu.memory_space<vmem>>, vector<1x1x16xf32>,
      }
      %scan3A_59 = arith.constant 64 : i32
      %scan3A_60 = arith.constant 0 : i32
      %scan3A_61 = arith.constant 0 : i32
      %scan3A_62 = arith.constant 64 : i32
      %scan3A_63 = arith.addi %scan3A_61, %scan3A_62 : i32
      %scan3A_64 = arith.constant 8 : i32
      scf.for %scan3A_108 = %scan3A_61 to %scan3A_63 step %scan3A_64  : i32 {
        %mul3A_109 = arith.constant 16 : i32
        %mul3A_110 = arith.muli %scan3A_108, %mul3A_109 : i32
        %get3A = arith.constant 4 : i32
        %get3A_111 = arith.constant 0 : i32
        %get3A_112 = arith.index_cast %get3A : i32 to index
        %get3A_113 = arith.index_cast %get3A_111 : i32 to index
        %get3A_114 = arith.index_cast %mul3A_110 : i32 to index
        %get3A_115 = tpu.vector_load %arg5[%get3A_112, %get3A_113, %get3A_114] {strides = array<i32>} : memref<8x2x1024xf32, #tpu.memory_space<vmem>>, vector<1x1x16xf32>,
        %get3A_116 = vector.shape_cast %get3A_115 : vector<1x1x16xf32> to vector<16xf32>
        %get3A_117 = arith.constant 4 : i32
        %get3A_118 = arith.index_cast %get3A_117 : i32 to index
        %get3A_119 = arith.index_cast %mul3A_110 : i32 to index
        %get3A_120 = tpu.vector_load %arg6[%get3A_118, %get3A_119] {strides = array<i32>} : memref<8x1024xf32, #tpu.memory_space<vmem>>, vector<1x16xf32>,
        %get3A_121 = vector.shape_cast %get3A_120 : vector<1x16xf32> to vector<16xf32>
        %add3A_122 = arith.addf %get3A_116, %get3A_121 : vector<16xf32>
        %swap3A = arith.constant 4 : i32
        %swap3A_123 = arith.constant 0 : i32
        %swap3A_124 = arith.index_cast %swap3A : i32 to index
        %swap3A_125 = arith.index_cast %swap3A_123 : i32 to index
        %swap3A_126 = arith.index_cast %mul3A_110 : i32 to index
        %swap3A_127 = tpu.vector_load %arg5[%swap3A_124, %swap3A_125, %swap3A_126] {strides = array<i32>} : memref<8x2x1024xf32, #tpu.memory_space<vmem>>, vector<1x1x16xf32>,
        %swap3A_128 = vector.shape_cast %swap3A_127 : vector<1x1x16xf32> to vector<16xf32>
        %swap3A_129 = vector.shape_cast %add3A_122 : vector<16xf32> to vector<1x1x16xf32>
        tpu.vector_store %arg5[%swap3A_124, %swap3A_125, %swap3A_126], %swap3A_129 {strides = array<i32>} : memref<8x2x1024xf32, #tpu.memory_space<vmem>>, vector<1x1x16xf32>,
        %scan3A_130 = arith.constant 1 : i32
        %scan3A_131 = arith.addi %scan3A_108, %scan3A_130 : i32
        %mul3A_132 = arith.constant 16 : i32
        %mul3A_133 = arith.muli %scan3A_131, %mul3A_132 : i32
        %get3A_134 = arith.constant 4 : i32
        %get3A_135 = arith.constant 0 : i32
        %get3A_136 = arith.index_cast %get3A_134 : i32 to index
        %get3A_137 = arith.index_cast %get3A_135 : i32 to index
        %get3A_138 = arith.index_cast %mul3A_133 : i32 to index
        %get3A_139 = tpu.vector_load %arg5[%get3A_136, %get3A_137, %get3A_138] {strides = array<i32>} : memref<8x2x1024xf32, #tpu.memory_space<vmem>>, vector<1x1x16xf32>,
        %get3A_140 = vector.shape_cast %get3A_139 : vector<1x1x16xf32> to vector<16xf32>
        %get3A_141 = arith.constant 4 : i32
        %get3A_142 = arith.index_cast %get3A_141 : i32 to index
        %get3A_143 = arith.index_cast %mul3A_133 : i32 to index
        %get3A_144 = tpu.vector_load %arg6[%get3A_142, %get3A_143] {strides = array<i32>} : memref<8x1024xf32, #tpu.memory_space<vmem>>, vector<1x16xf32>,
        %get3A_145 = vector.shape_cast %get3A_144 : vector<1x16xf32> to vector<16xf32>
        %add3A_146 = arith.addf %get3A_140, %get3A_145 : vector<16xf32>
        %swap3A_147 = arith.constant 4 : i32
        %swap3A_148 = arith.constant 0 : i32
        %swap3A_149 = arith.index_cast %swap3A_147 : i32 to index
        %swap3A_150 = arith.index_cast %swap3A_148 : i32 to index
        %swap3A_151 = arith.index_cast %mul3A_133 : i32 to index
        %swap3A_152 = tpu.vector_load %arg5[%swap3A_149, %swap3A_150, %swap3A_151] {strides = array<i32>} : memref<8x2x1024xf32, #tpu.memory_space<vmem>>, vector<1x1x16xf32>,
        %swap3A_153 = vector.shape_cast %swap3A_152 : vector<1x1x16xf32> to vector<16xf32>
        %swap3A_154 = vector.shape_cast %add3A_146 : vector<16xf32> to vector<1x1x16xf32>
        tpu.vector_store %arg5[%swap3A_149, %swap3A_150, %swap3A_151], %swap3A_154 {strides = array<i32>} : memref<8x2x1024xf32, #tpu.memory_space<vmem>>, vector<1x1x16xf32>,
        %scan3A_155 = arith.constant 2 : i32
        %scan3A_156 = arith.addi %scan3A_108, %scan3A_155 : i32
        %mul3A_157 = arith.constant 16 : i32
        %mul3A_158 = arith.muli %scan3A_156, %mul3A_157 : i32
        %get3A_159 = arith.constant 4 : i32
        %get3A_160 = arith.constant 0 : i32
        %get3A_161 = arith.index_cast %get3A_159 : i32 to index
        %get3A_162 = arith.index_cast %get3A_160 : i32 to index
        %get3A_163 = arith.index_cast %mul3A_158 : i32 to index
        %get3A_164 = tpu.vector_load %arg5[%get3A_161, %get3A_162, %get3A_163] {strides = array<i32>} : memref<8x2x1024xf32, #tpu.memory_space<vmem>>, vector<1x1x16xf32>,
        %get3A_165 = vector.shape_cast %get3A_164 : vector<1x1x16xf32> to vector<16xf32>
        %get3A_166 = arith.constant 4 : i32
        %get3A_167 = arith.index_cast %get3A_166 : i32 to index
        %get3A_168 = arith.index_cast %mul3A_158 : i32 to index
        %get3A_169 = tpu.vector_load %arg6[%get3A_167, %get3A_168] {strides = array<i32>} : memref<8x1024xf32, #tpu.memory_space<vmem>>, vector<1x16xf32>,
        %get3A_170 = vector.shape_cast %get3A_169 : vector<1x16xf32> to vector<16xf32>
        %add3A_171 = arith.addf %get3A_165, %get3A_170 : vector<16xf32>
        %swap3A_172 = arith.constant 4 : i32
        %swap3A_173 = arith.constant 0 : i32
        %swap3A_174 = arith.index_cast %swap3A_172 : i32 to index
        %swap3A_175 = arith.index_cast %swap3A_173 : i32 to index
        %swap3A_176 = arith.index_cast %mul3A_158 : i32 to index
        %swap3A_177 = tpu.vector_load %arg5[%swap3A_174, %swap3A_175, %swap3A_176] {strides = array<i32>} : memref<8x2x1024xf32, #tpu.memory_space<vmem>>, vector<1x1x16xf32>,
        %swap3A_178 = vector.shape_cast %swap3A_177 : vector<1x1x16xf32> to vector<16xf32>
        %swap3A_179 = vector.shape_cast %add3A_171 : vector<16xf32> to vector<1x1x16xf32>
        tpu.vector_store %arg5[%swap3A_174, %swap3A_175, %swap3A_176], %swap3A_179 {strides = array<i32>} : memref<8x2x1024xf32, #tpu.memory_space<vmem>>, vector<1x1x16xf32>,
        %scan3A_180 = arith.constant 3 : i32
        %scan3A_181 = arith.addi %scan3A_108, %scan3A_180 : i32
        %mul3A_182 = arith.constant 16 : i32
        %mul3A_183 = arith.muli %scan3A_181, %mul3A_182 : i32
        %get3A_184 = arith.constant 4 : i32
        %get3A_185 = arith.constant 0 : i32
        %get3A_186 = arith.index_cast %get3A_184 : i32 to index
        %get3A_187 = arith.index_cast %get3A_185 : i32 to index
        %get3A_188 = arith.index_cast %mul3A_183 : i32 to index
        %get3A_189 = tpu.vector_load %arg5[%get3A_186, %get3A_187, %get3A_188] {strides = array<i32>} : memref<8x2x1024xf32, #tpu.memory_space<vmem>>, vector<1x1x16xf32>,
        %get3A_190 = vector.shape_cast %get3A_189 : vector<1x1x16xf32> to vector<16xf32>
        %get3A_191 = arith.constant 4 : i32
        %get3A_192 = arith.index_cast %get3A_191 : i32 to index
        %get3A_193 = arith.index_cast %mul3A_183 : i32 to index
        %get3A_194 = tpu.vector_load %arg6[%get3A_192, %get3A_193] {strides = array<i32>} : memref<8x1024xf32, #tpu.memory_space<vmem>>, vector<1x16xf32>,
        %get3A_195 = vector.shape_cast %get3A_194 : vector<1x16xf32> to vector<16xf32>
        %add3A_196 = arith.addf %get3A_190, %get3A_195 : vector<16xf32>
        %swap3A_197 = arith.constant 4 : i32
        %swap3A_198 = arith.constant 0 : i32
        %swap3A_199 = arith.index_cast %swap3A_197 : i32 to index
        %swap3A_200 = arith.index_cast %swap3A_198 : i32 to index
        %swap3A_201 = arith.index_cast %mul3A_183 : i32 to index
        %swap3A_202 = tpu.vector_load %arg5[%swap3A_199, %swap3A_200, %swap3A_201] {strides = array<i32>} : memref<8x2x1024xf32, #tpu.memory_space<vmem>>, vector<1x1x16xf32>,
        %swap3A_203 = vector.shape_cast %swap3A_202 : vector<1x1x16xf32> to vector<16xf32>
        %swap3A_204 = vector.shape_cast %add3A_196 : vector<16xf32> to vector<1x1x16xf32>
        tpu.vector_store %arg5[%swap3A_199, %swap3A_200, %swap3A_201], %swap3A_204 {strides = array<i32>} : memref<8x2x1024xf32, #tpu.memory_space<vmem>>, vector<1x1x16xf32>,
        %scan3A_205 = arith.constant 4 : i32
        %scan3A_206 = arith.addi %scan3A_108, %scan3A_205 : i32
        %mul3A_207 = arith.constant 16 : i32
        %mul3A_208 = arith.muli %scan3A_206, %mul3A_207 : i32
        %get3A_209 = arith.constant 4 : i32
        %get3A_210 = arith.constant 0 : i32
        %get3A_211 = arith.index_cast %get3A_209 : i32 to index
        %get3A_212 = arith.index_cast %get3A_210 : i32 to index
        %get3A_213 = arith.index_cast %mul3A_208 : i32 to index
        %get3A_214 = tpu.vector_load %arg5[%get3A_211, %get3A_212, %get3A_213] {strides = array<i32>} : memref<8x2x1024xf32, #tpu.memory_space<vmem>>, vector<1x1x16xf32>,
        %get3A_215 = vector.shape_cast %get3A_214 : vector<1x1x16xf32> to vector<16xf32>
        %get3A_216 = arith.constant 4 : i32
        %get3A_217 = arith.index_cast %get3A_216 : i32 to index
        %get3A_218 = arith.index_cast %mul3A_208 : i32 to index
        %get3A_219 = tpu.vector_load %arg6[%get3A_217, %get3A_218] {strides = array<i32>} : memref<8x1024xf32, #tpu.memory_space<vmem>>, vector<1x16xf32>,
        %get3A_220 = vector.shape_cast %get3A_219 : vector<1x16xf32> to vector<16xf32>
        %add3A_221 = arith.addf %get3A_215, %get3A_220 : vector<16xf32>
        %swap3A_222 = arith.constant 4 : i32
        %swap3A_223 = arith.constant 0 : i32
        %swap3A_224 = arith.index_cast %swap3A_222 : i32 to index
        %swap3A_225 = arith.index_cast %swap3A_223 : i32 to index
        %swap3A_226 = arith.index_cast %mul3A_208 : i32 to index
        %swap3A_227 = tpu.vector_load %arg5[%swap3A_224, %swap3A_225, %swap3A_226] {strides = array<i32>} : memref<8x2x1024xf32, #tpu.memory_space<vmem>>, vector<1x1x16xf32>,
        %swap3A_228 = vector.shape_cast %swap3A_227 : vector<1x1x16xf32> to vector<16xf32>
        %swap3A_229 = vector.shape_cast %add3A_221 : vector<16xf32> to vector<1x1x16xf32>
        tpu.vector_store %arg5[%swap3A_224, %swap3A_225, %swap3A_226], %swap3A_229 {strides = array<i32>} : memref<8x2x1024xf32, #tpu.memory_space<vmem>>, vector<1x1x16xf32>,
        %scan3A_230 = arith.constant 5 : i32
        %scan3A_231 = arith.addi %scan3A_108, %scan3A_230 : i32
        %mul3A_232 = arith.constant 16 : i32
        %mul3A_233 = arith.muli %scan3A_231, %mul3A_232 : i32
        %get3A_234 = arith.constant 4 : i32
        %get3A_235 = arith.constant 0 : i32
        %get3A_236 = arith.index_cast %get3A_234 : i32 to index
        %get3A_237 = arith.index_cast %get3A_235 : i32 to index
        %get3A_238 = arith.index_cast %mul3A_233 : i32 to index
        %get3A_239 = tpu.vector_load %arg5[%get3A_236, %get3A_237, %get3A_238] {strides = array<i32>} : memref<8x2x1024xf32, #tpu.memory_space<vmem>>, vector<1x1x16xf32>,
        %get3A_240 = vector.shape_cast %get3A_239 : vector<1x1x16xf32> to vector<16xf32>
        %get3A_241 = arith.constant 4 : i32
        %get3A_242 = arith.index_cast %get3A_241 : i32 to index
        %get3A_243 = arith.index_cast %mul3A_233 : i32 to index
        %get3A_244 = tpu.vector_load %arg6[%get3A_242, %get3A_243] {strides = array<i32>} : memref<8x1024xf32, #tpu.memory_space<vmem>>, vector<1x16xf32>,
        %get3A_245 = vector.shape_cast %get3A_244 : vector<1x16xf32> to vector<16xf32>
        %add3A_246 = arith.addf %get3A_240, %get3A_245 : vector<16xf32>
        %swap3A_247 = arith.constant 4 : i32
        %swap3A_248 = arith.constant 0 : i32
        %swap3A_249 = arith.index_cast %swap3A_247 : i32 to index
        %swap3A_250 = arith.index_cast %swap3A_248 : i32 to index
        %swap3A_251 = arith.index_cast %mul3A_233 : i32 to index
        %swap3A_252 = tpu.vector_load %arg5[%swap3A_249, %swap3A_250, %swap3A_251] {strides = array<i32>} : memref<8x2x1024xf32, #tpu.memory_space<vmem>>, vector<1x1x16xf32>,
        %swap3A_253 = vector.shape_cast %swap3A_252 : vector<1x1x16xf32> to vector<16xf32>
        %swap3A_254 = vector.shape_cast %add3A_246 : vector<16xf32> to vector<1x1x16xf32>
        tpu.vector_store %arg5[%swap3A_249, %swap3A_250, %swap3A_251], %swap3A_254 {strides = array<i32>} : memref<8x2x1024xf32, #tpu.memory_space<vmem>>, vector<1x1x16xf32>,
        %scan3A_255 = arith.constant 6 : i32
        %scan3A_256 = arith.addi %scan3A_108, %scan3A_255 : i32
        %mul3A_257 = arith.constant 16 : i32
        %mul3A_258 = arith.muli %scan3A_256, %mul3A_257 : i32
        %get3A_259 = arith.constant 4 : i32
        %get3A_260 = arith.constant 0 : i32
        %get3A_261 = arith.index_cast %get3A_259 : i32 to index
        %get3A_262 = arith.index_cast %get3A_260 : i32 to index
        %get3A_263 = arith.index_cast %mul3A_258 : i32 to index
        %get3A_264 = tpu.vector_load %arg5[%get3A_261, %get3A_262, %get3A_263] {strides = array<i32>} : memref<8x2x1024xf32, #tpu.memory_space<vmem>>, vector<1x1x16xf32>,
        %get3A_265 = vector.shape_cast %get3A_264 : vector<1x1x16xf32> to vector<16xf32>
        %get3A_266 = arith.constant 4 : i32
        %get3A_267 = arith.index_cast %get3A_266 : i32 to index
        %get3A_268 = arith.index_cast %mul3A_258 : i32 to index
        %get3A_269 = tpu.vector_load %arg6[%get3A_267, %get3A_268] {strides = array<i32>} : memref<8x1024xf32, #tpu.memory_space<vmem>>, vector<1x16xf32>,
        %get3A_270 = vector.shape_cast %get3A_269 : vector<1x16xf32> to vector<16xf32>
        %add3A_271 = arith.addf %get3A_265, %get3A_270 : vector<16xf32>
        %swap3A_272 = arith.constant 4 : i32
        %swap3A_273 = arith.constant 0 : i32
        %swap3A_274 = arith.index_cast %swap3A_272 : i32 to index
        %swap3A_275 = arith.index_cast %swap3A_273 : i32 to index
        %swap3A_276 = arith.index_cast %mul3A_258 : i32 to index
        %swap3A_277 = tpu.vector_load %arg5[%swap3A_274, %swap3A_275, %swap3A_276] {strides = array<i32>} : memref<8x2x1024xf32, #tpu.memory_space<vmem>>, vector<1x1x16xf32>,
        %swap3A_278 = vector.shape_cast %swap3A_277 : vector<1x1x16xf32> to vector<16xf32>
        %swap3A_279 = vector.shape_cast %add3A_271 : vector<16xf32> to vector<1x1x16xf32>
        tpu.vector_store %arg5[%swap3A_274, %swap3A_275, %swap3A_276], %swap3A_279 {strides = array<i32>} : memref<8x2x1024xf32, #tpu.memory_space<vmem>>, vector<1x1x16xf32>,
        %scan3A_280 = arith.constant 7 : i32
        %scan3A_281 = arith.addi %scan3A_108, %scan3A_280 : i32
        %mul3A_282 = arith.constant 16 : i32
        %mul3A_283 = arith.muli %scan3A_281, %mul3A_282 : i32
        %get3A_284 = arith.constant 4 : i32
        %get3A_285 = arith.constant 0 : i32
        %get3A_286 = arith.index_cast %get3A_284 : i32 to index
        %get3A_287 = arith.index_cast %get3A_285 : i32 to index
        %get3A_288 = arith.index_cast %mul3A_283 : i32 to index
        %get3A_289 = tpu.vector_load %arg5[%get3A_286, %get3A_287, %get3A_288] {strides = array<i32>} : memref<8x2x1024xf32, #tpu.memory_space<vmem>>, vector<1x1x16xf32>,
        %get3A_290 = vector.shape_cast %get3A_289 : vector<1x1x16xf32> to vector<16xf32>
        %get3A_291 = arith.constant 4 : i32
        %get3A_292 = arith.index_cast %get3A_291 : i32 to index
        %get3A_293 = arith.index_cast %mul3A_283 : i32 to index
        %get3A_294 = tpu.vector_load %arg6[%get3A_292, %get3A_293] {strides = array<i32>} : memref<8x1024xf32, #tpu.memory_space<vmem>>, vector<1x16xf32>,
        %get3A_295 = vector.shape_cast %get3A_294 : vector<1x16xf32> to vector<16xf32>
        %add3A_296 = arith.addf %get3A_290, %get3A_295 : vector<16xf32>
        %swap3A_297 = arith.constant 4 : i32
        %swap3A_298 = arith.constant 0 : i32
        %swap3A_299 = arith.index_cast %swap3A_297 : i32 to index
        %swap3A_300 = arith.index_cast %swap3A_298 : i32 to index
        %swap3A_301 = arith.index_cast %mul3A_283 : i32 to index
        %swap3A_302 = tpu.vector_load %arg5[%swap3A_299, %swap3A_300, %swap3A_301] {strides = array<i32>} : memref<8x2x1024xf32, #tpu.memory_space<vmem>>, vector<1x1x16xf32>,
        %swap3A_303 = vector.shape_cast %swap3A_302 : vector<1x1x16xf32> to vector<16xf32>
        %swap3A_304 = vector.shape_cast %add3A_296 : vector<16xf32> to vector<1x1x16xf32>
        tpu.vector_store %arg5[%swap3A_299, %swap3A_300, %swap3A_301], %swap3A_304 {strides = array<i32>} : memref<8x2x1024xf32, #tpu.memory_space<vmem>>, vector<1x1x16xf32>,
      }
      %scan3A_65 = arith.constant 64 : i32
      %scan3A_66 = arith.constant 0 : i32
      %scan3A_67 = arith.constant 0 : i32
      %scan3A_68 = arith.constant 64 : i32
      %scan3A_69 = arith.addi %scan3A_67, %scan3A_68 : i32
      %scan3A_70 = arith.constant 8 : i32
      scf.for %scan3A_108 = %scan3A_67 to %scan3A_69 step %scan3A_70  : i32 {
        %mul3A_109 = arith.constant 16 : i32
        %mul3A_110 = arith.muli %scan3A_108, %mul3A_109 : i32
        %get3A = arith.constant 4 : i32
        %get3A_111 = arith.constant 1 : i32
        %get3A_112 = arith.index_cast %get3A : i32 to index
        %get3A_113 = arith.index_cast %get3A_111 : i32 to index
        %get3A_114 = arith.index_cast %mul3A_110 : i32 to index
        %get3A_115 = tpu.vector_load %arg5[%get3A_112, %get3A_113, %get3A_114] {strides = array<i32>} : memref<8x2x1024xf32, #tpu.memory_space<vmem>>, vector<1x1x16xf32>,
        %get3A_116 = vector.shape_cast %get3A_115 : vector<1x1x16xf32> to vector<16xf32>
        %get3A_117 = arith.constant 4 : i32
        %get3A_118 = arith.index_cast %get3A_117 : i32 to index
        %get3A_119 = arith.index_cast %mul3A_110 : i32 to index
        %get3A_120 = tpu.vector_load %arg6[%get3A_118, %get3A_119] {strides = array<i32>} : memref<8x1024xf32, #tpu.memory_space<vmem>>, vector<1x16xf32>,
        %get3A_121 = vector.shape_cast %get3A_120 : vector<1x16xf32> to vector<16xf32>
        %add3A_122 = arith.addf %get3A_116, %get3A_121 : vector<16xf32>
        %swap3A = arith.constant 4 : i32
        %swap3A_123 = arith.constant 1 : i32
        %swap3A_124 = arith.index_cast %swap3A : i32 to index
        %swap3A_125 = arith.index_cast %swap3A_123 : i32 to index
        %swap3A_126 = arith.index_cast %mul3A_110 : i32 to index
        %swap3A_127 = tpu.vector_load %arg5[%swap3A_124, %swap3A_125, %swap3A_126] {strides = array<i32>} : memref<8x2x1024xf32, #tpu.memory_space<vmem>>, vector<1x1x16xf32>,
        %swap3A_128 = vector.shape_cast %swap3A_127 : vector<1x1x16xf32> to vector<16xf32>
        %swap3A_129 = vector.shape_cast %add3A_122 : vector<16xf32> to vector<1x1x16xf32>
        tpu.vector_store %arg5[%swap3A_124, %swap3A_125, %swap3A_126], %swap3A_129 {strides = array<i32>} : memref<8x2x1024xf32, #tpu.memory_space<vmem>>, vector<1x1x16xf32>,
        %scan3A_130 = arith.constant 1 : i32
        %scan3A_131 = arith.addi %scan3A_108, %scan3A_130 : i32
        %mul3A_132 = arith.constant 16 : i32
        %mul3A_133 = arith.muli %scan3A_131, %mul3A_132 : i32
        %get3A_134 = arith.constant 4 : i32
        %get3A_135 = arith.constant 1 : i32
        %get3A_136 = arith.index_cast %get3A_134 : i32 to index
        %get3A_137 = arith.index_cast %get3A_135 : i32 to index
        %get3A_138 = arith.index_cast %mul3A_133 : i32 to index
        %get3A_139 = tpu.vector_load %arg5[%get3A_136, %get3A_137, %get3A_138] {strides = array<i32>} : memref<8x2x1024xf32, #tpu.memory_space<vmem>>, vector<1x1x16xf32>,
        %get3A_140 = vector.shape_cast %get3A_139 : vector<1x1x16xf32> to vector<16xf32>
        %get3A_141 = arith.constant 4 : i32
        %get3A_142 = arith.index_cast %get3A_141 : i32 to index
        %get3A_143 = arith.index_cast %mul3A_133 : i32 to index
        %get3A_144 = tpu.vector_load %arg6[%get3A_142, %get3A_143] {strides = array<i32>} : memref<8x1024xf32, #tpu.memory_space<vmem>>, vector<1x16xf32>,
        %get3A_145 = vector.shape_cast %get3A_144 : vector<1x16xf32> to vector<16xf32>
        %add3A_146 = arith.addf %get3A_140, %get3A_145 : vector<16xf32>
        %swap3A_147 = arith.constant 4 : i32
        %swap3A_148 = arith.constant 1 : i32
        %swap3A_149 = arith.index_cast %swap3A_147 : i32 to index
        %swap3A_150 = arith.index_cast %swap3A_148 : i32 to index
        %swap3A_151 = arith.index_cast %mul3A_133 : i32 to index
        %swap3A_152 = tpu.vector_load %arg5[%swap3A_149, %swap3A_150, %swap3A_151] {strides = array<i32>} : memref<8x2x1024xf32, #tpu.memory_space<vmem>>, vector<1x1x16xf32>,
        %swap3A_153 = vector.shape_cast %swap3A_152 : vector<1x1x16xf32> to vector<16xf32>
        %swap3A_154 = vector.shape_cast %add3A_146 : vector<16xf32> to vector<1x1x16xf32>
        tpu.vector_store %arg5[%swap3A_149, %swap3A_150, %swap3A_151], %swap3A_154 {strides = array<i32>} : memref<8x2x1024xf32, #tpu.memory_space<vmem>>, vector<1x1x16xf32>,
        %scan3A_155 = arith.constant 2 : i32
        %scan3A_156 = arith.addi %scan3A_108, %scan3A_155 : i32
        %mul3A_157 = arith.constant 16 : i32
        %mul3A_158 = arith.muli %scan3A_156, %mul3A_157 : i32
        %get3A_159 = arith.constant 4 : i32
        %get3A_160 = arith.constant 1 : i32
        %get3A_161 = arith.index_cast %get3A_159 : i32 to index
        %get3A_162 = arith.index_cast %get3A_160 : i32 to index
        %get3A_163 = arith.index_cast %mul3A_158 : i32 to index
        %get3A_164 = tpu.vector_load %arg5[%get3A_161, %get3A_162, %get3A_163] {strides = array<i32>} : memref<8x2x1024xf32, #tpu.memory_space<vmem>>, vector<1x1x16xf32>,
        %get3A_165 = vector.shape_cast %get3A_164 : vector<1x1x16xf32> to vector<16xf32>
        %get3A_166 = arith.constant 4 : i32
        %get3A_167 = arith.index_cast %get3A_166 : i32 to index
        %get3A_168 = arith.index_cast %mul3A_158 : i32 to index
        %get3A_169 = tpu.vector_load %arg6[%get3A_167, %get3A_168] {strides = array<i32>} : memref<8x1024xf32, #tpu.memory_space<vmem>>, vector<1x16xf32>,
        %get3A_170 = vector.shape_cast %get3A_169 : vector<1x16xf32> to vector<16xf32>
        %add3A_171 = arith.addf %get3A_165, %get3A_170 : vector<16xf32>
        %swap3A_172 = arith.constant 4 : i32
        %swap3A_173 = arith.constant 1 : i32
        %swap3A_174 = arith.index_cast %swap3A_172 : i32 to index
        %swap3A_175 = arith.index_cast %swap3A_173 : i32 to index
        %swap3A_176 = arith.index_cast %mul3A_158 : i32 to index
        %swap3A_177 = tpu.vector_load %arg5[%swap3A_174, %swap3A_175, %swap3A_176] {strides = array<i32>} : memref<8x2x1024xf32, #tpu.memory_space<vmem>>, vector<1x1x16xf32>,
        %swap3A_178 = vector.shape_cast %swap3A_177 : vector<1x1x16xf32> to vector<16xf32>
        %swap3A_179 = vector.shape_cast %add3A_171 : vector<16xf32> to vector<1x1x16xf32>
        tpu.vector_store %arg5[%swap3A_174, %swap3A_175, %swap3A_176], %swap3A_179 {strides = array<i32>} : memref<8x2x1024xf32, #tpu.memory_space<vmem>>, vector<1x1x16xf32>,
        %scan3A_180 = arith.constant 3 : i32
        %scan3A_181 = arith.addi %scan3A_108, %scan3A_180 : i32
        %mul3A_182 = arith.constant 16 : i32
        %mul3A_183 = arith.muli %scan3A_181, %mul3A_182 : i32
        %get3A_184 = arith.constant 4 : i32
        %get3A_185 = arith.constant 1 : i32
        %get3A_186 = arith.index_cast %get3A_184 : i32 to index
        %get3A_187 = arith.index_cast %get3A_185 : i32 to index
        %get3A_188 = arith.index_cast %mul3A_183 : i32 to index
        %get3A_189 = tpu.vector_load %arg5[%get3A_186, %get3A_187, %get3A_188] {strides = array<i32>} : memref<8x2x1024xf32, #tpu.memory_space<vmem>>, vector<1x1x16xf32>,
        %get3A_190 = vector.shape_cast %get3A_189 : vector<1x1x16xf32> to vector<16xf32>
        %get3A_191 = arith.constant 4 : i32
        %get3A_192 = arith.index_cast %get3A_191 : i32 to index
        %get3A_193 = arith.index_cast %mul3A_183 : i32 to index
        %get3A_194 = tpu.vector_load %arg6[%get3A_192, %get3A_193] {strides = array<i32>} : memref<8x1024xf32, #tpu.memory_space<vmem>>, vector<1x16xf32>,
        %get3A_195 = vector.shape_cast %get3A_194 : vector<1x16xf32> to vector<16xf32>
        %add3A_196 = arith.addf %get3A_190, %get3A_195 : vector<16xf32>
        %swap3A_197 = arith.constant 4 : i32
        %swap3A_198 = arith.constant 1 : i32
        %swap3A_199 = arith.index_cast %swap3A_197 : i32 to index
        %swap3A_200 = arith.index_cast %swap3A_198 : i32 to index
        %swap3A_201 = arith.index_cast %mul3A_183 : i32 to index
        %swap3A_202 = tpu.vector_load %arg5[%swap3A_199, %swap3A_200, %swap3A_201] {strides = array<i32>} : memref<8x2x1024xf32, #tpu.memory_space<vmem>>, vector<1x1x16xf32>,
        %swap3A_203 = vector.shape_cast %swap3A_202 : vector<1x1x16xf32> to vector<16xf32>
        %swap3A_204 = vector.shape_cast %add3A_196 : vector<16xf32> to vector<1x1x16xf32>
        tpu.vector_store %arg5[%swap3A_199, %swap3A_200, %swap3A_201], %swap3A_204 {strides = array<i32>} : memref<8x2x1024xf32, #tpu.memory_space<vmem>>, vector<1x1x16xf32>,
        %scan3A_205 = arith.constant 4 : i32
        %scan3A_206 = arith.addi %scan3A_108, %scan3A_205 : i32
        %mul3A_207 = arith.constant 16 : i32
        %mul3A_208 = arith.muli %scan3A_206, %mul3A_207 : i32
        %get3A_209 = arith.constant 4 : i32
        %get3A_210 = arith.constant 1 : i32
        %get3A_211 = arith.index_cast %get3A_209 : i32 to index
        %get3A_212 = arith.index_cast %get3A_210 : i32 to index
        %get3A_213 = arith.index_cast %mul3A_208 : i32 to index
        %get3A_214 = tpu.vector_load %arg5[%get3A_211, %get3A_212, %get3A_213] {strides = array<i32>} : memref<8x2x1024xf32, #tpu.memory_space<vmem>>, vector<1x1x16xf32>,
        %get3A_215 = vector.shape_cast %get3A_214 : vector<1x1x16xf32> to vector<16xf32>
        %get3A_216 = arith.constant 4 : i32
        %get3A_217 = arith.index_cast %get3A_216 : i32 to index
        %get3A_218 = arith.index_cast %mul3A_208 : i32 to index
        %get3A_219 = tpu.vector_load %arg6[%get3A_217, %get3A_218] {strides = array<i32>} : memref<8x1024xf32, #tpu.memory_space<vmem>>, vector<1x16xf32>,
        %get3A_220 = vector.shape_cast %get3A_219 : vector<1x16xf32> to vector<16xf32>
        %add3A_221 = arith.addf %get3A_215, %get3A_220 : vector<16xf32>
        %swap3A_222 = arith.constant 4 : i32
        %swap3A_223 = arith.constant 1 : i32
        %swap3A_224 = arith.index_cast %swap3A_222 : i32 to index
        %swap3A_225 = arith.index_cast %swap3A_223 : i32 to index
        %swap3A_226 = arith.index_cast %mul3A_208 : i32 to index
        %swap3A_227 = tpu.vector_load %arg5[%swap3A_224, %swap3A_225, %swap3A_226] {strides = array<i32>} : memref<8x2x1024xf32, #tpu.memory_space<vmem>>, vector<1x1x16xf32>,
        %swap3A_228 = vector.shape_cast %swap3A_227 : vector<1x1x16xf32> to vector<16xf32>
        %swap3A_229 = vector.shape_cast %add3A_221 : vector<16xf32> to vector<1x1x16xf32>
        tpu.vector_store %arg5[%swap3A_224, %swap3A_225, %swap3A_226], %swap3A_229 {strides = array<i32>} : memref<8x2x1024xf32, #tpu.memory_space<vmem>>, vector<1x1x16xf32>,
        %scan3A_230 = arith.constant 5 : i32
        %scan3A_231 = arith.addi %scan3A_108, %scan3A_230 : i32
        %mul3A_232 = arith.constant 16 : i32
        %mul3A_233 = arith.muli %scan3A_231, %mul3A_232 : i32
        %get3A_234 = arith.constant 4 : i32
        %get3A_235 = arith.constant 1 : i32
        %get3A_236 = arith.index_cast %get3A_234 : i32 to index
        %get3A_237 = arith.index_cast %get3A_235 : i32 to index
        %get3A_238 = arith.index_cast %mul3A_233 : i32 to index
        %get3A_239 = tpu.vector_load %arg5[%get3A_236, %get3A_237, %get3A_238] {strides = array<i32>} : memref<8x2x1024xf32, #tpu.memory_space<vmem>>, vector<1x1x16xf32>,
        %get3A_240 = vector.shape_cast %get3A_239 : vector<1x1x16xf32> to vector<16xf32>
        %get3A_241 = arith.constant 4 : i32
        %get3A_242 = arith.index_cast %get3A_241 : i32 to index
        %get3A_243 = arith.index_cast %mul3A_233 : i32 to index
        %get3A_244 = tpu.vector_load %arg6[%get3A_242, %get3A_243] {strides = array<i32>} : memref<8x1024xf32, #tpu.memory_space<vmem>>, vector<1x16xf32>,
        %get3A_245 = vector.shape_cast %get3A_244 : vector<1x16xf32> to vector<16xf32>
        %add3A_246 = arith.addf %get3A_240, %get3A_245 : vector<16xf32>
        %swap3A_247 = arith.constant 4 : i32
        %swap3A_248 = arith.constant 1 : i32
        %swap3A_249 = arith.index_cast %swap3A_247 : i32 to index
        %swap3A_250 = arith.index_cast %swap3A_248 : i32 to index
        %swap3A_251 = arith.index_cast %mul3A_233 : i32 to index
        %swap3A_252 = tpu.vector_load %arg5[%swap3A_249, %swap3A_250, %swap3A_251] {strides = array<i32>} : memref<8x2x1024xf32, #tpu.memory_space<vmem>>, vector<1x1x16xf32>,
        %swap3A_253 = vector.shape_cast %swap3A_252 : vector<1x1x16xf32> to vector<16xf32>
        %swap3A_254 = vector.shape_cast %add3A_246 : vector<16xf32> to vector<1x1x16xf32>
        tpu.vector_store %arg5[%swap3A_249, %swap3A_250, %swap3A_251], %swap3A_254 {strides = array<i32>} : memref<8x2x1024xf32, #tpu.memory_space<vmem>>, vector<1x1x16xf32>,
        %scan3A_255 = arith.constant 6 : i32
        %scan3A_256 = arith.addi %scan3A_108, %scan3A_255 : i32
        %mul3A_257 = arith.constant 16 : i32
        %mul3A_258 = arith.muli %scan3A_256, %mul3A_257 : i32
        %get3A_259 = arith.constant 4 : i32
        %get3A_260 = arith.constant 1 : i32
        %get3A_261 = arith.index_cast %get3A_259 : i32 to index
        %get3A_262 = arith.index_cast %get3A_260 : i32 to index
        %get3A_263 = arith.index_cast %mul3A_258 : i32 to index
        %get3A_264 = tpu.vector_load %arg5[%get3A_261, %get3A_262, %get3A_263] {strides = array<i32>} : memref<8x2x1024xf32, #tpu.memory_space<vmem>>, vector<1x1x16xf32>,
        %get3A_265 = vector.shape_cast %get3A_264 : vector<1x1x16xf32> to vector<16xf32>
        %get3A_266 = arith.constant 4 : i32
        %get3A_267 = arith.index_cast %get3A_266 : i32 to index
        %get3A_268 = arith.index_cast %mul3A_258 : i32 to index
        %get3A_269 = tpu.vector_load %arg6[%get3A_267, %get3A_268] {strides = array<i32>} : memref<8x1024xf32, #tpu.memory_space<vmem>>, vector<1x16xf32>,
        %get3A_270 = vector.shape_cast %get3A_269 : vector<1x16xf32> to vector<16xf32>
        %add3A_271 = arith.addf %get3A_265, %get3A_270 : vector<16xf32>
        %swap3A_272 = arith.constant 4 : i32
        %swap3A_273 = arith.constant 1 : i32
        %swap3A_274 = arith.index_cast %swap3A_272 : i32 to index
        %swap3A_275 = arith.index_cast %swap3A_273 : i32 to index
        %swap3A_276 = arith.index_cast %mul3A_258 : i32 to index
        %swap3A_277 = tpu.vector_load %arg5[%swap3A_274, %swap3A_275, %swap3A_276] {strides = array<i32>} : memref<8x2x1024xf32, #tpu.memory_space<vmem>>, vector<1x1x16xf32>,
        %swap3A_278 = vector.shape_cast %swap3A_277 : vector<1x1x16xf32> to vector<16xf32>
        %swap3A_279 = vector.shape_cast %add3A_271 : vector<16xf32> to vector<1x1x16xf32>
        tpu.vector_store %arg5[%swap3A_274, %swap3A_275, %swap3A_276], %swap3A_279 {strides = array<i32>} : memref<8x2x1024xf32, #tpu.memory_space<vmem>>, vector<1x1x16xf32>,
        %scan3A_280 = arith.constant 7 : i32
        %scan3A_281 = arith.addi %scan3A_108, %scan3A_280 : i32
        %mul3A_282 = arith.constant 16 : i32
        %mul3A_283 = arith.muli %scan3A_281, %mul3A_282 : i32
        %get3A_284 = arith.constant 4 : i32
        %get3A_285 = arith.constant 1 : i32
        %get3A_286 = arith.index_cast %get3A_284 : i32 to index
        %get3A_287 = arith.index_cast %get3A_285 : i32 to index
        %get3A_288 = arith.index_cast %mul3A_283 : i32 to index
        %get3A_289 = tpu.vector_load %arg5[%get3A_286, %get3A_287, %get3A_288] {strides = array<i32>} : memref<8x2x1024xf32, #tpu.memory_space<vmem>>, vector<1x1x16xf32>,
        %get3A_290 = vector.shape_cast %get3A_289 : vector<1x1x16xf32> to vector<16xf32>
        %get3A_291 = arith.constant 4 : i32
        %get3A_292 = arith.index_cast %get3A_291 : i32 to index
        %get3A_293 = arith.index_cast %mul3A_283 : i32 to index
        %get3A_294 = tpu.vector_load %arg6[%get3A_292, %get3A_293] {strides = array<i32>} : memref<8x1024xf32, #tpu.memory_space<vmem>>, vector<1x16xf32>,
        %get3A_295 = vector.shape_cast %get3A_294 : vector<1x16xf32> to vector<16xf32>
        %add3A_296 = arith.addf %get3A_290, %get3A_295 : vector<16xf32>
        %swap3A_297 = arith.constant 4 : i32
        %swap3A_298 = arith.constant 1 : i32
        %swap3A_299 = arith.index_cast %swap3A_297 : i32 to index
        %swap3A_300 = arith.index_cast %swap3A_298 : i32 to index
        %swap3A_301 = arith.index_cast %mul3A_283 : i32 to index
        %swap3A_302 = tpu.vector_load %arg5[%swap3A_299, %swap3A_300, %swap3A_301] {strides = array<i32>} : memref<8x2x1024xf32, #tpu.memory_space<vmem>>, vector<1x1x16xf32>,
        %swap3A_303 = vector.shape_cast %swap3A_302 : vector<1x1x16xf32> to vector<16xf32>
        %swap3A_304 = vector.shape_cast %add3A_296 : vector<16xf32> to vector<1x1x16xf32>
        tpu.vector_store %arg5[%swap3A_299, %swap3A_300, %swap3A_301], %swap3A_304 {strides = array<i32>} : memref<8x2x1024xf32, #tpu.memory_space<vmem>>, vector<1x1x16xf32>,
      }
      %scan3A_71 = arith.constant 64 : i32
      %scan3A_72 = arith.constant 0 : i32
      %scan3A_73 = arith.constant 0 : i32
      %scan3A_74 = arith.constant 64 : i32
      %scan3A_75 = arith.addi %scan3A_73, %scan3A_74 : i32
      %scan3A_76 = arith.constant 8 : i32
      scf.for %scan3A_108 = %scan3A_73 to %scan3A_75 step %scan3A_76  : i32 {
        %mul3A_109 = arith.constant 16 : i32
        %mul3A_110 = arith.muli %scan3A_108, %mul3A_109 : i32
        %get3A = arith.constant 5 : i32
        %get3A_111 = arith.constant 0 : i32
        %get3A_112 = arith.index_cast %get3A : i32 to index
        %get3A_113 = arith.index_cast %get3A_111 : i32 to index
        %get3A_114 = arith.index_cast %mul3A_110 : i32 to index
        %get3A_115 = tpu.vector_load %arg5[%get3A_112, %get3A_113, %get3A_114] {strides = array<i32>} : memref<8x2x1024xf32, #tpu.memory_space<vmem>>, vector<1x1x16xf32>,
        %get3A_116 = vector.shape_cast %get3A_115 : vector<1x1x16xf32> to vector<16xf32>
        %get3A_117 = arith.constant 5 : i32
        %get3A_118 = arith.index_cast %get3A_117 : i32 to index
        %get3A_119 = arith.index_cast %mul3A_110 : i32 to index
        %get3A_120 = tpu.vector_load %arg6[%get3A_118, %get3A_119] {strides = array<i32>} : memref<8x1024xf32, #tpu.memory_space<vmem>>, vector<1x16xf32>,
        %get3A_121 = vector.shape_cast %get3A_120 : vector<1x16xf32> to vector<16xf32>
        %add3A_122 = arith.addf %get3A_116, %get3A_121 : vector<16xf32>
        %swap3A = arith.constant 5 : i32
        %swap3A_123 = arith.constant 0 : i32
        %swap3A_124 = arith.index_cast %swap3A : i32 to index
        %swap3A_125 = arith.index_cast %swap3A_123 : i32 to index
        %swap3A_126 = arith.index_cast %mul3A_110 : i32 to index
        %swap3A_127 = tpu.vector_load %arg5[%swap3A_124, %swap3A_125, %swap3A_126] {strides = array<i32>} : memref<8x2x1024xf32, #tpu.memory_space<vmem>>, vector<1x1x16xf32>,
        %swap3A_128 = vector.shape_cast %swap3A_127 : vector<1x1x16xf32> to vector<16xf32>
        %swap3A_129 = vector.shape_cast %add3A_122 : vector<16xf32> to vector<1x1x16xf32>
        tpu.vector_store %arg5[%swap3A_124, %swap3A_125, %swap3A_126], %swap3A_129 {strides = array<i32>} : memref<8x2x1024xf32, #tpu.memory_space<vmem>>, vector<1x1x16xf32>,
        %scan3A_130 = arith.constant 1 : i32
        %scan3A_131 = arith.addi %scan3A_108, %scan3A_130 : i32
        %mul3A_132 = arith.constant 16 : i32
        %mul3A_133 = arith.muli %scan3A_131, %mul3A_132 : i32
        %get3A_134 = arith.constant 5 : i32
        %get3A_135 = arith.constant 0 : i32
        %get3A_136 = arith.index_cast %get3A_134 : i32 to index
        %get3A_137 = arith.index_cast %get3A_135 : i32 to index
        %get3A_138 = arith.index_cast %mul3A_133 : i32 to index
        %get3A_139 = tpu.vector_load %arg5[%get3A_136, %get3A_137, %get3A_138] {strides = array<i32>} : memref<8x2x1024xf32, #tpu.memory_space<vmem>>, vector<1x1x16xf32>,
        %get3A_140 = vector.shape_cast %get3A_139 : vector<1x1x16xf32> to vector<16xf32>
        %get3A_141 = arith.constant 5 : i32
        %get3A_142 = arith.index_cast %get3A_141 : i32 to index
        %get3A_143 = arith.index_cast %mul3A_133 : i32 to index
        %get3A_144 = tpu.vector_load %arg6[%get3A_142, %get3A_143] {strides = array<i32>} : memref<8x1024xf32, #tpu.memory_space<vmem>>, vector<1x16xf32>,
        %get3A_145 = vector.shape_cast %get3A_144 : vector<1x16xf32> to vector<16xf32>
        %add3A_146 = arith.addf %get3A_140, %get3A_145 : vector<16xf32>
        %swap3A_147 = arith.constant 5 : i32
        %swap3A_148 = arith.constant 0 : i32
        %swap3A_149 = arith.index_cast %swap3A_147 : i32 to index
        %swap3A_150 = arith.index_cast %swap3A_148 : i32 to index
        %swap3A_151 = arith.index_cast %mul3A_133 : i32 to index
        %swap3A_152 = tpu.vector_load %arg5[%swap3A_149, %swap3A_150, %swap3A_151] {strides = array<i32>} : memref<8x2x1024xf32, #tpu.memory_space<vmem>>, vector<1x1x16xf32>,
        %swap3A_153 = vector.shape_cast %swap3A_152 : vector<1x1x16xf32> to vector<16xf32>
        %swap3A_154 = vector.shape_cast %add3A_146 : vector<16xf32> to vector<1x1x16xf32>
        tpu.vector_store %arg5[%swap3A_149, %swap3A_150, %swap3A_151], %swap3A_154 {strides = array<i32>} : memref<8x2x1024xf32, #tpu.memory_space<vmem>>, vector<1x1x16xf32>,
        %scan3A_155 = arith.constant 2 : i32
        %scan3A_156 = arith.addi %scan3A_108, %scan3A_155 : i32
        %mul3A_157 = arith.constant 16 : i32
        %mul3A_158 = arith.muli %scan3A_156, %mul3A_157 : i32
        %get3A_159 = arith.constant 5 : i32
        %get3A_160 = arith.constant 0 : i32
        %get3A_161 = arith.index_cast %get3A_159 : i32 to index
        %get3A_162 = arith.index_cast %get3A_160 : i32 to index
        %get3A_163 = arith.index_cast %mul3A_158 : i32 to index
        %get3A_164 = tpu.vector_load %arg5[%get3A_161, %get3A_162, %get3A_163] {strides = array<i32>} : memref<8x2x1024xf32, #tpu.memory_space<vmem>>, vector<1x1x16xf32>,
        %get3A_165 = vector.shape_cast %get3A_164 : vector<1x1x16xf32> to vector<16xf32>
        %get3A_166 = arith.constant 5 : i32
        %get3A_167 = arith.index_cast %get3A_166 : i32 to index
        %get3A_168 = arith.index_cast %mul3A_158 : i32 to index
        %get3A_169 = tpu.vector_load %arg6[%get3A_167, %get3A_168] {strides = array<i32>} : memref<8x1024xf32, #tpu.memory_space<vmem>>, vector<1x16xf32>,
        %get3A_170 = vector.shape_cast %get3A_169 : vector<1x16xf32> to vector<16xf32>
        %add3A_171 = arith.addf %get3A_165, %get3A_170 : vector<16xf32>
        %swap3A_172 = arith.constant 5 : i32
        %swap3A_173 = arith.constant 0 : i32
        %swap3A_174 = arith.index_cast %swap3A_172 : i32 to index
        %swap3A_175 = arith.index_cast %swap3A_173 : i32 to index
        %swap3A_176 = arith.index_cast %mul3A_158 : i32 to index
        %swap3A_177 = tpu.vector_load %arg5[%swap3A_174, %swap3A_175, %swap3A_176] {strides = array<i32>} : memref<8x2x1024xf32, #tpu.memory_space<vmem>>, vector<1x1x16xf32>,
        %swap3A_178 = vector.shape_cast %swap3A_177 : vector<1x1x16xf32> to vector<16xf32>
        %swap3A_179 = vector.shape_cast %add3A_171 : vector<16xf32> to vector<1x1x16xf32>
        tpu.vector_store %arg5[%swap3A_174, %swap3A_175, %swap3A_176], %swap3A_179 {strides = array<i32>} : memref<8x2x1024xf32, #tpu.memory_space<vmem>>, vector<1x1x16xf32>,
        %scan3A_180 = arith.constant 3 : i32
        %scan3A_181 = arith.addi %scan3A_108, %scan3A_180 : i32
        %mul3A_182 = arith.constant 16 : i32
        %mul3A_183 = arith.muli %scan3A_181, %mul3A_182 : i32
        %get3A_184 = arith.constant 5 : i32
        %get3A_185 = arith.constant 0 : i32
        %get3A_186 = arith.index_cast %get3A_184 : i32 to index
        %get3A_187 = arith.index_cast %get3A_185 : i32 to index
        %get3A_188 = arith.index_cast %mul3A_183 : i32 to index
        %get3A_189 = tpu.vector_load %arg5[%get3A_186, %get3A_187, %get3A_188] {strides = array<i32>} : memref<8x2x1024xf32, #tpu.memory_space<vmem>>, vector<1x1x16xf32>,
        %get3A_190 = vector.shape_cast %get3A_189 : vector<1x1x16xf32> to vector<16xf32>
        %get3A_191 = arith.constant 5 : i32
        %get3A_192 = arith.index_cast %get3A_191 : i32 to index
        %get3A_193 = arith.index_cast %mul3A_183 : i32 to index
        %get3A_194 = tpu.vector_load %arg6[%get3A_192, %get3A_193] {strides = array<i32>} : memref<8x1024xf32, #tpu.memory_space<vmem>>, vector<1x16xf32>,
        %get3A_195 = vector.shape_cast %get3A_194 : vector<1x16xf32> to vector<16xf32>
        %add3A_196 = arith.addf %get3A_190, %get3A_195 : vector<16xf32>
        %swap3A_197 = arith.constant 5 : i32
        %swap3A_198 = arith.constant 0 : i32
        %swap3A_199 = arith.index_cast %swap3A_197 : i32 to index
        %swap3A_200 = arith.index_cast %swap3A_198 : i32 to index
        %swap3A_201 = arith.index_cast %mul3A_183 : i32 to index
        %swap3A_202 = tpu.vector_load %arg5[%swap3A_199, %swap3A_200, %swap3A_201] {strides = array<i32>} : memref<8x2x1024xf32, #tpu.memory_space<vmem>>, vector<1x1x16xf32>,
        %swap3A_203 = vector.shape_cast %swap3A_202 : vector<1x1x16xf32> to vector<16xf32>
        %swap3A_204 = vector.shape_cast %add3A_196 : vector<16xf32> to vector<1x1x16xf32>
        tpu.vector_store %arg5[%swap3A_199, %swap3A_200, %swap3A_201], %swap3A_204 {strides = array<i32>} : memref<8x2x1024xf32, #tpu.memory_space<vmem>>, vector<1x1x16xf32>,
        %scan3A_205 = arith.constant 4 : i32
        %scan3A_206 = arith.addi %scan3A_108, %scan3A_205 : i32
        %mul3A_207 = arith.constant 16 : i32
        %mul3A_208 = arith.muli %scan3A_206, %mul3A_207 : i32
        %get3A_209 = arith.constant 5 : i32
        %get3A_210 = arith.constant 0 : i32
        %get3A_211 = arith.index_cast %get3A_209 : i32 to index
        %get3A_212 = arith.index_cast %get3A_210 : i32 to index
        %get3A_213 = arith.index_cast %mul3A_208 : i32 to index
        %get3A_214 = tpu.vector_load %arg5[%get3A_211, %get3A_212, %get3A_213] {strides = array<i32>} : memref<8x2x1024xf32, #tpu.memory_space<vmem>>, vector<1x1x16xf32>,
        %get3A_215 = vector.shape_cast %get3A_214 : vector<1x1x16xf32> to vector<16xf32>
        %get3A_216 = arith.constant 5 : i32
        %get3A_217 = arith.index_cast %get3A_216 : i32 to index
        %get3A_218 = arith.index_cast %mul3A_208 : i32 to index
        %get3A_219 = tpu.vector_load %arg6[%get3A_217, %get3A_218] {strides = array<i32>} : memref<8x1024xf32, #tpu.memory_space<vmem>>, vector<1x16xf32>,
        %get3A_220 = vector.shape_cast %get3A_219 : vector<1x16xf32> to vector<16xf32>
        %add3A_221 = arith.addf %get3A_215, %get3A_220 : vector<16xf32>
        %swap3A_222 = arith.constant 5 : i32
        %swap3A_223 = arith.constant 0 : i32
        %swap3A_224 = arith.index_cast %swap3A_222 : i32 to index
        %swap3A_225 = arith.index_cast %swap3A_223 : i32 to index
        %swap3A_226 = arith.index_cast %mul3A_208 : i32 to index
        %swap3A_227 = tpu.vector_load %arg5[%swap3A_224, %swap3A_225, %swap3A_226] {strides = array<i32>} : memref<8x2x1024xf32, #tpu.memory_space<vmem>>, vector<1x1x16xf32>,
        %swap3A_228 = vector.shape_cast %swap3A_227 : vector<1x1x16xf32> to vector<16xf32>
        %swap3A_229 = vector.shape_cast %add3A_221 : vector<16xf32> to vector<1x1x16xf32>
        tpu.vector_store %arg5[%swap3A_224, %swap3A_225, %swap3A_226], %swap3A_229 {strides = array<i32>} : memref<8x2x1024xf32, #tpu.memory_space<vmem>>, vector<1x1x16xf32>,
        %scan3A_230 = arith.constant 5 : i32
        %scan3A_231 = arith.addi %scan3A_108, %scan3A_230 : i32
        %mul3A_232 = arith.constant 16 : i32
        %mul3A_233 = arith.muli %scan3A_231, %mul3A_232 : i32
        %get3A_234 = arith.constant 5 : i32
        %get3A_235 = arith.constant 0 : i32
        %get3A_236 = arith.index_cast %get3A_234 : i32 to index
        %get3A_237 = arith.index_cast %get3A_235 : i32 to index
        %get3A_238 = arith.index_cast %mul3A_233 : i32 to index
        %get3A_239 = tpu.vector_load %arg5[%get3A_236, %get3A_237, %get3A_238] {strides = array<i32>} : memref<8x2x1024xf32, #tpu.memory_space<vmem>>, vector<1x1x16xf32>,
        %get3A_240 = vector.shape_cast %get3A_239 : vector<1x1x16xf32> to vector<16xf32>
        %get3A_241 = arith.constant 5 : i32
        %get3A_242 = arith.index_cast %get3A_241 : i32 to index
        %get3A_243 = arith.index_cast %mul3A_233 : i32 to index
        %get3A_244 = tpu.vector_load %arg6[%get3A_242, %get3A_243] {strides = array<i32>} : memref<8x1024xf32, #tpu.memory_space<vmem>>, vector<1x16xf32>,
        %get3A_245 = vector.shape_cast %get3A_244 : vector<1x16xf32> to vector<16xf32>
        %add3A_246 = arith.addf %get3A_240, %get3A_245 : vector<16xf32>
        %swap3A_247 = arith.constant 5 : i32
        %swap3A_248 = arith.constant 0 : i32
        %swap3A_249 = arith.index_cast %swap3A_247 : i32 to index
        %swap3A_250 = arith.index_cast %swap3A_248 : i32 to index
        %swap3A_251 = arith.index_cast %mul3A_233 : i32 to index
        %swap3A_252 = tpu.vector_load %arg5[%swap3A_249, %swap3A_250, %swap3A_251] {strides = array<i32>} : memref<8x2x1024xf32, #tpu.memory_space<vmem>>, vector<1x1x16xf32>,
        %swap3A_253 = vector.shape_cast %swap3A_252 : vector<1x1x16xf32> to vector<16xf32>
        %swap3A_254 = vector.shape_cast %add3A_246 : vector<16xf32> to vector<1x1x16xf32>
        tpu.vector_store %arg5[%swap3A_249, %swap3A_250, %swap3A_251], %swap3A_254 {strides = array<i32>} : memref<8x2x1024xf32, #tpu.memory_space<vmem>>, vector<1x1x16xf32>,
        %scan3A_255 = arith.constant 6 : i32
        %scan3A_256 = arith.addi %scan3A_108, %scan3A_255 : i32
        %mul3A_257 = arith.constant 16 : i32
        %mul3A_258 = arith.muli %scan3A_256, %mul3A_257 : i32
        %get3A_259 = arith.constant 5 : i32
        %get3A_260 = arith.constant 0 : i32
        %get3A_261 = arith.index_cast %get3A_259 : i32 to index
        %get3A_262 = arith.index_cast %get3A_260 : i32 to index
        %get3A_263 = arith.index_cast %mul3A_258 : i32 to index
        %get3A_264 = tpu.vector_load %arg5[%get3A_261, %get3A_262, %get3A_263] {strides = array<i32>} : memref<8x2x1024xf32, #tpu.memory_space<vmem>>, vector<1x1x16xf32>,
        %get3A_265 = vector.shape_cast %get3A_264 : vector<1x1x16xf32> to vector<16xf32>
        %get3A_266 = arith.constant 5 : i32
        %get3A_267 = arith.index_cast %get3A_266 : i32 to index
        %get3A_268 = arith.index_cast %mul3A_258 : i32 to index
        %get3A_269 = tpu.vector_load %arg6[%get3A_267, %get3A_268] {strides = array<i32>} : memref<8x1024xf32, #tpu.memory_space<vmem>>, vector<1x16xf32>,
        %get3A_270 = vector.shape_cast %get3A_269 : vector<1x16xf32> to vector<16xf32>
        %add3A_271 = arith.addf %get3A_265, %get3A_270 : vector<16xf32>
        %swap3A_272 = arith.constant 5 : i32
        %swap3A_273 = arith.constant 0 : i32
        %swap3A_274 = arith.index_cast %swap3A_272 : i32 to index
        %swap3A_275 = arith.index_cast %swap3A_273 : i32 to index
        %swap3A_276 = arith.index_cast %mul3A_258 : i32 to index
        %swap3A_277 = tpu.vector_load %arg5[%swap3A_274, %swap3A_275, %swap3A_276] {strides = array<i32>} : memref<8x2x1024xf32, #tpu.memory_space<vmem>>, vector<1x1x16xf32>,
        %swap3A_278 = vector.shape_cast %swap3A_277 : vector<1x1x16xf32> to vector<16xf32>
        %swap3A_279 = vector.shape_cast %add3A_271 : vector<16xf32> to vector<1x1x16xf32>
        tpu.vector_store %arg5[%swap3A_274, %swap3A_275, %swap3A_276], %swap3A_279 {strides = array<i32>} : memref<8x2x1024xf32, #tpu.memory_space<vmem>>, vector<1x1x16xf32>,
        %scan3A_280 = arith.constant 7 : i32
        %scan3A_281 = arith.addi %scan3A_108, %scan3A_280 : i32
        %mul3A_282 = arith.constant 16 : i32
        %mul3A_283 = arith.muli %scan3A_281, %mul3A_282 : i32
        %get3A_284 = arith.constant 5 : i32
        %get3A_285 = arith.constant 0 : i32
        %get3A_286 = arith.index_cast %get3A_284 : i32 to index
        %get3A_287 = arith.index_cast %get3A_285 : i32 to index
        %get3A_288 = arith.index_cast %mul3A_283 : i32 to index
        %get3A_289 = tpu.vector_load %arg5[%get3A_286, %get3A_287, %get3A_288] {strides = array<i32>} : memref<8x2x1024xf32, #tpu.memory_space<vmem>>, vector<1x1x16xf32>,
        %get3A_290 = vector.shape_cast %get3A_289 : vector<1x1x16xf32> to vector<16xf32>
        %get3A_291 = arith.constant 5 : i32
        %get3A_292 = arith.index_cast %get3A_291 : i32 to index
        %get3A_293 = arith.index_cast %mul3A_283 : i32 to index
        %get3A_294 = tpu.vector_load %arg6[%get3A_292, %get3A_293] {strides = array<i32>} : memref<8x1024xf32, #tpu.memory_space<vmem>>, vector<1x16xf32>,
        %get3A_295 = vector.shape_cast %get3A_294 : vector<1x16xf32> to vector<16xf32>
        %add3A_296 = arith.addf %get3A_290, %get3A_295 : vector<16xf32>
        %swap3A_297 = arith.constant 5 : i32
        %swap3A_298 = arith.constant 0 : i32
        %swap3A_299 = arith.index_cast %swap3A_297 : i32 to index
        %swap3A_300 = arith.index_cast %swap3A_298 : i32 to index
        %swap3A_301 = arith.index_cast %mul3A_283 : i32 to index
        %swap3A_302 = tpu.vector_load %arg5[%swap3A_299, %swap3A_300, %swap3A_301] {strides = array<i32>} : memref<8x2x1024xf32, #tpu.memory_space<vmem>>, vector<1x1x16xf32>,
        %swap3A_303 = vector.shape_cast %swap3A_302 : vector<1x1x16xf32> to vector<16xf32>
        %swap3A_304 = vector.shape_cast %add3A_296 : vector<16xf32> to vector<1x1x16xf32>
        tpu.vector_store %arg5[%swap3A_299, %swap3A_300, %swap3A_301], %swap3A_304 {strides = array<i32>} : memref<8x2x1024xf32, #tpu.memory_space<vmem>>, vector<1x1x16xf32>,
      }
      %scan3A_77 = arith.constant 64 : i32
      %scan3A_78 = arith.constant 0 : i32
      %scan3A_79 = arith.constant 0 : i32
      %scan3A_80 = arith.constant 64 : i32
      %scan3A_81 = arith.addi %scan3A_79, %scan3A_80 : i32
      %scan3A_82 = arith.constant 8 : i32
      scf.for %scan3A_108 = %scan3A_79 to %scan3A_81 step %scan3A_82  : i32 {
        %mul3A_109 = arith.constant 16 : i32
        %mul3A_110 = arith.muli %scan3A_108, %mul3A_109 : i32
        %get3A = arith.constant 5 : i32
        %get3A_111 = arith.constant 1 : i32
        %get3A_112 = arith.index_cast %get3A : i32 to index
        %get3A_113 = arith.index_cast %get3A_111 : i32 to index
        %get3A_114 = arith.index_cast %mul3A_110 : i32 to index
        %get3A_115 = tpu.vector_load %arg5[%get3A_112, %get3A_113, %get3A_114] {strides = array<i32>} : memref<8x2x1024xf32, #tpu.memory_space<vmem>>, vector<1x1x16xf32>,
        %get3A_116 = vector.shape_cast %get3A_115 : vector<1x1x16xf32> to vector<16xf32>
        %get3A_117 = arith.constant 5 : i32
        %get3A_118 = arith.index_cast %get3A_117 : i32 to index
        %get3A_119 = arith.index_cast %mul3A_110 : i32 to index
        %get3A_120 = tpu.vector_load %arg6[%get3A_118, %get3A_119] {strides = array<i32>} : memref<8x1024xf32, #tpu.memory_space<vmem>>, vector<1x16xf32>,
        %get3A_121 = vector.shape_cast %get3A_120 : vector<1x16xf32> to vector<16xf32>
        %add3A_122 = arith.addf %get3A_116, %get3A_121 : vector<16xf32>
        %swap3A = arith.constant 5 : i32
        %swap3A_123 = arith.constant 1 : i32
        %swap3A_124 = arith.index_cast %swap3A : i32 to index
        %swap3A_125 = arith.index_cast %swap3A_123 : i32 to index
        %swap3A_126 = arith.index_cast %mul3A_110 : i32 to index
        %swap3A_127 = tpu.vector_load %arg5[%swap3A_124, %swap3A_125, %swap3A_126] {strides = array<i32>} : memref<8x2x1024xf32, #tpu.memory_space<vmem>>, vector<1x1x16xf32>,
        %swap3A_128 = vector.shape_cast %swap3A_127 : vector<1x1x16xf32> to vector<16xf32>
        %swap3A_129 = vector.shape_cast %add3A_122 : vector<16xf32> to vector<1x1x16xf32>
        tpu.vector_store %arg5[%swap3A_124, %swap3A_125, %swap3A_126], %swap3A_129 {strides = array<i32>} : memref<8x2x1024xf32, #tpu.memory_space<vmem>>, vector<1x1x16xf32>,
        %scan3A_130 = arith.constant 1 : i32
        %scan3A_131 = arith.addi %scan3A_108, %scan3A_130 : i32
        %mul3A_132 = arith.constant 16 : i32
        %mul3A_133 = arith.muli %scan3A_131, %mul3A_132 : i32
        %get3A_134 = arith.constant 5 : i32
        %get3A_135 = arith.constant 1 : i32
        %get3A_136 = arith.index_cast %get3A_134 : i32 to index
        %get3A_137 = arith.index_cast %get3A_135 : i32 to index
        %get3A_138 = arith.index_cast %mul3A_133 : i32 to index
        %get3A_139 = tpu.vector_load %arg5[%get3A_136, %get3A_137, %get3A_138] {strides = array<i32>} : memref<8x2x1024xf32, #tpu.memory_space<vmem>>, vector<1x1x16xf32>,
        %get3A_140 = vector.shape_cast %get3A_139 : vector<1x1x16xf32> to vector<16xf32>
        %get3A_141 = arith.constant 5 : i32
        %get3A_142 = arith.index_cast %get3A_141 : i32 to index
        %get3A_143 = arith.index_cast %mul3A_133 : i32 to index
        %get3A_144 = tpu.vector_load %arg6[%get3A_142, %get3A_143] {strides = array<i32>} : memref<8x1024xf32, #tpu.memory_space<vmem>>, vector<1x16xf32>,
        %get3A_145 = vector.shape_cast %get3A_144 : vector<1x16xf32> to vector<16xf32>
        %add3A_146 = arith.addf %get3A_140, %get3A_145 : vector<16xf32>
        %swap3A_147 = arith.constant 5 : i32
        %swap3A_148 = arith.constant 1 : i32
        %swap3A_149 = arith.index_cast %swap3A_147 : i32 to index
        %swap3A_150 = arith.index_cast %swap3A_148 : i32 to index
        %swap3A_151 = arith.index_cast %mul3A_133 : i32 to index
        %swap3A_152 = tpu.vector_load %arg5[%swap3A_149, %swap3A_150, %swap3A_151] {strides = array<i32>} : memref<8x2x1024xf32, #tpu.memory_space<vmem>>, vector<1x1x16xf32>,
        %swap3A_153 = vector.shape_cast %swap3A_152 : vector<1x1x16xf32> to vector<16xf32>
        %swap3A_154 = vector.shape_cast %add3A_146 : vector<16xf32> to vector<1x1x16xf32>
        tpu.vector_store %arg5[%swap3A_149, %swap3A_150, %swap3A_151], %swap3A_154 {strides = array<i32>} : memref<8x2x1024xf32, #tpu.memory_space<vmem>>, vector<1x1x16xf32>,
        %scan3A_155 = arith.constant 2 : i32
        %scan3A_156 = arith.addi %scan3A_108, %scan3A_155 : i32
        %mul3A_157 = arith.constant 16 : i32
        %mul3A_158 = arith.muli %scan3A_156, %mul3A_157 : i32
        %get3A_159 = arith.constant 5 : i32
        %get3A_160 = arith.constant 1 : i32
        %get3A_161 = arith.index_cast %get3A_159 : i32 to index
        %get3A_162 = arith.index_cast %get3A_160 : i32 to index
        %get3A_163 = arith.index_cast %mul3A_158 : i32 to index
        %get3A_164 = tpu.vector_load %arg5[%get3A_161, %get3A_162, %get3A_163] {strides = array<i32>} : memref<8x2x1024xf32, #tpu.memory_space<vmem>>, vector<1x1x16xf32>,
        %get3A_165 = vector.shape_cast %get3A_164 : vector<1x1x16xf32> to vector<16xf32>
        %get3A_166 = arith.constant 5 : i32
        %get3A_167 = arith.index_cast %get3A_166 : i32 to index
        %get3A_168 = arith.index_cast %mul3A_158 : i32 to index
        %get3A_169 = tpu.vector_load %arg6[%get3A_167, %get3A_168] {strides = array<i32>} : memref<8x1024xf32, #tpu.memory_space<vmem>>, vector<1x16xf32>,
        %get3A_170 = vector.shape_cast %get3A_169 : vector<1x16xf32> to vector<16xf32>
        %add3A_171 = arith.addf %get3A_165, %get3A_170 : vector<16xf32>
        %swap3A_172 = arith.constant 5 : i32
        %swap3A_173 = arith.constant 1 : i32
        %swap3A_174 = arith.index_cast %swap3A_172 : i32 to index
        %swap3A_175 = arith.index_cast %swap3A_173 : i32 to index
        %swap3A_176 = arith.index_cast %mul3A_158 : i32 to index
        %swap3A_177 = tpu.vector_load %arg5[%swap3A_174, %swap3A_175, %swap3A_176] {strides = array<i32>} : memref<8x2x1024xf32, #tpu.memory_space<vmem>>, vector<1x1x16xf32>,
        %swap3A_178 = vector.shape_cast %swap3A_177 : vector<1x1x16xf32> to vector<16xf32>
        %swap3A_179 = vector.shape_cast %add3A_171 : vector<16xf32> to vector<1x1x16xf32>
        tpu.vector_store %arg5[%swap3A_174, %swap3A_175, %swap3A_176], %swap3A_179 {strides = array<i32>} : memref<8x2x1024xf32, #tpu.memory_space<vmem>>, vector<1x1x16xf32>,
        %scan3A_180 = arith.constant 3 : i32
        %scan3A_181 = arith.addi %scan3A_108, %scan3A_180 : i32
        %mul3A_182 = arith.constant 16 : i32
        %mul3A_183 = arith.muli %scan3A_181, %mul3A_182 : i32
        %get3A_184 = arith.constant 5 : i32
        %get3A_185 = arith.constant 1 : i32
        %get3A_186 = arith.index_cast %get3A_184 : i32 to index
        %get3A_187 = arith.index_cast %get3A_185 : i32 to index
        %get3A_188 = arith.index_cast %mul3A_183 : i32 to index
        %get3A_189 = tpu.vector_load %arg5[%get3A_186, %get3A_187, %get3A_188] {strides = array<i32>} : memref<8x2x1024xf32, #tpu.memory_space<vmem>>, vector<1x1x16xf32>,
        %get3A_190 = vector.shape_cast %get3A_189 : vector<1x1x16xf32> to vector<16xf32>
        %get3A_191 = arith.constant 5 : i32
        %get3A_192 = arith.index_cast %get3A_191 : i32 to index
        %get3A_193 = arith.index_cast %mul3A_183 : i32 to index
        %get3A_194 = tpu.vector_load %arg6[%get3A_192, %get3A_193] {strides = array<i32>} : memref<8x1024xf32, #tpu.memory_space<vmem>>, vector<1x16xf32>,
        %get3A_195 = vector.shape_cast %get3A_194 : vector<1x16xf32> to vector<16xf32>
        %add3A_196 = arith.addf %get3A_190, %get3A_195 : vector<16xf32>
        %swap3A_197 = arith.constant 5 : i32
        %swap3A_198 = arith.constant 1 : i32
        %swap3A_199 = arith.index_cast %swap3A_197 : i32 to index
        %swap3A_200 = arith.index_cast %swap3A_198 : i32 to index
        %swap3A_201 = arith.index_cast %mul3A_183 : i32 to index
        %swap3A_202 = tpu.vector_load %arg5[%swap3A_199, %swap3A_200, %swap3A_201] {strides = array<i32>} : memref<8x2x1024xf32, #tpu.memory_space<vmem>>, vector<1x1x16xf32>,
        %swap3A_203 = vector.shape_cast %swap3A_202 : vector<1x1x16xf32> to vector<16xf32>
        %swap3A_204 = vector.shape_cast %add3A_196 : vector<16xf32> to vector<1x1x16xf32>
        tpu.vector_store %arg5[%swap3A_199, %swap3A_200, %swap3A_201], %swap3A_204 {strides = array<i32>} : memref<8x2x1024xf32, #tpu.memory_space<vmem>>, vector<1x1x16xf32>,
        %scan3A_205 = arith.constant 4 : i32
        %scan3A_206 = arith.addi %scan3A_108, %scan3A_205 : i32
        %mul3A_207 = arith.constant 16 : i32
        %mul3A_208 = arith.muli %scan3A_206, %mul3A_207 : i32
        %get3A_209 = arith.constant 5 : i32
        %get3A_210 = arith.constant 1 : i32
        %get3A_211 = arith.index_cast %get3A_209 : i32 to index
        %get3A_212 = arith.index_cast %get3A_210 : i32 to index
        %get3A_213 = arith.index_cast %mul3A_208 : i32 to index
        %get3A_214 = tpu.vector_load %arg5[%get3A_211, %get3A_212, %get3A_213] {strides = array<i32>} : memref<8x2x1024xf32, #tpu.memory_space<vmem>>, vector<1x1x16xf32>,
        %get3A_215 = vector.shape_cast %get3A_214 : vector<1x1x16xf32> to vector<16xf32>
        %get3A_216 = arith.constant 5 : i32
        %get3A_217 = arith.index_cast %get3A_216 : i32 to index
        %get3A_218 = arith.index_cast %mul3A_208 : i32 to index
        %get3A_219 = tpu.vector_load %arg6[%get3A_217, %get3A_218] {strides = array<i32>} : memref<8x1024xf32, #tpu.memory_space<vmem>>, vector<1x16xf32>,
        %get3A_220 = vector.shape_cast %get3A_219 : vector<1x16xf32> to vector<16xf32>
        %add3A_221 = arith.addf %get3A_215, %get3A_220 : vector<16xf32>
        %swap3A_222 = arith.constant 5 : i32
        %swap3A_223 = arith.constant 1 : i32
        %swap3A_224 = arith.index_cast %swap3A_222 : i32 to index
        %swap3A_225 = arith.index_cast %swap3A_223 : i32 to index
        %swap3A_226 = arith.index_cast %mul3A_208 : i32 to index
        %swap3A_227 = tpu.vector_load %arg5[%swap3A_224, %swap3A_225, %swap3A_226] {strides = array<i32>} : memref<8x2x1024xf32, #tpu.memory_space<vmem>>, vector<1x1x16xf32>,
        %swap3A_228 = vector.shape_cast %swap3A_227 : vector<1x1x16xf32> to vector<16xf32>
        %swap3A_229 = vector.shape_cast %add3A_221 : vector<16xf32> to vector<1x1x16xf32>
        tpu.vector_store %arg5[%swap3A_224, %swap3A_225, %swap3A_226], %swap3A_229 {strides = array<i32>} : memref<8x2x1024xf32, #tpu.memory_space<vmem>>, vector<1x1x16xf32>,
        %scan3A_230 = arith.constant 5 : i32
        %scan3A_231 = arith.addi %scan3A_108, %scan3A_230 : i32
        %mul3A_232 = arith.constant 16 : i32
        %mul3A_233 = arith.muli %scan3A_231, %mul3A_232 : i32
        %get3A_234 = arith.constant 5 : i32
        %get3A_235 = arith.constant 1 : i32
        %get3A_236 = arith.index_cast %get3A_234 : i32 to index
        %get3A_237 = arith.index_cast %get3A_235 : i32 to index
        %get3A_238 = arith.index_cast %mul3A_233 : i32 to index
        %get3A_239 = tpu.vector_load %arg5[%get3A_236, %get3A_237, %get3A_238] {strides = array<i32>} : memref<8x2x1024xf32, #tpu.memory_space<vmem>>, vector<1x1x16xf32>,
        %get3A_240 = vector.shape_cast %get3A_239 : vector<1x1x16xf32> to vector<16xf32>
        %get3A_241 = arith.constant 5 : i32
        %get3A_242 = arith.index_cast %get3A_241 : i32 to index
        %get3A_243 = arith.index_cast %mul3A_233 : i32 to index
        %get3A_244 = tpu.vector_load %arg6[%get3A_242, %get3A_243] {strides = array<i32>} : memref<8x1024xf32, #tpu.memory_space<vmem>>, vector<1x16xf32>,
        %get3A_245 = vector.shape_cast %get3A_244 : vector<1x16xf32> to vector<16xf32>
        %add3A_246 = arith.addf %get3A_240, %get3A_245 : vector<16xf32>
        %swap3A_247 = arith.constant 5 : i32
        %swap3A_248 = arith.constant 1 : i32
        %swap3A_249 = arith.index_cast %swap3A_247 : i32 to index
        %swap3A_250 = arith.index_cast %swap3A_248 : i32 to index
        %swap3A_251 = arith.index_cast %mul3A_233 : i32 to index
        %swap3A_252 = tpu.vector_load %arg5[%swap3A_249, %swap3A_250, %swap3A_251] {strides = array<i32>} : memref<8x2x1024xf32, #tpu.memory_space<vmem>>, vector<1x1x16xf32>,
        %swap3A_253 = vector.shape_cast %swap3A_252 : vector<1x1x16xf32> to vector<16xf32>
        %swap3A_254 = vector.shape_cast %add3A_246 : vector<16xf32> to vector<1x1x16xf32>
        tpu.vector_store %arg5[%swap3A_249, %swap3A_250, %swap3A_251], %swap3A_254 {strides = array<i32>} : memref<8x2x1024xf32, #tpu.memory_space<vmem>>, vector<1x1x16xf32>,
        %scan3A_255 = arith.constant 6 : i32
        %scan3A_256 = arith.addi %scan3A_108, %scan3A_255 : i32
        %mul3A_257 = arith.constant 16 : i32
        %mul3A_258 = arith.muli %scan3A_256, %mul3A_257 : i32
        %get3A_259 = arith.constant 5 : i32
        %get3A_260 = arith.constant 1 : i32
        %get3A_261 = arith.index_cast %get3A_259 : i32 to index
        %get3A_262 = arith.index_cast %get3A_260 : i32 to index
        %get3A_263 = arith.index_cast %mul3A_258 : i32 to index
        %get3A_264 = tpu.vector_load %arg5[%get3A_261, %get3A_262, %get3A_263] {strides = array<i32>} : memref<8x2x1024xf32, #tpu.memory_space<vmem>>, vector<1x1x16xf32>,
        %get3A_265 = vector.shape_cast %get3A_264 : vector<1x1x16xf32> to vector<16xf32>
        %get3A_266 = arith.constant 5 : i32
        %get3A_267 = arith.index_cast %get3A_266 : i32 to index
        %get3A_268 = arith.index_cast %mul3A_258 : i32 to index
        %get3A_269 = tpu.vector_load %arg6[%get3A_267, %get3A_268] {strides = array<i32>} : memref<8x1024xf32, #tpu.memory_space<vmem>>, vector<1x16xf32>,
        %get3A_270 = vector.shape_cast %get3A_269 : vector<1x16xf32> to vector<16xf32>
        %add3A_271 = arith.addf %get3A_265, %get3A_270 : vector<16xf32>
        %swap3A_272 = arith.constant 5 : i32
        %swap3A_273 = arith.constant 1 : i32
        %swap3A_274 = arith.index_cast %swap3A_272 : i32 to index
        %swap3A_275 = arith.index_cast %swap3A_273 : i32 to index
        %swap3A_276 = arith.index_cast %mul3A_258 : i32 to index
        %swap3A_277 = tpu.vector_load %arg5[%swap3A_274, %swap3A_275, %swap3A_276] {strides = array<i32>} : memref<8x2x1024xf32, #tpu.memory_space<vmem>>, vector<1x1x16xf32>,
        %swap3A_278 = vector.shape_cast %swap3A_277 : vector<1x1x16xf32> to vector<16xf32>
        %swap3A_279 = vector.shape_cast %add3A_271 : vector<16xf32> to vector<1x1x16xf32>
        tpu.vector_store %arg5[%swap3A_274, %swap3A_275, %swap3A_276], %swap3A_279 {strides = array<i32>} : memref<8x2x1024xf32, #tpu.memory_space<vmem>>, vector<1x1x16xf32>,
        %scan3A_280 = arith.constant 7 : i32
        %scan3A_281 = arith.addi %scan3A_108, %scan3A_280 : i32
        %mul3A_282 = arith.constant 16 : i32
        %mul3A_283 = arith.muli %scan3A_281, %mul3A_282 : i32
        %get3A_284 = arith.constant 5 : i32
        %get3A_285 = arith.constant 1 : i32
        %get3A_286 = arith.index_cast %get3A_284 : i32 to index
        %get3A_287 = arith.index_cast %get3A_285 : i32 to index
        %get3A_288 = arith.index_cast %mul3A_283 : i32 to index
        %get3A_289 = tpu.vector_load %arg5[%get3A_286, %get3A_287, %get3A_288] {strides = array<i32>} : memref<8x2x1024xf32, #tpu.memory_space<vmem>>, vector<1x1x16xf32>,
        %get3A_290 = vector.shape_cast %get3A_289 : vector<1x1x16xf32> to vector<16xf32>
        %get3A_291 = arith.constant 5 : i32
        %get3A_292 = arith.index_cast %get3A_291 : i32 to index
        %get3A_293 = arith.index_cast %mul3A_283 : i32 to index
        %get3A_294 = tpu.vector_load %arg6[%get3A_292, %get3A_293] {strides = array<i32>} : memref<8x1024xf32, #tpu.memory_space<vmem>>, vector<1x16xf32>,
        %get3A_295 = vector.shape_cast %get3A_294 : vector<1x16xf32> to vector<16xf32>
        %add3A_296 = arith.addf %get3A_290, %get3A_295 : vector<16xf32>
        %swap3A_297 = arith.constant 5 : i32
        %swap3A_298 = arith.constant 1 : i32
        %swap3A_299 = arith.index_cast %swap3A_297 : i32 to index
        %swap3A_300 = arith.index_cast %swap3A_298 : i32 to index
        %swap3A_301 = arith.index_cast %mul3A_283 : i32 to index
        %swap3A_302 = tpu.vector_load %arg5[%swap3A_299, %swap3A_300, %swap3A_301] {strides = array<i32>} : memref<8x2x1024xf32, #tpu.memory_space<vmem>>, vector<1x1x16xf32>,
        %swap3A_303 = vector.shape_cast %swap3A_302 : vector<1x1x16xf32> to vector<16xf32>
        %swap3A_304 = vector.shape_cast %add3A_296 : vector<16xf32> to vector<1x1x16xf32>
        tpu.vector_store %arg5[%swap3A_299, %swap3A_300, %swap3A_301], %swap3A_304 {strides = array<i32>} : memref<8x2x1024xf32, #tpu.memory_space<vmem>>, vector<1x1x16xf32>,
      }
      %scan3A_83 = arith.constant 64 : i32
      %scan3A_84 = arith.constant 0 : i32
      %scan3A_85 = arith.constant 0 : i32
      %scan3A_86 = arith.constant 64 : i32
      %scan3A_87 = arith.addi %scan3A_85, %scan3A_86 : i32
      %scan3A_88 = arith.constant 8 : i32
      scf.for %scan3A_108 = %scan3A_85 to %scan3A_87 step %scan3A_88  : i32 {
        %mul3A_109 = arith.constant 16 : i32
        %mul3A_110 = arith.muli %scan3A_108, %mul3A_109 : i32
        %get3A = arith.constant 6 : i32
        %get3A_111 = arith.constant 0 : i32
        %get3A_112 = arith.index_cast %get3A : i32 to index
        %get3A_113 = arith.index_cast %get3A_111 : i32 to index
        %get3A_114 = arith.index_cast %mul3A_110 : i32 to index
        %get3A_115 = tpu.vector_load %arg5[%get3A_112, %get3A_113, %get3A_114] {strides = array<i32>} : memref<8x2x1024xf32, #tpu.memory_space<vmem>>, vector<1x1x16xf32>,
        %get3A_116 = vector.shape_cast %get3A_115 : vector<1x1x16xf32> to vector<16xf32>
        %get3A_117 = arith.constant 6 : i32
        %get3A_118 = arith.index_cast %get3A_117 : i32 to index
        %get3A_119 = arith.index_cast %mul3A_110 : i32 to index
        %get3A_120 = tpu.vector_load %arg6[%get3A_118, %get3A_119] {strides = array<i32>} : memref<8x1024xf32, #tpu.memory_space<vmem>>, vector<1x16xf32>,
        %get3A_121 = vector.shape_cast %get3A_120 : vector<1x16xf32> to vector<16xf32>
        %add3A_122 = arith.addf %get3A_116, %get3A_121 : vector<16xf32>
        %swap3A = arith.constant 6 : i32
        %swap3A_123 = arith.constant 0 : i32
        %swap3A_124 = arith.index_cast %swap3A : i32 to index
        %swap3A_125 = arith.index_cast %swap3A_123 : i32 to index
        %swap3A_126 = arith.index_cast %mul3A_110 : i32 to index
        %swap3A_127 = tpu.vector_load %arg5[%swap3A_124, %swap3A_125, %swap3A_126] {strides = array<i32>} : memref<8x2x1024xf32, #tpu.memory_space<vmem>>, vector<1x1x16xf32>,
        %swap3A_128 = vector.shape_cast %swap3A_127 : vector<1x1x16xf32> to vector<16xf32>
        %swap3A_129 = vector.shape_cast %add3A_122 : vector<16xf32> to vector<1x1x16xf32>
        tpu.vector_store %arg5[%swap3A_124, %swap3A_125, %swap3A_126], %swap3A_129 {strides = array<i32>} : memref<8x2x1024xf32, #tpu.memory_space<vmem>>, vector<1x1x16xf32>,
        %scan3A_130 = arith.constant 1 : i32
        %scan3A_131 = arith.addi %scan3A_108, %scan3A_130 : i32
        %mul3A_132 = arith.constant 16 : i32
        %mul3A_133 = arith.muli %scan3A_131, %mul3A_132 : i32
        %get3A_134 = arith.constant 6 : i32
        %get3A_135 = arith.constant 0 : i32
        %get3A_136 = arith.index_cast %get3A_134 : i32 to index
        %get3A_137 = arith.index_cast %get3A_135 : i32 to index
        %get3A_138 = arith.index_cast %mul3A_133 : i32 to index
        %get3A_139 = tpu.vector_load %arg5[%get3A_136, %get3A_137, %get3A_138] {strides = array<i32>} : memref<8x2x1024xf32, #tpu.memory_space<vmem>>, vector<1x1x16xf32>,
        %get3A_140 = vector.shape_cast %get3A_139 : vector<1x1x16xf32> to vector<16xf32>
        %get3A_141 = arith.constant 6 : i32
        %get3A_142 = arith.index_cast %get3A_141 : i32 to index
        %get3A_143 = arith.index_cast %mul3A_133 : i32 to index
        %get3A_144 = tpu.vector_load %arg6[%get3A_142, %get3A_143] {strides = array<i32>} : memref<8x1024xf32, #tpu.memory_space<vmem>>, vector<1x16xf32>,
        %get3A_145 = vector.shape_cast %get3A_144 : vector<1x16xf32> to vector<16xf32>
        %add3A_146 = arith.addf %get3A_140, %get3A_145 : vector<16xf32>
        %swap3A_147 = arith.constant 6 : i32
        %swap3A_148 = arith.constant 0 : i32
        %swap3A_149 = arith.index_cast %swap3A_147 : i32 to index
        %swap3A_150 = arith.index_cast %swap3A_148 : i32 to index
        %swap3A_151 = arith.index_cast %mul3A_133 : i32 to index
        %swap3A_152 = tpu.vector_load %arg5[%swap3A_149, %swap3A_150, %swap3A_151] {strides = array<i32>} : memref<8x2x1024xf32, #tpu.memory_space<vmem>>, vector<1x1x16xf32>,
        %swap3A_153 = vector.shape_cast %swap3A_152 : vector<1x1x16xf32> to vector<16xf32>
        %swap3A_154 = vector.shape_cast %add3A_146 : vector<16xf32> to vector<1x1x16xf32>
        tpu.vector_store %arg5[%swap3A_149, %swap3A_150, %swap3A_151], %swap3A_154 {strides = array<i32>} : memref<8x2x1024xf32, #tpu.memory_space<vmem>>, vector<1x1x16xf32>,
        %scan3A_155 = arith.constant 2 : i32
        %scan3A_156 = arith.addi %scan3A_108, %scan3A_155 : i32
        %mul3A_157 = arith.constant 16 : i32
        %mul3A_158 = arith.muli %scan3A_156, %mul3A_157 : i32
        %get3A_159 = arith.constant 6 : i32
        %get3A_160 = arith.constant 0 : i32
        %get3A_161 = arith.index_cast %get3A_159 : i32 to index
        %get3A_162 = arith.index_cast %get3A_160 : i32 to index
        %get3A_163 = arith.index_cast %mul3A_158 : i32 to index
        %get3A_164 = tpu.vector_load %arg5[%get3A_161, %get3A_162, %get3A_163] {strides = array<i32>} : memref<8x2x1024xf32, #tpu.memory_space<vmem>>, vector<1x1x16xf32>,
        %get3A_165 = vector.shape_cast %get3A_164 : vector<1x1x16xf32> to vector<16xf32>
        %get3A_166 = arith.constant 6 : i32
        %get3A_167 = arith.index_cast %get3A_166 : i32 to index
        %get3A_168 = arith.index_cast %mul3A_158 : i32 to index
        %get3A_169 = tpu.vector_load %arg6[%get3A_167, %get3A_168] {strides = array<i32>} : memref<8x1024xf32, #tpu.memory_space<vmem>>, vector<1x16xf32>,
        %get3A_170 = vector.shape_cast %get3A_169 : vector<1x16xf32> to vector<16xf32>
        %add3A_171 = arith.addf %get3A_165, %get3A_170 : vector<16xf32>
        %swap3A_172 = arith.constant 6 : i32
        %swap3A_173 = arith.constant 0 : i32
        %swap3A_174 = arith.index_cast %swap3A_172 : i32 to index
        %swap3A_175 = arith.index_cast %swap3A_173 : i32 to index
        %swap3A_176 = arith.index_cast %mul3A_158 : i32 to index
        %swap3A_177 = tpu.vector_load %arg5[%swap3A_174, %swap3A_175, %swap3A_176] {strides = array<i32>} : memref<8x2x1024xf32, #tpu.memory_space<vmem>>, vector<1x1x16xf32>,
        %swap3A_178 = vector.shape_cast %swap3A_177 : vector<1x1x16xf32> to vector<16xf32>
        %swap3A_179 = vector.shape_cast %add3A_171 : vector<16xf32> to vector<1x1x16xf32>
        tpu.vector_store %arg5[%swap3A_174, %swap3A_175, %swap3A_176], %swap3A_179 {strides = array<i32>} : memref<8x2x1024xf32, #tpu.memory_space<vmem>>, vector<1x1x16xf32>,
        %scan3A_180 = arith.constant 3 : i32
        %scan3A_181 = arith.addi %scan3A_108, %scan3A_180 : i32
        %mul3A_182 = arith.constant 16 : i32
        %mul3A_183 = arith.muli %scan3A_181, %mul3A_182 : i32
        %get3A_184 = arith.constant 6 : i32
        %get3A_185 = arith.constant 0 : i32
        %get3A_186 = arith.index_cast %get3A_184 : i32 to index
        %get3A_187 = arith.index_cast %get3A_185 : i32 to index
        %get3A_188 = arith.index_cast %mul3A_183 : i32 to index
        %get3A_189 = tpu.vector_load %arg5[%get3A_186, %get3A_187, %get3A_188] {strides = array<i32>} : memref<8x2x1024xf32, #tpu.memory_space<vmem>>, vector<1x1x16xf32>,
        %get3A_190 = vector.shape_cast %get3A_189 : vector<1x1x16xf32> to vector<16xf32>
        %get3A_191 = arith.constant 6 : i32
        %get3A_192 = arith.index_cast %get3A_191 : i32 to index
        %get3A_193 = arith.index_cast %mul3A_183 : i32 to index
        %get3A_194 = tpu.vector_load %arg6[%get3A_192, %get3A_193] {strides = array<i32>} : memref<8x1024xf32, #tpu.memory_space<vmem>>, vector<1x16xf32>,
        %get3A_195 = vector.shape_cast %get3A_194 : vector<1x16xf32> to vector<16xf32>
        %add3A_196 = arith.addf %get3A_190, %get3A_195 : vector<16xf32>
        %swap3A_197 = arith.constant 6 : i32
        %swap3A_198 = arith.constant 0 : i32
        %swap3A_199 = arith.index_cast %swap3A_197 : i32 to index
        %swap3A_200 = arith.index_cast %swap3A_198 : i32 to index
        %swap3A_201 = arith.index_cast %mul3A_183 : i32 to index
        %swap3A_202 = tpu.vector_load %arg5[%swap3A_199, %swap3A_200, %swap3A_201] {strides = array<i32>} : memref<8x2x1024xf32, #tpu.memory_space<vmem>>, vector<1x1x16xf32>,
        %swap3A_203 = vector.shape_cast %swap3A_202 : vector<1x1x16xf32> to vector<16xf32>
        %swap3A_204 = vector.shape_cast %add3A_196 : vector<16xf32> to vector<1x1x16xf32>
        tpu.vector_store %arg5[%swap3A_199, %swap3A_200, %swap3A_201], %swap3A_204 {strides = array<i32>} : memref<8x2x1024xf32, #tpu.memory_space<vmem>>, vector<1x1x16xf32>,
        %scan3A_205 = arith.constant 4 : i32
        %scan3A_206 = arith.addi %scan3A_108, %scan3A_205 : i32
        %mul3A_207 = arith.constant 16 : i32
        %mul3A_208 = arith.muli %scan3A_206, %mul3A_207 : i32
        %get3A_209 = arith.constant 6 : i32
        %get3A_210 = arith.constant 0 : i32
        %get3A_211 = arith.index_cast %get3A_209 : i32 to index
        %get3A_212 = arith.index_cast %get3A_210 : i32 to index
        %get3A_213 = arith.index_cast %mul3A_208 : i32 to index
        %get3A_214 = tpu.vector_load %arg5[%get3A_211, %get3A_212, %get3A_213] {strides = array<i32>} : memref<8x2x1024xf32, #tpu.memory_space<vmem>>, vector<1x1x16xf32>,
        %get3A_215 = vector.shape_cast %get3A_214 : vector<1x1x16xf32> to vector<16xf32>
        %get3A_216 = arith.constant 6 : i32
        %get3A_217 = arith.index_cast %get3A_216 : i32 to index
        %get3A_218 = arith.index_cast %mul3A_208 : i32 to index
        %get3A_219 = tpu.vector_load %arg6[%get3A_217, %get3A_218] {strides = array<i32>} : memref<8x1024xf32, #tpu.memory_space<vmem>>, vector<1x16xf32>,
        %get3A_220 = vector.shape_cast %get3A_219 : vector<1x16xf32> to vector<16xf32>
        %add3A_221 = arith.addf %get3A_215, %get3A_220 : vector<16xf32>
        %swap3A_222 = arith.constant 6 : i32
        %swap3A_223 = arith.constant 0 : i32
        %swap3A_224 = arith.index_cast %swap3A_222 : i32 to index
        %swap3A_225 = arith.index_cast %swap3A_223 : i32 to index
        %swap3A_226 = arith.index_cast %mul3A_208 : i32 to index
        %swap3A_227 = tpu.vector_load %arg5[%swap3A_224, %swap3A_225, %swap3A_226] {strides = array<i32>} : memref<8x2x1024xf32, #tpu.memory_space<vmem>>, vector<1x1x16xf32>,
        %swap3A_228 = vector.shape_cast %swap3A_227 : vector<1x1x16xf32> to vector<16xf32>
        %swap3A_229 = vector.shape_cast %add3A_221 : vector<16xf32> to vector<1x1x16xf32>
        tpu.vector_store %arg5[%swap3A_224, %swap3A_225, %swap3A_226], %swap3A_229 {strides = array<i32>} : memref<8x2x1024xf32, #tpu.memory_space<vmem>>, vector<1x1x16xf32>,
        %scan3A_230 = arith.constant 5 : i32
        %scan3A_231 = arith.addi %scan3A_108, %scan3A_230 : i32
        %mul3A_232 = arith.constant 16 : i32
        %mul3A_233 = arith.muli %scan3A_231, %mul3A_232 : i32
        %get3A_234 = arith.constant 6 : i32
        %get3A_235 = arith.constant 0 : i32
        %get3A_236 = arith.index_cast %get3A_234 : i32 to index
        %get3A_237 = arith.index_cast %get3A_235 : i32 to index
        %get3A_238 = arith.index_cast %mul3A_233 : i32 to index
        %get3A_239 = tpu.vector_load %arg5[%get3A_236, %get3A_237, %get3A_238] {strides = array<i32>} : memref<8x2x1024xf32, #tpu.memory_space<vmem>>, vector<1x1x16xf32>,
        %get3A_240 = vector.shape_cast %get3A_239 : vector<1x1x16xf32> to vector<16xf32>
        %get3A_241 = arith.constant 6 : i32
        %get3A_242 = arith.index_cast %get3A_241 : i32 to index
        %get3A_243 = arith.index_cast %mul3A_233 : i32 to index
        %get3A_244 = tpu.vector_load %arg6[%get3A_242, %get3A_243] {strides = array<i32>} : memref<8x1024xf32, #tpu.memory_space<vmem>>, vector<1x16xf32>,
        %get3A_245 = vector.shape_cast %get3A_244 : vector<1x16xf32> to vector<16xf32>
        %add3A_246 = arith.addf %get3A_240, %get3A_245 : vector<16xf32>
        %swap3A_247 = arith.constant 6 : i32
        %swap3A_248 = arith.constant 0 : i32
        %swap3A_249 = arith.index_cast %swap3A_247 : i32 to index
        %swap3A_250 = arith.index_cast %swap3A_248 : i32 to index
        %swap3A_251 = arith.index_cast %mul3A_233 : i32 to index
        %swap3A_252 = tpu.vector_load %arg5[%swap3A_249, %swap3A_250, %swap3A_251] {strides = array<i32>} : memref<8x2x1024xf32, #tpu.memory_space<vmem>>, vector<1x1x16xf32>,
        %swap3A_253 = vector.shape_cast %swap3A_252 : vector<1x1x16xf32> to vector<16xf32>
        %swap3A_254 = vector.shape_cast %add3A_246 : vector<16xf32> to vector<1x1x16xf32>
        tpu.vector_store %arg5[%swap3A_249, %swap3A_250, %swap3A_251], %swap3A_254 {strides = array<i32>} : memref<8x2x1024xf32, #tpu.memory_space<vmem>>, vector<1x1x16xf32>,
        %scan3A_255 = arith.constant 6 : i32
        %scan3A_256 = arith.addi %scan3A_108, %scan3A_255 : i32
        %mul3A_257 = arith.constant 16 : i32
        %mul3A_258 = arith.muli %scan3A_256, %mul3A_257 : i32
        %get3A_259 = arith.constant 6 : i32
        %get3A_260 = arith.constant 0 : i32
        %get3A_261 = arith.index_cast %get3A_259 : i32 to index
        %get3A_262 = arith.index_cast %get3A_260 : i32 to index
        %get3A_263 = arith.index_cast %mul3A_258 : i32 to index
        %get3A_264 = tpu.vector_load %arg5[%get3A_261, %get3A_262, %get3A_263] {strides = array<i32>} : memref<8x2x1024xf32, #tpu.memory_space<vmem>>, vector<1x1x16xf32>,
        %get3A_265 = vector.shape_cast %get3A_264 : vector<1x1x16xf32> to vector<16xf32>
        %get3A_266 = arith.constant 6 : i32
        %get3A_267 = arith.index_cast %get3A_266 : i32 to index
        %get3A_268 = arith.index_cast %mul3A_258 : i32 to index
        %get3A_269 = tpu.vector_load %arg6[%get3A_267, %get3A_268] {strides = array<i32>} : memref<8x1024xf32, #tpu.memory_space<vmem>>, vector<1x16xf32>,
        %get3A_270 = vector.shape_cast %get3A_269 : vector<1x16xf32> to vector<16xf32>
        %add3A_271 = arith.addf %get3A_265, %get3A_270 : vector<16xf32>
        %swap3A_272 = arith.constant 6 : i32
        %swap3A_273 = arith.constant 0 : i32
        %swap3A_274 = arith.index_cast %swap3A_272 : i32 to index
        %swap3A_275 = arith.index_cast %swap3A_273 : i32 to index
        %swap3A_276 = arith.index_cast %mul3A_258 : i32 to index
        %swap3A_277 = tpu.vector_load %arg5[%swap3A_274, %swap3A_275, %swap3A_276] {strides = array<i32>} : memref<8x2x1024xf32, #tpu.memory_space<vmem>>, vector<1x1x16xf32>,
        %swap3A_278 = vector.shape_cast %swap3A_277 : vector<1x1x16xf32> to vector<16xf32>
        %swap3A_279 = vector.shape_cast %add3A_271 : vector<16xf32> to vector<1x1x16xf32>
        tpu.vector_store %arg5[%swap3A_274, %swap3A_275, %swap3A_276], %swap3A_279 {strides = array<i32>} : memref<8x2x1024xf32, #tpu.memory_space<vmem>>, vector<1x1x16xf32>,
        %scan3A_280 = arith.constant 7 : i32
        %scan3A_281 = arith.addi %scan3A_108, %scan3A_280 : i32
        %mul3A_282 = arith.constant 16 : i32
        %mul3A_283 = arith.muli %scan3A_281, %mul3A_282 : i32
        %get3A_284 = arith.constant 6 : i32
        %get3A_285 = arith.constant 0 : i32
        %get3A_286 = arith.index_cast %get3A_284 : i32 to index
        %get3A_287 = arith.index_cast %get3A_285 : i32 to index
        %get3A_288 = arith.index_cast %mul3A_283 : i32 to index
        %get3A_289 = tpu.vector_load %arg5[%get3A_286, %get3A_287, %get3A_288] {strides = array<i32>} : memref<8x2x1024xf32, #tpu.memory_space<vmem>>, vector<1x1x16xf32>,
        %get3A_290 = vector.shape_cast %get3A_289 : vector<1x1x16xf32> to vector<16xf32>
        %get3A_291 = arith.constant 6 : i32
        %get3A_292 = arith.index_cast %get3A_291 : i32 to index
        %get3A_293 = arith.index_cast %mul3A_283 : i32 to index
        %get3A_294 = tpu.vector_load %arg6[%get3A_292, %get3A_293] {strides = array<i32>} : memref<8x1024xf32, #tpu.memory_space<vmem>>, vector<1x16xf32>,
        %get3A_295 = vector.shape_cast %get3A_294 : vector<1x16xf32> to vector<16xf32>
        %add3A_296 = arith.addf %get3A_290, %get3A_295 : vector<16xf32>
        %swap3A_297 = arith.constant 6 : i32
        %swap3A_298 = arith.constant 0 : i32
        %swap3A_299 = arith.index_cast %swap3A_297 : i32 to index
        %swap3A_300 = arith.index_cast %swap3A_298 : i32 to index
        %swap3A_301 = arith.index_cast %mul3A_283 : i32 to index
        %swap3A_302 = tpu.vector_load %arg5[%swap3A_299, %swap3A_300, %swap3A_301] {strides = array<i32>} : memref<8x2x1024xf32, #tpu.memory_space<vmem>>, vector<1x1x16xf32>,
        %swap3A_303 = vector.shape_cast %swap3A_302 : vector<1x1x16xf32> to vector<16xf32>
        %swap3A_304 = vector.shape_cast %add3A_296 : vector<16xf32> to vector<1x1x16xf32>
        tpu.vector_store %arg5[%swap3A_299, %swap3A_300, %swap3A_301], %swap3A_304 {strides = array<i32>} : memref<8x2x1024xf32, #tpu.memory_space<vmem>>, vector<1x1x16xf32>,
      }
      %scan3A_89 = arith.constant 64 : i32
      %scan3A_90 = arith.constant 0 : i32
      %scan3A_91 = arith.constant 0 : i32
      %scan3A_92 = arith.constant 64 : i32
      %scan3A_93 = arith.addi %scan3A_91, %scan3A_92 : i32
      %scan3A_94 = arith.constant 8 : i32
      scf.for %scan3A_108 = %scan3A_91 to %scan3A_93 step %scan3A_94  : i32 {
        %mul3A_109 = arith.constant 16 : i32
        %mul3A_110 = arith.muli %scan3A_108, %mul3A_109 : i32
        %get3A = arith.constant 6 : i32
        %get3A_111 = arith.constant 1 : i32
        %get3A_112 = arith.index_cast %get3A : i32 to index
        %get3A_113 = arith.index_cast %get3A_111 : i32 to index
        %get3A_114 = arith.index_cast %mul3A_110 : i32 to index
        %get3A_115 = tpu.vector_load %arg5[%get3A_112, %get3A_113, %get3A_114] {strides = array<i32>} : memref<8x2x1024xf32, #tpu.memory_space<vmem>>, vector<1x1x16xf32>,
        %get3A_116 = vector.shape_cast %get3A_115 : vector<1x1x16xf32> to vector<16xf32>
        %get3A_117 = arith.constant 6 : i32
        %get3A_118 = arith.index_cast %get3A_117 : i32 to index
        %get3A_119 = arith.index_cast %mul3A_110 : i32 to index
        %get3A_120 = tpu.vector_load %arg6[%get3A_118, %get3A_119] {strides = array<i32>} : memref<8x1024xf32, #tpu.memory_space<vmem>>, vector<1x16xf32>,
        %get3A_121 = vector.shape_cast %get3A_120 : vector<1x16xf32> to vector<16xf32>
        %add3A_122 = arith.addf %get3A_116, %get3A_121 : vector<16xf32>
        %swap3A = arith.constant 6 : i32
        %swap3A_123 = arith.constant 1 : i32
        %swap3A_124 = arith.index_cast %swap3A : i32 to index
        %swap3A_125 = arith.index_cast %swap3A_123 : i32 to index
        %swap3A_126 = arith.index_cast %mul3A_110 : i32 to index
        %swap3A_127 = tpu.vector_load %arg5[%swap3A_124, %swap3A_125, %swap3A_126] {strides = array<i32>} : memref<8x2x1024xf32, #tpu.memory_space<vmem>>, vector<1x1x16xf32>,
        %swap3A_128 = vector.shape_cast %swap3A_127 : vector<1x1x16xf32> to vector<16xf32>
        %swap3A_129 = vector.shape_cast %add3A_122 : vector<16xf32> to vector<1x1x16xf32>
        tpu.vector_store %arg5[%swap3A_124, %swap3A_125, %swap3A_126], %swap3A_129 {strides = array<i32>} : memref<8x2x1024xf32, #tpu.memory_space<vmem>>, vector<1x1x16xf32>,
        %scan3A_130 = arith.constant 1 : i32
        %scan3A_131 = arith.addi %scan3A_108, %scan3A_130 : i32
        %mul3A_132 = arith.constant 16 : i32
        %mul3A_133 = arith.muli %scan3A_131, %mul3A_132 : i32
        %get3A_134 = arith.constant 6 : i32
        %get3A_135 = arith.constant 1 : i32
        %get3A_136 = arith.index_cast %get3A_134 : i32 to index
        %get3A_137 = arith.index_cast %get3A_135 : i32 to index
        %get3A_138 = arith.index_cast %mul3A_133 : i32 to index
        %get3A_139 = tpu.vector_load %arg5[%get3A_136, %get3A_137, %get3A_138] {strides = array<i32>} : memref<8x2x1024xf32, #tpu.memory_space<vmem>>, vector<1x1x16xf32>,
        %get3A_140 = vector.shape_cast %get3A_139 : vector<1x1x16xf32> to vector<16xf32>
        %get3A_141 = arith.constant 6 : i32
        %get3A_142 = arith.index_cast %get3A_141 : i32 to index
        %get3A_143 = arith.index_cast %mul3A_133 : i32 to index
        %get3A_144 = tpu.vector_load %arg6[%get3A_142, %get3A_143] {strides = array<i32>} : memref<8x1024xf32, #tpu.memory_space<vmem>>, vector<1x16xf32>,
        %get3A_145 = vector.shape_cast %get3A_144 : vector<1x16xf32> to vector<16xf32>
        %add3A_146 = arith.addf %get3A_140, %get3A_145 : vector<16xf32>
        %swap3A_147 = arith.constant 6 : i32
        %swap3A_148 = arith.constant 1 : i32
        %swap3A_149 = arith.index_cast %swap3A_147 : i32 to index
        %swap3A_150 = arith.index_cast %swap3A_148 : i32 to index
        %swap3A_151 = arith.index_cast %mul3A_133 : i32 to index
        %swap3A_152 = tpu.vector_load %arg5[%swap3A_149, %swap3A_150, %swap3A_151] {strides = array<i32>} : memref<8x2x1024xf32, #tpu.memory_space<vmem>>, vector<1x1x16xf32>,
        %swap3A_153 = vector.shape_cast %swap3A_152 : vector<1x1x16xf32> to vector<16xf32>
        %swap3A_154 = vector.shape_cast %add3A_146 : vector<16xf32> to vector<1x1x16xf32>
        tpu.vector_store %arg5[%swap3A_149, %swap3A_150, %swap3A_151], %swap3A_154 {strides = array<i32>} : memref<8x2x1024xf32, #tpu.memory_space<vmem>>, vector<1x1x16xf32>,
        %scan3A_155 = arith.constant 2 : i32
        %scan3A_156 = arith.addi %scan3A_108, %scan3A_155 : i32
        %mul3A_157 = arith.constant 16 : i32
        %mul3A_158 = arith.muli %scan3A_156, %mul3A_157 : i32
        %get3A_159 = arith.constant 6 : i32
        %get3A_160 = arith.constant 1 : i32
        %get3A_161 = arith.index_cast %get3A_159 : i32 to index
        %get3A_162 = arith.index_cast %get3A_160 : i32 to index
        %get3A_163 = arith.index_cast %mul3A_158 : i32 to index
        %get3A_164 = tpu.vector_load %arg5[%get3A_161, %get3A_162, %get3A_163] {strides = array<i32>} : memref<8x2x1024xf32, #tpu.memory_space<vmem>>, vector<1x1x16xf32>,
        %get3A_165 = vector.shape_cast %get3A_164 : vector<1x1x16xf32> to vector<16xf32>
        %get3A_166 = arith.constant 6 : i32
        %get3A_167 = arith.index_cast %get3A_166 : i32 to index
        %get3A_168 = arith.index_cast %mul3A_158 : i32 to index
        %get3A_169 = tpu.vector_load %arg6[%get3A_167, %get3A_168] {strides = array<i32>} : memref<8x1024xf32, #tpu.memory_space<vmem>>, vector<1x16xf32>,
        %get3A_170 = vector.shape_cast %get3A_169 : vector<1x16xf32> to vector<16xf32>
        %add3A_171 = arith.addf %get3A_165, %get3A_170 : vector<16xf32>
        %swap3A_172 = arith.constant 6 : i32
        %swap3A_173 = arith.constant 1 : i32
        %swap3A_174 = arith.index_cast %swap3A_172 : i32 to index
        %swap3A_175 = arith.index_cast %swap3A_173 : i32 to index
        %swap3A_176 = arith.index_cast %mul3A_158 : i32 to index
        %swap3A_177 = tpu.vector_load %arg5[%swap3A_174, %swap3A_175, %swap3A_176] {strides = array<i32>} : memref<8x2x1024xf32, #tpu.memory_space<vmem>>, vector<1x1x16xf32>,
        %swap3A_178 = vector.shape_cast %swap3A_177 : vector<1x1x16xf32> to vector<16xf32>
        %swap3A_179 = vector.shape_cast %add3A_171 : vector<16xf32> to vector<1x1x16xf32>
        tpu.vector_store %arg5[%swap3A_174, %swap3A_175, %swap3A_176], %swap3A_179 {strides = array<i32>} : memref<8x2x1024xf32, #tpu.memory_space<vmem>>, vector<1x1x16xf32>,
        %scan3A_180 = arith.constant 3 : i32
        %scan3A_181 = arith.addi %scan3A_108, %scan3A_180 : i32
        %mul3A_182 = arith.constant 16 : i32
        %mul3A_183 = arith.muli %scan3A_181, %mul3A_182 : i32
        %get3A_184 = arith.constant 6 : i32
        %get3A_185 = arith.constant 1 : i32
        %get3A_186 = arith.index_cast %get3A_184 : i32 to index
        %get3A_187 = arith.index_cast %get3A_185 : i32 to index
        %get3A_188 = arith.index_cast %mul3A_183 : i32 to index
        %get3A_189 = tpu.vector_load %arg5[%get3A_186, %get3A_187, %get3A_188] {strides = array<i32>} : memref<8x2x1024xf32, #tpu.memory_space<vmem>>, vector<1x1x16xf32>,
        %get3A_190 = vector.shape_cast %get3A_189 : vector<1x1x16xf32> to vector<16xf32>
        %get3A_191 = arith.constant 6 : i32
        %get3A_192 = arith.index_cast %get3A_191 : i32 to index
        %get3A_193 = arith.index_cast %mul3A_183 : i32 to index
        %get3A_194 = tpu.vector_load %arg6[%get3A_192, %get3A_193] {strides = array<i32>} : memref<8x1024xf32, #tpu.memory_space<vmem>>, vector<1x16xf32>,
        %get3A_195 = vector.shape_cast %get3A_194 : vector<1x16xf32> to vector<16xf32>
        %add3A_196 = arith.addf %get3A_190, %get3A_195 : vector<16xf32>
        %swap3A_197 = arith.constant 6 : i32
        %swap3A_198 = arith.constant 1 : i32
        %swap3A_199 = arith.index_cast %swap3A_197 : i32 to index
        %swap3A_200 = arith.index_cast %swap3A_198 : i32 to index
        %swap3A_201 = arith.index_cast %mul3A_183 : i32 to index
        %swap3A_202 = tpu.vector_load %arg5[%swap3A_199, %swap3A_200, %swap3A_201] {strides = array<i32>} : memref<8x2x1024xf32, #tpu.memory_space<vmem>>, vector<1x1x16xf32>,
        %swap3A_203 = vector.shape_cast %swap3A_202 : vector<1x1x16xf32> to vector<16xf32>
        %swap3A_204 = vector.shape_cast %add3A_196 : vector<16xf32> to vector<1x1x16xf32>
        tpu.vector_store %arg5[%swap3A_199, %swap3A_200, %swap3A_201], %swap3A_204 {strides = array<i32>} : memref<8x2x1024xf32, #tpu.memory_space<vmem>>, vector<1x1x16xf32>,
        %scan3A_205 = arith.constant 4 : i32
        %scan3A_206 = arith.addi %scan3A_108, %scan3A_205 : i32
        %mul3A_207 = arith.constant 16 : i32
        %mul3A_208 = arith.muli %scan3A_206, %mul3A_207 : i32
        %get3A_209 = arith.constant 6 : i32
        %get3A_210 = arith.constant 1 : i32
        %get3A_211 = arith.index_cast %get3A_209 : i32 to index
        %get3A_212 = arith.index_cast %get3A_210 : i32 to index
        %get3A_213 = arith.index_cast %mul3A_208 : i32 to index
        %get3A_214 = tpu.vector_load %arg5[%get3A_211, %get3A_212, %get3A_213] {strides = array<i32>} : memref<8x2x1024xf32, #tpu.memory_space<vmem>>, vector<1x1x16xf32>,
        %get3A_215 = vector.shape_cast %get3A_214 : vector<1x1x16xf32> to vector<16xf32>
        %get3A_216 = arith.constant 6 : i32
        %get3A_217 = arith.index_cast %get3A_216 : i32 to index
        %get3A_218 = arith.index_cast %mul3A_208 : i32 to index
        %get3A_219 = tpu.vector_load %arg6[%get3A_217, %get3A_218] {strides = array<i32>} : memref<8x1024xf32, #tpu.memory_space<vmem>>, vector<1x16xf32>,
        %get3A_220 = vector.shape_cast %get3A_219 : vector<1x16xf32> to vector<16xf32>
        %add3A_221 = arith.addf %get3A_215, %get3A_220 : vector<16xf32>
        %swap3A_222 = arith.constant 6 : i32
        %swap3A_223 = arith.constant 1 : i32
        %swap3A_224 = arith.index_cast %swap3A_222 : i32 to index
        %swap3A_225 = arith.index_cast %swap3A_223 : i32 to index
        %swap3A_226 = arith.index_cast %mul3A_208 : i32 to index
        %swap3A_227 = tpu.vector_load %arg5[%swap3A_224, %swap3A_225, %swap3A_226] {strides = array<i32>} : memref<8x2x1024xf32, #tpu.memory_space<vmem>>, vector<1x1x16xf32>,
        %swap3A_228 = vector.shape_cast %swap3A_227 : vector<1x1x16xf32> to vector<16xf32>
        %swap3A_229 = vector.shape_cast %add3A_221 : vector<16xf32> to vector<1x1x16xf32>
        tpu.vector_store %arg5[%swap3A_224, %swap3A_225, %swap3A_226], %swap3A_229 {strides = array<i32>} : memref<8x2x1024xf32, #tpu.memory_space<vmem>>, vector<1x1x16xf32>,
        %scan3A_230 = arith.constant 5 : i32
        %scan3A_231 = arith.addi %scan3A_108, %scan3A_230 : i32
        %mul3A_232 = arith.constant 16 : i32
        %mul3A_233 = arith.muli %scan3A_231, %mul3A_232 : i32
        %get3A_234 = arith.constant 6 : i32
        %get3A_235 = arith.constant 1 : i32
        %get3A_236 = arith.index_cast %get3A_234 : i32 to index
        %get3A_237 = arith.index_cast %get3A_235 : i32 to index
        %get3A_238 = arith.index_cast %mul3A_233 : i32 to index
        %get3A_239 = tpu.vector_load %arg5[%get3A_236, %get3A_237, %get3A_238] {strides = array<i32>} : memref<8x2x1024xf32, #tpu.memory_space<vmem>>, vector<1x1x16xf32>,
        %get3A_240 = vector.shape_cast %get3A_239 : vector<1x1x16xf32> to vector<16xf32>
        %get3A_241 = arith.constant 6 : i32
        %get3A_242 = arith.index_cast %get3A_241 : i32 to index
        %get3A_243 = arith.index_cast %mul3A_233 : i32 to index
        %get3A_244 = tpu.vector_load %arg6[%get3A_242, %get3A_243] {strides = array<i32>} : memref<8x1024xf32, #tpu.memory_space<vmem>>, vector<1x16xf32>,
        %get3A_245 = vector.shape_cast %get3A_244 : vector<1x16xf32> to vector<16xf32>
        %add3A_246 = arith.addf %get3A_240, %get3A_245 : vector<16xf32>
        %swap3A_247 = arith.constant 6 : i32
        %swap3A_248 = arith.constant 1 : i32
        %swap3A_249 = arith.index_cast %swap3A_247 : i32 to index
        %swap3A_250 = arith.index_cast %swap3A_248 : i32 to index
        %swap3A_251 = arith.index_cast %mul3A_233 : i32 to index
        %swap3A_252 = tpu.vector_load %arg5[%swap3A_249, %swap3A_250, %swap3A_251] {strides = array<i32>} : memref<8x2x1024xf32, #tpu.memory_space<vmem>>, vector<1x1x16xf32>,
        %swap3A_253 = vector.shape_cast %swap3A_252 : vector<1x1x16xf32> to vector<16xf32>
        %swap3A_254 = vector.shape_cast %add3A_246 : vector<16xf32> to vector<1x1x16xf32>
        tpu.vector_store %arg5[%swap3A_249, %swap3A_250, %swap3A_251], %swap3A_254 {strides = array<i32>} : memref<8x2x1024xf32, #tpu.memory_space<vmem>>, vector<1x1x16xf32>,
        %scan3A_255 = arith.constant 6 : i32
        %scan3A_256 = arith.addi %scan3A_108, %scan3A_255 : i32
        %mul3A_257 = arith.constant 16 : i32
        %mul3A_258 = arith.muli %scan3A_256, %mul3A_257 : i32
        %get3A_259 = arith.constant 6 : i32
        %get3A_260 = arith.constant 1 : i32
        %get3A_261 = arith.index_cast %get3A_259 : i32 to index
        %get3A_262 = arith.index_cast %get3A_260 : i32 to index
        %get3A_263 = arith.index_cast %mul3A_258 : i32 to index
        %get3A_264 = tpu.vector_load %arg5[%get3A_261, %get3A_262, %get3A_263] {strides = array<i32>} : memref<8x2x1024xf32, #tpu.memory_space<vmem>>, vector<1x1x16xf32>,
        %get3A_265 = vector.shape_cast %get3A_264 : vector<1x1x16xf32> to vector<16xf32>
        %get3A_266 = arith.constant 6 : i32
        %get3A_267 = arith.index_cast %get3A_266 : i32 to index
        %get3A_268 = arith.index_cast %mul3A_258 : i32 to index
        %get3A_269 = tpu.vector_load %arg6[%get3A_267, %get3A_268] {strides = array<i32>} : memref<8x1024xf32, #tpu.memory_space<vmem>>, vector<1x16xf32>,
        %get3A_270 = vector.shape_cast %get3A_269 : vector<1x16xf32> to vector<16xf32>
        %add3A_271 = arith.addf %get3A_265, %get3A_270 : vector<16xf32>
        %swap3A_272 = arith.constant 6 : i32
        %swap3A_273 = arith.constant 1 : i32
        %swap3A_274 = arith.index_cast %swap3A_272 : i32 to index
        %swap3A_275 = arith.index_cast %swap3A_273 : i32 to index
        %swap3A_276 = arith.index_cast %mul3A_258 : i32 to index
        %swap3A_277 = tpu.vector_load %arg5[%swap3A_274, %swap3A_275, %swap3A_276] {strides = array<i32>} : memref<8x2x1024xf32, #tpu.memory_space<vmem>>, vector<1x1x16xf32>,
        %swap3A_278 = vector.shape_cast %swap3A_277 : vector<1x1x16xf32> to vector<16xf32>
        %swap3A_279 = vector.shape_cast %add3A_271 : vector<16xf32> to vector<1x1x16xf32>
        tpu.vector_store %arg5[%swap3A_274, %swap3A_275, %swap3A_276], %swap3A_279 {strides = array<i32>} : memref<8x2x1024xf32, #tpu.memory_space<vmem>>, vector<1x1x16xf32>,
        %scan3A_280 = arith.constant 7 : i32
        %scan3A_281 = arith.addi %scan3A_108, %scan3A_280 : i32
        %mul3A_282 = arith.constant 16 : i32
        %mul3A_283 = arith.muli %scan3A_281, %mul3A_282 : i32
        %get3A_284 = arith.constant 6 : i32
        %get3A_285 = arith.constant 1 : i32
        %get3A_286 = arith.index_cast %get3A_284 : i32 to index
        %get3A_287 = arith.index_cast %get3A_285 : i32 to index
        %get3A_288 = arith.index_cast %mul3A_283 : i32 to index
        %get3A_289 = tpu.vector_load %arg5[%get3A_286, %get3A_287, %get3A_288] {strides = array<i32>} : memref<8x2x1024xf32, #tpu.memory_space<vmem>>, vector<1x1x16xf32>,
        %get3A_290 = vector.shape_cast %get3A_289 : vector<1x1x16xf32> to vector<16xf32>
        %get3A_291 = arith.constant 6 : i32
        %get3A_292 = arith.index_cast %get3A_291 : i32 to index
        %get3A_293 = arith.index_cast %mul3A_283 : i32 to index
        %get3A_294 = tpu.vector_load %arg6[%get3A_292, %get3A_293] {strides = array<i32>} : memref<8x1024xf32, #tpu.memory_space<vmem>>, vector<1x16xf32>,
        %get3A_295 = vector.shape_cast %get3A_294 : vector<1x16xf32> to vector<16xf32>
        %add3A_296 = arith.addf %get3A_290, %get3A_295 : vector<16xf32>
        %swap3A_297 = arith.constant 6 : i32
        %swap3A_298 = arith.constant 1 : i32
        %swap3A_299 = arith.index_cast %swap3A_297 : i32 to index
        %swap3A_300 = arith.index_cast %swap3A_298 : i32 to index
        %swap3A_301 = arith.index_cast %mul3A_283 : i32 to index
        %swap3A_302 = tpu.vector_load %arg5[%swap3A_299, %swap3A_300, %swap3A_301] {strides = array<i32>} : memref<8x2x1024xf32, #tpu.memory_space<vmem>>, vector<1x1x16xf32>,
        %swap3A_303 = vector.shape_cast %swap3A_302 : vector<1x1x16xf32> to vector<16xf32>
        %swap3A_304 = vector.shape_cast %add3A_296 : vector<16xf32> to vector<1x1x16xf32>
        tpu.vector_store %arg5[%swap3A_299, %swap3A_300, %swap3A_301], %swap3A_304 {strides = array<i32>} : memref<8x2x1024xf32, #tpu.memory_space<vmem>>, vector<1x1x16xf32>,
      }
      %scan3A_95 = arith.constant 64 : i32
      %scan3A_96 = arith.constant 0 : i32
      %scan3A_97 = arith.constant 0 : i32
      %scan3A_98 = arith.constant 64 : i32
      %scan3A_99 = arith.addi %scan3A_97, %scan3A_98 : i32
      %scan3A_100 = arith.constant 8 : i32
      scf.for %scan3A_108 = %scan3A_97 to %scan3A_99 step %scan3A_100  : i32 {
        %mul3A_109 = arith.constant 16 : i32
        %mul3A_110 = arith.muli %scan3A_108, %mul3A_109 : i32
        %get3A = arith.constant 7 : i32
        %get3A_111 = arith.constant 0 : i32
        %get3A_112 = arith.index_cast %get3A : i32 to index
        %get3A_113 = arith.index_cast %get3A_111 : i32 to index
        %get3A_114 = arith.index_cast %mul3A_110 : i32 to index
        %get3A_115 = tpu.vector_load %arg5[%get3A_112, %get3A_113, %get3A_114] {strides = array<i32>} : memref<8x2x1024xf32, #tpu.memory_space<vmem>>, vector<1x1x16xf32>,
        %get3A_116 = vector.shape_cast %get3A_115 : vector<1x1x16xf32> to vector<16xf32>
        %get3A_117 = arith.constant 7 : i32
        %get3A_118 = arith.index_cast %get3A_117 : i32 to index
        %get3A_119 = arith.index_cast %mul3A_110 : i32 to index
        %get3A_120 = tpu.vector_load %arg6[%get3A_118, %get3A_119] {strides = array<i32>} : memref<8x1024xf32, #tpu.memory_space<vmem>>, vector<1x16xf32>,
        %get3A_121 = vector.shape_cast %get3A_120 : vector<1x16xf32> to vector<16xf32>
        %add3A_122 = arith.addf %get3A_116, %get3A_121 : vector<16xf32>
        %swap3A = arith.constant 7 : i32
        %swap3A_123 = arith.constant 0 : i32
        %swap3A_124 = arith.index_cast %swap3A : i32 to index
        %swap3A_125 = arith.index_cast %swap3A_123 : i32 to index
        %swap3A_126 = arith.index_cast %mul3A_110 : i32 to index
        %swap3A_127 = tpu.vector_load %arg5[%swap3A_124, %swap3A_125, %swap3A_126] {strides = array<i32>} : memref<8x2x1024xf32, #tpu.memory_space<vmem>>, vector<1x1x16xf32>,
        %swap3A_128 = vector.shape_cast %swap3A_127 : vector<1x1x16xf32> to vector<16xf32>
        %swap3A_129 = vector.shape_cast %add3A_122 : vector<16xf32> to vector<1x1x16xf32>
        tpu.vector_store %arg5[%swap3A_124, %swap3A_125, %swap3A_126], %swap3A_129 {strides = array<i32>} : memref<8x2x1024xf32, #tpu.memory_space<vmem>>, vector<1x1x16xf32>,
        %scan3A_130 = arith.constant 1 : i32
        %scan3A_131 = arith.addi %scan3A_108, %scan3A_130 : i32
        %mul3A_132 = arith.constant 16 : i32
        %mul3A_133 = arith.muli %scan3A_131, %mul3A_132 : i32
        %get3A_134 = arith.constant 7 : i32
        %get3A_135 = arith.constant 0 : i32
        %get3A_136 = arith.index_cast %get3A_134 : i32 to index
        %get3A_137 = arith.index_cast %get3A_135 : i32 to index
        %get3A_138 = arith.index_cast %mul3A_133 : i32 to index
        %get3A_139 = tpu.vector_load %arg5[%get3A_136, %get3A_137, %get3A_138] {strides = array<i32>} : memref<8x2x1024xf32, #tpu.memory_space<vmem>>, vector<1x1x16xf32>,
        %get3A_140 = vector.shape_cast %get3A_139 : vector<1x1x16xf32> to vector<16xf32>
        %get3A_141 = arith.constant 7 : i32
        %get3A_142 = arith.index_cast %get3A_141 : i32 to index
        %get3A_143 = arith.index_cast %mul3A_133 : i32 to index
        %get3A_144 = tpu.vector_load %arg6[%get3A_142, %get3A_143] {strides = array<i32>} : memref<8x1024xf32, #tpu.memory_space<vmem>>, vector<1x16xf32>,
        %get3A_145 = vector.shape_cast %get3A_144 : vector<1x16xf32> to vector<16xf32>
        %add3A_146 = arith.addf %get3A_140, %get3A_145 : vector<16xf32>
        %swap3A_147 = arith.constant 7 : i32
        %swap3A_148 = arith.constant 0 : i32
        %swap3A_149 = arith.index_cast %swap3A_147 : i32 to index
        %swap3A_150 = arith.index_cast %swap3A_148 : i32 to index
        %swap3A_151 = arith.index_cast %mul3A_133 : i32 to index
        %swap3A_152 = tpu.vector_load %arg5[%swap3A_149, %swap3A_150, %swap3A_151] {strides = array<i32>} : memref<8x2x1024xf32, #tpu.memory_space<vmem>>, vector<1x1x16xf32>,
        %swap3A_153 = vector.shape_cast %swap3A_152 : vector<1x1x16xf32> to vector<16xf32>
        %swap3A_154 = vector.shape_cast %add3A_146 : vector<16xf32> to vector<1x1x16xf32>
        tpu.vector_store %arg5[%swap3A_149, %swap3A_150, %swap3A_151], %swap3A_154 {strides = array<i32>} : memref<8x2x1024xf32, #tpu.memory_space<vmem>>, vector<1x1x16xf32>,
        %scan3A_155 = arith.constant 2 : i32
        %scan3A_156 = arith.addi %scan3A_108, %scan3A_155 : i32
        %mul3A_157 = arith.constant 16 : i32
        %mul3A_158 = arith.muli %scan3A_156, %mul3A_157 : i32
        %get3A_159 = arith.constant 7 : i32
        %get3A_160 = arith.constant 0 : i32
        %get3A_161 = arith.index_cast %get3A_159 : i32 to index
        %get3A_162 = arith.index_cast %get3A_160 : i32 to index
        %get3A_163 = arith.index_cast %mul3A_158 : i32 to index
        %get3A_164 = tpu.vector_load %arg5[%get3A_161, %get3A_162, %get3A_163] {strides = array<i32>} : memref<8x2x1024xf32, #tpu.memory_space<vmem>>, vector<1x1x16xf32>,
        %get3A_165 = vector.shape_cast %get3A_164 : vector<1x1x16xf32> to vector<16xf32>
        %get3A_166 = arith.constant 7 : i32
        %get3A_167 = arith.index_cast %get3A_166 : i32 to index
        %get3A_168 = arith.index_cast %mul3A_158 : i32 to index
        %get3A_169 = tpu.vector_load %arg6[%get3A_167, %get3A_168] {strides = array<i32>} : memref<8x1024xf32, #tpu.memory_space<vmem>>, vector<1x16xf32>,
        %get3A_170 = vector.shape_cast %get3A_169 : vector<1x16xf32> to vector<16xf32>
        %add3A_171 = arith.addf %get3A_165, %get3A_170 : vector<16xf32>
        %swap3A_172 = arith.constant 7 : i32
        %swap3A_173 = arith.constant 0 : i32
        %swap3A_174 = arith.index_cast %swap3A_172 : i32 to index
        %swap3A_175 = arith.index_cast %swap3A_173 : i32 to index
        %swap3A_176 = arith.index_cast %mul3A_158 : i32 to index
        %swap3A_177 = tpu.vector_load %arg5[%swap3A_174, %swap3A_175, %swap3A_176] {strides = array<i32>} : memref<8x2x1024xf32, #tpu.memory_space<vmem>>, vector<1x1x16xf32>,
        %swap3A_178 = vector.shape_cast %swap3A_177 : vector<1x1x16xf32> to vector<16xf32>
        %swap3A_179 = vector.shape_cast %add3A_171 : vector<16xf32> to vector<1x1x16xf32>
        tpu.vector_store %arg5[%swap3A_174, %swap3A_175, %swap3A_176], %swap3A_179 {strides = array<i32>} : memref<8x2x1024xf32, #tpu.memory_space<vmem>>, vector<1x1x16xf32>,
        %scan3A_180 = arith.constant 3 : i32
        %scan3A_181 = arith.addi %scan3A_108, %scan3A_180 : i32
        %mul3A_182 = arith.constant 16 : i32
        %mul3A_183 = arith.muli %scan3A_181, %mul3A_182 : i32
        %get3A_184 = arith.constant 7 : i32
        %get3A_185 = arith.constant 0 : i32
        %get3A_186 = arith.index_cast %get3A_184 : i32 to index
        %get3A_187 = arith.index_cast %get3A_185 : i32 to index
        %get3A_188 = arith.index_cast %mul3A_183 : i32 to index
        %get3A_189 = tpu.vector_load %arg5[%get3A_186, %get3A_187, %get3A_188] {strides = array<i32>} : memref<8x2x1024xf32, #tpu.memory_space<vmem>>, vector<1x1x16xf32>,
        %get3A_190 = vector.shape_cast %get3A_189 : vector<1x1x16xf32> to vector<16xf32>
        %get3A_191 = arith.constant 7 : i32
        %get3A_192 = arith.index_cast %get3A_191 : i32 to index
        %get3A_193 = arith.index_cast %mul3A_183 : i32 to index
        %get3A_194 = tpu.vector_load %arg6[%get3A_192, %get3A_193] {strides = array<i32>} : memref<8x1024xf32, #tpu.memory_space<vmem>>, vector<1x16xf32>,
        %get3A_195 = vector.shape_cast %get3A_194 : vector<1x16xf32> to vector<16xf32>
        %add3A_196 = arith.addf %get3A_190, %get3A_195 : vector<16xf32>
        %swap3A_197 = arith.constant 7 : i32
        %swap3A_198 = arith.constant 0 : i32
        %swap3A_199 = arith.index_cast %swap3A_197 : i32 to index
        %swap3A_200 = arith.index_cast %swap3A_198 : i32 to index
        %swap3A_201 = arith.index_cast %mul3A_183 : i32 to index
        %swap3A_202 = tpu.vector_load %arg5[%swap3A_199, %swap3A_200, %swap3A_201] {strides = array<i32>} : memref<8x2x1024xf32, #tpu.memory_space<vmem>>, vector<1x1x16xf32>,
        %swap3A_203 = vector.shape_cast %swap3A_202 : vector<1x1x16xf32> to vector<16xf32>
        %swap3A_204 = vector.shape_cast %add3A_196 : vector<16xf32> to vector<1x1x16xf32>
        tpu.vector_store %arg5[%swap3A_199, %swap3A_200, %swap3A_201], %swap3A_204 {strides = array<i32>} : memref<8x2x1024xf32, #tpu.memory_space<vmem>>, vector<1x1x16xf32>,
        %scan3A_205 = arith.constant 4 : i32
        %scan3A_206 = arith.addi %scan3A_108, %scan3A_205 : i32
        %mul3A_207 = arith.constant 16 : i32
        %mul3A_208 = arith.muli %scan3A_206, %mul3A_207 : i32
        %get3A_209 = arith.constant 7 : i32
        %get3A_210 = arith.constant 0 : i32
        %get3A_211 = arith.index_cast %get3A_209 : i32 to index
        %get3A_212 = arith.index_cast %get3A_210 : i32 to index
        %get3A_213 = arith.index_cast %mul3A_208 : i32 to index
        %get3A_214 = tpu.vector_load %arg5[%get3A_211, %get3A_212, %get3A_213] {strides = array<i32>} : memref<8x2x1024xf32, #tpu.memory_space<vmem>>, vector<1x1x16xf32>,
        %get3A_215 = vector.shape_cast %get3A_214 : vector<1x1x16xf32> to vector<16xf32>
        %get3A_216 = arith.constant 7 : i32
        %get3A_217 = arith.index_cast %get3A_216 : i32 to index
        %get3A_218 = arith.index_cast %mul3A_208 : i32 to index
        %get3A_219 = tpu.vector_load %arg6[%get3A_217, %get3A_218] {strides = array<i32>} : memref<8x1024xf32, #tpu.memory_space<vmem>>, vector<1x16xf32>,
        %get3A_220 = vector.shape_cast %get3A_219 : vector<1x16xf32> to vector<16xf32>
        %add3A_221 = arith.addf %get3A_215, %get3A_220 : vector<16xf32>
        %swap3A_222 = arith.constant 7 : i32
        %swap3A_223 = arith.constant 0 : i32
        %swap3A_224 = arith.index_cast %swap3A_222 : i32 to index
        %swap3A_225 = arith.index_cast %swap3A_223 : i32 to index
        %swap3A_226 = arith.index_cast %mul3A_208 : i32 to index
        %swap3A_227 = tpu.vector_load %arg5[%swap3A_224, %swap3A_225, %swap3A_226] {strides = array<i32>} : memref<8x2x1024xf32, #tpu.memory_space<vmem>>, vector<1x1x16xf32>,
        %swap3A_228 = vector.shape_cast %swap3A_227 : vector<1x1x16xf32> to vector<16xf32>
        %swap3A_229 = vector.shape_cast %add3A_221 : vector<16xf32> to vector<1x1x16xf32>
        tpu.vector_store %arg5[%swap3A_224, %swap3A_225, %swap3A_226], %swap3A_229 {strides = array<i32>} : memref<8x2x1024xf32, #tpu.memory_space<vmem>>, vector<1x1x16xf32>,
        %scan3A_230 = arith.constant 5 : i32
        %scan3A_231 = arith.addi %scan3A_108, %scan3A_230 : i32
        %mul3A_232 = arith.constant 16 : i32
        %mul3A_233 = arith.muli %scan3A_231, %mul3A_232 : i32
        %get3A_234 = arith.constant 7 : i32
        %get3A_235 = arith.constant 0 : i32
        %get3A_236 = arith.index_cast %get3A_234 : i32 to index
        %get3A_237 = arith.index_cast %get3A_235 : i32 to index
        %get3A_238 = arith.index_cast %mul3A_233 : i32 to index
        %get3A_239 = tpu.vector_load %arg5[%get3A_236, %get3A_237, %get3A_238] {strides = array<i32>} : memref<8x2x1024xf32, #tpu.memory_space<vmem>>, vector<1x1x16xf32>,
        %get3A_240 = vector.shape_cast %get3A_239 : vector<1x1x16xf32> to vector<16xf32>
        %get3A_241 = arith.constant 7 : i32
        %get3A_242 = arith.index_cast %get3A_241 : i32 to index
        %get3A_243 = arith.index_cast %mul3A_233 : i32 to index
        %get3A_244 = tpu.vector_load %arg6[%get3A_242, %get3A_243] {strides = array<i32>} : memref<8x1024xf32, #tpu.memory_space<vmem>>, vector<1x16xf32>,
        %get3A_245 = vector.shape_cast %get3A_244 : vector<1x16xf32> to vector<16xf32>
        %add3A_246 = arith.addf %get3A_240, %get3A_245 : vector<16xf32>
        %swap3A_247 = arith.constant 7 : i32
        %swap3A_248 = arith.constant 0 : i32
        %swap3A_249 = arith.index_cast %swap3A_247 : i32 to index
        %swap3A_250 = arith.index_cast %swap3A_248 : i32 to index
        %swap3A_251 = arith.index_cast %mul3A_233 : i32 to index
        %swap3A_252 = tpu.vector_load %arg5[%swap3A_249, %swap3A_250, %swap3A_251] {strides = array<i32>} : memref<8x2x1024xf32, #tpu.memory_space<vmem>>, vector<1x1x16xf32>,
        %swap3A_253 = vector.shape_cast %swap3A_252 : vector<1x1x16xf32> to vector<16xf32>
        %swap3A_254 = vector.shape_cast %add3A_246 : vector<16xf32> to vector<1x1x16xf32>
        tpu.vector_store %arg5[%swap3A_249, %swap3A_250, %swap3A_251], %swap3A_254 {strides = array<i32>} : memref<8x2x1024xf32, #tpu.memory_space<vmem>>, vector<1x1x16xf32>,
        %scan3A_255 = arith.constant 6 : i32
        %scan3A_256 = arith.addi %scan3A_108, %scan3A_255 : i32
        %mul3A_257 = arith.constant 16 : i32
        %mul3A_258 = arith.muli %scan3A_256, %mul3A_257 : i32
        %get3A_259 = arith.constant 7 : i32
        %get3A_260 = arith.constant 0 : i32
        %get3A_261 = arith.index_cast %get3A_259 : i32 to index
        %get3A_262 = arith.index_cast %get3A_260 : i32 to index
        %get3A_263 = arith.index_cast %mul3A_258 : i32 to index
        %get3A_264 = tpu.vector_load %arg5[%get3A_261, %get3A_262, %get3A_263] {strides = array<i32>} : memref<8x2x1024xf32, #tpu.memory_space<vmem>>, vector<1x1x16xf32>,
        %get3A_265 = vector.shape_cast %get3A_264 : vector<1x1x16xf32> to vector<16xf32>
        %get3A_266 = arith.constant 7 : i32
        %get3A_267 = arith.index_cast %get3A_266 : i32 to index
        %get3A_268 = arith.index_cast %mul3A_258 : i32 to index
        %get3A_269 = tpu.vector_load %arg6[%get3A_267, %get3A_268] {strides = array<i32>} : memref<8x1024xf32, #tpu.memory_space<vmem>>, vector<1x16xf32>,
        %get3A_270 = vector.shape_cast %get3A_269 : vector<1x16xf32> to vector<16xf32>
        %add3A_271 = arith.addf %get3A_265, %get3A_270 : vector<16xf32>
        %swap3A_272 = arith.constant 7 : i32
        %swap3A_273 = arith.constant 0 : i32
        %swap3A_274 = arith.index_cast %swap3A_272 : i32 to index
        %swap3A_275 = arith.index_cast %swap3A_273 : i32 to index
        %swap3A_276 = arith.index_cast %mul3A_258 : i32 to index
        %swap3A_277 = tpu.vector_load %arg5[%swap3A_274, %swap3A_275, %swap3A_276] {strides = array<i32>} : memref<8x2x1024xf32, #tpu.memory_space<vmem>>, vector<1x1x16xf32>,
        %swap3A_278 = vector.shape_cast %swap3A_277 : vector<1x1x16xf32> to vector<16xf32>
        %swap3A_279 = vector.shape_cast %add3A_271 : vector<16xf32> to vector<1x1x16xf32>
        tpu.vector_store %arg5[%swap3A_274, %swap3A_275, %swap3A_276], %swap3A_279 {strides = array<i32>} : memref<8x2x1024xf32, #tpu.memory_space<vmem>>, vector<1x1x16xf32>,
        %scan3A_280 = arith.constant 7 : i32
        %scan3A_281 = arith.addi %scan3A_108, %scan3A_280 : i32
        %mul3A_282 = arith.constant 16 : i32
        %mul3A_283 = arith.muli %scan3A_281, %mul3A_282 : i32
        %get3A_284 = arith.constant 7 : i32
        %get3A_285 = arith.constant 0 : i32
        %get3A_286 = arith.index_cast %get3A_284 : i32 to index
        %get3A_287 = arith.index_cast %get3A_285 : i32 to index
        %get3A_288 = arith.index_cast %mul3A_283 : i32 to index
        %get3A_289 = tpu.vector_load %arg5[%get3A_286, %get3A_287, %get3A_288] {strides = array<i32>} : memref<8x2x1024xf32, #tpu.memory_space<vmem>>, vector<1x1x16xf32>,
        %get3A_290 = vector.shape_cast %get3A_289 : vector<1x1x16xf32> to vector<16xf32>
        %get3A_291 = arith.constant 7 : i32
        %get3A_292 = arith.index_cast %get3A_291 : i32 to index
        %get3A_293 = arith.index_cast %mul3A_283 : i32 to index
        %get3A_294 = tpu.vector_load %arg6[%get3A_292, %get3A_293] {strides = array<i32>} : memref<8x1024xf32, #tpu.memory_space<vmem>>, vector<1x16xf32>,
        %get3A_295 = vector.shape_cast %get3A_294 : vector<1x16xf32> to vector<16xf32>
        %add3A_296 = arith.addf %get3A_290, %get3A_295 : vector<16xf32>
        %swap3A_297 = arith.constant 7 : i32
        %swap3A_298 = arith.constant 0 : i32
        %swap3A_299 = arith.index_cast %swap3A_297 : i32 to index
        %swap3A_300 = arith.index_cast %swap3A_298 : i32 to index
        %swap3A_301 = arith.index_cast %mul3A_283 : i32 to index
        %swap3A_302 = tpu.vector_load %arg5[%swap3A_299, %swap3A_300, %swap3A_301] {strides = array<i32>} : memref<8x2x1024xf32, #tpu.memory_space<vmem>>, vector<1x1x16xf32>,
        %swap3A_303 = vector.shape_cast %swap3A_302 : vector<1x1x16xf32> to vector<16xf32>
        %swap3A_304 = vector.shape_cast %add3A_296 : vector<16xf32> to vector<1x1x16xf32>
        tpu.vector_store %arg5[%swap3A_299, %swap3A_300, %swap3A_301], %swap3A_304 {strides = array<i32>} : memref<8x2x1024xf32, #tpu.memory_space<vmem>>, vector<1x1x16xf32>,
      }
      %scan3A_101 = arith.constant 64 : i32
      %scan3A_102 = arith.constant 0 : i32
      %scan3A_103 = arith.constant 0 : i32
      %scan3A_104 = arith.constant 64 : i32
      %scan3A_105 = arith.addi %scan3A_103, %scan3A_104 : i32
      %scan3A_106 = arith.constant 8 : i32
      scf.for %scan3A_108 = %scan3A_103 to %scan3A_105 step %scan3A_106  : i32 {
        %mul3A_109 = arith.constant 16 : i32
        %mul3A_110 = arith.muli %scan3A_108, %mul3A_109 : i32
        %get3A = arith.constant 7 : i32
        %get3A_111 = arith.constant 1 : i32
        %get3A_112 = arith.index_cast %get3A : i32 to index
        %get3A_113 = arith.index_cast %get3A_111 : i32 to index
        %get3A_114 = arith.index_cast %mul3A_110 : i32 to index
        %get3A_115 = tpu.vector_load %arg5[%get3A_112, %get3A_113, %get3A_114] {strides = array<i32>} : memref<8x2x1024xf32, #tpu.memory_space<vmem>>, vector<1x1x16xf32>,
        %get3A_116 = vector.shape_cast %get3A_115 : vector<1x1x16xf32> to vector<16xf32>
        %get3A_117 = arith.constant 7 : i32
        %get3A_118 = arith.index_cast %get3A_117 : i32 to index
        %get3A_119 = arith.index_cast %mul3A_110 : i32 to index
        %get3A_120 = tpu.vector_load %arg6[%get3A_118, %get3A_119] {strides = array<i32>} : memref<8x1024xf32, #tpu.memory_space<vmem>>, vector<1x16xf32>,
        %get3A_121 = vector.shape_cast %get3A_120 : vector<1x16xf32> to vector<16xf32>
        %add3A_122 = arith.addf %get3A_116, %get3A_121 : vector<16xf32>
        %swap3A = arith.constant 7 : i32
        %swap3A_123 = arith.constant 1 : i32
        %swap3A_124 = arith.index_cast %swap3A : i32 to index
        %swap3A_125 = arith.index_cast %swap3A_123 : i32 to index
        %swap3A_126 = arith.index_cast %mul3A_110 : i32 to index
        %swap3A_127 = tpu.vector_load %arg5[%swap3A_124, %swap3A_125, %swap3A_126] {strides = array<i32>} : memref<8x2x1024xf32, #tpu.memory_space<vmem>>, vector<1x1x16xf32>,
        %swap3A_128 = vector.shape_cast %swap3A_127 : vector<1x1x16xf32> to vector<16xf32>
        %swap3A_129 = vector.shape_cast %add3A_122 : vector<16xf32> to vector<1x1x16xf32>
        tpu.vector_store %arg5[%swap3A_124, %swap3A_125, %swap3A_126], %swap3A_129 {strides = array<i32>} : memref<8x2x1024xf32, #tpu.memory_space<vmem>>, vector<1x1x16xf32>,
        %scan3A_130 = arith.constant 1 : i32
        %scan3A_131 = arith.addi %scan3A_108, %scan3A_130 : i32
        %mul3A_132 = arith.constant 16 : i32
        %mul3A_133 = arith.muli %scan3A_131, %mul3A_132 : i32
        %get3A_134 = arith.constant 7 : i32
        %get3A_135 = arith.constant 1 : i32
        %get3A_136 = arith.index_cast %get3A_134 : i32 to index
        %get3A_137 = arith.index_cast %get3A_135 : i32 to index
        %get3A_138 = arith.index_cast %mul3A_133 : i32 to index
        %get3A_139 = tpu.vector_load %arg5[%get3A_136, %get3A_137, %get3A_138] {strides = array<i32>} : memref<8x2x1024xf32, #tpu.memory_space<vmem>>, vector<1x1x16xf32>,
        %get3A_140 = vector.shape_cast %get3A_139 : vector<1x1x16xf32> to vector<16xf32>
        %get3A_141 = arith.constant 7 : i32
        %get3A_142 = arith.index_cast %get3A_141 : i32 to index
        %get3A_143 = arith.index_cast %mul3A_133 : i32 to index
        %get3A_144 = tpu.vector_load %arg6[%get3A_142, %get3A_143] {strides = array<i32>} : memref<8x1024xf32, #tpu.memory_space<vmem>>, vector<1x16xf32>,
        %get3A_145 = vector.shape_cast %get3A_144 : vector<1x16xf32> to vector<16xf32>
        %add3A_146 = arith.addf %get3A_140, %get3A_145 : vector<16xf32>
        %swap3A_147 = arith.constant 7 : i32
        %swap3A_148 = arith.constant 1 : i32
        %swap3A_149 = arith.index_cast %swap3A_147 : i32 to index
        %swap3A_150 = arith.index_cast %swap3A_148 : i32 to index
        %swap3A_151 = arith.index_cast %mul3A_133 : i32 to index
        %swap3A_152 = tpu.vector_load %arg5[%swap3A_149, %swap3A_150, %swap3A_151] {strides = array<i32>} : memref<8x2x1024xf32, #tpu.memory_space<vmem>>, vector<1x1x16xf32>,
        %swap3A_153 = vector.shape_cast %swap3A_152 : vector<1x1x16xf32> to vector<16xf32>
        %swap3A_154 = vector.shape_cast %add3A_146 : vector<16xf32> to vector<1x1x16xf32>
        tpu.vector_store %arg5[%swap3A_149, %swap3A_150, %swap3A_151], %swap3A_154 {strides = array<i32>} : memref<8x2x1024xf32, #tpu.memory_space<vmem>>, vector<1x1x16xf32>,
        %scan3A_155 = arith.constant 2 : i32
        %scan3A_156 = arith.addi %scan3A_108, %scan3A_155 : i32
        %mul3A_157 = arith.constant 16 : i32
        %mul3A_158 = arith.muli %scan3A_156, %mul3A_157 : i32
        %get3A_159 = arith.constant 7 : i32
        %get3A_160 = arith.constant 1 : i32
        %get3A_161 = arith.index_cast %get3A_159 : i32 to index
        %get3A_162 = arith.index_cast %get3A_160 : i32 to index
        %get3A_163 = arith.index_cast %mul3A_158 : i32 to index
        %get3A_164 = tpu.vector_load %arg5[%get3A_161, %get3A_162, %get3A_163] {strides = array<i32>} : memref<8x2x1024xf32, #tpu.memory_space<vmem>>, vector<1x1x16xf32>,
        %get3A_165 = vector.shape_cast %get3A_164 : vector<1x1x16xf32> to vector<16xf32>
        %get3A_166 = arith.constant 7 : i32
        %get3A_167 = arith.index_cast %get3A_166 : i32 to index
        %get3A_168 = arith.index_cast %mul3A_158 : i32 to index
        %get3A_169 = tpu.vector_load %arg6[%get3A_167, %get3A_168] {strides = array<i32>} : memref<8x1024xf32, #tpu.memory_space<vmem>>, vector<1x16xf32>,
        %get3A_170 = vector.shape_cast %get3A_169 : vector<1x16xf32> to vector<16xf32>
        %add3A_171 = arith.addf %get3A_165, %get3A_170 : vector<16xf32>
        %swap3A_172 = arith.constant 7 : i32
        %swap3A_173 = arith.constant 1 : i32
        %swap3A_174 = arith.index_cast %swap3A_172 : i32 to index
        %swap3A_175 = arith.index_cast %swap3A_173 : i32 to index
        %swap3A_176 = arith.index_cast %mul3A_158 : i32 to index
        %swap3A_177 = tpu.vector_load %arg5[%swap3A_174, %swap3A_175, %swap3A_176] {strides = array<i32>} : memref<8x2x1024xf32, #tpu.memory_space<vmem>>, vector<1x1x16xf32>,
        %swap3A_178 = vector.shape_cast %swap3A_177 : vector<1x1x16xf32> to vector<16xf32>
        %swap3A_179 = vector.shape_cast %add3A_171 : vector<16xf32> to vector<1x1x16xf32>
        tpu.vector_store %arg5[%swap3A_174, %swap3A_175, %swap3A_176], %swap3A_179 {strides = array<i32>} : memref<8x2x1024xf32, #tpu.memory_space<vmem>>, vector<1x1x16xf32>,
        %scan3A_180 = arith.constant 3 : i32
        %scan3A_181 = arith.addi %scan3A_108, %scan3A_180 : i32
        %mul3A_182 = arith.constant 16 : i32
        %mul3A_183 = arith.muli %scan3A_181, %mul3A_182 : i32
        %get3A_184 = arith.constant 7 : i32
        %get3A_185 = arith.constant 1 : i32
        %get3A_186 = arith.index_cast %get3A_184 : i32 to index
        %get3A_187 = arith.index_cast %get3A_185 : i32 to index
        %get3A_188 = arith.index_cast %mul3A_183 : i32 to index
        %get3A_189 = tpu.vector_load %arg5[%get3A_186, %get3A_187, %get3A_188] {strides = array<i32>} : memref<8x2x1024xf32, #tpu.memory_space<vmem>>, vector<1x1x16xf32>,
        %get3A_190 = vector.shape_cast %get3A_189 : vector<1x1x16xf32> to vector<16xf32>
        %get3A_191 = arith.constant 7 : i32
        %get3A_192 = arith.index_cast %get3A_191 : i32 to index
        %get3A_193 = arith.index_cast %mul3A_183 : i32 to index
        %get3A_194 = tpu.vector_load %arg6[%get3A_192, %get3A_193] {strides = array<i32>} : memref<8x1024xf32, #tpu.memory_space<vmem>>, vector<1x16xf32>,
        %get3A_195 = vector.shape_cast %get3A_194 : vector<1x16xf32> to vector<16xf32>
        %add3A_196 = arith.addf %get3A_190, %get3A_195 : vector<16xf32>
        %swap3A_197 = arith.constant 7 : i32
        %swap3A_198 = arith.constant 1 : i32
        %swap3A_199 = arith.index_cast %swap3A_197 : i32 to index
        %swap3A_200 = arith.index_cast %swap3A_198 : i32 to index
        %swap3A_201 = arith.index_cast %mul3A_183 : i32 to index
        %swap3A_202 = tpu.vector_load %arg5[%swap3A_199, %swap3A_200, %swap3A_201] {strides = array<i32>} : memref<8x2x1024xf32, #tpu.memory_space<vmem>>, vector<1x1x16xf32>,
        %swap3A_203 = vector.shape_cast %swap3A_202 : vector<1x1x16xf32> to vector<16xf32>
        %swap3A_204 = vector.shape_cast %add3A_196 : vector<16xf32> to vector<1x1x16xf32>
        tpu.vector_store %arg5[%swap3A_199, %swap3A_200, %swap3A_201], %swap3A_204 {strides = array<i32>} : memref<8x2x1024xf32, #tpu.memory_space<vmem>>, vector<1x1x16xf32>,
        %scan3A_205 = arith.constant 4 : i32
        %scan3A_206 = arith.addi %scan3A_108, %scan3A_205 : i32
        %mul3A_207 = arith.constant 16 : i32
        %mul3A_208 = arith.muli %scan3A_206, %mul3A_207 : i32
        %get3A_209 = arith.constant 7 : i32
        %get3A_210 = arith.constant 1 : i32
        %get3A_211 = arith.index_cast %get3A_209 : i32 to index
        %get3A_212 = arith.index_cast %get3A_210 : i32 to index
        %get3A_213 = arith.index_cast %mul3A_208 : i32 to index
        %get3A_214 = tpu.vector_load %arg5[%get3A_211, %get3A_212, %get3A_213] {strides = array<i32>} : memref<8x2x1024xf32, #tpu.memory_space<vmem>>, vector<1x1x16xf32>,
        %get3A_215 = vector.shape_cast %get3A_214 : vector<1x1x16xf32> to vector<16xf32>
        %get3A_216 = arith.constant 7 : i32
        %get3A_217 = arith.index_cast %get3A_216 : i32 to index
        %get3A_218 = arith.index_cast %mul3A_208 : i32 to index
        %get3A_219 = tpu.vector_load %arg6[%get3A_217, %get3A_218] {strides = array<i32>} : memref<8x1024xf32, #tpu.memory_space<vmem>>, vector<1x16xf32>,
        %get3A_220 = vector.shape_cast %get3A_219 : vector<1x16xf32> to vector<16xf32>
        %add3A_221 = arith.addf %get3A_215, %get3A_220 : vector<16xf32>
        %swap3A_222 = arith.constant 7 : i32
        %swap3A_223 = arith.constant 1 : i32
        %swap3A_224 = arith.index_cast %swap3A_222 : i32 to index
        %swap3A_225 = arith.index_cast %swap3A_223 : i32 to index
        %swap3A_226 = arith.index_cast %mul3A_208 : i32 to index
        %swap3A_227 = tpu.vector_load %arg5[%swap3A_224, %swap3A_225, %swap3A_226] {strides = array<i32>} : memref<8x2x1024xf32, #tpu.memory_space<vmem>>, vector<1x1x16xf32>,
        %swap3A_228 = vector.shape_cast %swap3A_227 : vector<1x1x16xf32> to vector<16xf32>
        %swap3A_229 = vector.shape_cast %add3A_221 : vector<16xf32> to vector<1x1x16xf32>
        tpu.vector_store %arg5[%swap3A_224, %swap3A_225, %swap3A_226], %swap3A_229 {strides = array<i32>} : memref<8x2x1024xf32, #tpu.memory_space<vmem>>, vector<1x1x16xf32>,
        %scan3A_230 = arith.constant 5 : i32
        %scan3A_231 = arith.addi %scan3A_108, %scan3A_230 : i32
        %mul3A_232 = arith.constant 16 : i32
        %mul3A_233 = arith.muli %scan3A_231, %mul3A_232 : i32
        %get3A_234 = arith.constant 7 : i32
        %get3A_235 = arith.constant 1 : i32
        %get3A_236 = arith.index_cast %get3A_234 : i32 to index
        %get3A_237 = arith.index_cast %get3A_235 : i32 to index
        %get3A_238 = arith.index_cast %mul3A_233 : i32 to index
        %get3A_239 = tpu.vector_load %arg5[%get3A_236, %get3A_237, %get3A_238] {strides = array<i32>} : memref<8x2x1024xf32, #tpu.memory_space<vmem>>, vector<1x1x16xf32>,
        %get3A_240 = vector.shape_cast %get3A_239 : vector<1x1x16xf32> to vector<16xf32>
        %get3A_241 = arith.constant 7 : i32
        %get3A_242 = arith.index_cast %get3A_241 : i32 to index
        %get3A_243 = arith.index_cast %mul3A_233 : i32 to index
        %get3A_244 = tpu.vector_load %arg6[%get3A_242, %get3A_243] {strides = array<i32>} : memref<8x1024xf32, #tpu.memory_space<vmem>>, vector<1x16xf32>,
        %get3A_245 = vector.shape_cast %get3A_244 : vector<1x16xf32> to vector<16xf32>
        %add3A_246 = arith.addf %get3A_240, %get3A_245 : vector<16xf32>
        %swap3A_247 = arith.constant 7 : i32
        %swap3A_248 = arith.constant 1 : i32
        %swap3A_249 = arith.index_cast %swap3A_247 : i32 to index
        %swap3A_250 = arith.index_cast %swap3A_248 : i32 to index
        %swap3A_251 = arith.index_cast %mul3A_233 : i32 to index
        %swap3A_252 = tpu.vector_load %arg5[%swap3A_249, %swap3A_250, %swap3A_251] {strides = array<i32>} : memref<8x2x1024xf32, #tpu.memory_space<vmem>>, vector<1x1x16xf32>,
        %swap3A_253 = vector.shape_cast %swap3A_252 : vector<1x1x16xf32> to vector<16xf32>
        %swap3A_254 = vector.shape_cast %add3A_246 : vector<16xf32> to vector<1x1x16xf32>
        tpu.vector_store %arg5[%swap3A_249, %swap3A_250, %swap3A_251], %swap3A_254 {strides = array<i32>} : memref<8x2x1024xf32, #tpu.memory_space<vmem>>, vector<1x1x16xf32>,
        %scan3A_255 = arith.constant 6 : i32
        %scan3A_256 = arith.addi %scan3A_108, %scan3A_255 : i32
        %mul3A_257 = arith.constant 16 : i32
        %mul3A_258 = arith.muli %scan3A_256, %mul3A_257 : i32
        %get3A_259 = arith.constant 7 : i32
        %get3A_260 = arith.constant 1 : i32
        %get3A_261 = arith.index_cast %get3A_259 : i32 to index
        %get3A_262 = arith.index_cast %get3A_260 : i32 to index
        %get3A_263 = arith.index_cast %mul3A_258 : i32 to index
        %get3A_264 = tpu.vector_load %arg5[%get3A_261, %get3A_262, %get3A_263] {strides = array<i32>} : memref<8x2x1024xf32, #tpu.memory_space<vmem>>, vector<1x1x16xf32>,
        %get3A_265 = vector.shape_cast %get3A_264 : vector<1x1x16xf32> to vector<16xf32>
        %get3A_266 = arith.constant 7 : i32
        %get3A_267 = arith.index_cast %get3A_266 : i32 to index
        %get3A_268 = arith.index_cast %mul3A_258 : i32 to index
        %get3A_269 = tpu.vector_load %arg6[%get3A_267, %get3A_268] {strides = array<i32>} : memref<8x1024xf32, #tpu.memory_space<vmem>>, vector<1x16xf32>,
        %get3A_270 = vector.shape_cast %get3A_269 : vector<1x16xf32> to vector<16xf32>
        %add3A_271 = arith.addf %get3A_265, %get3A_270 : vector<16xf32>
        %swap3A_272 = arith.constant 7 : i32
        %swap3A_273 = arith.constant 1 : i32
        %swap3A_274 = arith.index_cast %swap3A_272 : i32 to index
        %swap3A_275 = arith.index_cast %swap3A_273 : i32 to index
        %swap3A_276 = arith.index_cast %mul3A_258 : i32 to index
        %swap3A_277 = tpu.vector_load %arg5[%swap3A_274, %swap3A_275, %swap3A_276] {strides = array<i32>} : memref<8x2x1024xf32, #tpu.memory_space<vmem>>, vector<1x1x16xf32>,
        %swap3A_278 = vector.shape_cast %swap3A_277 : vector<1x1x16xf32> to vector<16xf32>
        %swap3A_279 = vector.shape_cast %add3A_271 : vector<16xf32> to vector<1x1x16xf32>
        tpu.vector_store %arg5[%swap3A_274, %swap3A_275, %swap3A_276], %swap3A_279 {strides = array<i32>} : memref<8x2x1024xf32, #tpu.memory_space<vmem>>, vector<1x1x16xf32>,
        %scan3A_280 = arith.constant 7 : i32
        %scan3A_281 = arith.addi %scan3A_108, %scan3A_280 : i32
        %mul3A_282 = arith.constant 16 : i32
        %mul3A_283 = arith.muli %scan3A_281, %mul3A_282 : i32
        %get3A_284 = arith.constant 7 : i32
        %get3A_285 = arith.constant 1 : i32
        %get3A_286 = arith.index_cast %get3A_284 : i32 to index
        %get3A_287 = arith.index_cast %get3A_285 : i32 to index
        %get3A_288 = arith.index_cast %mul3A_283 : i32 to index
        %get3A_289 = tpu.vector_load %arg5[%get3A_286, %get3A_287, %get3A_288] {strides = array<i32>} : memref<8x2x1024xf32, #tpu.memory_space<vmem>>, vector<1x1x16xf32>,
        %get3A_290 = vector.shape_cast %get3A_289 : vector<1x1x16xf32> to vector<16xf32>
        %get3A_291 = arith.constant 7 : i32
        %get3A_292 = arith.index_cast %get3A_291 : i32 to index
        %get3A_293 = arith.index_cast %mul3A_283 : i32 to index
        %get3A_294 = tpu.vector_load %arg6[%get3A_292, %get3A_293] {strides = array<i32>} : memref<8x1024xf32, #tpu.memory_space<vmem>>, vector<1x16xf32>,
        %get3A_295 = vector.shape_cast %get3A_294 : vector<1x16xf32> to vector<16xf32>
        %add3A_296 = arith.addf %get3A_290, %get3A_295 : vector<16xf32>
        %swap3A_297 = arith.constant 7 : i32
        %swap3A_298 = arith.constant 1 : i32
        %swap3A_299 = arith.index_cast %swap3A_297 : i32 to index
        %swap3A_300 = arith.index_cast %swap3A_298 : i32 to index
        %swap3A_301 = arith.index_cast %mul3A_283 : i32 to index
        %swap3A_302 = tpu.vector_load %arg5[%swap3A_299, %swap3A_300, %swap3A_301] {strides = array<i32>} : memref<8x2x1024xf32, #tpu.memory_space<vmem>>, vector<1x1x16xf32>,
        %swap3A_303 = vector.shape_cast %swap3A_302 : vector<1x1x16xf32> to vector<16xf32>
        %swap3A_304 = vector.shape_cast %add3A_296 : vector<16xf32> to vector<1x1x16xf32>
        tpu.vector_store %arg5[%swap3A_299, %swap3A_300, %swap3A_301], %swap3A_304 {strides = array<i32>} : memref<8x2x1024xf32, #tpu.memory_space<vmem>>, vector<1x1x16xf32>,
      }
      %scan3A_107 = arith.constant 64 : i32
      "tpu.region"() ({
        %run_scoped3A = tpu.sem_alloc : memref<!tpu.dma_semaphore, #tpu.memory_space<semaphore_mem>>
        %dma_start3A = arith.constant 0 : i32
        %dma_start3A_108 = arith.constant 0 : i32
        %dma_start3A_109 = tpu.memref_slice %arg4[%add3A_11, %dma_start3A, %dma_start3A_108] : memref<4096x2x1024xf32, #tpu.memory_space<hbm>> -> memref<8x2x1024xf32, #tpu.memory_space<hbm>>
        %dma_start3A_110 = arith.constant 0 : i32
        %dma_start3A_111 = arith.constant 0 : i32
        %dma_start3A_112 = tpu.memref_slice %arg4[%add3A_11, %dma_start3A_110, %dma_start3A_111] : memref<4096x2x1024xf32, #tpu.memory_space<hbm>> -> memref<8x2x1024xf32, #tpu.memory_space<hbm>>
        tpu.enqueue_dma source(%arg5 : memref<8x2x1024xf32, #tpu.memory_space<vmem>>) target(%dma_start3A_112 : memref<8x2x1024xf32, #tpu.memory_space<hbm>>) target_semaphore(%run_scoped3A : memref<!tpu.dma_semaphore, #tpu.memory_space<semaphore_mem>>)
        %dma_wait3A = arith.constant 0 : i32
        %dma_wait3A_113 = arith.constant 0 : i32
        %dma_wait3A_114 = tpu.memref_slice %arg4[%add3A_11, %dma_wait3A, %dma_wait3A_113] : memref<4096x2x1024xf32, #tpu.memory_space<hbm>> -> memref<8x2x1024xf32, #tpu.memory_space<hbm>>
        %dma_wait3A_115 = arith.constant 0 : i32
        %dma_wait3A_116 = arith.constant 0 : i32
        %dma_wait3A_117 = tpu.memref_slice %arg4[%add3A_11, %dma_wait3A_115, %dma_wait3A_116] : memref<4096x2x1024xf32, #tpu.memory_space<hbm>> -> memref<8x2x1024xf32, #tpu.memory_space<hbm>>
        tpu.wait_dma2 semaphore(%run_scoped3A : memref<!tpu.dma_semaphore, #tpu.memory_space<semaphore_mem>>) src(%arg5 : memref<8x2x1024xf32, #tpu.memory_space<vmem>>) dst(%dma_wait3A_117 : memref<8x2x1024xf32, #tpu.memory_space<hbm>>)
        tpu.yield
      }) : () -> ()
    }
    %scan3A_7 = arith.constant 16 : i32
    return
  }
}

</mosaic_0001>

<sc_bundles>
// kernel: kernel.3.cloned.1.call-start
scs
__scs_entry_jumppad:
0x0: {  	(pc) =	sbr.rel $0x88, $3  }
0x1: {  	(tag) =	ssettag $0x0;
	lr =	simm.s32 $0x1  }
0x2: {  	[smem:$0x3F9F] =	sst lr;
	_ =	strace $0xD0000000  }
0x3: {  	_ = 	snop  }
0x4: {  	_ = 	snop  }
0x5: {  	_ = 	snop  }
0x6: {  	_ = 	snop  }
0x7: {  	_ = 	snop  }
__scs_overlays_trampoline_lowered:
0x8: {  	[smem:$0x3FAE] =	sst s0  }
0x9: {  	[smem:$0x3FAF] =	sst s1  }
0xa: {  	[smem:$0x3FB0] =	sst s2  }
0xb: {  	[smem:$0x3FB1] =	sst s3  }
0xc: {  	[smem:$0x3FB2] =	sst s4  }
0xd: {  	[smem:$0x3FB3] =	sst s5  }
0xe: {  	[smem:$0x3FB4] =	sst s6  }
0xf: {  	[smem:$0x3FB5] =	sst s7  }
0x10: {  	[smem:$0x3FB6] =	sst s8  }
0x11: {  	[smem:$0x3FB7] =	sst s9;
	s0 =	simm.s32 @!p0 $0x0  }
0x12: {  	s1 =	sld [smem:$0x3F9D];
	s0 =	simm.s32 @p0 $0x1  }
0x13: {  	[smem:$0x3FB8] =	sst s0;
	s0 =	simm.s32 @!p1 $0x0  }
0x14: {  	s2 =	sld [smem:$0x3F9C];
	s0 =	simm.s32 @p1 $0x1  }
0x15: {  	[smem:$0x3FB9] =	sst s0;
	s0 =	simm.s32 @!p2 $0x0  }
0x16: {  	s3 =	sld [smem:$0x3FDB];
	s0 =	simm.s32 @p2 $0x1  }
0x17: {  	s4 =	simm.s32 $0x1BF5;
	[smem:$0x3FBB] =	sst s0  }
0x18: {  	s0 =	sld [smem:$0x3F9E];
	_ =	swait.ge [sflag:s4], $0x0  }
0x19: {  	s7 =	sld [smem:$0x3F9F]  }
0x1a: {  	s8 =	sadd.s32 $0xFFFFE003, lr  }
0x1b: {  	s9 =	sadd.s32 $0xFFFFFEF7, lr;
	s5 =	simm.s32 $0xFFFFFFFF;
	p2 =	slt.u32 s8, $0xFFFFF086  }
0x1c: {  	p1 =	slt.u32 s9, $0xF7A;
	s5 =	simm.s32 @!p2 $0x0  }
0x1d: {  	s5 =	simm.s32 @p1 $0x1;
	p0 =	seq.s32 s7, s2  }
0x1e: {  	s7 =	smul.u32 @!p0 $0xF7A, s2;
	p2 =	seq.s32 @!p0 s5, $0x0  }
0x1f: {  	s9 =	smul.u32 $0xF7A, s1;
	s8 =	simm.s32 @!p0 $0x1BF5;
	p2 =	por !p2, p0  }
0x20: {  	[sflag:s8] =	ssyncset.s32 @!p0 $0xFFFFF086;
	s6 =	sadd.s32 @!p0 s3, s7;
	s7 =	simm.s32 @!p0 $0x108  }
0x21: {  	s3 =	sadd.s32 s3, s9;
	s6 =	sadd.s32 @!p0 $0x88, s6;
	s7 =	simm.s32 @p2 $0x1082  }
0x22: {  	[simem:s7], [sflag:s8] =	dma.local @!p0 [hbm:s6], $0xF7A  }
0x23: {  	s9 =	sor.u32 $0xD0000000, s2;
	s6 =	simm.s32 $0x108;
	_ =	swait.ge @!p0 [sflag:s8], $0x0  }
0x24: {  	s3 =	sadd.s32 $0x88, s3;
	s6 =	simm.s32 @!p1 $0x1082;
	[sflag:s4] =	ssyncset.s32 $0xFFFFF086  }
0x25: {  	[simem:s6], [sflag:s4] =	dma.local [hbm:s3], $0xF7A  }
0x26: {  	[smem:$0x3F9F] =	sst s1;
	(tag) =	ssettag s2;
	_ =	strace s9  }
0x27: {  	s1 =	sld [smem:$0x3FAF]  }
0x28: {  	s2 =	sld [smem:$0x3FB0]  }
0x29: {  	s4 =	sld [smem:$0x3FB2]  }
0x2a: {  	p0 =	seq.s32 s5, $0x0;
	s5 =	sld [smem:$0x3FB3]  }
0x2b: {  	s6 =	sld [smem:$0x3FB4]  }
0x2c: {  	s7 =	sld [smem:$0x3FB5]  }
0x2d: {  	s3 =	simm.s32 $0x108;
	s8 =	sld [smem:$0x3FB6]  }
0x2e: {  	s3 =	simm.s32 @!p0 $0x1082;
	s9 =	sld [smem:$0x3FB7]  }
0x2f: {  	lr =	sadd.s32 s0, s3;
	s0 =	sld [smem:$0x3FAE]  }
0x30: {  	s3 =	sld [smem:$0x3FB1]  }
0x31: {  	[smem:$0x3FBA] =	sst s10  }
0x32: {  	s10 =	sld [smem:$0x3FB8];
	_ =	sdelay $0x3  }
0x33: {  	p0 =	seq.s32 s10, $0x1;
	s10 =	sld [smem:$0x3FBA];
	_ =	sdelay $0x3  }
0x34: {  	[smem:$0x3FBA] =	sst s10  }
0x35: {  	s10 =	sld [smem:$0x3FB9];
	_ =	sdelay $0x3  }
0x36: {  	p1 =	seq.s32 s10, $0x1;
	s10 =	sld [smem:$0x3FBA];
	_ =	sdelay $0x3  }
0x37: {  	[smem:$0x3FBA] =	sst s10  }
0x38: {  	s10 =	sld [smem:$0x3FBB]  }
0x39: {  	_ = 	snop;
	(pc) =	sbr.ind lr, $3  }
0x3a: {  	_ = 	snop  }
0x3b: {  	_ = 	snop  }
0x3c: {  	p2 =	seq.s32 s10, $0x1;
	s10 =	sld [smem:$0x3FBA]  }
0x3d: {  	_ =	shalt  }
0x3e: {  	_ =	shalt  }
0x3f: {  	_ =	shalt  }
0x40: {  	_ =	shalt  }
0x41: {  	_ =	shalt  }
0x42: {  	_ =	shalt  }
0x43: {  	_ =	shalt  }
0x44: {  	_ =	shalt  }
0x45: {  	_ =	shalt  }
0x46: {  	_ =	shalt  }
0x47: {  	_ =	shalt  }
0x48: {  	_ =	shalt  }
0x49: {  	_ =	shalt  }
0x4a: {  	_ =	shalt  }
0x4b: {  	_ =	shalt  }
0x4c: {  	_ =	shalt  }
0x4d: {  	_ =	shalt  }
0x4e: {  	_ =	shalt  }
0x4f: {  	_ =	shalt  }
0x50: {  	_ =	shalt  }
0x51: {  	_ =	shalt  }
0x52: {  	_ =	shalt  }
0x53: {  	_ =	shalt  }
0x54: {  	_ =	shalt  }
0x55: {  	_ =	shalt  }
0x56: {  	_ =	shalt  }
0x57: {  	_ =	shalt  }
0x58: {  	_ =	shalt  }
0x59: {  	_ =	shalt  }
0x5a: {  	_ =	shalt  }
0x5b: {  	_ =	shalt  }
0x5c: {  	_ =	shalt  }
0x5d: {  	_ =	shalt  }
0x5e: {  	_ =	shalt  }
0x5f: {  	_ =	shalt  }
0x60: {  	_ =	shalt  }
0x61: {  	_ =	shalt  }
0x62: {  	_ =	shalt  }
0x63: {  	_ =	shalt  }
0x64: {  	_ =	shalt  }
0x65: {  	_ =	shalt  }
0x66: {  	_ =	shalt  }
0x67: {  	_ =	shalt  }
0x68: {  	_ =	shalt  }
0x69: {  	_ =	shalt  }
0x6a: {  	_ =	shalt  }
0x6b: {  	_ =	shalt  }
0x6c: {  	_ =	shalt  }
0x6d: {  	_ =	shalt  }
0x6e: {  	_ =	shalt  }
0x6f: {  	_ =	shalt  }
0x70: {  	_ =	shalt  }
0x71: {  	_ =	shalt  }
0x72: {  	_ =	shalt  }
0x73: {  	_ =	shalt  }
0x74: {  	_ =	shalt  }
0x75: {  	_ =	shalt  }
0x76: {  	_ =	shalt  }
0x77: {  	_ =	shalt  }
0x78: {  	_ =	shalt  }
0x79: {  	_ =	shalt  }
0x7a: {  	_ =	shalt  }
0x7b: {  	_ =	shalt  }
0x7c: {  	_ =	shalt  }
0x7d: {  	_ =	shalt  }
0x7e: {  	_ =	shalt  }
0x7f: {  	_ =	shalt  }
0x80: {  	_ =	shalt  }
0x81: {  	_ =	shalt  }
0x82: {  	_ =	shalt  }
0x83: {  	_ =	shalt  }
0x84: {  	_ =	shalt  }
0x85: {  	_ =	shalt  }
0x86: {  	_ =	shalt  }
0x87: {  	_ =	shalt  }
.Lfunc_end0:
.L_simem_size_0:
called_computation_lowered:
.L_overlay_start_0:
0x88: {  	s2 =	sld [smem:$0x3FD9]  }
0x89: {  	s3 =	sld [smem:$0x3FFE];
	_ =	sdelay $0x1  }
0x8a: {  	s1 =	srdreg.scid  }
0x8b: {  	s0 =	sand.u32 $0x1, s1  }
0x8c: {  	s18 =	sshll.u32 s0, $0xA;
	s2 =	sadd.s32 s3, s2  }
0x8d: {  	s2 =	sadd.s32 s2, s18  }
0x8e: {  	[smem:$0x3FC6] =	sst s2  }
0x8f: {  	_ = 	snop  }
0x90: {  	s2 =	sld [smem:$0x3FC9]  }
0x91: {  	s19 =	sld [smem:$0x3FC8]  }
0x92: {  	s4 =	sld [smem:$0x3FD0];
	(tm) =	ssettm $0x1  }
0x93: {  	s5 =	sld [smem:$0x3FFB];
	_ =	sdelay $0x3  }
0x94: {  	_ =	strace s5  }
0x95: {  	s5 =	sld [smem:$0x3FFC];
	_ =	sdelay $0x3  }
0x96: {  	_ =	strace s5  }
0x97: {  	s5 =	sld [smem:$0x3FFD];
	_ =	sdelay $0x3  }
0x98: {  	_ =	strace s5  }
0x99: {  	_ =	strace $0x8FFFFFFF  }
0x9a: {  	s20 =	sld [smem:$0x3FDB];
	_ =	sdelay $0x1  }
0x9b: {  	s6 =	simm.s32 $_scs_section_size  }
0x9c: {  	s7 =	simm.s32 $_size__tile_overlayer_lowered;
	s8 =	simm.s32 $_tile_overlayer_lowered  }
0x9d: {  	s23 =	simm.s32 $0x1BFF;
	s22 =	sshll.u32 s8, $0x1;
	s5 =	sadd.s32 s6, s20  }
0x9e: {  	s9 =	simm.s32 $0x0;
	s21 =	sshll.u32 s7, $0x1;
	s7 =	sadd.s32 s22, s5  }
0x9f: {  	[timem:s9], [sflag:s23] =	dma.local [hbm:s7], s21  }
0xa0: {  	_ =	swait.ge [sflag:s23], s21  }
0xa1: {  	s6 =	ssub.s32 $0x0, s21;
	[sflag:s23] =	ssyncset.done $0x0  }
0xa2: {  	[sflag:s23] =	ssyncadd.s32 s6;
	_ =	sdelay $0x1  }
0xa3: {  	s24 =	simm.s32 $0x1B8B  }
0xa4: {  	_ =	swait.ge [sflag:s24], $0x1  }
0xa5: {  	[sflag:s24] =	ssyncset.done $0x0  }
0xa6: {  	s25 =	simm.s32 $0x1B8E;
	[sflag:s24] =	ssyncadd.s32 $0xFFFFFFFF  }
0xa7: {  	s26 =	simm.s32 $execute0_lowered;
	[smem:$0x3FD2] =	sst s25  }
0xa8: {  	s6 =	sshll.u32 s26, $0x1;
	_ =	strace $0x80000046;
	[dreg:$0x1] =	wrdreg $0xFFFFFFFF  }
0xa9: {  	s28 =	simm.s32 $_size_execute0_lowered;
	s5 =	sadd.s32 s5, s6;
	[dreg:$0x0] =	wrdreg $0x0  }
0xaa: {  	s6 =	sshll.u32 s28, $0x1;
	[dreg:$0x2] =	wrdreg s5  }
0xab: {  	[dreg:$0x3] =	wrdreg s6  }
0xac: {  	[dreg:$0x4] =	wrdreg $0xC0  }
0xad: {  	_ =	task [dreg:s9], $0x5FFFF  }
0xae: {  	[dreg:$0x1] =	wrdreg $0xFFFFFFFF  }
0xaf: {  	[dreg:$0x0] =	wrdreg $0x60  }
0xb0: {  	[dreg:$0x2] =	wrdreg s2  }
0xb1: {  	[dreg:$0x3] =	wrdreg s19  }
0xb2: {  	[dreg:$0x4] =	wrdreg s4  }
0xb3: {  	[dreg:$0x5] =	wrdreg $0x9  }
0xb4: {  	_ =	task.clear_ibuf [dreg:s9], $0x6FFFF;
	_ =	strace $0x90000046  }
0xb5: {  	s29 =	simm.s32 $0x9;
	_ =	strace $0x80000048  }
0xb6: {  	_ =	swait.ge [sflag:s29], $0x1  }
0xb7: {  	[sflag:s29] =	ssyncadd.s32 $0xFFFFFFFF  }
0xb8: {  	_ =	strace $0x90000048  }
0xb9: {  	_ =	sfence  }
0xba: {  	s30 =	sld [smem:$0x0];
	_ =	sdelay $0x2  }
0xbb: {  	s31 =	sshll.u32 s1, $0xD;
	s1 =	sshrl.u32 s1, $0x2  }
0xbc: {  	s3 =	sand.u32 $0x4000, s31;
	s1 =	sadd.s32 s1, s30  }
0xbd: {  	s0 =	sor.u32 s3, s0;
	s1 =	sshll.u32 s1, $0x11  }
0xbe: {  	s0 =	sor.u32 s1, s0  }
0xbf: {  	s0 =	sadd.s32 $0x8F2B, s0  }
0xc0: {  	[sflag:s0] =	ssyncadd.remote.s32 $0x1  }
0xc1: {  	_ =	sfence.sel $0xFFFF  }
0xc2: {  	[dreg:$0x0] =	wrdreg $0xFFFFFFFF;
	(pc) =	sbr.abs _section_cstart, $3  }
0xc3: {  	[dreg:$0x1] =	wrdreg $0xFFFFFFFF  }
0xc4: {  	_ =	task.clear_ibuf [dreg:s9], $0x2FFFF;
	_ =	strace $0x9FFFFFFF  }
0xc5: {  	(tm) =	ssettm $0x7FFFFFFF  }
tec
execute0_lowered:
.L_overlay_start_1:
0x0: {  	(tag) =	ssettag $0x1  }
0x1: {  	s1 =	rddreg [dreg:$0x0]  }
0x2: {  	s2 =	rddreg [dreg:$0x1]  }
0x3: {  	s0 =	srdreg.scid;
	s3 =	rddreg [dreg:$0x2];
	s5 =	simm.s32 $0x0  }
0x4: {  	s4 =	stileid.u32;
	s9 =	simm.s32 $0x4000;
	s6 =	sand.u32 $0x1, s0  }
0x5: {  	s10 =	simm.s32 $0x0;
	s0 =	rddreg [dreg:$0x3];
	s7 =	ssub.s32 $0x2, s6  }
0x6: {  	[smem:$0x7FF] =	sst s5;
	s31 =	sshll.u32 s4, $0x7;
	s8 =	sshrl.u32 s7, $0x1  }
0x7: {  	s6 =	sshll.u32 s6, $0xB;
	_ =	strace $0x80000047;
	s7 =	ssub.s32 s7, s8  }
0x8: {  	s6 =	sor.u32 s31, s6;
	s8 =	simm.s32 $0x1;
	s7 =	smax.u32 s7, $0x1  }
.LBB2_1:
0x9: {  	s11 =	simm.s32 $0x0  }
.LBB2_2:
0xa: {  	s12 =	sshll.u32 s11, $0x3  }
0xb: {  	s13 =	sadd.s32 s6, s12  }
0xc: {  	s12 =	sshll.u32 s13, $0x8  }
0xd: {  	s14 =	sadd.s32 s1, s12  }
0xe: {  	[tilespmem:s5], [sflag:$0x1] =	stream.linear.gather [hbm4b:s14+s5], $0x4000, $0x38;
	[tilespmem:$0x6000] =	vst v63  }
0xf: {  	_ =	swait.ge [sflag:s8], $0x4000  }
0x10: {  	s13 =	sshll.u32 s13, $0x7;
	[sflag:s8] =	ssyncset.done $0x0  }
0x11: {  	s13 =	sadd.s32 s2, s13;
	[sflag:s8] =	ssyncadd.s32 $0xFFFFC000  }
0x12: {  	[tilespmem:s9], [sflag:$0x1] =	stream.linear.gather [hbm4b:s13+s5], $0x2000, $0x38;
	[tilespmem:$0x6000] =	vst v63  }
0x13: {  	_ =	swait.ge [sflag:s8], $0x2000  }
0x14: {  	[sflag:s8] =	ssyncset.done $0x0  }
0x15: {  	s13 =	simm.s32 $0x40;
	[sflag:s8] =	ssyncadd.s32 $0xFFFFE000  }
0x16: {  	s14 =	simm.s32 $0x4040;
	v0 =	vld [tilespmem:s13+$0xFFFFFFC0]  }
0x17: {  	v1 =	vld [tilespmem:s14+$0xFFFFFFC0];
	_ =	sdelay $0x4  }
0x18: {  	v0 =	vadd.f32 v1, v0;
	_ =	sdelay $0x1  }
0x19: {  	[tilespmem:s13+$0xFFFFFFC0] =	vst v0;
	v0 =	vld [tilespmem:s13+$0xFFFFFFD0]  }
0x1a: {  	v1 =	vld [tilespmem:s14+$0xFFFFFFD0];
	_ =	sdelay $0x4  }
0x1b: {  	v0 =	vadd.f32 v1, v0;
	_ =	sdelay $0x1  }
0x1c: {  	[tilespmem:s13+$0xFFFFFFD0] =	vst v0;
	v0 =	vld [tilespmem:s13+$0xFFFFFFE0]  }
0x1d: {  	v1 =	vld [tilespmem:s14+$0xFFFFFFE0];
	_ =	sdelay $0x4  }
0x1e: {  	v0 =	vadd.f32 v1, v0;
	_ =	sdelay $0x1  }
0x1f: {  	[tilespmem:s13+$0xFFFFFFE0] =	vst v0;
	v0 =	vld [tilespmem:s13+$0xFFFFFFF0]  }
0x20: {  	v1 =	vld [tilespmem:s14+$0xFFFFFFF0];
	_ =	sdelay $0x4  }
0x21: {  	v0 =	vadd.f32 v1, v0;
	_ =	sdelay $0x1  }
0x22: {  	[tilespmem:s13+$0xFFFFFFF0] =	vst v0;
	v0 =	vld [tilespmem:s13+$0x0]  }
0x23: {  	v1 =	vld [tilespmem:s14+$0x0];
	_ =	sdelay $0x4  }
0x24: {  	v0 =	vadd.f32 v1, v0;
	_ =	sdelay $0x1  }
0x25: {  	[tilespmem:s13+$0x0] =	vst v0;
	v0 =	vld [tilespmem:s13+$0x10]  }
0x26: {  	v1 =	vld [tilespmem:s14+$0x10];
	_ =	sdelay $0x4  }
0x27: {  	v0 =	vadd.f32 v1, v0;
	_ =	sdelay $0x1  }
0x28: {  	[tilespmem:s13+$0x10] =	vst v0;
	v0 =	vld [tilespmem:s13+$0x20]  }
0x29: {  	v1 =	vld [tilespmem:s14+$0x20];
	_ =	sdelay $0x4  }
0x2a: {  	v0 =	vadd.f32 v1, v0;
	_ =	sdelay $0x1  }
0x2b: {  	[tilespmem:s13+$0x20] =	vst v0;
	v0 =	vld [tilespmem:s13+$0x30]  }
0x2c: {  	v1 =	vld [tilespmem:s14+$0x30];
	_ =	sdelay $0x4  }
0x2d: {  	v0 =	vadd.f32 v1, v0  }
0x2e: {  	s15 =	simm.s32 $0x0;
	s17 =	simm.s32 $0x140;
	s18 =	simm.s32 $0x4040  }
.LBB2_3:
0x2f: {  	v1 =	vld [tilespmem:s17+$0xFFFFFFC0];
	[tilespmem:s13+$0x30] =	vst v0;
	s18 =	sadd.s32 $0x400, s18;
	s16 =	simm.s32 $0xF0;
	s13 =	smov.u32 s17  }
0x30: {  	s15 =	sadd.s32 $0x8, s15;
	v0 =	vld [tilespmem:s18+$0xFFFFFFC0]  }
0x31: {  	p0 =	slt.u32 s15, $0x38;
	_ =	sdelay $0x3  }
0x32: {  	v0 =	vadd.f32 v0, v1;
	_ =	sdelay $0x1  }
0x33: {  	[tilespmem:s17+$0xFFFFFFC0] =	vst v0;
	v0 =	vld [tilespmem:s17+$0xFFFFFFD0]  }
0x34: {  	v1 =	vld [tilespmem:s18+$0xFFFFFFD0];
	_ =	sdelay $0x4  }
0x35: {  	v0 =	vadd.f32 v1, v0;
	_ =	sdelay $0x1  }
0x36: {  	[tilespmem:s17+$0xFFFFFFD0] =	vst v0;
	v0 =	vld [tilespmem:s17+$0xFFFFFFE0]  }
0x37: {  	v1 =	vld [tilespmem:s18+$0xFFFFFFE0];
	_ =	sdelay $0x4  }
0x38: {  	v0 =	vadd.f32 v1, v0;
	_ =	sdelay $0x1  }
0x39: {  	[tilespmem:s17+$0xFFFFFFE0] =	vst v0;
	v0 =	vld [tilespmem:s17+$0xFFFFFFF0]  }
0x3a: {  	v1 =	vld [tilespmem:s18+$0xFFFFFFF0];
	_ =	sdelay $0x4  }
0x3b: {  	v0 =	vadd.f32 v1, v0;
	_ =	sdelay $0x1  }
0x3c: {  	[tilespmem:s17+$0xFFFFFFF0] =	vst v0;
	v0 =	vld [tilespmem:s17+$0x0]  }
0x3d: {  	v1 =	vld [tilespmem:s18+$0x0];
	_ =	sdelay $0x4  }
0x3e: {  	v0 =	vadd.f32 v1, v0;
	_ =	sdelay $0x1  }
0x3f: {  	[tilespmem:s17+$0x0] =	vst v0;
	v0 =	vld [tilespmem:s17+$0x10]  }
0x40: {  	v1 =	vld [tilespmem:s18+$0x10];
	_ =	sdelay $0x4  }
0x41: {  	v0 =	vadd.f32 v1, v0;
	_ =	sdelay $0x1  }
0x42: {  	[tilespmem:s17+$0x10] =	vst v0;
	v0 =	vld [tilespmem:s17+$0x20]  }
0x43: {  	v1 =	vld [tilespmem:s18+$0x20];
	_ =	sdelay $0x4  }
0x44: {  	v0 =	vadd.f32 v1, v0;
	_ =	sdelay $0x1  }
0x45: {  	[tilespmem:s17+$0x20] =	vst v0;
	v0 =	vld [tilespmem:s17+$0x30]  }
0x46: {  	v1 =	vld [tilespmem:s18+$0x30];
	_ =	sdelay $0x1  }
.Ltmp0:
0x47: {  	(pc) =	sbr.rel @p0 .LBB2_3-.Ltmp0, $3  }
0x48: {  	_ =	sdelay $0x1  }
0x49: {  	v0 =	vadd.f32 v1, v0  }
0x4a: {  	s17 =	sadd.s32 $0x100, s17  }
0x4b: {  	[tilespmem:s13+$0x30] =	vst v0  }
0x4c: {  	v0 =	vld [tilespmem:s16+$0xFFFFFF90]  }
0x4d: {  	v1 =	vld [tilespmem:s14+$0xFFFFFFC0];
	_ =	sdelay $0x4  }
0x4e: {  	v0 =	vadd.f32 v1, v0;
	_ =	sdelay $0x1  }
0x4f: {  	[tilespmem:s16+$0xFFFFFF90] =	vst v0;
	v0 =	vld [tilespmem:s16+$0xFFFFFFA0]  }
0x50: {  	v1 =	vld [tilespmem:s14+$0xFFFFFFD0];
	_ =	sdelay $0x4  }
0x51: {  	v0 =	vadd.f32 v1, v0;
	_ =	sdelay $0x1  }
0x52: {  	[tilespmem:s16+$0xFFFFFFA0] =	vst v0;
	v0 =	vld [tilespmem:s16+$0xFFFFFFB0]  }
0x53: {  	v1 =	vld [tilespmem:s14+$0xFFFFFFE0];
	_ =	sdelay $0x4  }
0x54: {  	v0 =	vadd.f32 v1, v0;
	_ =	sdelay $0x1  }
0x55: {  	[tilespmem:s16+$0xFFFFFFB0] =	vst v0;
	v0 =	vld [tilespmem:s16+$0xFFFFFFC0]  }
0x56: {  	v1 =	vld [tilespmem:s14+$0xFFFFFFF0];
	_ =	sdelay $0x4  }
0x57: {  	v0 =	vadd.f32 v1, v0;
	_ =	sdelay $0x1  }
0x58: {  	[tilespmem:s16+$0xFFFFFFC0] =	vst v0;
	v0 =	vld [tilespmem:s16+$0xFFFFFFD0]  }
0x59: {  	v1 =	vld [tilespmem:s14+$0x0];
	_ =	sdelay $0x4  }
0x5a: {  	v0 =	vadd.f32 v1, v0;
	_ =	sdelay $0x1  }
0x5b: {  	[tilespmem:s16+$0xFFFFFFD0] =	vst v0;
	v0 =	vld [tilespmem:s16+$0xFFFFFFE0]  }
0x5c: {  	v1 =	vld [tilespmem:s14+$0x10];
	_ =	sdelay $0x4  }
0x5d: {  	v0 =	vadd.f32 v1, v0;
	_ =	sdelay $0x1  }
0x5e: {  	[tilespmem:s16+$0xFFFFFFE0] =	vst v0;
	v0 =	vld [tilespmem:s16+$0xFFFFFFF0]  }
0x5f: {  	v1 =	vld [tilespmem:s14+$0x20];
	_ =	sdelay $0x4  }
0x60: {  	v0 =	vadd.f32 v1, v0;
	_ =	sdelay $0x1  }
0x61: {  	[tilespmem:s16+$0xFFFFFFF0] =	vst v0;
	v0 =	vld [tilespmem:s16+$0x0]  }
0x62: {  	v1 =	vld [tilespmem:s14+$0x30];
	_ =	sdelay $0x4  }
0x63: {  	v0 =	vadd.f32 v1, v0  }
0x64: {  	s17 =	simm.s32 $0x0;
	s18 =	simm.s32 $0x1F0;
	s13 =	simm.s32 $0x40F0  }
.LBB2_5:
0x65: {  	v1 =	vld [tilespmem:s18+$0xFFFFFF90];
	[tilespmem:s16+$0x0] =	vst v0;
	s14 =	sadd.s32 $0x400, s14;
	s15 =	simm.s32 $0x870  }
0x66: {  	s17 =	sadd.s32 $0x8, s17;
	s16 =	smov.u32 s18;
	v0 =	vld [tilespmem:s14+$0xFFFFFFC0]  }
0x67: {  	p0 =	slt.u32 s17, $0x38;
	_ =	sdelay $0x3  }
0x68: {  	v0 =	vadd.f32 v0, v1;
	_ =	sdelay $0x1  }
0x69: {  	[tilespmem:s18+$0xFFFFFF90] =	vst v0;
	v0 =	vld [tilespmem:s18+$0xFFFFFFA0]  }
0x6a: {  	v1 =	vld [tilespmem:s14+$0xFFFFFFD0];
	_ =	sdelay $0x4  }
0x6b: {  	v0 =	vadd.f32 v1, v0;
	_ =	sdelay $0x1  }
0x6c: {  	[tilespmem:s18+$0xFFFFFFA0] =	vst v0;
	v0 =	vld [tilespmem:s18+$0xFFFFFFB0]  }
0x6d: {  	v1 =	vld [tilespmem:s14+$0xFFFFFFE0];
	_ =	sdelay $0x4  }
0x6e: {  	v0 =	vadd.f32 v1, v0;
	_ =	sdelay $0x1  }
0x6f: {  	[tilespmem:s18+$0xFFFFFFB0] =	vst v0;
	v0 =	vld [tilespmem:s18+$0xFFFFFFC0]  }
0x70: {  	v1 =	vld [tilespmem:s14+$0xFFFFFFF0];
	_ =	sdelay $0x4  }
0x71: {  	v0 =	vadd.f32 v1, v0;
	_ =	sdelay $0x1  }
0x72: {  	[tilespmem:s18+$0xFFFFFFC0] =	vst v0;
	v0 =	vld [tilespmem:s18+$0xFFFFFFD0]  }
0x73: {  	v1 =	vld [tilespmem:s14+$0x0];
	_ =	sdelay $0x4  }
0x74: {  	v0 =	vadd.f32 v1, v0;
	_ =	sdelay $0x1  }
0x75: {  	[tilespmem:s18+$0xFFFFFFD0] =	vst v0;
	v0 =	vld [tilespmem:s18+$0xFFFFFFE0]  }
0x76: {  	v1 =	vld [tilespmem:s14+$0x10];
	_ =	sdelay $0x4  }
0x77: {  	v0 =	vadd.f32 v1, v0;
	_ =	sdelay $0x1  }
0x78: {  	[tilespmem:s18+$0xFFFFFFE0] =	vst v0;
	v0 =	vld [tilespmem:s18+$0xFFFFFFF0]  }
0x79: {  	v1 =	vld [tilespmem:s14+$0x20];
	_ =	sdelay $0x4  }
0x7a: {  	v0 =	vadd.f32 v1, v0;
	_ =	sdelay $0x1  }
0x7b: {  	[tilespmem:s18+$0xFFFFFFF0] =	vst v0;
	v0 =	vld [tilespmem:s18+$0x0]  }
0x7c: {  	v1 =	vld [tilespmem:s14+$0x30];
	_ =	sdelay $0x1  }
.Ltmp1:
0x7d: {  	(pc) =	sbr.rel @p0 .LBB2_5-.Ltmp1, $3  }
0x7e: {  	_ =	sdelay $0x1  }
0x7f: {  	v0 =	vadd.f32 v1, v0  }
0x80: {  	s18 =	sadd.s32 $0x100, s18  }
0x81: {  	[tilespmem:s16+$0x0] =	vst v0  }
0x82: {  	v0 =	vld [tilespmem:s15+$0xFFFFFF90]  }
0x83: {  	v1 =	vld [tilespmem:s13+$0xFFFFFF90];
	_ =	sdelay $0x4  }
0x84: {  	v0 =	vadd.f32 v1, v0;
	_ =	sdelay $0x1  }
0x85: {  	[tilespmem:s15+$0xFFFFFF90] =	vst v0;
	v0 =	vld [tilespmem:s15+$0xFFFFFFA0]  }
0x86: {  	v1 =	vld [tilespmem:s13+$0xFFFFFFA0];
	_ =	sdelay $0x4  }
0x87: {  	v0 =	vadd.f32 v1, v0;
	_ =	sdelay $0x1  }
0x88: {  	[tilespmem:s15+$0xFFFFFFA0] =	vst v0;
	v0 =	vld [tilespmem:s15+$0xFFFFFFB0]  }
0x89: {  	v1 =	vld [tilespmem:s13+$0xFFFFFFB0];
	_ =	sdelay $0x4  }
0x8a: {  	v0 =	vadd.f32 v1, v0;
	_ =	sdelay $0x1  }
0x8b: {  	[tilespmem:s15+$0xFFFFFFB0] =	vst v0;
	v0 =	vld [tilespmem:s15+$0xFFFFFFC0]  }
0x8c: {  	v1 =	vld [tilespmem:s13+$0xFFFFFFC0];
	_ =	sdelay $0x4  }
0x8d: {  	v0 =	vadd.f32 v1, v0;
	_ =	sdelay $0x1  }
0x8e: {  	[tilespmem:s15+$0xFFFFFFC0] =	vst v0;
	v0 =	vld [tilespmem:s15+$0xFFFFFFD0]  }
0x8f: {  	v1 =	vld [tilespmem:s13+$0xFFFFFFD0];
	_ =	sdelay $0x4  }
0x90: {  	v0 =	vadd.f32 v1, v0;
	_ =	sdelay $0x1  }
0x91: {  	[tilespmem:s15+$0xFFFFFFD0] =	vst v0;
	v0 =	vld [tilespmem:s15+$0xFFFFFFE0]  }
0x92: {  	v1 =	vld [tilespmem:s13+$0xFFFFFFE0];
	_ =	sdelay $0x4  }
0x93: {  	v0 =	vadd.f32 v1, v0;
	_ =	sdelay $0x1  }
0x94: {  	[tilespmem:s15+$0xFFFFFFE0] =	vst v0;
	v0 =	vld [tilespmem:s15+$0xFFFFFFF0]  }
0x95: {  	v1 =	vld [tilespmem:s13+$0xFFFFFFF0];
	_ =	sdelay $0x4  }
0x96: {  	v0 =	vadd.f32 v1, v0;
	_ =	sdelay $0x1  }
0x97: {  	[tilespmem:s15+$0xFFFFFFF0] =	vst v0;
	v0 =	vld [tilespmem:s15+$0x0]  }
0x98: {  	v1 =	vld [tilespmem:s13+$0x0];
	_ =	sdelay $0x4  }
0x99: {  	v0 =	vadd.f32 v1, v0  }
0x9a: {  	s14 =	simm.s32 $0x0;
	s17 =	simm.s32 $0x970;
	s18 =	simm.s32 $0x40F0  }
.LBB2_7:
0x9b: {  	v1 =	vld [tilespmem:s17+$0xFFFFFF90];
	[tilespmem:s15+$0x0] =	vst v0;
	s18 =	sadd.s32 $0x400, s18;
	s16 =	simm.s32 $0x8F0;
	s15 =	smov.u32 s17  }
0x9c: {  	s14 =	sadd.s32 $0x8, s14;
	v0 =	vld [tilespmem:s18+$0xFFFFFF90]  }
0x9d: {  	p0 =	slt.u32 s14, $0x38;
	_ =	sdelay $0x3  }
0x9e: {  	v0 =	vadd.f32 v0, v1;
	_ =	sdelay $0x1  }
0x9f: {  	[tilespmem:s17+$0xFFFFFF90] =	vst v0;
	v0 =	vld [tilespmem:s17+$0xFFFFFFA0]  }
0xa0: {  	v1 =	vld [tilespmem:s18+$0xFFFFFFA0];
	_ =	sdelay $0x4  }
0xa1: {  	v0 =	vadd.f32 v1, v0;
	_ =	sdelay $0x1  }
0xa2: {  	[tilespmem:s17+$0xFFFFFFA0] =	vst v0;
	v0 =	vld [tilespmem:s17+$0xFFFFFFB0]  }
0xa3: {  	v1 =	vld [tilespmem:s18+$0xFFFFFFB0];
	_ =	sdelay $0x4  }
0xa4: {  	v0 =	vadd.f32 v1, v0;
	_ =	sdelay $0x1  }
0xa5: {  	[tilespmem:s17+$0xFFFFFFB0] =	vst v0;
	v0 =	vld [tilespmem:s17+$0xFFFFFFC0]  }
0xa6: {  	v1 =	vld [tilespmem:s18+$0xFFFFFFC0];
	_ =	sdelay $0x4  }
0xa7: {  	v0 =	vadd.f32 v1, v0;
	_ =	sdelay $0x1  }
0xa8: {  	[tilespmem:s17+$0xFFFFFFC0] =	vst v0;
	v0 =	vld [tilespmem:s17+$0xFFFFFFD0]  }
0xa9: {  	v1 =	vld [tilespmem:s18+$0xFFFFFFD0];
	_ =	sdelay $0x4  }
0xaa: {  	v0 =	vadd.f32 v1, v0;
	_ =	sdelay $0x1  }
0xab: {  	[tilespmem:s17+$0xFFFFFFD0] =	vst v0;
	v0 =	vld [tilespmem:s17+$0xFFFFFFE0]  }
0xac: {  	v1 =	vld [tilespmem:s18+$0xFFFFFFE0];
	_ =	sdelay $0x4  }
0xad: {  	v0 =	vadd.f32 v1, v0;
	_ =	sdelay $0x1  }
0xae: {  	[tilespmem:s17+$0xFFFFFFE0] =	vst v0;
	v0 =	vld [tilespmem:s17+$0xFFFFFFF0]  }
0xaf: {  	v1 =	vld [tilespmem:s18+$0xFFFFFFF0];
	_ =	sdelay $0x4  }
0xb0: {  	v0 =	vadd.f32 v1, v0;
	_ =	sdelay $0x1  }
0xb1: {  	[tilespmem:s17+$0xFFFFFFF0] =	vst v0;
	v0 =	vld [tilespmem:s17+$0x0]  }
0xb2: {  	v1 =	vld [tilespmem:s18+$0x0];
	_ =	sdelay $0x1  }
.Ltmp2:
0xb3: {  	(pc) =	sbr.rel @p0 .LBB2_7-.Ltmp2, $3  }
0xb4: {  	_ =	sdelay $0x1  }
0xb5: {  	v0 =	vadd.f32 v1, v0  }
0xb6: {  	s17 =	sadd.s32 $0x100, s17  }
0xb7: {  	[tilespmem:s15+$0x0] =	vst v0  }
0xb8: {  	v0 =	vld [tilespmem:s16+$0xFFFFFF90]  }
0xb9: {  	v1 =	vld [tilespmem:s13+$0xFFFFFF90];
	_ =	sdelay $0x4  }
0xba: {  	v0 =	vadd.f32 v1, v0;
	_ =	sdelay $0x1  }
0xbb: {  	[tilespmem:s16+$0xFFFFFF90] =	vst v0;
	v0 =	vld [tilespmem:s16+$0xFFFFFFA0]  }
0xbc: {  	v1 =	vld [tilespmem:s13+$0xFFFFFFA0];
	_ =	sdelay $0x4  }
0xbd: {  	v0 =	vadd.f32 v1, v0;
	_ =	sdelay $0x1  }
0xbe: {  	[tilespmem:s16+$0xFFFFFFA0] =	vst v0;
	v0 =	vld [tilespmem:s16+$0xFFFFFFB0]  }
0xbf: {  	v1 =	vld [tilespmem:s13+$0xFFFFFFB0];
	_ =	sdelay $0x4  }
0xc0: {  	v0 =	vadd.f32 v1, v0;
	_ =	sdelay $0x1  }
0xc1: {  	[tilespmem:s16+$0xFFFFFFB0] =	vst v0;
	v0 =	vld [tilespmem:s16+$0xFFFFFFC0]  }
0xc2: {  	v1 =	vld [tilespmem:s13+$0xFFFFFFC0];
	_ =	sdelay $0x4  }
0xc3: {  	v0 =	vadd.f32 v1, v0;
	_ =	sdelay $0x1  }
0xc4: {  	[tilespmem:s16+$0xFFFFFFC0] =	vst v0;
	v0 =	vld [tilespmem:s16+$0xFFFFFFD0]  }
0xc5: {  	v1 =	vld [tilespmem:s13+$0xFFFFFFD0];
	_ =	sdelay $0x4  }
0xc6: {  	v0 =	vadd.f32 v1, v0;
	_ =	sdelay $0x1  }
0xc7: {  	[tilespmem:s16+$0xFFFFFFD0] =	vst v0;
	v0 =	vld [tilespmem:s16+$0xFFFFFFE0]  }
0xc8: {  	v1 =	vld [tilespmem:s13+$0xFFFFFFE0];
	_ =	sdelay $0x4  }
0xc9: {  	v0 =	vadd.f32 v1, v0;
	_ =	sdelay $0x1  }
0xca: {  	[tilespmem:s16+$0xFFFFFFE0] =	vst v0;
	v0 =	vld [tilespmem:s16+$0xFFFFFFF0]  }
0xcb: {  	v1 =	vld [tilespmem:s13+$0xFFFFFFF0];
	_ =	sdelay $0x4  }
0xcc: {  	v0 =	vadd.f32 v1, v0;
	_ =	sdelay $0x1  }
0xcd: {  	[tilespmem:s16+$0xFFFFFFF0] =	vst v0;
	v0 =	vld [tilespmem:s16+$0x0]  }
0xce: {  	v1 =	vld [tilespmem:s13+$0x0];
	_ =	sdelay $0x4  }
0xcf: {  	v0 =	vadd.f32 v1, v0  }
0xd0: {  	s17 =	simm.s32 $0x0;
	s18 =	simm.s32 $0x9F0;
	s14 =	simm.s32 $0x4170  }
.LBB2_9:
0xd1: {  	v1 =	vld [tilespmem:s18+$0xFFFFFF90];
	[tilespmem:s16+$0x0] =	vst v0;
	s13 =	sadd.s32 $0x400, s13;
	s15 =	simm.s32 $0x1070  }
0xd2: {  	s17 =	sadd.s32 $0x8, s17;
	s16 =	smov.u32 s18;
	v0 =	vld [tilespmem:s13+$0xFFFFFF90]  }
0xd3: {  	p0 =	slt.u32 s17, $0x38;
	_ =	sdelay $0x3  }
0xd4: {  	v0 =	vadd.f32 v0, v1;
	_ =	sdelay $0x1  }
0xd5: {  	[tilespmem:s18+$0xFFFFFF90] =	vst v0;
	v0 =	vld [tilespmem:s18+$0xFFFFFFA0]  }
0xd6: {  	v1 =	vld [tilespmem:s13+$0xFFFFFFA0];
	_ =	sdelay $0x4  }
0xd7: {  	v0 =	vadd.f32 v1, v0;
	_ =	sdelay $0x1  }
0xd8: {  	[tilespmem:s18+$0xFFFFFFA0] =	vst v0;
	v0 =	vld [tilespmem:s18+$0xFFFFFFB0]  }
0xd9: {  	v1 =	vld [tilespmem:s13+$0xFFFFFFB0];
	_ =	sdelay $0x4  }
0xda: {  	v0 =	vadd.f32 v1, v0;
	_ =	sdelay $0x1  }
0xdb: {  	[tilespmem:s18+$0xFFFFFFB0] =	vst v0;
	v0 =	vld [tilespmem:s18+$0xFFFFFFC0]  }
0xdc: {  	v1 =	vld [tilespmem:s13+$0xFFFFFFC0];
	_ =	sdelay $0x4  }
0xdd: {  	v0 =	vadd.f32 v1, v0;
	_ =	sdelay $0x1  }
0xde: {  	[tilespmem:s18+$0xFFFFFFC0] =	vst v0;
	v0 =	vld [tilespmem:s18+$0xFFFFFFD0]  }
0xdf: {  	v1 =	vld [tilespmem:s13+$0xFFFFFFD0];
	_ =	sdelay $0x4  }
0xe0: {  	v0 =	vadd.f32 v1, v0;
	_ =	sdelay $0x1  }
0xe1: {  	[tilespmem:s18+$0xFFFFFFD0] =	vst v0;
	v0 =	vld [tilespmem:s18+$0xFFFFFFE0]  }
0xe2: {  	v1 =	vld [tilespmem:s13+$0xFFFFFFE0];
	_ =	sdelay $0x4  }
0xe3: {  	v0 =	vadd.f32 v1, v0;
	_ =	sdelay $0x1  }
0xe4: {  	[tilespmem:s18+$0xFFFFFFE0] =	vst v0;
	v0 =	vld [tilespmem:s18+$0xFFFFFFF0]  }
0xe5: {  	v1 =	vld [tilespmem:s13+$0xFFFFFFF0];
	_ =	sdelay $0x4  }
0xe6: {  	v0 =	vadd.f32 v1, v0;
	_ =	sdelay $0x1  }
0xe7: {  	[tilespmem:s18+$0xFFFFFFF0] =	vst v0;
	v0 =	vld [tilespmem:s18+$0x0]  }
0xe8: {  	v1 =	vld [tilespmem:s13+$0x0];
	_ =	sdelay $0x1  }
.Ltmp3:
0xe9: {  	(pc) =	sbr.rel @p0 .LBB2_9-.Ltmp3, $3  }
0xea: {  	_ =	sdelay $0x1  }
0xeb: {  	v0 =	vadd.f32 v1, v0  }
0xec: {  	s18 =	sadd.s32 $0x100, s18  }
0xed: {  	[tilespmem:s16+$0x0] =	vst v0  }
0xee: {  	v0 =	vld [tilespmem:s15+$0xFFFFFF90]  }
0xef: {  	v1 =	vld [tilespmem:s14+$0xFFFFFF90];
	_ =	sdelay $0x4  }
0xf0: {  	v0 =	vadd.f32 v1, v0;
	_ =	sdelay $0x1  }
0xf1: {  	[tilespmem:s15+$0xFFFFFF90] =	vst v0;
	v0 =	vld [tilespmem:s15+$0xFFFFFFA0]  }
0xf2: {  	v1 =	vld [tilespmem:s14+$0xFFFFFFA0];
	_ =	sdelay $0x4  }
0xf3: {  	v0 =	vadd.f32 v1, v0;
	_ =	sdelay $0x1  }
0xf4: {  	[tilespmem:s15+$0xFFFFFFA0] =	vst v0;
	v0 =	vld [tilespmem:s15+$0xFFFFFFB0]  }
0xf5: {  	v1 =	vld [tilespmem:s14+$0xFFFFFFB0];
	_ =	sdelay $0x4  }
0xf6: {  	v0 =	vadd.f32 v1, v0;
	_ =	sdelay $0x1  }
0xf7: {  	[tilespmem:s15+$0xFFFFFFB0] =	vst v0;
	v0 =	vld [tilespmem:s15+$0xFFFFFFC0]  }
0xf8: {  	v1 =	vld [tilespmem:s14+$0xFFFFFFC0];
	_ =	sdelay $0x4  }
0xf9: {  	v0 =	vadd.f32 v1, v0;
	_ =	sdelay $0x1  }
0xfa: {  	[tilespmem:s15+$0xFFFFFFC0] =	vst v0;
	v0 =	vld [tilespmem:s15+$0xFFFFFFD0]  }
0xfb: {  	v1 =	vld [tilespmem:s14+$0xFFFFFFD0];
	_ =	sdelay $0x4  }
0xfc: {  	v0 =	vadd.f32 v1, v0;
	_ =	sdelay $0x1  }
0xfd: {  	[tilespmem:s15+$0xFFFFFFD0] =	vst v0;
	v0 =	vld [tilespmem:s15+$0xFFFFFFE0]  }
0xfe: {  	v1 =	vld [tilespmem:s14+$0xFFFFFFE0];
	_ =	sdelay $0x4  }
0xff: {  	v0 =	vadd.f32 v1, v0;
	_ =	sdelay $0x1  }
0x100: {  	[tilespmem:s15+$0xFFFFFFE0] =	vst v0;
	v0 =	vld [tilespmem:s15+$0xFFFFFFF0]  }
0x101: {  	v1 =	vld [tilespmem:s14+$0xFFFFFFF0];
	_ =	sdelay $0x4  }
0x102: {  	v0 =	vadd.f32 v1, v0;
	_ =	sdelay $0x1  }
0x103: {  	[tilespmem:s15+$0xFFFFFFF0] =	vst v0;
	v0 =	vld [tilespmem:s15+$0x0]  }
0x104: {  	v1 =	vld [tilespmem:s14+$0x0];
	_ =	sdelay $0x4  }
0x105: {  	v0 =	vadd.f32 v1, v0  }
0x106: {  	s13 =	simm.s32 $0x0;
	s17 =	simm.s32 $0x1170;
	s18 =	simm.s32 $0x4170  }
.LBB2_11:
0x107: {  	v1 =	vld [tilespmem:s17+$0xFFFFFF90];
	[tilespmem:s15+$0x0] =	vst v0;
	s18 =	sadd.s32 $0x400, s18;
	s16 =	simm.s32 $0x10F0;
	s15 =	smov.u32 s17  }
0x108: {  	s13 =	sadd.s32 $0x8, s13;
	v0 =	vld [tilespmem:s18+$0xFFFFFF90]  }
0x109: {  	p0 =	slt.u32 s13, $0x38;
	_ =	sdelay $0x3  }
0x10a: {  	v0 =	vadd.f32 v0, v1;
	_ =	sdelay $0x1  }
0x10b: {  	[tilespmem:s17+$0xFFFFFF90] =	vst v0;
	v0 =	vld [tilespmem:s17+$0xFFFFFFA0]  }
0x10c: {  	v1 =	vld [tilespmem:s18+$0xFFFFFFA0];
	_ =	sdelay $0x4  }
0x10d: {  	v0 =	vadd.f32 v1, v0;
	_ =	sdelay $0x1  }
0x10e: {  	[tilespmem:s17+$0xFFFFFFA0] =	vst v0;
	v0 =	vld [tilespmem:s17+$0xFFFFFFB0]  }
0x10f: {  	v1 =	vld [tilespmem:s18+$0xFFFFFFB0];
	_ =	sdelay $0x4  }
0x110: {  	v0 =	vadd.f32 v1, v0;
	_ =	sdelay $0x1  }
0x111: {  	[tilespmem:s17+$0xFFFFFFB0] =	vst v0;
	v0 =	vld [tilespmem:s17+$0xFFFFFFC0]  }
0x112: {  	v1 =	vld [tilespmem:s18+$0xFFFFFFC0];
	_ =	sdelay $0x4  }
0x113: {  	v0 =	vadd.f32 v1, v0;
	_ =	sdelay $0x1  }
0x114: {  	[tilespmem:s17+$0xFFFFFFC0] =	vst v0;
	v0 =	vld [tilespmem:s17+$0xFFFFFFD0]  }
0x115: {  	v1 =	vld [tilespmem:s18+$0xFFFFFFD0];
	_ =	sdelay $0x4  }
0x116: {  	v0 =	vadd.f32 v1, v0;
	_ =	sdelay $0x1  }
0x117: {  	[tilespmem:s17+$0xFFFFFFD0] =	vst v0;
	v0 =	vld [tilespmem:s17+$0xFFFFFFE0]  }
0x118: {  	v1 =	vld [tilespmem:s18+$0xFFFFFFE0];
	_ =	sdelay $0x4  }
0x119: {  	v0 =	vadd.f32 v1, v0;
	_ =	sdelay $0x1  }
0x11a: {  	[tilespmem:s17+$0xFFFFFFE0] =	vst v0;
	v0 =	vld [tilespmem:s17+$0xFFFFFFF0]  }
0x11b: {  	v1 =	vld [tilespmem:s18+$0xFFFFFFF0];
	_ =	sdelay $0x4  }
0x11c: {  	v0 =	vadd.f32 v1, v0;
	_ =	sdelay $0x1  }
0x11d: {  	[tilespmem:s17+$0xFFFFFFF0] =	vst v0;
	v0 =	vld [tilespmem:s17+$0x0]  }
0x11e: {  	v1 =	vld [tilespmem:s18+$0x0];
	_ =	sdelay $0x1  }
.Ltmp4:
0x11f: {  	(pc) =	sbr.rel @p0 .LBB2_11-.Ltmp4, $3  }
0x120: {  	_ =	sdelay $0x1  }
0x121: {  	v0 =	vadd.f32 v1, v0  }
0x122: {  	s17 =	sadd.s32 $0x100, s17  }
0x123: {  	[tilespmem:s15+$0x0] =	vst v0  }
0x124: {  	v0 =	vld [tilespmem:s16+$0xFFFFFF90]  }
0x125: {  	v1 =	vld [tilespmem:s14+$0xFFFFFF90];
	_ =	sdelay $0x4  }
0x126: {  	v0 =	vadd.f32 v1, v0;
	_ =	sdelay $0x1  }
0x127: {  	[tilespmem:s16+$0xFFFFFF90] =	vst v0;
	v0 =	vld [tilespmem:s16+$0xFFFFFFA0]  }
0x128: {  	v1 =	vld [tilespmem:s14+$0xFFFFFFA0];
	_ =	sdelay $0x4  }
0x129: {  	v0 =	vadd.f32 v1, v0;
	_ =	sdelay $0x1  }
0x12a: {  	[tilespmem:s16+$0xFFFFFFA0] =	vst v0;
	v0 =	vld [tilespmem:s16+$0xFFFFFFB0]  }
0x12b: {  	v1 =	vld [tilespmem:s14+$0xFFFFFFB0];
	_ =	sdelay $0x4  }
0x12c: {  	v0 =	vadd.f32 v1, v0;
	_ =	sdelay $0x1  }
0x12d: {  	[tilespmem:s16+$0xFFFFFFB0] =	vst v0;
	v0 =	vld [tilespmem:s16+$0xFFFFFFC0]  }
0x12e: {  	v1 =	vld [tilespmem:s14+$0xFFFFFFC0];
	_ =	sdelay $0x4  }
0x12f: {  	v0 =	vadd.f32 v1, v0;
	_ =	sdelay $0x1  }
0x130: {  	[tilespmem:s16+$0xFFFFFFC0] =	vst v0;
	v0 =	vld [tilespmem:s16+$0xFFFFFFD0]  }
0x131: {  	v1 =	vld [tilespmem:s14+$0xFFFFFFD0];
	_ =	sdelay $0x4  }
0x132: {  	v0 =	vadd.f32 v1, v0;
	_ =	sdelay $0x1  }
0x133: {  	[tilespmem:s16+$0xFFFFFFD0] =	vst v0;
	v0 =	vld [tilespmem:s16+$0xFFFFFFE0]  }
0x134: {  	v1 =	vld [tilespmem:s14+$0xFFFFFFE0];
	_ =	sdelay $0x4  }
0x135: {  	v0 =	vadd.f32 v1, v0;
	_ =	sdelay $0x1  }
0x136: {  	[tilespmem:s16+$0xFFFFFFE0] =	vst v0;
	v0 =	vld [tilespmem:s16+$0xFFFFFFF0]  }
0x137: {  	v1 =	vld [tilespmem:s14+$0xFFFFFFF0];
	_ =	sdelay $0x4  }
0x138: {  	v0 =	vadd.f32 v1, v0;
	_ =	sdelay $0x1  }
0x139: {  	[tilespmem:s16+$0xFFFFFFF0] =	vst v0;
	v0 =	vld [tilespmem:s16+$0x0]  }
0x13a: {  	v1 =	vld [tilespmem:s14+$0x0];
	_ =	sdelay $0x4  }
0x13b: {  	v0 =	vadd.f32 v1, v0  }
0x13c: {  	s17 =	simm.s32 $0x0;
	s18 =	simm.s32 $0x11F0;
	s13 =	simm.s32 $0x41F0  }
.LBB2_13:
0x13d: {  	v1 =	vld [tilespmem:s18+$0xFFFFFF90];
	[tilespmem:s16+$0x0] =	vst v0;
	s14 =	sadd.s32 $0x400, s14;
	s15 =	simm.s32 $0x1870  }
0x13e: {  	s17 =	sadd.s32 $0x8, s17;
	s16 =	smov.u32 s18;
	v0 =	vld [tilespmem:s14+$0xFFFFFF90]  }
0x13f: {  	p0 =	slt.u32 s17, $0x38;
	_ =	sdelay $0x3  }
0x140: {  	v0 =	vadd.f32 v0, v1;
	_ =	sdelay $0x1  }
0x141: {  	[tilespmem:s18+$0xFFFFFF90] =	vst v0;
	v0 =	vld [tilespmem:s18+$0xFFFFFFA0]  }
0x142: {  	v1 =	vld [tilespmem:s14+$0xFFFFFFA0];
	_ =	sdelay $0x4  }
0x143: {  	v0 =	vadd.f32 v1, v0;
	_ =	sdelay $0x1  }
0x144: {  	[tilespmem:s18+$0xFFFFFFA0] =	vst v0;
	v0 =	vld [tilespmem:s18+$0xFFFFFFB0]  }
0x145: {  	v1 =	vld [tilespmem:s14+$0xFFFFFFB0];
	_ =	sdelay $0x4  }
0x146: {  	v0 =	vadd.f32 v1, v0;
	_ =	sdelay $0x1  }
0x147: {  	[tilespmem:s18+$0xFFFFFFB0] =	vst v0;
	v0 =	vld [tilespmem:s18+$0xFFFFFFC0]  }
0x148: {  	v1 =	vld [tilespmem:s14+$0xFFFFFFC0];
	_ =	sdelay $0x4  }
0x149: {  	v0 =	vadd.f32 v1, v0;
	_ =	sdelay $0x1  }
0x14a: {  	[tilespmem:s18+$0xFFFFFFC0] =	vst v0;
	v0 =	vld [tilespmem:s18+$0xFFFFFFD0]  }
0x14b: {  	v1 =	vld [tilespmem:s14+$0xFFFFFFD0];
	_ =	sdelay $0x4  }
0x14c: {  	v0 =	vadd.f32 v1, v0;
	_ =	sdelay $0x1  }
0x14d: {  	[tilespmem:s18+$0xFFFFFFD0] =	vst v0;
	v0 =	vld [tilespmem:s18+$0xFFFFFFE0]  }
0x14e: {  	v1 =	vld [tilespmem:s14+$0xFFFFFFE0];
	_ =	sdelay $0x4  }
0x14f: {  	v0 =	vadd.f32 v1, v0;
	_ =	sdelay $0x1  }
0x150: {  	[tilespmem:s18+$0xFFFFFFE0] =	vst v0;
	v0 =	vld [tilespmem:s18+$0xFFFFFFF0]  }
0x151: {  	v1 =	vld [tilespmem:s14+$0xFFFFFFF0];
	_ =	sdelay $0x4  }
0x152: {  	v0 =	vadd.f32 v1, v0;
	_ =	sdelay $0x1  }
0x153: {  	[tilespmem:s18+$0xFFFFFFF0] =	vst v0;
	v0 =	vld [tilespmem:s18+$0x0]  }
0x154: {  	v1 =	vld [tilespmem:s14+$0x0];
	_ =	sdelay $0x1  }
.Ltmp5:
0x155: {  	(pc) =	sbr.rel @p0 .LBB2_13-.Ltmp5, $3  }
0x156: {  	_ =	sdelay $0x1  }
0x157: {  	v0 =	vadd.f32 v1, v0  }
0x158: {  	s18 =	sadd.s32 $0x100, s18  }
0x159: {  	[tilespmem:s16+$0x0] =	vst v0  }
0x15a: {  	v0 =	vld [tilespmem:s15+$0xFFFFFF90]  }
0x15b: {  	v1 =	vld [tilespmem:s13+$0xFFFFFF90];
	_ =	sdelay $0x4  }
0x15c: {  	v0 =	vadd.f32 v1, v0;
	_ =	sdelay $0x1  }
0x15d: {  	[tilespmem:s15+$0xFFFFFF90] =	vst v0;
	v0 =	vld [tilespmem:s15+$0xFFFFFFA0]  }
0x15e: {  	v1 =	vld [tilespmem:s13+$0xFFFFFFA0];
	_ =	sdelay $0x4  }
0x15f: {  	v0 =	vadd.f32 v1, v0;
	_ =	sdelay $0x1  }
0x160: {  	[tilespmem:s15+$0xFFFFFFA0] =	vst v0;
	v0 =	vld [tilespmem:s15+$0xFFFFFFB0]  }
0x161: {  	v1 =	vld [tilespmem:s13+$0xFFFFFFB0];
	_ =	sdelay $0x4  }
0x162: {  	v0 =	vadd.f32 v1, v0;
	_ =	sdelay $0x1  }
0x163: {  	[tilespmem:s15+$0xFFFFFFB0] =	vst v0;
	v0 =	vld [tilespmem:s15+$0xFFFFFFC0]  }
0x164: {  	v1 =	vld [tilespmem:s13+$0xFFFFFFC0];
	_ =	sdelay $0x4  }
0x165: {  	v0 =	vadd.f32 v1, v0;
	_ =	sdelay $0x1  }
0x166: {  	[tilespmem:s15+$0xFFFFFFC0] =	vst v0;
	v0 =	vld [tilespmem:s15+$0xFFFFFFD0]  }
0x167: {  	v1 =	vld [tilespmem:s13+$0xFFFFFFD0];
	_ =	sdelay $0x4  }
0x168: {  	v0 =	vadd.f32 v1, v0;
	_ =	sdelay $0x1  }
0x169: {  	[tilespmem:s15+$0xFFFFFFD0] =	vst v0;
	v0 =	vld [tilespmem:s15+$0xFFFFFFE0]  }
0x16a: {  	v1 =	vld [tilespmem:s13+$0xFFFFFFE0];
	_ =	sdelay $0x4  }
0x16b: {  	v0 =	vadd.f32 v1, v0;
	_ =	sdelay $0x1  }
0x16c: {  	[tilespmem:s15+$0xFFFFFFE0] =	vst v0;
	v0 =	vld [tilespmem:s15+$0xFFFFFFF0]  }
0x16d: {  	v1 =	vld [tilespmem:s13+$0xFFFFFFF0];
	_ =	sdelay $0x4  }
0x16e: {  	v0 =	vadd.f32 v1, v0;
	_ =	sdelay $0x1  }
0x16f: {  	[tilespmem:s15+$0xFFFFFFF0] =	vst v0;
	v0 =	vld [tilespmem:s15+$0x0]  }
0x170: {  	v1 =	vld [tilespmem:s13+$0x0];
	_ =	sdelay $0x4  }
0x171: {  	v0 =	vadd.f32 v1, v0  }
0x172: {  	s14 =	simm.s32 $0x0;
	s17 =	simm.s32 $0x1970;
	s18 =	simm.s32 $0x41F0  }
.LBB2_15:
0x173: {  	v1 =	vld [tilespmem:s17+$0xFFFFFF90];
	[tilespmem:s15+$0x0] =	vst v0;
	s18 =	sadd.s32 $0x400, s18;
	s16 =	simm.s32 $0x18F0;
	s15 =	smov.u32 s17  }
0x174: {  	s14 =	sadd.s32 $0x8, s14;
	v0 =	vld [tilespmem:s18+$0xFFFFFF90]  }
0x175: {  	p0 =	slt.u32 s14, $0x38;
	_ =	sdelay $0x3  }
0x176: {  	v0 =	vadd.f32 v0, v1;
	_ =	sdelay $0x1  }
0x177: {  	[tilespmem:s17+$0xFFFFFF90] =	vst v0;
	v0 =	vld [tilespmem:s17+$0xFFFFFFA0]  }
0x178: {  	v1 =	vld [tilespmem:s18+$0xFFFFFFA0];
	_ =	sdelay $0x4  }
0x179: {  	v0 =	vadd.f32 v1, v0;
	_ =	sdelay $0x1  }
0x17a: {  	[tilespmem:s17+$0xFFFFFFA0] =	vst v0;
	v0 =	vld [tilespmem:s17+$0xFFFFFFB0]  }
0x17b: {  	v1 =	vld [tilespmem:s18+$0xFFFFFFB0];
	_ =	sdelay $0x4  }
0x17c: {  	v0 =	vadd.f32 v1, v0;
	_ =	sdelay $0x1  }
0x17d: {  	[tilespmem:s17+$0xFFFFFFB0] =	vst v0;
	v0 =	vld [tilespmem:s17+$0xFFFFFFC0]  }
0x17e: {  	v1 =	vld [tilespmem:s18+$0xFFFFFFC0];
	_ =	sdelay $0x4  }
0x17f: {  	v0 =	vadd.f32 v1, v0;
	_ =	sdelay $0x1  }
0x180: {  	[tilespmem:s17+$0xFFFFFFC0] =	vst v0;
	v0 =	vld [tilespmem:s17+$0xFFFFFFD0]  }
0x181: {  	v1 =	vld [tilespmem:s18+$0xFFFFFFD0];
	_ =	sdelay $0x4  }
0x182: {  	v0 =	vadd.f32 v1, v0;
	_ =	sdelay $0x1  }
0x183: {  	[tilespmem:s17+$0xFFFFFFD0] =	vst v0;
	v0 =	vld [tilespmem:s17+$0xFFFFFFE0]  }
0x184: {  	v1 =	vld [tilespmem:s18+$0xFFFFFFE0];
	_ =	sdelay $0x4  }
0x185: {  	v0 =	vadd.f32 v1, v0;
	_ =	sdelay $0x1  }
0x186: {  	[tilespmem:s17+$0xFFFFFFE0] =	vst v0;
	v0 =	vld [tilespmem:s17+$0xFFFFFFF0]  }
0x187: {  	v1 =	vld [tilespmem:s18+$0xFFFFFFF0];
	_ =	sdelay $0x4  }
0x188: {  	v0 =	vadd.f32 v1, v0;
	_ =	sdelay $0x1  }
0x189: {  	[tilespmem:s17+$0xFFFFFFF0] =	vst v0;
	v0 =	vld [tilespmem:s17+$0x0]  }
0x18a: {  	v1 =	vld [tilespmem:s18+$0x0];
	_ =	sdelay $0x1  }
.Ltmp6:
0x18b: {  	(pc) =	sbr.rel @p0 .LBB2_15-.Ltmp6, $3  }
0x18c: {  	_ =	sdelay $0x1  }
0x18d: {  	v0 =	vadd.f32 v1, v0  }
0x18e: {  	s17 =	sadd.s32 $0x100, s17  }
0x18f: {  	[tilespmem:s15+$0x0] =	vst v0  }
0x190: {  	v0 =	vld [tilespmem:s16+$0xFFFFFF90]  }
0x191: {  	v1 =	vld [tilespmem:s13+$0xFFFFFF90];
	_ =	sdelay $0x4  }
0x192: {  	v0 =	vadd.f32 v1, v0;
	_ =	sdelay $0x1  }
0x193: {  	[tilespmem:s16+$0xFFFFFF90] =	vst v0;
	v0 =	vld [tilespmem:s16+$0xFFFFFFA0]  }
0x194: {  	v1 =	vld [tilespmem:s13+$0xFFFFFFA0];
	_ =	sdelay $0x4  }
0x195: {  	v0 =	vadd.f32 v1, v0;
	_ =	sdelay $0x1  }
0x196: {  	[tilespmem:s16+$0xFFFFFFA0] =	vst v0;
	v0 =	vld [tilespmem:s16+$0xFFFFFFB0]  }
0x197: {  	v1 =	vld [tilespmem:s13+$0xFFFFFFB0];
	_ =	sdelay $0x4  }
0x198: {  	v0 =	vadd.f32 v1, v0;
	_ =	sdelay $0x1  }
0x199: {  	[tilespmem:s16+$0xFFFFFFB0] =	vst v0;
	v0 =	vld [tilespmem:s16+$0xFFFFFFC0]  }
0x19a: {  	v1 =	vld [tilespmem:s13+$0xFFFFFFC0];
	_ =	sdelay $0x4  }
0x19b: {  	v0 =	vadd.f32 v1, v0;
	_ =	sdelay $0x1  }
0x19c: {  	[tilespmem:s16+$0xFFFFFFC0] =	vst v0;
	v0 =	vld [tilespmem:s16+$0xFFFFFFD0]  }
0x19d: {  	v1 =	vld [tilespmem:s13+$0xFFFFFFD0];
	_ =	sdelay $0x4  }
0x19e: {  	v0 =	vadd.f32 v1, v0;
	_ =	sdelay $0x1  }
0x19f: {  	[tilespmem:s16+$0xFFFFFFD0] =	vst v0;
	v0 =	vld [tilespmem:s16+$0xFFFFFFE0]  }
0x1a0: {  	v1 =	vld [tilespmem:s13+$0xFFFFFFE0];
	_ =	sdelay $0x4  }
0x1a1: {  	v0 =	vadd.f32 v1, v0;
	_ =	sdelay $0x1  }
0x1a2: {  	[tilespmem:s16+$0xFFFFFFE0] =	vst v0;
	v0 =	vld [tilespmem:s16+$0xFFFFFFF0]  }
0x1a3: {  	v1 =	vld [tilespmem:s13+$0xFFFFFFF0];
	_ =	sdelay $0x4  }
0x1a4: {  	v0 =	vadd.f32 v1, v0;
	_ =	sdelay $0x1  }
0x1a5: {  	[tilespmem:s16+$0xFFFFFFF0] =	vst v0;
	v0 =	vld [tilespmem:s16+$0x0]  }
0x1a6: {  	v1 =	vld [tilespmem:s13+$0x0];
	_ =	sdelay $0x4  }
0x1a7: {  	v0 =	vadd.f32 v1, v0  }
0x1a8: {  	s17 =	simm.s32 $0x0;
	s18 =	simm.s32 $0x19F0;
	s14 =	simm.s32 $0x4270  }
.LBB2_17:
0x1a9: {  	v1 =	vld [tilespmem:s18+$0xFFFFFF90];
	[tilespmem:s16+$0x0] =	vst v0;
	s13 =	sadd.s32 $0x400, s13;
	s15 =	simm.s32 $0x2070  }
0x1aa: {  	s17 =	sadd.s32 $0x8, s17;
	s16 =	smov.u32 s18;
	v0 =	vld [tilespmem:s13+$0xFFFFFF90]  }
0x1ab: {  	p0 =	slt.u32 s17, $0x38;
	_ =	sdelay $0x3  }
0x1ac: {  	v0 =	vadd.f32 v0, v1;
	_ =	sdelay $0x1  }
0x1ad: {  	[tilespmem:s18+$0xFFFFFF90] =	vst v0;
	v0 =	vld [tilespmem:s18+$0xFFFFFFA0]  }
0x1ae: {  	v1 =	vld [tilespmem:s13+$0xFFFFFFA0];
	_ =	sdelay $0x4  }
0x1af: {  	v0 =	vadd.f32 v1, v0;
	_ =	sdelay $0x1  }
0x1b0: {  	[tilespmem:s18+$0xFFFFFFA0] =	vst v0;
	v0 =	vld [tilespmem:s18+$0xFFFFFFB0]  }
0x1b1: {  	v1 =	vld [tilespmem:s13+$0xFFFFFFB0];
	_ =	sdelay $0x4  }
0x1b2: {  	v0 =	vadd.f32 v1, v0;
	_ =	sdelay $0x1  }
0x1b3: {  	[tilespmem:s18+$0xFFFFFFB0] =	vst v0;
	v0 =	vld [tilespmem:s18+$0xFFFFFFC0]  }
0x1b4: {  	v1 =	vld [tilespmem:s13+$0xFFFFFFC0];
	_ =	sdelay $0x4  }
0x1b5: {  	v0 =	vadd.f32 v1, v0;
	_ =	sdelay $0x1  }
0x1b6: {  	[tilespmem:s18+$0xFFFFFFC0] =	vst v0;
	v0 =	vld [tilespmem:s18+$0xFFFFFFD0]  }
0x1b7: {  	v1 =	vld [tilespmem:s13+$0xFFFFFFD0];
	_ =	sdelay $0x4  }
0x1b8: {  	v0 =	vadd.f32 v1, v0;
	_ =	sdelay $0x1  }
0x1b9: {  	[tilespmem:s18+$0xFFFFFFD0] =	vst v0;
	v0 =	vld [tilespmem:s18+$0xFFFFFFE0]  }
0x1ba: {  	v1 =	vld [tilespmem:s13+$0xFFFFFFE0];
	_ =	sdelay $0x4  }
0x1bb: {  	v0 =	vadd.f32 v1, v0;
	_ =	sdelay $0x1  }
0x1bc: {  	[tilespmem:s18+$0xFFFFFFE0] =	vst v0;
	v0 =	vld [tilespmem:s18+$0xFFFFFFF0]  }
0x1bd: {  	v1 =	vld [tilespmem:s13+$0xFFFFFFF0];
	_ =	sdelay $0x4  }
0x1be: {  	v0 =	vadd.f32 v1, v0;
	_ =	sdelay $0x1  }
0x1bf: {  	[tilespmem:s18+$0xFFFFFFF0] =	vst v0;
	v0 =	vld [tilespmem:s18+$0x0]  }
0x1c0: {  	v1 =	vld [tilespmem:s13+$0x0];
	_ =	sdelay $0x1  }
.Ltmp7:
0x1c1: {  	(pc) =	sbr.rel @p0 .LBB2_17-.Ltmp7, $3  }
0x1c2: {  	_ =	sdelay $0x1  }
0x1c3: {  	v0 =	vadd.f32 v1, v0  }
0x1c4: {  	s18 =	sadd.s32 $0x100, s18  }
0x1c5: {  	[tilespmem:s16+$0x0] =	vst v0  }
0x1c6: {  	v0 =	vld [tilespmem:s15+$0xFFFFFF90]  }
0x1c7: {  	v1 =	vld [tilespmem:s14+$0xFFFFFF90];
	_ =	sdelay $0x4  }
0x1c8: {  	v0 =	vadd.f32 v1, v0;
	_ =	sdelay $0x1  }
0x1c9: {  	[tilespmem:s15+$0xFFFFFF90] =	vst v0;
	v0 =	vld [tilespmem:s15+$0xFFFFFFA0]  }
0x1ca: {  	v1 =	vld [tilespmem:s14+$0xFFFFFFA0];
	_ =	sdelay $0x4  }
0x1cb: {  	v0 =	vadd.f32 v1, v0;
	_ =	sdelay $0x1  }
0x1cc: {  	[tilespmem:s15+$0xFFFFFFA0] =	vst v0;
	v0 =	vld [tilespmem:s15+$0xFFFFFFB0]  }
0x1cd: {  	v1 =	vld [tilespmem:s14+$0xFFFFFFB0];
	_ =	sdelay $0x4  }
0x1ce: {  	v0 =	vadd.f32 v1, v0;
	_ =	sdelay $0x1  }
0x1cf: {  	[tilespmem:s15+$0xFFFFFFB0] =	vst v0;
	v0 =	vld [tilespmem:s15+$0xFFFFFFC0]  }
0x1d0: {  	v1 =	vld [tilespmem:s14+$0xFFFFFFC0];
	_ =	sdelay $0x4  }
0x1d1: {  	v0 =	vadd.f32 v1, v0;
	_ =	sdelay $0x1  }
0x1d2: {  	[tilespmem:s15+$0xFFFFFFC0] =	vst v0;
	v0 =	vld [tilespmem:s15+$0xFFFFFFD0]  }
0x1d3: {  	v1 =	vld [tilespmem:s14+$0xFFFFFFD0];
	_ =	sdelay $0x4  }
0x1d4: {  	v0 =	vadd.f32 v1, v0;
	_ =	sdelay $0x1  }
0x1d5: {  	[tilespmem:s15+$0xFFFFFFD0] =	vst v0;
	v0 =	vld [tilespmem:s15+$0xFFFFFFE0]  }
0x1d6: {  	v1 =	vld [tilespmem:s14+$0xFFFFFFE0];
	_ =	sdelay $0x4  }
0x1d7: {  	v0 =	vadd.f32 v1, v0;
	_ =	sdelay $0x1  }
0x1d8: {  	[tilespmem:s15+$0xFFFFFFE0] =	vst v0;
	v0 =	vld [tilespmem:s15+$0xFFFFFFF0]  }
0x1d9: {  	v1 =	vld [tilespmem:s14+$0xFFFFFFF0];
	_ =	sdelay $0x4  }
0x1da: {  	v0 =	vadd.f32 v1, v0;
	_ =	sdelay $0x1  }
0x1db: {  	[tilespmem:s15+$0xFFFFFFF0] =	vst v0;
	v0 =	vld [tilespmem:s15+$0x0]  }
0x1dc: {  	v1 =	vld [tilespmem:s14+$0x0];
	_ =	sdelay $0x4  }
0x1dd: {  	v0 =	vadd.f32 v1, v0  }
0x1de: {  	s13 =	simm.s32 $0x0;
	s17 =	simm.s32 $0x2170;
	s18 =	simm.s32 $0x4270  }
.LBB2_19:
0x1df: {  	v1 =	vld [tilespmem:s17+$0xFFFFFF90];
	[tilespmem:s15+$0x0] =	vst v0;
	s18 =	sadd.s32 $0x400, s18;
	s16 =	simm.s32 $0x20F0;
	s15 =	smov.u32 s17  }
0x1e0: {  	s13 =	sadd.s32 $0x8, s13;
	v0 =	vld [tilespmem:s18+$0xFFFFFF90]  }
0x1e1: {  	p0 =	slt.u32 s13, $0x38;
	_ =	sdelay $0x3  }
0x1e2: {  	v0 =	vadd.f32 v0, v1;
	_ =	sdelay $0x1  }
0x1e3: {  	[tilespmem:s17+$0xFFFFFF90] =	vst v0;
	v0 =	vld [tilespmem:s17+$0xFFFFFFA0]  }
0x1e4: {  	v1 =	vld [tilespmem:s18+$0xFFFFFFA0];
	_ =	sdelay $0x4  }
0x1e5: {  	v0 =	vadd.f32 v1, v0;
	_ =	sdelay $0x1  }
0x1e6: {  	[tilespmem:s17+$0xFFFFFFA0] =	vst v0;
	v0 =	vld [tilespmem:s17+$0xFFFFFFB0]  }
0x1e7: {  	v1 =	vld [tilespmem:s18+$0xFFFFFFB0];
	_ =	sdelay $0x4  }
0x1e8: {  	v0 =	vadd.f32 v1, v0;
	_ =	sdelay $0x1  }
0x1e9: {  	[tilespmem:s17+$0xFFFFFFB0] =	vst v0;
	v0 =	vld [tilespmem:s17+$0xFFFFFFC0]  }
0x1ea: {  	v1 =	vld [tilespmem:s18+$0xFFFFFFC0];
	_ =	sdelay $0x4  }
0x1eb: {  	v0 =	vadd.f32 v1, v0;
	_ =	sdelay $0x1  }
0x1ec: {  	[tilespmem:s17+$0xFFFFFFC0] =	vst v0;
	v0 =	vld [tilespmem:s17+$0xFFFFFFD0]  }
0x1ed: {  	v1 =	vld [tilespmem:s18+$0xFFFFFFD0];
	_ =	sdelay $0x4  }
0x1ee: {  	v0 =	vadd.f32 v1, v0;
	_ =	sdelay $0x1  }
0x1ef: {  	[tilespmem:s17+$0xFFFFFFD0] =	vst v0;
	v0 =	vld [tilespmem:s17+$0xFFFFFFE0]  }
0x1f0: {  	v1 =	vld [tilespmem:s18+$0xFFFFFFE0];
	_ =	sdelay $0x4  }
0x1f1: {  	v0 =	vadd.f32 v1, v0;
	_ =	sdelay $0x1  }
0x1f2: {  	[tilespmem:s17+$0xFFFFFFE0] =	vst v0;
	v0 =	vld [tilespmem:s17+$0xFFFFFFF0]  }
0x1f3: {  	v1 =	vld [tilespmem:s18+$0xFFFFFFF0];
	_ =	sdelay $0x4  }
0x1f4: {  	v0 =	vadd.f32 v1, v0;
	_ =	sdelay $0x1  }
0x1f5: {  	[tilespmem:s17+$0xFFFFFFF0] =	vst v0;
	v0 =	vld [tilespmem:s17+$0x0]  }
0x1f6: {  	v1 =	vld [tilespmem:s18+$0x0];
	_ =	sdelay $0x1  }
.Ltmp8:
0x1f7: {  	(pc) =	sbr.rel @p0 .LBB2_19-.Ltmp8, $3  }
0x1f8: {  	_ =	sdelay $0x1  }
0x1f9: {  	v0 =	vadd.f32 v1, v0  }
0x1fa: {  	s17 =	sadd.s32 $0x100, s17  }
0x1fb: {  	[tilespmem:s15+$0x0] =	vst v0  }
0x1fc: {  	v0 =	vld [tilespmem:s16+$0xFFFFFF90]  }
0x1fd: {  	v1 =	vld [tilespmem:s14+$0xFFFFFF90];
	_ =	sdelay $0x4  }
0x1fe: {  	v0 =	vadd.f32 v1, v0;
	_ =	sdelay $0x1  }
0x1ff: {  	[tilespmem:s16+$0xFFFFFF90] =	vst v0;
	v0 =	vld [tilespmem:s16+$0xFFFFFFA0]  }
0x200: {  	v1 =	vld [tilespmem:s14+$0xFFFFFFA0];
	_ =	sdelay $0x4  }
0x201: {  	v0 =	vadd.f32 v1, v0;
	_ =	sdelay $0x1  }
0x202: {  	[tilespmem:s16+$0xFFFFFFA0] =	vst v0;
	v0 =	vld [tilespmem:s16+$0xFFFFFFB0]  }
0x203: {  	v1 =	vld [tilespmem:s14+$0xFFFFFFB0];
	_ =	sdelay $0x4  }
0x204: {  	v0 =	vadd.f32 v1, v0;
	_ =	sdelay $0x1  }
0x205: {  	[tilespmem:s16+$0xFFFFFFB0] =	vst v0;
	v0 =	vld [tilespmem:s16+$0xFFFFFFC0]  }
0x206: {  	v1 =	vld [tilespmem:s14+$0xFFFFFFC0];
	_ =	sdelay $0x4  }
0x207: {  	v0 =	vadd.f32 v1, v0;
	_ =	sdelay $0x1  }
0x208: {  	[tilespmem:s16+$0xFFFFFFC0] =	vst v0;
	v0 =	vld [tilespmem:s16+$0xFFFFFFD0]  }
0x209: {  	v1 =	vld [tilespmem:s14+$0xFFFFFFD0];
	_ =	sdelay $0x4  }
0x20a: {  	v0 =	vadd.f32 v1, v0;
	_ =	sdelay $0x1  }
0x20b: {  	[tilespmem:s16+$0xFFFFFFD0] =	vst v0;
	v0 =	vld [tilespmem:s16+$0xFFFFFFE0]  }
0x20c: {  	v1 =	vld [tilespmem:s14+$0xFFFFFFE0];
	_ =	sdelay $0x4  }
0x20d: {  	v0 =	vadd.f32 v1, v0;
	_ =	sdelay $0x1  }
0x20e: {  	[tilespmem:s16+$0xFFFFFFE0] =	vst v0;
	v0 =	vld [tilespmem:s16+$0xFFFFFFF0]  }
0x20f: {  	v1 =	vld [tilespmem:s14+$0xFFFFFFF0];
	_ =	sdelay $0x4  }
0x210: {  	v0 =	vadd.f32 v1, v0;
	_ =	sdelay $0x1  }
0x211: {  	[tilespmem:s16+$0xFFFFFFF0] =	vst v0;
	v0 =	vld [tilespmem:s16+$0x0]  }
0x212: {  	v1 =	vld [tilespmem:s14+$0x0];
	_ =	sdelay $0x4  }
0x213: {  	v0 =	vadd.f32 v1, v0  }
0x214: {  	s17 =	simm.s32 $0x0;
	s18 =	simm.s32 $0x21F0;
	s13 =	simm.s32 $0x42F0  }
.LBB2_21:
0x215: {  	v1 =	vld [tilespmem:s18+$0xFFFFFF90];
	[tilespmem:s16+$0x0] =	vst v0;
	s14 =	sadd.s32 $0x400, s14;
	s15 =	simm.s32 $0x2870  }
0x216: {  	s17 =	sadd.s32 $0x8, s17;
	s16 =	smov.u32 s18;
	v0 =	vld [tilespmem:s14+$0xFFFFFF90]  }
0x217: {  	p0 =	slt.u32 s17, $0x38;
	_ =	sdelay $0x3  }
0x218: {  	v0 =	vadd.f32 v0, v1;
	_ =	sdelay $0x1  }
0x219: {  	[tilespmem:s18+$0xFFFFFF90] =	vst v0;
	v0 =	vld [tilespmem:s18+$0xFFFFFFA0]  }
0x21a: {  	v1 =	vld [tilespmem:s14+$0xFFFFFFA0];
	_ =	sdelay $0x4  }
0x21b: {  	v0 =	vadd.f32 v1, v0;
	_ =	sdelay $0x1  }
0x21c: {  	[tilespmem:s18+$0xFFFFFFA0] =	vst v0;
	v0 =	vld [tilespmem:s18+$0xFFFFFFB0]  }
0x21d: {  	v1 =	vld [tilespmem:s14+$0xFFFFFFB0];
	_ =	sdelay $0x4  }
0x21e: {  	v0 =	vadd.f32 v1, v0;
	_ =	sdelay $0x1  }
0x21f: {  	[tilespmem:s18+$0xFFFFFFB0] =	vst v0;
	v0 =	vld [tilespmem:s18+$0xFFFFFFC0]  }
0x220: {  	v1 =	vld [tilespmem:s14+$0xFFFFFFC0];
	_ =	sdelay $0x4  }
0x221: {  	v0 =	vadd.f32 v1, v0;
	_ =	sdelay $0x1  }
0x222: {  	[tilespmem:s18+$0xFFFFFFC0] =	vst v0;
	v0 =	vld [tilespmem:s18+$0xFFFFFFD0]  }
0x223: {  	v1 =	vld [tilespmem:s14+$0xFFFFFFD0];
	_ =	sdelay $0x4  }
0x224: {  	v0 =	vadd.f32 v1, v0;
	_ =	sdelay $0x1  }
0x225: {  	[tilespmem:s18+$0xFFFFFFD0] =	vst v0;
	v0 =	vld [tilespmem:s18+$0xFFFFFFE0]  }
0x226: {  	v1 =	vld [tilespmem:s14+$0xFFFFFFE0];
	_ =	sdelay $0x4  }
0x227: {  	v0 =	vadd.f32 v1, v0;
	_ =	sdelay $0x1  }
0x228: {  	[tilespmem:s18+$0xFFFFFFE0] =	vst v0;
	v0 =	vld [tilespmem:s18+$0xFFFFFFF0]  }
0x229: {  	v1 =	vld [tilespmem:s14+$0xFFFFFFF0];
	_ =	sdelay $0x4  }
0x22a: {  	v0 =	vadd.f32 v1, v0;
	_ =	sdelay $0x1  }
0x22b: {  	[tilespmem:s18+$0xFFFFFFF0] =	vst v0;
	v0 =	vld [tilespmem:s18+$0x0]  }
0x22c: {  	v1 =	vld [tilespmem:s14+$0x0];
	_ =	sdelay $0x1  }
.Ltmp9:
0x22d: {  	(pc) =	sbr.rel @p0 .LBB2_21-.Ltmp9, $3  }
0x22e: {  	_ =	sdelay $0x1  }
0x22f: {  	v0 =	vadd.f32 v1, v0  }
0x230: {  	s18 =	sadd.s32 $0x100, s18  }
0x231: {  	[tilespmem:s16+$0x0] =	vst v0  }
0x232: {  	v0 =	vld [tilespmem:s15+$0xFFFFFF90]  }
0x233: {  	v1 =	vld [tilespmem:s13+$0xFFFFFF90];
	_ =	sdelay $0x4  }
0x234: {  	v0 =	vadd.f32 v1, v0;
	_ =	sdelay $0x1  }
0x235: {  	[tilespmem:s15+$0xFFFFFF90] =	vst v0;
	v0 =	vld [tilespmem:s15+$0xFFFFFFA0]  }
0x236: {  	v1 =	vld [tilespmem:s13+$0xFFFFFFA0];
	_ =	sdelay $0x4  }
0x237: {  	v0 =	vadd.f32 v1, v0;
	_ =	sdelay $0x1  }
0x238: {  	[tilespmem:s15+$0xFFFFFFA0] =	vst v0;
	v0 =	vld [tilespmem:s15+$0xFFFFFFB0]  }
0x239: {  	v1 =	vld [tilespmem:s13+$0xFFFFFFB0];
	_ =	sdelay $0x4  }
0x23a: {  	v0 =	vadd.f32 v1, v0;
	_ =	sdelay $0x1  }
0x23b: {  	[tilespmem:s15+$0xFFFFFFB0] =	vst v0;
	v0 =	vld [tilespmem:s15+$0xFFFFFFC0]  }
0x23c: {  	v1 =	vld [tilespmem:s13+$0xFFFFFFC0];
	_ =	sdelay $0x4  }
0x23d: {  	v0 =	vadd.f32 v1, v0;
	_ =	sdelay $0x1  }
0x23e: {  	[tilespmem:s15+$0xFFFFFFC0] =	vst v0;
	v0 =	vld [tilespmem:s15+$0xFFFFFFD0]  }
0x23f: {  	v1 =	vld [tilespmem:s13+$0xFFFFFFD0];
	_ =	sdelay $0x4  }
0x240: {  	v0 =	vadd.f32 v1, v0;
	_ =	sdelay $0x1  }
0x241: {  	[tilespmem:s15+$0xFFFFFFD0] =	vst v0;
	v0 =	vld [tilespmem:s15+$0xFFFFFFE0]  }
0x242: {  	v1 =	vld [tilespmem:s13+$0xFFFFFFE0];
	_ =	sdelay $0x4  }
0x243: {  	v0 =	vadd.f32 v1, v0;
	_ =	sdelay $0x1  }
0x244: {  	[tilespmem:s15+$0xFFFFFFE0] =	vst v0;
	v0 =	vld [tilespmem:s15+$0xFFFFFFF0]  }
0x245: {  	v1 =	vld [tilespmem:s13+$0xFFFFFFF0];
	_ =	sdelay $0x4  }
0x246: {  	v0 =	vadd.f32 v1, v0;
	_ =	sdelay $0x1  }
0x247: {  	[tilespmem:s15+$0xFFFFFFF0] =	vst v0;
	v0 =	vld [tilespmem:s15+$0x0]  }
0x248: {  	v1 =	vld [tilespmem:s13+$0x0];
	_ =	sdelay $0x4  }
0x249: {  	v0 =	vadd.f32 v1, v0  }
0x24a: {  	s14 =	simm.s32 $0x0;
	s17 =	simm.s32 $0x2970;
	s18 =	simm.s32 $0x42F0  }
.LBB2_23:
0x24b: {  	v1 =	vld [tilespmem:s17+$0xFFFFFF90];
	[tilespmem:s15+$0x0] =	vst v0;
	s18 =	sadd.s32 $0x400, s18;
	s16 =	simm.s32 $0x28F0;
	s15 =	smov.u32 s17  }
0x24c: {  	s14 =	sadd.s32 $0x8, s14;
	v0 =	vld [tilespmem:s18+$0xFFFFFF90]  }
0x24d: {  	p0 =	slt.u32 s14, $0x38;
	_ =	sdelay $0x3  }
0x24e: {  	v0 =	vadd.f32 v0, v1;
	_ =	sdelay $0x1  }
0x24f: {  	[tilespmem:s17+$0xFFFFFF90] =	vst v0;
	v0 =	vld [tilespmem:s17+$0xFFFFFFA0]  }
0x250: {  	v1 =	vld [tilespmem:s18+$0xFFFFFFA0];
	_ =	sdelay $0x4  }
0x251: {  	v0 =	vadd.f32 v1, v0;
	_ =	sdelay $0x1  }
0x252: {  	[tilespmem:s17+$0xFFFFFFA0] =	vst v0;
	v0 =	vld [tilespmem:s17+$0xFFFFFFB0]  }
0x253: {  	v1 =	vld [tilespmem:s18+$0xFFFFFFB0];
	_ =	sdelay $0x4  }
0x254: {  	v0 =	vadd.f32 v1, v0;
	_ =	sdelay $0x1  }
0x255: {  	[tilespmem:s17+$0xFFFFFFB0] =	vst v0;
	v0 =	vld [tilespmem:s17+$0xFFFFFFC0]  }
0x256: {  	v1 =	vld [tilespmem:s18+$0xFFFFFFC0];
	_ =	sdelay $0x4  }
0x257: {  	v0 =	vadd.f32 v1, v0;
	_ =	sdelay $0x1  }
0x258: {  	[tilespmem:s17+$0xFFFFFFC0] =	vst v0;
	v0 =	vld [tilespmem:s17+$0xFFFFFFD0]  }
0x259: {  	v1 =	vld [tilespmem:s18+$0xFFFFFFD0];
	_ =	sdelay $0x4  }
0x25a: {  	v0 =	vadd.f32 v1, v0;
	_ =	sdelay $0x1  }
0x25b: {  	[tilespmem:s17+$0xFFFFFFD0] =	vst v0;
	v0 =	vld [tilespmem:s17+$0xFFFFFFE0]  }
0x25c: {  	v1 =	vld [tilespmem:s18+$0xFFFFFFE0];
	_ =	sdelay $0x4  }
0x25d: {  	v0 =	vadd.f32 v1, v0;
	_ =	sdelay $0x1  }
0x25e: {  	[tilespmem:s17+$0xFFFFFFE0] =	vst v0;
	v0 =	vld [tilespmem:s17+$0xFFFFFFF0]  }
0x25f: {  	v1 =	vld [tilespmem:s18+$0xFFFFFFF0];
	_ =	sdelay $0x4  }
0x260: {  	v0 =	vadd.f32 v1, v0;
	_ =	sdelay $0x1  }
0x261: {  	[tilespmem:s17+$0xFFFFFFF0] =	vst v0;
	v0 =	vld [tilespmem:s17+$0x0]  }
0x262: {  	v1 =	vld [tilespmem:s18+$0x0];
	_ =	sdelay $0x1  }
.Ltmp10:
0x263: {  	(pc) =	sbr.rel @p0 .LBB2_23-.Ltmp10, $3  }
0x264: {  	_ =	sdelay $0x1  }
0x265: {  	v0 =	vadd.f32 v1, v0  }
0x266: {  	s17 =	sadd.s32 $0x100, s17  }
0x267: {  	[tilespmem:s15+$0x0] =	vst v0  }
0x268: {  	v0 =	vld [tilespmem:s16+$0xFFFFFF90]  }
0x269: {  	v1 =	vld [tilespmem:s13+$0xFFFFFF90];
	_ =	sdelay $0x4  }
0x26a: {  	v0 =	vadd.f32 v1, v0;
	_ =	sdelay $0x1  }
0x26b: {  	[tilespmem:s16+$0xFFFFFF90] =	vst v0;
	v0 =	vld [tilespmem:s16+$0xFFFFFFA0]  }
0x26c: {  	v1 =	vld [tilespmem:s13+$0xFFFFFFA0];
	_ =	sdelay $0x4  }
0x26d: {  	v0 =	vadd.f32 v1, v0;
	_ =	sdelay $0x1  }
0x26e: {  	[tilespmem:s16+$0xFFFFFFA0] =	vst v0;
	v0 =	vld [tilespmem:s16+$0xFFFFFFB0]  }
0x26f: {  	v1 =	vld [tilespmem:s13+$0xFFFFFFB0];
	_ =	sdelay $0x4  }
0x270: {  	v0 =	vadd.f32 v1, v0;
	_ =	sdelay $0x1  }
0x271: {  	[tilespmem:s16+$0xFFFFFFB0] =	vst v0;
	v0 =	vld [tilespmem:s16+$0xFFFFFFC0]  }
0x272: {  	v1 =	vld [tilespmem:s13+$0xFFFFFFC0];
	_ =	sdelay $0x4  }
0x273: {  	v0 =	vadd.f32 v1, v0;
	_ =	sdelay $0x1  }
0x274: {  	[tilespmem:s16+$0xFFFFFFC0] =	vst v0;
	v0 =	vld [tilespmem:s16+$0xFFFFFFD0]  }
0x275: {  	v1 =	vld [tilespmem:s13+$0xFFFFFFD0];
	_ =	sdelay $0x4  }
0x276: {  	v0 =	vadd.f32 v1, v0;
	_ =	sdelay $0x1  }
0x277: {  	[tilespmem:s16+$0xFFFFFFD0] =	vst v0;
	v0 =	vld [tilespmem:s16+$0xFFFFFFE0]  }
0x278: {  	v1 =	vld [tilespmem:s13+$0xFFFFFFE0];
	_ =	sdelay $0x4  }
0x279: {  	v0 =	vadd.f32 v1, v0;
	_ =	sdelay $0x1  }
0x27a: {  	[tilespmem:s16+$0xFFFFFFE0] =	vst v0;
	v0 =	vld [tilespmem:s16+$0xFFFFFFF0]  }
0x27b: {  	v1 =	vld [tilespmem:s13+$0xFFFFFFF0];
	_ =	sdelay $0x4  }
0x27c: {  	v0 =	vadd.f32 v1, v0;
	_ =	sdelay $0x1  }
0x27d: {  	[tilespmem:s16+$0xFFFFFFF0] =	vst v0;
	v0 =	vld [tilespmem:s16+$0x0]  }
0x27e: {  	v1 =	vld [tilespmem:s13+$0x0];
	_ =	sdelay $0x4  }
0x27f: {  	v0 =	vadd.f32 v1, v0  }
0x280: {  	s17 =	simm.s32 $0x0;
	s18 =	simm.s32 $0x29F0;
	s14 =	simm.s32 $0x4370  }
.LBB2_25:
0x281: {  	v1 =	vld [tilespmem:s18+$0xFFFFFF90];
	[tilespmem:s16+$0x0] =	vst v0;
	s13 =	sadd.s32 $0x400, s13;
	s15 =	simm.s32 $0x3070  }
0x282: {  	s17 =	sadd.s32 $0x8, s17;
	s16 =	smov.u32 s18;
	v0 =	vld [tilespmem:s13+$0xFFFFFF90]  }
0x283: {  	p0 =	slt.u32 s17, $0x38;
	_ =	sdelay $0x3  }
0x284: {  	v0 =	vadd.f32 v0, v1;
	_ =	sdelay $0x1  }
0x285: {  	[tilespmem:s18+$0xFFFFFF90] =	vst v0;
	v0 =	vld [tilespmem:s18+$0xFFFFFFA0]  }
0x286: {  	v1 =	vld [tilespmem:s13+$0xFFFFFFA0];
	_ =	sdelay $0x4  }
0x287: {  	v0 =	vadd.f32 v1, v0;
	_ =	sdelay $0x1  }
0x288: {  	[tilespmem:s18+$0xFFFFFFA0] =	vst v0;
	v0 =	vld [tilespmem:s18+$0xFFFFFFB0]  }
0x289: {  	v1 =	vld [tilespmem:s13+$0xFFFFFFB0];
	_ =	sdelay $0x4  }
0x28a: {  	v0 =	vadd.f32 v1, v0;
	_ =	sdelay $0x1  }
0x28b: {  	[tilespmem:s18+$0xFFFFFFB0] =	vst v0;
	v0 =	vld [tilespmem:s18+$0xFFFFFFC0]  }
0x28c: {  	v1 =	vld [tilespmem:s13+$0xFFFFFFC0];
	_ =	sdelay $0x4  }
0x28d: {  	v0 =	vadd.f32 v1, v0;
	_ =	sdelay $0x1  }
0x28e: {  	[tilespmem:s18+$0xFFFFFFC0] =	vst v0;
	v0 =	vld [tilespmem:s18+$0xFFFFFFD0]  }
0x28f: {  	v1 =	vld [tilespmem:s13+$0xFFFFFFD0];
	_ =	sdelay $0x4  }
0x290: {  	v0 =	vadd.f32 v1, v0;
	_ =	sdelay $0x1  }
0x291: {  	[tilespmem:s18+$0xFFFFFFD0] =	vst v0;
	v0 =	vld [tilespmem:s18+$0xFFFFFFE0]  }
0x292: {  	v1 =	vld [tilespmem:s13+$0xFFFFFFE0];
	_ =	sdelay $0x4  }
0x293: {  	v0 =	vadd.f32 v1, v0;
	_ =	sdelay $0x1  }
0x294: {  	[tilespmem:s18+$0xFFFFFFE0] =	vst v0;
	v0 =	vld [tilespmem:s18+$0xFFFFFFF0]  }
0x295: {  	v1 =	vld [tilespmem:s13+$0xFFFFFFF0];
	_ =	sdelay $0x4  }
0x296: {  	v0 =	vadd.f32 v1, v0;
	_ =	sdelay $0x1  }
0x297: {  	[tilespmem:s18+$0xFFFFFFF0] =	vst v0;
	v0 =	vld [tilespmem:s18+$0x0]  }
0x298: {  	v1 =	vld [tilespmem:s13+$0x0];
	_ =	sdelay $0x1  }
.Ltmp11:
0x299: {  	(pc) =	sbr.rel @p0 .LBB2_25-.Ltmp11, $3  }
0x29a: {  	_ =	sdelay $0x1  }
0x29b: {  	v0 =	vadd.f32 v1, v0  }
0x29c: {  	s18 =	sadd.s32 $0x100, s18  }
0x29d: {  	[tilespmem:s16+$0x0] =	vst v0  }
0x29e: {  	v0 =	vld [tilespmem:s15+$0xFFFFFF90]  }
0x29f: {  	v1 =	vld [tilespmem:s14+$0xFFFFFF90];
	_ =	sdelay $0x4  }
0x2a0: {  	v0 =	vadd.f32 v1, v0;
	_ =	sdelay $0x1  }
0x2a1: {  	[tilespmem:s15+$0xFFFFFF90] =	vst v0;
	v0 =	vld [tilespmem:s15+$0xFFFFFFA0]  }
0x2a2: {  	v1 =	vld [tilespmem:s14+$0xFFFFFFA0];
	_ =	sdelay $0x4  }
0x2a3: {  	v0 =	vadd.f32 v1, v0;
	_ =	sdelay $0x1  }
0x2a4: {  	[tilespmem:s15+$0xFFFFFFA0] =	vst v0;
	v0 =	vld [tilespmem:s15+$0xFFFFFFB0]  }
0x2a5: {  	v1 =	vld [tilespmem:s14+$0xFFFFFFB0];
	_ =	sdelay $0x4  }
0x2a6: {  	v0 =	vadd.f32 v1, v0;
	_ =	sdelay $0x1  }
0x2a7: {  	[tilespmem:s15+$0xFFFFFFB0] =	vst v0;
	v0 =	vld [tilespmem:s15+$0xFFFFFFC0]  }
0x2a8: {  	v1 =	vld [tilespmem:s14+$0xFFFFFFC0];
	_ =	sdelay $0x4  }
0x2a9: {  	v0 =	vadd.f32 v1, v0;
	_ =	sdelay $0x1  }
0x2aa: {  	[tilespmem:s15+$0xFFFFFFC0] =	vst v0;
	v0 =	vld [tilespmem:s15+$0xFFFFFFD0]  }
0x2ab: {  	v1 =	vld [tilespmem:s14+$0xFFFFFFD0];
	_ =	sdelay $0x4  }
0x2ac: {  	v0 =	vadd.f32 v1, v0;
	_ =	sdelay $0x1  }
0x2ad: {  	[tilespmem:s15+$0xFFFFFFD0] =	vst v0;
	v0 =	vld [tilespmem:s15+$0xFFFFFFE0]  }
0x2ae: {  	v1 =	vld [tilespmem:s14+$0xFFFFFFE0];
	_ =	sdelay $0x4  }
0x2af: {  	v0 =	vadd.f32 v1, v0;
	_ =	sdelay $0x1  }
0x2b0: {  	[tilespmem:s15+$0xFFFFFFE0] =	vst v0;
	v0 =	vld [tilespmem:s15+$0xFFFFFFF0]  }
0x2b1: {  	v1 =	vld [tilespmem:s14+$0xFFFFFFF0];
	_ =	sdelay $0x4  }
0x2b2: {  	v0 =	vadd.f32 v1, v0;
	_ =	sdelay $0x1  }
0x2b3: {  	[tilespmem:s15+$0xFFFFFFF0] =	vst v0;
	v0 =	vld [tilespmem:s15+$0x0]  }
0x2b4: {  	v1 =	vld [tilespmem:s14+$0x0];
	_ =	sdelay $0x4  }
0x2b5: {  	v0 =	vadd.f32 v1, v0  }
0x2b6: {  	s13 =	simm.s32 $0x0;
	s17 =	simm.s32 $0x3170;
	s18 =	simm.s32 $0x4370  }
.LBB2_27:
0x2b7: {  	v1 =	vld [tilespmem:s17+$0xFFFFFF90];
	[tilespmem:s15+$0x0] =	vst v0;
	s18 =	sadd.s32 $0x400, s18;
	s16 =	simm.s32 $0x30F0;
	s15 =	smov.u32 s17  }
0x2b8: {  	s13 =	sadd.s32 $0x8, s13;
	v0 =	vld [tilespmem:s18+$0xFFFFFF90]  }
0x2b9: {  	p0 =	slt.u32 s13, $0x38;
	_ =	sdelay $0x3  }
0x2ba: {  	v0 =	vadd.f32 v0, v1;
	_ =	sdelay $0x1  }
0x2bb: {  	[tilespmem:s17+$0xFFFFFF90] =	vst v0;
	v0 =	vld [tilespmem:s17+$0xFFFFFFA0]  }
0x2bc: {  	v1 =	vld [tilespmem:s18+$0xFFFFFFA0];
	_ =	sdelay $0x4  }
0x2bd: {  	v0 =	vadd.f32 v1, v0;
	_ =	sdelay $0x1  }
0x2be: {  	[tilespmem:s17+$0xFFFFFFA0] =	vst v0;
	v0 =	vld [tilespmem:s17+$0xFFFFFFB0]  }
0x2bf: {  	v1 =	vld [tilespmem:s18+$0xFFFFFFB0];
	_ =	sdelay $0x4  }
0x2c0: {  	v0 =	vadd.f32 v1, v0;
	_ =	sdelay $0x1  }
0x2c1: {  	[tilespmem:s17+$0xFFFFFFB0] =	vst v0;
	v0 =	vld [tilespmem:s17+$0xFFFFFFC0]  }
0x2c2: {  	v1 =	vld [tilespmem:s18+$0xFFFFFFC0];
	_ =	sdelay $0x4  }
0x2c3: {  	v0 =	vadd.f32 v1, v0;
	_ =	sdelay $0x1  }
0x2c4: {  	[tilespmem:s17+$0xFFFFFFC0] =	vst v0;
	v0 =	vld [tilespmem:s17+$0xFFFFFFD0]  }
0x2c5: {  	v1 =	vld [tilespmem:s18+$0xFFFFFFD0];
	_ =	sdelay $0x4  }
0x2c6: {  	v0 =	vadd.f32 v1, v0;
	_ =	sdelay $0x1  }
0x2c7: {  	[tilespmem:s17+$0xFFFFFFD0] =	vst v0;
	v0 =	vld [tilespmem:s17+$0xFFFFFFE0]  }
0x2c8: {  	v1 =	vld [tilespmem:s18+$0xFFFFFFE0];
	_ =	sdelay $0x4  }
0x2c9: {  	v0 =	vadd.f32 v1, v0;
	_ =	sdelay $0x1  }
0x2ca: {  	[tilespmem:s17+$0xFFFFFFE0] =	vst v0;
	v0 =	vld [tilespmem:s17+$0xFFFFFFF0]  }
0x2cb: {  	v1 =	vld [tilespmem:s18+$0xFFFFFFF0];
	_ =	sdelay $0x4  }
0x2cc: {  	v0 =	vadd.f32 v1, v0;
	_ =	sdelay $0x1  }
0x2cd: {  	[tilespmem:s17+$0xFFFFFFF0] =	vst v0;
	v0 =	vld [tilespmem:s17+$0x0]  }
0x2ce: {  	v1 =	vld [tilespmem:s18+$0x0];
	_ =	sdelay $0x1  }
.Ltmp12:
0x2cf: {  	(pc) =	sbr.rel @p0 .LBB2_27-.Ltmp12, $3  }
0x2d0: {  	_ =	sdelay $0x1  }
0x2d1: {  	v0 =	vadd.f32 v1, v0  }
0x2d2: {  	s17 =	sadd.s32 $0x100, s17  }
0x2d3: {  	[tilespmem:s15+$0x0] =	vst v0  }
0x2d4: {  	v0 =	vld [tilespmem:s16+$0xFFFFFF90]  }
0x2d5: {  	v1 =	vld [tilespmem:s14+$0xFFFFFF90];
	_ =	sdelay $0x4  }
0x2d6: {  	v0 =	vadd.f32 v1, v0;
	_ =	sdelay $0x1  }
0x2d7: {  	[tilespmem:s16+$0xFFFFFF90] =	vst v0;
	v0 =	vld [tilespmem:s16+$0xFFFFFFA0]  }
0x2d8: {  	v1 =	vld [tilespmem:s14+$0xFFFFFFA0];
	_ =	sdelay $0x4  }
0x2d9: {  	v0 =	vadd.f32 v1, v0;
	_ =	sdelay $0x1  }
0x2da: {  	[tilespmem:s16+$0xFFFFFFA0] =	vst v0;
	v0 =	vld [tilespmem:s16+$0xFFFFFFB0]  }
0x2db: {  	v1 =	vld [tilespmem:s14+$0xFFFFFFB0];
	_ =	sdelay $0x4  }
0x2dc: {  	v0 =	vadd.f32 v1, v0;
	_ =	sdelay $0x1  }
0x2dd: {  	[tilespmem:s16+$0xFFFFFFB0] =	vst v0;
	v0 =	vld [tilespmem:s16+$0xFFFFFFC0]  }
0x2de: {  	v1 =	vld [tilespmem:s14+$0xFFFFFFC0];
	_ =	sdelay $0x4  }
0x2df: {  	v0 =	vadd.f32 v1, v0;
	_ =	sdelay $0x1  }
0x2e0: {  	[tilespmem:s16+$0xFFFFFFC0] =	vst v0;
	v0 =	vld [tilespmem:s16+$0xFFFFFFD0]  }
0x2e1: {  	v1 =	vld [tilespmem:s14+$0xFFFFFFD0];
	_ =	sdelay $0x4  }
0x2e2: {  	v0 =	vadd.f32 v1, v0;
	_ =	sdelay $0x1  }
0x2e3: {  	[tilespmem:s16+$0xFFFFFFD0] =	vst v0;
	v0 =	vld [tilespmem:s16+$0xFFFFFFE0]  }
0x2e4: {  	v1 =	vld [tilespmem:s14+$0xFFFFFFE0];
	_ =	sdelay $0x4  }
0x2e5: {  	v0 =	vadd.f32 v1, v0;
	_ =	sdelay $0x1  }
0x2e6: {  	[tilespmem:s16+$0xFFFFFFE0] =	vst v0;
	v0 =	vld [tilespmem:s16+$0xFFFFFFF0]  }
0x2e7: {  	v1 =	vld [tilespmem:s14+$0xFFFFFFF0];
	_ =	sdelay $0x4  }
0x2e8: {  	v0 =	vadd.f32 v1, v0;
	_ =	sdelay $0x1  }
0x2e9: {  	[tilespmem:s16+$0xFFFFFFF0] =	vst v0;
	v0 =	vld [tilespmem:s16+$0x0]  }
0x2ea: {  	v1 =	vld [tilespmem:s14+$0x0];
	_ =	sdelay $0x4  }
0x2eb: {  	v0 =	vadd.f32 v1, v0  }
0x2ec: {  	s17 =	simm.s32 $0x0;
	s18 =	simm.s32 $0x31F0;
	s13 =	simm.s32 $0x43F0  }
.LBB2_29:
0x2ed: {  	v1 =	vld [tilespmem:s18+$0xFFFFFF90];
	[tilespmem:s16+$0x0] =	vst v0;
	s14 =	sadd.s32 $0x400, s14;
	s15 =	simm.s32 $0x3870  }
0x2ee: {  	s17 =	sadd.s32 $0x8, s17;
	s16 =	smov.u32 s18;
	v0 =	vld [tilespmem:s14+$0xFFFFFF90]  }
0x2ef: {  	p0 =	slt.u32 s17, $0x38;
	_ =	sdelay $0x3  }
0x2f0: {  	v0 =	vadd.f32 v0, v1;
	_ =	sdelay $0x1  }
0x2f1: {  	[tilespmem:s18+$0xFFFFFF90] =	vst v0;
	v0 =	vld [tilespmem:s18+$0xFFFFFFA0]  }
0x2f2: {  	v1 =	vld [tilespmem:s14+$0xFFFFFFA0];
	_ =	sdelay $0x4  }
0x2f3: {  	v0 =	vadd.f32 v1, v0;
	_ =	sdelay $0x1  }
0x2f4: {  	[tilespmem:s18+$0xFFFFFFA0] =	vst v0;
	v0 =	vld [tilespmem:s18+$0xFFFFFFB0]  }
0x2f5: {  	v1 =	vld [tilespmem:s14+$0xFFFFFFB0];
	_ =	sdelay $0x4  }
0x2f6: {  	v0 =	vadd.f32 v1, v0;
	_ =	sdelay $0x1  }
0x2f7: {  	[tilespmem:s18+$0xFFFFFFB0] =	vst v0;
	v0 =	vld [tilespmem:s18+$0xFFFFFFC0]  }
0x2f8: {  	v1 =	vld [tilespmem:s14+$0xFFFFFFC0];
	_ =	sdelay $0x4  }
0x2f9: {  	v0 =	vadd.f32 v1, v0;
	_ =	sdelay $0x1  }
0x2fa: {  	[tilespmem:s18+$0xFFFFFFC0] =	vst v0;
	v0 =	vld [tilespmem:s18+$0xFFFFFFD0]  }
0x2fb: {  	v1 =	vld [tilespmem:s14+$0xFFFFFFD0];
	_ =	sdelay $0x4  }
0x2fc: {  	v0 =	vadd.f32 v1, v0;
	_ =	sdelay $0x1  }
0x2fd: {  	[tilespmem:s18+$0xFFFFFFD0] =	vst v0;
	v0 =	vld [tilespmem:s18+$0xFFFFFFE0]  }
0x2fe: {  	v1 =	vld [tilespmem:s14+$0xFFFFFFE0];
	_ =	sdelay $0x4  }
0x2ff: {  	v0 =	vadd.f32 v1, v0;
	_ =	sdelay $0x1  }
0x300: {  	[tilespmem:s18+$0xFFFFFFE0] =	vst v0;
	v0 =	vld [tilespmem:s18+$0xFFFFFFF0]  }
0x301: {  	v1 =	vld [tilespmem:s14+$0xFFFFFFF0];
	_ =	sdelay $0x4  }
0x302: {  	v0 =	vadd.f32 v1, v0;
	_ =	sdelay $0x1  }
0x303: {  	[tilespmem:s18+$0xFFFFFFF0] =	vst v0;
	v0 =	vld [tilespmem:s18+$0x0]  }
0x304: {  	v1 =	vld [tilespmem:s14+$0x0];
	_ =	sdelay $0x1  }
.Ltmp13:
0x305: {  	(pc) =	sbr.rel @p0 .LBB2_29-.Ltmp13, $3  }
0x306: {  	_ =	sdelay $0x1  }
0x307: {  	v0 =	vadd.f32 v1, v0  }
0x308: {  	s18 =	sadd.s32 $0x100, s18  }
0x309: {  	[tilespmem:s16+$0x0] =	vst v0  }
0x30a: {  	v0 =	vld [tilespmem:s15+$0xFFFFFF90]  }
0x30b: {  	v1 =	vld [tilespmem:s13+$0xFFFFFF90];
	_ =	sdelay $0x4  }
0x30c: {  	v0 =	vadd.f32 v1, v0;
	_ =	sdelay $0x1  }
0x30d: {  	[tilespmem:s15+$0xFFFFFF90] =	vst v0;
	v0 =	vld [tilespmem:s15+$0xFFFFFFA0]  }
0x30e: {  	v1 =	vld [tilespmem:s13+$0xFFFFFFA0];
	_ =	sdelay $0x4  }
0x30f: {  	v0 =	vadd.f32 v1, v0;
	_ =	sdelay $0x1  }
0x310: {  	[tilespmem:s15+$0xFFFFFFA0] =	vst v0;
	v0 =	vld [tilespmem:s15+$0xFFFFFFB0]  }
0x311: {  	v1 =	vld [tilespmem:s13+$0xFFFFFFB0];
	_ =	sdelay $0x4  }
0x312: {  	v0 =	vadd.f32 v1, v0;
	_ =	sdelay $0x1  }
0x313: {  	[tilespmem:s15+$0xFFFFFFB0] =	vst v0;
	v0 =	vld [tilespmem:s15+$0xFFFFFFC0]  }
0x314: {  	v1 =	vld [tilespmem:s13+$0xFFFFFFC0];
	_ =	sdelay $0x4  }
0x315: {  	v0 =	vadd.f32 v1, v0;
	_ =	sdelay $0x1  }
0x316: {  	[tilespmem:s15+$0xFFFFFFC0] =	vst v0;
	v0 =	vld [tilespmem:s15+$0xFFFFFFD0]  }
0x317: {  	v1 =	vld [tilespmem:s13+$0xFFFFFFD0];
	_ =	sdelay $0x4  }
0x318: {  	v0 =	vadd.f32 v1, v0;
	_ =	sdelay $0x1  }
0x319: {  	[tilespmem:s15+$0xFFFFFFD0] =	vst v0;
	v0 =	vld [tilespmem:s15+$0xFFFFFFE0]  }
0x31a: {  	v1 =	vld [tilespmem:s13+$0xFFFFFFE0];
	_ =	sdelay $0x4  }
0x31b: {  	v0 =	vadd.f32 v1, v0;
	_ =	sdelay $0x1  }
0x31c: {  	[tilespmem:s15+$0xFFFFFFE0] =	vst v0;
	v0 =	vld [tilespmem:s15+$0xFFFFFFF0]  }
0x31d: {  	v1 =	vld [tilespmem:s13+$0xFFFFFFF0];
	_ =	sdelay $0x4  }
0x31e: {  	v0 =	vadd.f32 v1, v0;
	_ =	sdelay $0x1  }
0x31f: {  	[tilespmem:s15+$0xFFFFFFF0] =	vst v0;
	v0 =	vld [tilespmem:s15+$0x0]  }
0x320: {  	v1 =	vld [tilespmem:s13+$0x0];
	_ =	sdelay $0x4  }
0x321: {  	v0 =	vadd.f32 v1, v0  }
0x322: {  	s16 =	simm.s32 $0x0;
	s17 =	simm.s32 $0x3970;
	s18 =	simm.s32 $0x43F0  }
.LBB2_31:
0x323: {  	v1 =	vld [tilespmem:s17+$0xFFFFFF90];
	[tilespmem:s15+$0x0] =	vst v0;
	s18 =	sadd.s32 $0x400, s18;
	s14 =	simm.s32 $0x38F0;
	s15 =	smov.u32 s17  }
0x324: {  	s16 =	sadd.s32 $0x8, s16;
	v0 =	vld [tilespmem:s18+$0xFFFFFF90]  }
0x325: {  	p0 =	slt.u32 s16, $0x38;
	_ =	sdelay $0x3  }
0x326: {  	v0 =	vadd.f32 v0, v1;
	_ =	sdelay $0x1  }
0x327: {  	[tilespmem:s17+$0xFFFFFF90] =	vst v0;
	v0 =	vld [tilespmem:s17+$0xFFFFFFA0]  }
0x328: {  	v1 =	vld [tilespmem:s18+$0xFFFFFFA0];
	_ =	sdelay $0x4  }
0x329: {  	v0 =	vadd.f32 v1, v0;
	_ =	sdelay $0x1  }
0x32a: {  	[tilespmem:s17+$0xFFFFFFA0] =	vst v0;
	v0 =	vld [tilespmem:s17+$0xFFFFFFB0]  }
0x32b: {  	v1 =	vld [tilespmem:s18+$0xFFFFFFB0];
	_ =	sdelay $0x4  }
0x32c: {  	v0 =	vadd.f32 v1, v0;
	_ =	sdelay $0x1  }
0x32d: {  	[tilespmem:s17+$0xFFFFFFB0] =	vst v0;
	v0 =	vld [tilespmem:s17+$0xFFFFFFC0]  }
0x32e: {  	v1 =	vld [tilespmem:s18+$0xFFFFFFC0];
	_ =	sdelay $0x4  }
0x32f: {  	v0 =	vadd.f32 v1, v0;
	_ =	sdelay $0x1  }
0x330: {  	[tilespmem:s17+$0xFFFFFFC0] =	vst v0;
	v0 =	vld [tilespmem:s17+$0xFFFFFFD0]  }
0x331: {  	v1 =	vld [tilespmem:s18+$0xFFFFFFD0];
	_ =	sdelay $0x4  }
0x332: {  	v0 =	vadd.f32 v1, v0;
	_ =	sdelay $0x1  }
0x333: {  	[tilespmem:s17+$0xFFFFFFD0] =	vst v0;
	v0 =	vld [tilespmem:s17+$0xFFFFFFE0]  }
0x334: {  	v1 =	vld [tilespmem:s18+$0xFFFFFFE0];
	_ =	sdelay $0x4  }
0x335: {  	v0 =	vadd.f32 v1, v0;
	_ =	sdelay $0x1  }
0x336: {  	[tilespmem:s17+$0xFFFFFFE0] =	vst v0;
	v0 =	vld [tilespmem:s17+$0xFFFFFFF0]  }
0x337: {  	v1 =	vld [tilespmem:s18+$0xFFFFFFF0];
	_ =	sdelay $0x4  }
0x338: {  	v0 =	vadd.f32 v1, v0;
	_ =	sdelay $0x1  }
0x339: {  	[tilespmem:s17+$0xFFFFFFF0] =	vst v0;
	v0 =	vld [tilespmem:s17+$0x0]  }
0x33a: {  	v1 =	vld [tilespmem:s18+$0x0];
	_ =	sdelay $0x1  }
.Ltmp14:
0x33b: {  	(pc) =	sbr.rel @p0 .LBB2_31-.Ltmp14, $3  }
0x33c: {  	_ =	sdelay $0x1  }
0x33d: {  	v0 =	vadd.f32 v1, v0  }
0x33e: {  	s17 =	sadd.s32 $0x100, s17  }
0x33f: {  	[tilespmem:s15+$0x0] =	vst v0  }
0x340: {  	v0 =	vld [tilespmem:s14+$0xFFFFFF90]  }
0x341: {  	v1 =	vld [tilespmem:s13+$0xFFFFFF90];
	_ =	sdelay $0x4  }
0x342: {  	v0 =	vadd.f32 v1, v0;
	_ =	sdelay $0x1  }
0x343: {  	[tilespmem:s14+$0xFFFFFF90] =	vst v0;
	v0 =	vld [tilespmem:s14+$0xFFFFFFA0]  }
0x344: {  	v1 =	vld [tilespmem:s13+$0xFFFFFFA0];
	_ =	sdelay $0x4  }
0x345: {  	v0 =	vadd.f32 v1, v0;
	_ =	sdelay $0x1  }
0x346: {  	[tilespmem:s14+$0xFFFFFFA0] =	vst v0;
	v0 =	vld [tilespmem:s14+$0xFFFFFFB0]  }
0x347: {  	v1 =	vld [tilespmem:s13+$0xFFFFFFB0];
	_ =	sdelay $0x4  }
0x348: {  	v0 =	vadd.f32 v1, v0;
	_ =	sdelay $0x1  }
0x349: {  	[tilespmem:s14+$0xFFFFFFB0] =	vst v0;
	v0 =	vld [tilespmem:s14+$0xFFFFFFC0]  }
0x34a: {  	v1 =	vld [tilespmem:s13+$0xFFFFFFC0];
	_ =	sdelay $0x4  }
0x34b: {  	v0 =	vadd.f32 v1, v0;
	_ =	sdelay $0x1  }
0x34c: {  	[tilespmem:s14+$0xFFFFFFC0] =	vst v0;
	v0 =	vld [tilespmem:s14+$0xFFFFFFD0]  }
0x34d: {  	v1 =	vld [tilespmem:s13+$0xFFFFFFD0];
	_ =	sdelay $0x4  }
0x34e: {  	v0 =	vadd.f32 v1, v0;
	_ =	sdelay $0x1  }
0x34f: {  	[tilespmem:s14+$0xFFFFFFD0] =	vst v0;
	v0 =	vld [tilespmem:s14+$0xFFFFFFE0]  }
0x350: {  	v1 =	vld [tilespmem:s13+$0xFFFFFFE0];
	_ =	sdelay $0x4  }
0x351: {  	v0 =	vadd.f32 v1, v0;
	_ =	sdelay $0x1  }
0x352: {  	[tilespmem:s14+$0xFFFFFFE0] =	vst v0;
	v0 =	vld [tilespmem:s14+$0xFFFFFFF0]  }
0x353: {  	v1 =	vld [tilespmem:s13+$0xFFFFFFF0];
	_ =	sdelay $0x4  }
0x354: {  	v0 =	vadd.f32 v1, v0;
	_ =	sdelay $0x1  }
0x355: {  	[tilespmem:s14+$0xFFFFFFF0] =	vst v0;
	v0 =	vld [tilespmem:s14+$0x0]  }
0x356: {  	v1 =	vld [tilespmem:s13+$0x0];
	_ =	sdelay $0x4  }
0x357: {  	v0 =	vadd.f32 v1, v0  }
0x358: {  	s15 =	simm.s32 $0x0;
	s16 =	simm.s32 $0x39F0  }
.LBB2_33:
0x359: {  	v1 =	vld [tilespmem:s16+$0xFFFFFF90];
	[tilespmem:s14+$0x0] =	vst v0;
	s13 =	sadd.s32 $0x400, s13;
	s14 =	smov.u32 s16  }
0x35a: {  	s15 =	sadd.s32 $0x8, s15;
	v0 =	vld [tilespmem:s13+$0xFFFFFF90]  }
0x35b: {  	p0 =	slt.u32 s15, $0x38;
	_ =	sdelay $0x3  }
0x35c: {  	v0 =	vadd.f32 v0, v1;
	_ =	sdelay $0x1  }
0x35d: {  	[tilespmem:s16+$0xFFFFFF90] =	vst v0;
	v0 =	vld [tilespmem:s16+$0xFFFFFFA0]  }
0x35e: {  	v1 =	vld [tilespmem:s13+$0xFFFFFFA0];
	_ =	sdelay $0x4  }
0x35f: {  	v0 =	vadd.f32 v1, v0;
	_ =	sdelay $0x1  }
0x360: {  	[tilespmem:s16+$0xFFFFFFA0] =	vst v0;
	v0 =	vld [tilespmem:s16+$0xFFFFFFB0]  }
0x361: {  	v1 =	vld [tilespmem:s13+$0xFFFFFFB0];
	_ =	sdelay $0x4  }
0x362: {  	v0 =	vadd.f32 v1, v0;
	_ =	sdelay $0x1  }
0x363: {  	[tilespmem:s16+$0xFFFFFFB0] =	vst v0;
	v0 =	vld [tilespmem:s16+$0xFFFFFFC0]  }
0x364: {  	v1 =	vld [tilespmem:s13+$0xFFFFFFC0];
	_ =	sdelay $0x4  }
0x365: {  	v0 =	vadd.f32 v1, v0;
	_ =	sdelay $0x1  }
0x366: {  	[tilespmem:s16+$0xFFFFFFC0] =	vst v0;
	v0 =	vld [tilespmem:s16+$0xFFFFFFD0]  }
0x367: {  	v1 =	vld [tilespmem:s13+$0xFFFFFFD0];
	_ =	sdelay $0x4  }
0x368: {  	v0 =	vadd.f32 v1, v0;
	_ =	sdelay $0x1  }
0x369: {  	[tilespmem:s16+$0xFFFFFFD0] =	vst v0;
	v0 =	vld [tilespmem:s16+$0xFFFFFFE0]  }
0x36a: {  	v1 =	vld [tilespmem:s13+$0xFFFFFFE0];
	_ =	sdelay $0x4  }
0x36b: {  	v0 =	vadd.f32 v1, v0;
	_ =	sdelay $0x1  }
0x36c: {  	[tilespmem:s16+$0xFFFFFFE0] =	vst v0;
	v0 =	vld [tilespmem:s16+$0xFFFFFFF0]  }
0x36d: {  	v1 =	vld [tilespmem:s13+$0xFFFFFFF0];
	_ =	sdelay $0x4  }
0x36e: {  	v0 =	vadd.f32 v1, v0;
	_ =	sdelay $0x1  }
0x36f: {  	[tilespmem:s16+$0xFFFFFFF0] =	vst v0;
	v0 =	vld [tilespmem:s16+$0x0]  }
0x370: {  	v1 =	vld [tilespmem:s13+$0x0];
	_ =	sdelay $0x1  }
.Ltmp15:
0x371: {  	(pc) =	sbr.rel @p0 .LBB2_33-.Ltmp15, $3  }
0x372: {  	_ =	sdelay $0x1  }
0x373: {  	v0 =	vadd.f32 v1, v0  }
0x374: {  	s16 =	sadd.s32 $0x100, s16  }
0x375: {  	s11 =	sadd.s32 $0x1, s11  }
0x376: {  	p0 =	sne.s32 s11, $0x10  }
.Ltmp16:
0x377: {  	[tilespmem:s14+$0x0] =	vst v0;
	s12 =	sadd.s32 s3, s12;
	(pc) =	sbr.rel @p0 .LBB2_2-.Ltmp16, $4  }
0x378: {  	[hbm4b:s12+s5] =	stream.linear.scatter [tilespmem:s5], [sflag:$0x1], $0x4000, $0x38;
	[tilespmem:$0x6000] =	vst v63  }
0x379: {  	_ =	swait.ge [sflag:s8], $0x4000  }
0x37a: {  	[sflag:s8] =	ssyncset.done $0x0  }
0x37b: {  	[sflag:s8] =	ssyncadd.s32 $0xFFFFC000  }
0x37c: {  	s10 =	sadd.s32 $0x1, s10  }
0x37d: {  	p0 =	sne.s32 s10, s7  }
.Ltmp17:
0x37e: {  	_ = 	snop;
	(pc) =	sbr.rel @p0 .LBB2_1-.Ltmp17, $1  }
0x37f: {  	_ =	sdelay $0x3  }
0x380: {  	_ =	sfence.sel $0x180000  }
0x381: {  	[bflag:$0x0] =	sbarrier.arrive $0xFFFF  }
0x382: {  	p0 =	sne.s32 s4, $0x0;
	_ =	strace $0x90000047  }
0x383: {  	s0 =	sadd.s32 @!p0 $0x100000, s0;
	[bflag:$0x2] =	sbarrier.arrive $0xFFFF  }
0x384: {  	[sflag:s0] =	ssyncadd.tile.s32 @!p0 $0x1;
	_ =	shalt  }
.Lfunc_end2:
_tile_overlayer_lowered:
.L_overlay_start_2:
0x385: {  	(tag) =	ssettag $0x2  }
0x386: {  	s0 =	rddreg [dreg:$0x0];
	s2 =	stileid.u32  }
0x387: {  	s1 =	rddreg [dreg:$0x1];
	p0 =	sne.s32 s2, $0x0  }
0x388: {  	s3 =	rddreg [dreg:$0x2];
	[bflag:$0x3] =	sbarrier.arrive $0xFFFF;
	s2 =	simm.s32 @!p0 $0x1C01  }
0x389: {  	[timem:s3], [sflag:s2] =	dma.local @!p0 [hbm:s0], s1  }
0x38a: {  	s0 =	simm.s32 @!p0 $0x1  }
0x38b: {  	_ =	swait.ge @!p0 [sflag:s0], s1  }
0x38c: {  	s1 =	ssub.s32 @!p0 $0x0, s1;
	[sflag:s0] =	ssyncset.done @!p0 $0x0  }
0x38d: {  	[sflag:s0] =	ssyncadd.s32 @!p0 s1  }
0x38e: {  	[bflag:$0x3] =	sbarrier.arrive $0xFFFF  }
0x38f: {  	_ =	shalt  }

</sc_bundles>
